<compile_context>
chip_gen: v7x
topology: tpu7x:2x2x1
jax: 0.10.2.dev20260603
libtpu: 0.0.44.dev20260713+nightly
codegen_flags: <defaults>
</compile_context>

<pallas_src>
import functools

import jax
import jax.numpy as jnp
from jax import lax
from jax.experimental import pallas as pl
from jax.experimental.pallas import tpu as pltpu
from jax.experimental.pallas import tpu_sc as plsc

NC = 2
NS = 16
NW = NC * NS
CHUNK = 128
G = 40


def _flt(x):
    return x.astype(jnp.float32)


@functools.lru_cache(maxsize=None)
def _make_deg_kernel(n_pad, d, cpw):
    rows_per_sub = n_pad // NS
    nz_full, nz_rem = divmod(rows_per_sub, CHUNK)
    mesh = plsc.VectorSubcoreMesh(core_axis_name="c", subcore_axis_name="s")

    @functools.partial(
        pl.kernel,
        out_type=jax.ShapeDtypeStruct((NC, n_pad, d), jnp.float32),
        mesh=mesh,
        scratch_types=[
            pltpu.VMEM((cpw, CHUNK), jnp.int32),
            pltpu.VMEM((CHUNK, d), jnp.float32),
            pltpu.VMEM_SHARED((n_pad, d), jnp.float32),
        ],
    )
    def deg_kernel(dstc_hbm, out_hbm, dst_v, buf_v, deg_sh):
        c = lax.axis_index("c")
        s = lax.axis_index("s")
        wid = c * NS + s
        pltpu.sync_copy(dstc_hbm.at[pl.ds(wid * cpw, cpw)], dst_v)

        zero16 = jnp.zeros((16,), jnp.float32)

        def fill_zeros(i, _):
            for k in range(d // 16):
                buf_v[i, pl.ds(k * 16, 16)] = zero16
            return 0

        lax.fori_loop(0, CHUNK, fill_zeros, 0)
        base = s * rows_per_sub
        for k in range(nz_full):
            pltpu.sync_copy(buf_v, deg_sh.at[pl.ds(base + k * CHUNK, CHUNK)])
        if nz_rem:
            pltpu.sync_copy(buf_v.at[pl.ds(0, nz_rem)],
                            deg_sh.at[pl.ds(base + nz_full * CHUNK, nz_rem)])
        plsc.subcore_barrier()

        one16 = jnp.ones((16,), jnp.float32)

        def fill_ones(i, _):
            for k in range(d // 16):
                buf_v[i, pl.ds(k * 16, 16)] = one16
            return 0

        lax.fori_loop(0, CHUNK, fill_ones, 0)

        def scat(j, _):
            pltpu.sync_copy(buf_v, deg_sh.at[dst_v.at[j]], add=True)
            return 0

        lax.fori_loop(0, cpw, scat, 0)
        plsc.subcore_barrier()

        for k in range(nz_full):
            pltpu.sync_copy(deg_sh.at[pl.ds(base + k * CHUNK, CHUNK)], buf_v)
            pltpu.sync_copy(buf_v, out_hbm.at[c, pl.ds(base + k * CHUNK, CHUNK)])
        if nz_rem:
            pltpu.sync_copy(deg_sh.at[pl.ds(base + nz_full * CHUNK, nz_rem)],
                            buf_v.at[pl.ds(0, nz_rem)])
            pltpu.sync_copy(buf_v.at[pl.ds(0, nz_rem)],
                            out_hbm.at[c, pl.ds(base + nz_full * CHUNK, nz_rem)])

    return deg_kernel


@functools.lru_cache(maxsize=None)
def _make_seg_kernel(n_pad, d, a_chunks, b_chunks):
    rows_per_sub = n_pad // NS
    nz_full, nz_rem = divmod(rows_per_sub, CHUNK)
    ngroups_max = max(a_chunks, b_chunks) // G
    mesh = plsc.VectorSubcoreMesh(core_axis_name="c", subcore_axis_name="s")

    @functools.partial(
        pl.kernel,
        out_type=jax.ShapeDtypeStruct((NC, n_pad, d), jnp.float32),
        mesh=mesh,
        scratch_types=[
            pltpu.VMEM((G, CHUNK), jnp.int32),
            pltpu.VMEM((G, CHUNK), jnp.int32),
            pltpu.VMEM((CHUNK, d), jnp.float32),
            pltpu.VMEM((CHUNK, d), jnp.float32),
            pltpu.VMEM_SHARED((n_pad, d), jnp.float32),
            pltpu.SemaphoreType.DMA,
            pltpu.SemaphoreType.DMA,
            pltpu.SemaphoreType.DMA,
            pltpu.SemaphoreType.DMA,
        ],
    )
    def seg_kernel(m_hbm, srcc_hbm, dstc_hbm, out_hbm,
                   src_g, dst_g, rows0, rows1, agg_sh, gs0, gs1, ss0, ss1):
        c = lax.axis_index("c")
        s = lax.axis_index("s")
        e0 = jnp.where(c == 0, s * a_chunks, NS * a_chunks + s * b_chunks)
        ngroups = jnp.where(c == 0, a_chunks // G, b_chunks // G)

        zero16 = jnp.zeros((16,), jnp.float32)

        def fill_zeros(i, _):
            for k in range(d // 16):
                rows0[i, pl.ds(k * 16, 16)] = zero16
            return 0

        with jax.named_scope("segzero"):
            lax.fori_loop(0, CHUNK, fill_zeros, 0)
            zbase = s * rows_per_sub
            for k in range(nz_full):
                pltpu.sync_copy(rows0,
                                agg_sh.at[pl.ds(zbase + k * CHUNK, CHUNK)])
            if nz_rem:
                pltpu.sync_copy(rows0.at[pl.ds(0, nz_rem)],
                                agg_sh.at[pl.ds(zbase + nz_full * CHUNK,
                                                nz_rem)])
            plsc.subcore_barrier()

        def group(g, _):
            @pl.when(g < ngroups)
            def _():
                gbase = e0 + g * G
                pltpu.sync_copy(srcc_hbm.at[pl.ds(gbase, G)], src_g)
                pltpu.sync_copy(dstc_hbm.at[pl.ds(gbase, G)], dst_g)
                pltpu.async_copy(m_hbm.at[src_g.at[0]], rows0, gs0)

                def pair(t, _):
                    a = 2 * t
                    pltpu.make_async_copy(m_hbm.at[src_g.at[a]], rows0,
                                          gs0).wait()

                    @pl.when((g > 0) | (t > 0))
                    def _():
                        pltpu.make_async_copy(rows1, agg_sh.at[dst_g.at[a]],
                                              ss1).wait()

                    pltpu.async_copy(m_hbm.at[src_g.at[a + 1]], rows1, gs1)
                    pltpu.async_copy(rows0, agg_sh.at[dst_g.at[a]], ss0,
                                     add=True)
                    pltpu.make_async_copy(m_hbm.at[src_g.at[a + 1]], rows1,
                                          gs1).wait()
                    pltpu.make_async_copy(rows0, agg_sh.at[dst_g.at[a]],
                                          ss0).wait()

                    @pl.when(a + 2 < G)
                    def _():
                        pltpu.async_copy(m_hbm.at[src_g.at[a + 2]], rows0, gs0)

                    pltpu.async_copy(rows1, agg_sh.at[dst_g.at[a + 1]], ss1,
                                     add=True)
                    return 0

                lax.fori_loop(0, G // 2, pair, 0)
            return 0

        with jax.named_scope("segedges"):
            lax.fori_loop(0, ngroups_max, group, 0)
            @pl.when(ngroups > 0)
            def _():
                pltpu.make_async_copy(rows1, agg_sh.at[dst_g.at[G - 1]],
                                      ss1).wait()
            plsc.subcore_barrier()

        with jax.named_scope("segcopyout"):
            for k in range(nz_full):
                pltpu.sync_copy(agg_sh.at[pl.ds(zbase + k * CHUNK, CHUNK)],
                                rows0)
                pltpu.sync_copy(rows0,
                                out_hbm.at[c, pl.ds(zbase + k * CHUNK, CHUNK)])
            if nz_rem:
                pltpu.sync_copy(agg_sh.at[pl.ds(zbase + nz_full * CHUNK,
                                                nz_rem)],
                                rows0.at[pl.ds(0, nz_rem)])
                pltpu.sync_copy(rows0.at[pl.ds(0, nz_rem)],
                                out_hbm.at[c, pl.ds(zbase + nz_full * CHUNK,
                                                    nz_rem)])

    return seg_kernel


def _tc_first(x, w_self, w_neigh, b, block):
    n, d = x.shape
    h = w_self.shape[1]

    def body(x_ref, ws_ref, wn_ref, b_ref, s_ref, m_ref):
        xb = x_ref[...]
        s_ref[...] = jnp.dot(xb, ws_ref[...],
                             preferred_element_type=jnp.float32) + b_ref[...]
        m_ref[...] = jnp.dot(xb, wn_ref[...], preferred_element_type=jnp.float32)

    return pl.pallas_call(
        body,
        grid=(n // block,),
        in_specs=[
            pl.BlockSpec((block, d), lambda i: (i, 0)),
            pl.BlockSpec((d, h), lambda i: (0, 0)),
            pl.BlockSpec((d, h), lambda i: (0, 0)),
            pl.BlockSpec((1, h), lambda i: (0, 0)),
        ],
        out_specs=[
            pl.BlockSpec((block, h), lambda i: (i, 0)),
            pl.BlockSpec((block, h), lambda i: (i, 0)),
        ],
        out_shape=[
            jax.ShapeDtypeStruct((n, h), jnp.float32),
            jax.ShapeDtypeStruct((n, h), jnp.float32),
        ],
    )(x, w_self, w_neigh, b.reshape(1, h))


def _tc_mid(s_prev, p, deg2, w_self, w_neigh, b, block):
    n, d = s_prev.shape
    h = w_self.shape[1]
    dd = deg2.shape[2]

    def body(s_ref, p0_ref, p1_ref, dg0_ref, dg1_ref, ws_ref, wn_ref, b_ref,
             so_ref, mo_ref):
        inv = 1.0 / jnp.maximum(dg0_ref[0, :, 0:1] + dg1_ref[0, :, 0:1], 1.0)
        hb = jnp.maximum(s_ref[...] + (p0_ref[0] + p1_ref[0]) * inv, 0.0)
        so_ref[...] = jnp.dot(hb, ws_ref[...],
                              preferred_element_type=jnp.float32) + b_ref[...]
        mo_ref[...] = jnp.dot(hb, wn_ref[...], preferred_element_type=jnp.float32)

    return pl.pallas_call(
        body,
        grid=(n // block,),
        in_specs=[
            pl.BlockSpec((block, d), lambda i: (i, 0)),
            pl.BlockSpec((1, block, d), lambda i: (0, i, 0)),
            pl.BlockSpec((1, block, d), lambda i: (1, i, 0)),
            pl.BlockSpec((1, block, dd), lambda i: (0, i, 0)),
            pl.BlockSpec((1, block, dd), lambda i: (1, i, 0)),
            pl.BlockSpec((d, h), lambda i: (0, 0)),
            pl.BlockSpec((d, h), lambda i: (0, 0)),
            pl.BlockSpec((1, h), lambda i: (0, 0)),
        ],
        out_specs=[
            pl.BlockSpec((block, h), lambda i: (i, 0)),
            pl.BlockSpec((block, h), lambda i: (i, 0)),
        ],
        out_shape=[
            jax.ShapeDtypeStruct((n, h), jnp.float32),
            jax.ShapeDtypeStruct((n, h), jnp.float32),
        ],
    )(s_prev, p, p, deg2, deg2, w_self, w_neigh, b.reshape(1, h))


def _tc_last(s_prev, p, deg2, block):
    n, d = s_prev.shape
    dd = deg2.shape[2]

    def body(s_ref, p0_ref, p1_ref, dg0_ref, dg1_ref, o_ref):
        inv = 1.0 / jnp.maximum(dg0_ref[0, :, 0:1] + dg1_ref[0, :, 0:1], 1.0)
        o_ref[...] = s_ref[...] + (p0_ref[0] + p1_ref[0]) * inv

    return pl.pallas_call(
        body,
        grid=(n // block,),
        in_specs=[
            pl.BlockSpec((block, d), lambda i: (i, 0)),
            pl.BlockSpec((1, block, d), lambda i: (0, i, 0)),
            pl.BlockSpec((1, block, d), lambda i: (1, i, 0)),
            pl.BlockSpec((1, block, dd), lambda i: (0, i, 0)),
            pl.BlockSpec((1, block, dd), lambda i: (1, i, 0)),
        ],
        out_specs=pl.BlockSpec((block, d), lambda i: (i, 0)),
        out_shape=jax.ShapeDtypeStruct((n, d), jnp.float32),
    )(s_prev, p, p, deg2, deg2)


def kernel(x, edge_index, W_self0, W_neigh0, b0, W_self1, W_neigh1, b1,
           W_self2, W_neigh2, b2):
    n, d = x.shape
    e = edge_index.shape[1]
    block = 1000 if n % 1000 == 0 else 8 * (n // 8)

    chunks_tot = -(-e // (CHUNK * NS * G)) * NS * G
    e_pad = chunks_tot * CHUNK
    cpw = chunks_tot // NW
    a_chunks = chunks_tot // NW
    b_chunks = chunks_tot // NW
    span = -(-(n + 1) // (NS * 8)) * 8
    n_pad = span * NS

    src = edge_index[0]
    dst = edge_index[1]
    pad_iota = jnp.arange(e_pad - e, dtype=jnp.int32)
    srcc = jnp.concatenate([src, pad_iota % n]).reshape(chunks_tot, CHUNK)
    dstc = jnp.concatenate(
        [dst, n + pad_iota % (n_pad - n)]).reshape(chunks_tot, CHUNK)

    deg2 = _make_deg_kernel(n_pad, d, cpw)(dstc)

    seg = _make_seg_kernel(n_pad, d, a_chunks, b_chunks)

    s0, m0 = _tc_first(_flt(x), _flt(W_self0), _flt(W_neigh0), _flt(b0), block)
    p = seg(m0, srcc, dstc)
    s1, m1 = _tc_mid(s0, p, deg2,
                     _flt(W_self1), _flt(W_neigh1), _flt(b1), block)
    p = seg(m1, srcc, dstc)
    s2, m2 = _tc_mid(s1, p, deg2,
                     _flt(W_self2), _flt(W_neigh2), _flt(b2), block)
    p = seg(m2, srcc, dstc)
    return _tc_last(s2, p, deg2, block)

# --- scband reference (transcript-rebuilt; emitter-appended) ---
"""Pipeline reference for scband-sage-11244224381113 (READ-ONLY COPY).

The authoritative reference and input builder live on the scoring server;
editing this copy changes nothing except your own understanding.
"""

import jax, jax.numpy as jnp
import numpy as np

N = 10000
E = 320000
D = 128
H = 128
C = 128


def setup_inputs(seed: int = 0) -> dict:
    key = jax.random.key(seed)
    ks = jax.random.split(key, 12)
    x = jax.random.normal(ks[0], (N, D), dtype=jnp.float32)
    edge_index = jax.random.randint(ks[1], (2, E), 0, N, dtype=jnp.int32)
    def w(k, fan_in, fan_out):
        return jax.random.normal(k, (fan_in, fan_out), dtype=jnp.float32) * (1.0 / np.sqrt(fan_in))
    return {
        "x": x,
        "edge_index": edge_index,
        "W_self0": w(ks[2], D, H), "W_neigh0": w(ks[3], D, H), "b0": jnp.zeros((H,), dtype=jnp.float32),
        "W_self1": w(ks[4], H, H), "W_neigh1": w(ks[5], H, H), "b1": jnp.zeros((H,), dtype=jnp.float32),
        "W_self2": w(ks[6], H, C), "W_neigh2": w(ks[7], H, C), "b2": jnp.zeros((C,), dtype=jnp.float32),
    }


def _sage_conv(h, edge_index, W_self, W_neigh, b):
    # DGL SAGEConv with 'mean' aggregator:
    #   h_neigh = mean_{u in N(v)} h_u ;  out = h_v @ W_self + h_neigh @ W_neigh + b
    src = edge_index[0]
    dst = edge_index[1]
    n = h.shape[0]
    msg = jnp.take(h, src, axis=0)                                  # gather: [E, d]
    agg = jax.ops.segment_sum(msg, dst, num_segments=n)             # scatter-add: [N, d]
    deg = jax.ops.segment_sum(jnp.ones((msg.shape[0],), dtype=h.dtype), dst, num_segments=n)
    h_neigh = agg / jnp.clip(deg, 1.0)[:, None]
    return h @ W_self + h_neigh @ W_neigh + b


def reference(x, edge_index, W_self0, W_neigh0, b0, W_self1, W_neigh1, b1, W_self2, W_neigh2, b2):
    # eval mode: dropout is identity
    h = _sage_conv(x, edge_index, W_self0, W_neigh0, b0)
    h = jax.nn.relu(h)
    h = _sage_conv(h, edge_index, W_self1, W_neigh1, b1)
    h = jax.nn.relu(h)
    h = _sage_conv(h, edge_index, W_self2, W_neigh2, b2)
    return h

if __name__ == "__main__":
    import jax
    _d = setup_inputs()
    print(jax.jit(kernel)(*tuple(_d.values())))

</pallas_src>

<mosaic_0001>
#map = affine_map<(d0, d1) -> (0, 0)>
#map1 = affine_map<(d0, d1) -> (0, 0, 0)>
module attributes {stable_mosaic.version = 14 : i64} {
  func.func @seg_kernel(%arg0: i32, %arg1: i32, %arg2: memref<10000x128xf32, #tpu.memory_space<hbm>>, %arg3: memref<2560x128xi32, #tpu.memory_space<hbm>>, %arg4: memref<2560x128xi32, #tpu.memory_space<hbm>>, %arg5: memref<2x10112x128xf32, #tpu.memory_space<hbm>>, %arg6: memref<40x128xi32, #tpu.memory_space<vmem>>, %arg7: memref<40x128xi32, #tpu.memory_space<vmem>>, %arg8: memref<128x128xf32, #tpu.memory_space<vmem>>, %arg9: memref<128x128xf32, #tpu.memory_space<vmem>>, %arg10: memref<10112x128xf32, #tpu.memory_space<vmem_shared>>, %arg11: memref<!tpu.dma_semaphore, #tpu.memory_space<semaphore_mem>>, %arg12: memref<!tpu.dma_semaphore, #tpu.memory_space<semaphore_mem>>, %arg13: memref<!tpu.dma_semaphore, #tpu.memory_space<semaphore_mem>>, %arg14: memref<!tpu.dma_semaphore, #tpu.memory_space<semaphore_mem>>) attributes {dimension_semantics = [#tpu.dimension_semantics<core_parallel>, #tpu.dimension_semantics<subcore_parallel>], iteration_bounds = array<i64: 2, 16>, scalar_prefetch = 0 : i64, scratch_operands = 9 : i64, tpu.core_type = #tpu.core_type<sc_vector_subcore>, window_params = [{transform_indices = #map}, {transform_indices = #map}, {transform_indices = #map}, {transform_indices = #map1}]} {
    %eq3A = arith.constant 0 : i32
    %eq3A_0 = arith.cmpi eq, %arg0, %eq3A : i32
    %mul3A = arith.constant 80 : i32
    %mul3A_1 = arith.muli %arg1, %mul3A : i32
    %mul3A_2 = arith.constant 80 : i32
    %mul3A_3 = arith.muli %arg1, %mul3A_2 : i32
    %add3A = arith.constant 1280 : i32
    %add3A_4 = arith.addi %add3A, %mul3A_3 : i32
    %select_n3A = arith.select %eq3A_0, %mul3A_1, %add3A_4 : i32
    %eq3A_5 = arith.constant 0 : i32
    %eq3A_6 = arith.cmpi eq, %arg0, %eq3A_5 : i32
    %jit3A = arith.constant 2 : i32
    %jit3A_7 = arith.constant 2 : i32
    %select_n3A_8 = arith.select %eq3A_6, %jit3A, %jit3A_7 : i32
    %broadcast_in_dim3A = arith.constant 0.000000e+00 : f32
    %broadcast_in_dim3A_9 = vector.broadcast %broadcast_in_dim3A : f32 to vector<16xf32>
    "tpu.trace_start"() <{level = 10 : i32, message = "segzero"}> : () -> ()
    %scan3A = arith.constant 0 : i32
    %scan3A_10 = arith.constant 0 : i32
    %scan3A_11 = arith.constant 128 : i32
    %scan3A_12 = arith.addi %scan3A_10, %scan3A_11 : i32
    %scan3A_13 = arith.constant 1 : i32
    %scan3A_14 = scf.for %scan3A_58 = %scan3A_10 to %scan3A_12 step %scan3A_13 iter_args(%scan3A_59 = %scan3A) -> (i32)  : i32 {
      %swap3A = arith.index_cast %scan3A_58 : i32 to index
      %swap3A_60 = arith.constant 0 : index
      %swap3A_61 = tpu.vector_load %arg8[%swap3A, %swap3A_60] {strides = array<i32>} : memref<128x128xf32, #tpu.memory_space<vmem>>, vector<1x16xf32>,
      %swap3A_62 = vector.shape_cast %swap3A_61 : vector<1x16xf32> to vector<16xf32>
      %swap3A_63 = vector.shape_cast %broadcast_in_dim3A_9 : vector<16xf32> to vector<1x16xf32>
      tpu.vector_store %arg8[%swap3A, %swap3A_60], %swap3A_63 {strides = array<i32>} : memref<128x128xf32, #tpu.memory_space<vmem>>, vector<1x16xf32>,
      %swap3A_64 = arith.index_cast %scan3A_58 : i32 to index
      %swap3A_65 = arith.constant 16 : index
      %swap3A_66 = tpu.vector_load %arg8[%swap3A_64, %swap3A_65] {strides = array<i32>} : memref<128x128xf32, #tpu.memory_space<vmem>>, vector<1x16xf32>,
      %swap3A_67 = vector.shape_cast %swap3A_66 : vector<1x16xf32> to vector<16xf32>
      %swap3A_68 = vector.shape_cast %broadcast_in_dim3A_9 : vector<16xf32> to vector<1x16xf32>
      tpu.vector_store %arg8[%swap3A_64, %swap3A_65], %swap3A_68 {strides = array<i32>} : memref<128x128xf32, #tpu.memory_space<vmem>>, vector<1x16xf32>,
      %swap3A_69 = arith.index_cast %scan3A_58 : i32 to index
      %swap3A_70 = arith.constant 32 : index
      %swap3A_71 = tpu.vector_load %arg8[%swap3A_69, %swap3A_70] {strides = array<i32>} : memref<128x128xf32, #tpu.memory_space<vmem>>, vector<1x16xf32>,
      %swap3A_72 = vector.shape_cast %swap3A_71 : vector<1x16xf32> to vector<16xf32>
      %swap3A_73 = vector.shape_cast %broadcast_in_dim3A_9 : vector<16xf32> to vector<1x16xf32>
      tpu.vector_store %arg8[%swap3A_69, %swap3A_70], %swap3A_73 {strides = array<i32>} : memref<128x128xf32, #tpu.memory_space<vmem>>, vector<1x16xf32>,
      %swap3A_74 = arith.index_cast %scan3A_58 : i32 to index
      %swap3A_75 = arith.constant 48 : index
      %swap3A_76 = tpu.vector_load %arg8[%swap3A_74, %swap3A_75] {strides = array<i32>} : memref<128x128xf32, #tpu.memory_space<vmem>>, vector<1x16xf32>,
      %swap3A_77 = vector.shape_cast %swap3A_76 : vector<1x16xf32> to vector<16xf32>
      %swap3A_78 = vector.shape_cast %broadcast_in_dim3A_9 : vector<16xf32> to vector<1x16xf32>
      tpu.vector_store %arg8[%swap3A_74, %swap3A_75], %swap3A_78 {strides = array<i32>} : memref<128x128xf32, #tpu.memory_space<vmem>>, vector<1x16xf32>,
      %swap3A_79 = arith.index_cast %scan3A_58 : i32 to index
      %swap3A_80 = arith.constant 64 : index
      %swap3A_81 = tpu.vector_load %arg8[%swap3A_79, %swap3A_80] {strides = array<i32>} : memref<128x128xf32, #tpu.memory_space<vmem>>, vector<1x16xf32>,
      %swap3A_82 = vector.shape_cast %swap3A_81 : vector<1x16xf32> to vector<16xf32>
      %swap3A_83 = vector.shape_cast %broadcast_in_dim3A_9 : vector<16xf32> to vector<1x16xf32>
      tpu.vector_store %arg8[%swap3A_79, %swap3A_80], %swap3A_83 {strides = array<i32>} : memref<128x128xf32, #tpu.memory_space<vmem>>, vector<1x16xf32>,
      %swap3A_84 = arith.index_cast %scan3A_58 : i32 to index
      %swap3A_85 = arith.constant 80 : index
      %swap3A_86 = tpu.vector_load %arg8[%swap3A_84, %swap3A_85] {strides = array<i32>} : memref<128x128xf32, #tpu.memory_space<vmem>>, vector<1x16xf32>,
      %swap3A_87 = vector.shape_cast %swap3A_86 : vector<1x16xf32> to vector<16xf32>
      %swap3A_88 = vector.shape_cast %broadcast_in_dim3A_9 : vector<16xf32> to vector<1x16xf32>
      tpu.vector_store %arg8[%swap3A_84, %swap3A_85], %swap3A_88 {strides = array<i32>} : memref<128x128xf32, #tpu.memory_space<vmem>>, vector<1x16xf32>,
      %swap3A_89 = arith.index_cast %scan3A_58 : i32 to index
      %swap3A_90 = arith.constant 96 : index
      %swap3A_91 = tpu.vector_load %arg8[%swap3A_89, %swap3A_90] {strides = array<i32>} : memref<128x128xf32, #tpu.memory_space<vmem>>, vector<1x16xf32>,
      %swap3A_92 = vector.shape_cast %swap3A_91 : vector<1x16xf32> to vector<16xf32>
      %swap3A_93 = vector.shape_cast %broadcast_in_dim3A_9 : vector<16xf32> to vector<1x16xf32>
      tpu.vector_store %arg8[%swap3A_89, %swap3A_90], %swap3A_93 {strides = array<i32>} : memref<128x128xf32, #tpu.memory_space<vmem>>, vector<1x16xf32>,
      %swap3A_94 = arith.index_cast %scan3A_58 : i32 to index
      %swap3A_95 = arith.constant 112 : index
      %swap3A_96 = tpu.vector_load %arg8[%swap3A_94, %swap3A_95] {strides = array<i32>} : memref<128x128xf32, #tpu.memory_space<vmem>>, vector<1x16xf32>,
      %swap3A_97 = vector.shape_cast %swap3A_96 : vector<1x16xf32> to vector<16xf32>
      %swap3A_98 = vector.shape_cast %broadcast_in_dim3A_9 : vector<16xf32> to vector<1x16xf32>
      tpu.vector_store %arg8[%swap3A_94, %swap3A_95], %swap3A_98 {strides = array<i32>} : memref<128x128xf32, #tpu.memory_space<vmem>>, vector<1x16xf32>,
      %scan3A_99 = arith.constant 0 : i32
      scf.yield %scan3A_99 : i32
    }
    %scan3A_15 = arith.constant 128 : i32
    %mul3A_16 = arith.constant 632 : i32
    %mul3A_17 = arith.muli %arg1, %mul3A_16 : i32
    %add3A_18 = arith.constant 0 : i32
    %add3A_19 = arith.addi %mul3A_17, %add3A_18 : i32
    "tpu.region"() ({
      %run_scoped3A = tpu.sem_alloc : memref<!tpu.dma_semaphore, #tpu.memory_space<semaphore_mem>>
      %dma_start3A = arith.constant 0 : i32
      %dma_start3A_58 = tpu.memref_slice %arg10[%add3A_19, %dma_start3A] : memref<10112x128xf32, #tpu.memory_space<vmem_shared>> -> memref<128x128xf32, #tpu.memory_space<vmem_shared>>
      %dma_start3A_59 = arith.constant 0 : i32
      %dma_start3A_60 = tpu.memref_slice %arg10[%add3A_19, %dma_start3A_59] : memref<10112x128xf32, #tpu.memory_space<vmem_shared>> -> memref<128x128xf32, #tpu.memory_space<vmem_shared>>
      tpu.enqueue_dma source(%arg8 : memref<128x128xf32, #tpu.memory_space<vmem>>) target(%dma_start3A_60 : memref<128x128xf32, #tpu.memory_space<vmem_shared>>) target_semaphore(%run_scoped3A : memref<!tpu.dma_semaphore, #tpu.memory_space<semaphore_mem>>)
      %dma_wait3A = arith.constant 0 : i32
      %dma_wait3A_61 = tpu.memref_slice %arg10[%add3A_19, %dma_wait3A] : memref<10112x128xf32, #tpu.memory_space<vmem_shared>> -> memref<128x128xf32, #tpu.memory_space<vmem_shared>>
      %dma_wait3A_62 = arith.constant 0 : i32
      %dma_wait3A_63 = tpu.memref_slice %arg10[%add3A_19, %dma_wait3A_62] : memref<10112x128xf32, #tpu.memory_space<vmem_shared>> -> memref<128x128xf32, #tpu.memory_space<vmem_shared>>
      tpu.wait_dma2 semaphore(%run_scoped3A : memref<!tpu.dma_semaphore, #tpu.memory_space<semaphore_mem>>) src(%arg8 : memref<128x128xf32, #tpu.memory_space<vmem>>) dst(%dma_wait3A_63 : memref<128x128xf32, #tpu.memory_space<vmem_shared>>)
      tpu.yield
    }) : () -> ()
    %add3A_20 = arith.constant 128 : i32
    %add3A_21 = arith.addi %mul3A_17, %add3A_20 : i32
    "tpu.region"() ({
      %run_scoped3A = tpu.sem_alloc : memref<!tpu.dma_semaphore, #tpu.memory_space<semaphore_mem>>
      %dma_start3A = arith.constant 0 : i32
      %dma_start3A_58 = tpu.memref_slice %arg10[%add3A_21, %dma_start3A] : memref<10112x128xf32, #tpu.memory_space<vmem_shared>> -> memref<128x128xf32, #tpu.memory_space<vmem_shared>>
      %dma_start3A_59 = arith.constant 0 : i32
      %dma_start3A_60 = tpu.memref_slice %arg10[%add3A_21, %dma_start3A_59] : memref<10112x128xf32, #tpu.memory_space<vmem_shared>> -> memref<128x128xf32, #tpu.memory_space<vmem_shared>>
      tpu.enqueue_dma source(%arg8 : memref<128x128xf32, #tpu.memory_space<vmem>>) target(%dma_start3A_60 : memref<128x128xf32, #tpu.memory_space<vmem_shared>>) target_semaphore(%run_scoped3A : memref<!tpu.dma_semaphore, #tpu.memory_space<semaphore_mem>>)
      %dma_wait3A = arith.constant 0 : i32
      %dma_wait3A_61 = tpu.memref_slice %arg10[%add3A_21, %dma_wait3A] : memref<10112x128xf32, #tpu.memory_space<vmem_shared>> -> memref<128x128xf32, #tpu.memory_space<vmem_shared>>
      %dma_wait3A_62 = arith.constant 0 : i32
      %dma_wait3A_63 = tpu.memref_slice %arg10[%add3A_21, %dma_wait3A_62] : memref<10112x128xf32, #tpu.memory_space<vmem_shared>> -> memref<128x128xf32, #tpu.memory_space<vmem_shared>>
      tpu.wait_dma2 semaphore(%run_scoped3A : memref<!tpu.dma_semaphore, #tpu.memory_space<semaphore_mem>>) src(%arg8 : memref<128x128xf32, #tpu.memory_space<vmem>>) dst(%dma_wait3A_63 : memref<128x128xf32, #tpu.memory_space<vmem_shared>>)
      tpu.yield
    }) : () -> ()
    %add3A_22 = arith.constant 256 : i32
    %add3A_23 = arith.addi %mul3A_17, %add3A_22 : i32
    "tpu.region"() ({
      %run_scoped3A = tpu.sem_alloc : memref<!tpu.dma_semaphore, #tpu.memory_space<semaphore_mem>>
      %dma_start3A = arith.constant 0 : i32
      %dma_start3A_58 = tpu.memref_slice %arg10[%add3A_23, %dma_start3A] : memref<10112x128xf32, #tpu.memory_space<vmem_shared>> -> memref<128x128xf32, #tpu.memory_space<vmem_shared>>
      %dma_start3A_59 = arith.constant 0 : i32
      %dma_start3A_60 = tpu.memref_slice %arg10[%add3A_23, %dma_start3A_59] : memref<10112x128xf32, #tpu.memory_space<vmem_shared>> -> memref<128x128xf32, #tpu.memory_space<vmem_shared>>
      tpu.enqueue_dma source(%arg8 : memref<128x128xf32, #tpu.memory_space<vmem>>) target(%dma_start3A_60 : memref<128x128xf32, #tpu.memory_space<vmem_shared>>) target_semaphore(%run_scoped3A : memref<!tpu.dma_semaphore, #tpu.memory_space<semaphore_mem>>)
      %dma_wait3A = arith.constant 0 : i32
      %dma_wait3A_61 = tpu.memref_slice %arg10[%add3A_23, %dma_wait3A] : memref<10112x128xf32, #tpu.memory_space<vmem_shared>> -> memref<128x128xf32, #tpu.memory_space<vmem_shared>>
      %dma_wait3A_62 = arith.constant 0 : i32
      %dma_wait3A_63 = tpu.memref_slice %arg10[%add3A_23, %dma_wait3A_62] : memref<10112x128xf32, #tpu.memory_space<vmem_shared>> -> memref<128x128xf32, #tpu.memory_space<vmem_shared>>
      tpu.wait_dma2 semaphore(%run_scoped3A : memref<!tpu.dma_semaphore, #tpu.memory_space<semaphore_mem>>) src(%arg8 : memref<128x128xf32, #tpu.memory_space<vmem>>) dst(%dma_wait3A_63 : memref<128x128xf32, #tpu.memory_space<vmem_shared>>)
      tpu.yield
    }) : () -> ()
    %add3A_24 = arith.constant 384 : i32
    %add3A_25 = arith.addi %mul3A_17, %add3A_24 : i32
    "tpu.region"() ({
      %run_scoped3A = tpu.sem_alloc : memref<!tpu.dma_semaphore, #tpu.memory_space<semaphore_mem>>
      %dma_start3A = arith.constant 0 : i32
      %dma_start3A_58 = tpu.memref_slice %arg10[%add3A_25, %dma_start3A] : memref<10112x128xf32, #tpu.memory_space<vmem_shared>> -> memref<128x128xf32, #tpu.memory_space<vmem_shared>>
      %dma_start3A_59 = arith.constant 0 : i32
      %dma_start3A_60 = tpu.memref_slice %arg10[%add3A_25, %dma_start3A_59] : memref<10112x128xf32, #tpu.memory_space<vmem_shared>> -> memref<128x128xf32, #tpu.memory_space<vmem_shared>>
      tpu.enqueue_dma source(%arg8 : memref<128x128xf32, #tpu.memory_space<vmem>>) target(%dma_start3A_60 : memref<128x128xf32, #tpu.memory_space<vmem_shared>>) target_semaphore(%run_scoped3A : memref<!tpu.dma_semaphore, #tpu.memory_space<semaphore_mem>>)
      %dma_wait3A = arith.constant 0 : i32
      %dma_wait3A_61 = tpu.memref_slice %arg10[%add3A_25, %dma_wait3A] : memref<10112x128xf32, #tpu.memory_space<vmem_shared>> -> memref<128x128xf32, #tpu.memory_space<vmem_shared>>
      %dma_wait3A_62 = arith.constant 0 : i32
      %dma_wait3A_63 = tpu.memref_slice %arg10[%add3A_25, %dma_wait3A_62] : memref<10112x128xf32, #tpu.memory_space<vmem_shared>> -> memref<128x128xf32, #tpu.memory_space<vmem_shared>>
      tpu.wait_dma2 semaphore(%run_scoped3A : memref<!tpu.dma_semaphore, #tpu.memory_space<semaphore_mem>>) src(%arg8 : memref<128x128xf32, #tpu.memory_space<vmem>>) dst(%dma_wait3A_63 : memref<128x128xf32, #tpu.memory_space<vmem_shared>>)
      tpu.yield
    }) : () -> ()
    %add3A_26 = arith.constant 512 : i32
    %add3A_27 = arith.addi %mul3A_17, %add3A_26 : i32
    "tpu.region"() ({
      %run_scoped3A = tpu.sem_alloc : memref<!tpu.dma_semaphore, #tpu.memory_space<semaphore_mem>>
      %dma_start3A = arith.constant 0 : i32
      %dma_start3A_58 = arith.constant 0 : i32
      %dma_start3A_59 = tpu.memref_slice %arg8[%dma_start3A, %dma_start3A_58] : memref<128x128xf32, #tpu.memory_space<vmem>> -> memref<120x128xf32, #tpu.memory_space<vmem>>
      %dma_start3A_60 = arith.constant 0 : i32
      %dma_start3A_61 = tpu.memref_slice %arg10[%add3A_27, %dma_start3A_60] : memref<10112x128xf32, #tpu.memory_space<vmem_shared>> -> memref<120x128xf32, #tpu.memory_space<vmem_shared>>
      %dma_start3A_62 = arith.constant 0 : i32
      %dma_start3A_63 = tpu.memref_slice %arg10[%add3A_27, %dma_start3A_62] : memref<10112x128xf32, #tpu.memory_space<vmem_shared>> -> memref<120x128xf32, #tpu.memory_space<vmem_shared>>
      %dma_start3A_64 = arith.constant 0 : i32
      %dma_start3A_65 = arith.constant 0 : i32
      %dma_start3A_66 = tpu.memref_slice %arg8[%dma_start3A_64, %dma_start3A_65] : memref<128x128xf32, #tpu.memory_space<vmem>> -> memref<120x128xf32, #tpu.memory_space<vmem>>
      tpu.enqueue_dma source(%dma_start3A_66 : memref<120x128xf32, #tpu.memory_space<vmem>>) target(%dma_start3A_63 : memref<120x128xf32, #tpu.memory_space<vmem_shared>>) target_semaphore(%run_scoped3A : memref<!tpu.dma_semaphore, #tpu.memory_space<semaphore_mem>>)
      %dma_wait3A = arith.constant 0 : i32
      %dma_wait3A_67 = arith.constant 0 : i32
      %dma_wait3A_68 = tpu.memref_slice %arg8[%dma_wait3A, %dma_wait3A_67] : memref<128x128xf32, #tpu.memory_space<vmem>> -> memref<120x128xf32, #tpu.memory_space<vmem>>
      %dma_wait3A_69 = arith.constant 0 : i32
      %dma_wait3A_70 = tpu.memref_slice %arg10[%add3A_27, %dma_wait3A_69] : memref<10112x128xf32, #tpu.memory_space<vmem_shared>> -> memref<120x128xf32, #tpu.memory_space<vmem_shared>>
      %dma_wait3A_71 = arith.constant 0 : i32
      %dma_wait3A_72 = tpu.memref_slice %arg10[%add3A_27, %dma_wait3A_71] : memref<10112x128xf32, #tpu.memory_space<vmem_shared>> -> memref<120x128xf32, #tpu.memory_space<vmem_shared>>
      %dma_wait3A_73 = arith.constant 0 : i32
      %dma_wait3A_74 = arith.constant 0 : i32
      %dma_wait3A_75 = tpu.memref_slice %arg8[%dma_wait3A_73, %dma_wait3A_74] : memref<128x128xf32, #tpu.memory_space<vmem>> -> memref<120x128xf32, #tpu.memory_space<vmem>>
      tpu.wait_dma2 semaphore(%run_scoped3A : memref<!tpu.dma_semaphore, #tpu.memory_space<semaphore_mem>>) src(%dma_wait3A_75 : memref<120x128xf32, #tpu.memory_space<vmem>>) dst(%dma_wait3A_72 : memref<120x128xf32, #tpu.memory_space<vmem_shared>>)
      tpu.yield
    }) : () -> ()
    %barrier3A = arith.constant 0 : index
    tpu.barrier barrier_id(%barrier3A)
    "tpu.trace_stop"() : () -> ()
    "tpu.trace_start"() <{level = 10 : i32, message = "segedges"}> : () -> ()
    %scan3A_28 = arith.constant 0 : i32
    %scan3A_29 = arith.constant 0 : i32
    %scan3A_30 = arith.constant 2 : i32
    %scan3A_31 = arith.addi %scan3A_29, %scan3A_30 : i32
    %scan3A_32 = arith.constant 1 : i32
    %scan3A_33 = scf.for %scan3A_58 = %scan3A_29 to %scan3A_31 step %scan3A_32 iter_args(%scan3A_59 = %scan3A_28) -> (i32)  : i32 {
      %lt3A = arith.cmpi slt, %scan3A_58, %select_n3A_8 : i32
      %convert_element_type3A_60 = arith.extui %lt3A : i1 to i32
      %cond3A_61 = arith.constant 0 : i32
      %cond3A_62 = arith.cmpi ne, %convert_element_type3A_60, %cond3A_61 : i32
      scf.if %cond3A_62 {
        %mul3A_64 = arith.constant 40 : i32
        %mul3A_65 = arith.muli %scan3A_58, %mul3A_64 : i32
        %add3A_66 = arith.addi %select_n3A, %mul3A_65 : i32
        "tpu.region"() ({
          %run_scoped3A = tpu.sem_alloc : memref<!tpu.dma_semaphore, #tpu.memory_space<semaphore_mem>>
          %dma_start3A_80 = arith.constant 0 : i32
          %dma_start3A_81 = tpu.memref_slice %arg3[%add3A_66, %dma_start3A_80] : memref<2560x128xi32, #tpu.memory_space<hbm>> -> memref<40x128xi32, #tpu.memory_space<hbm>>
          %dma_start3A_82 = arith.constant 0 : i32
          %dma_start3A_83 = tpu.memref_slice %arg3[%add3A_66, %dma_start3A_82] : memref<2560x128xi32, #tpu.memory_space<hbm>> -> memref<40x128xi32, #tpu.memory_space<hbm>>
          tpu.enqueue_dma source(%dma_start3A_83 : memref<40x128xi32, #tpu.memory_space<hbm>>) target(%arg6 : memref<40x128xi32, #tpu.memory_space<vmem>>) target_semaphore(%run_scoped3A : memref<!tpu.dma_semaphore, #tpu.memory_space<semaphore_mem>>)
          %dma_wait3A = arith.constant 0 : i32
          %dma_wait3A_84 = tpu.memref_slice %arg3[%add3A_66, %dma_wait3A] : memref<2560x128xi32, #tpu.memory_space<hbm>> -> memref<40x128xi32, #tpu.memory_space<hbm>>
          %dma_wait3A_85 = arith.constant 0 : i32
          %dma_wait3A_86 = tpu.memref_slice %arg3[%add3A_66, %dma_wait3A_85] : memref<2560x128xi32, #tpu.memory_space<hbm>> -> memref<40x128xi32, #tpu.memory_space<hbm>>
          tpu.wait_dma2 semaphore(%run_scoped3A : memref<!tpu.dma_semaphore, #tpu.memory_space<semaphore_mem>>) src(%dma_wait3A_86 : memref<40x128xi32, #tpu.memory_space<hbm>>) dst(%arg6 : memref<40x128xi32, #tpu.memory_space<vmem>>)
          tpu.yield
        }) : () -> ()
        "tpu.region"() ({
          %run_scoped3A = tpu.sem_alloc : memref<!tpu.dma_semaphore, #tpu.memory_space<semaphore_mem>>
          %dma_start3A_80 = arith.constant 0 : i32
          %dma_start3A_81 = tpu.memref_slice %arg4[%add3A_66, %dma_start3A_80] : memref<2560x128xi32, #tpu.memory_space<hbm>> -> memref<40x128xi32, #tpu.memory_space<hbm>>
          %dma_start3A_82 = arith.constant 0 : i32
          %dma_start3A_83 = tpu.memref_slice %arg4[%add3A_66, %dma_start3A_82] : memref<2560x128xi32, #tpu.memory_space<hbm>> -> memref<40x128xi32, #tpu.memory_space<hbm>>
          tpu.enqueue_dma source(%dma_start3A_83 : memref<40x128xi32, #tpu.memory_space<hbm>>) target(%arg7 : memref<40x128xi32, #tpu.memory_space<vmem>>) target_semaphore(%run_scoped3A : memref<!tpu.dma_semaphore, #tpu.memory_space<semaphore_mem>>)
          %dma_wait3A = arith.constant 0 : i32
          %dma_wait3A_84 = tpu.memref_slice %arg4[%add3A_66, %dma_wait3A] : memref<2560x128xi32, #tpu.memory_space<hbm>> -> memref<40x128xi32, #tpu.memory_space<hbm>>
          %dma_wait3A_85 = arith.constant 0 : i32
          %dma_wait3A_86 = tpu.memref_slice %arg4[%add3A_66, %dma_wait3A_85] : memref<2560x128xi32, #tpu.memory_space<hbm>> -> memref<40x128xi32, #tpu.memory_space<hbm>>
          tpu.wait_dma2 semaphore(%run_scoped3A : memref<!tpu.dma_semaphore, #tpu.memory_space<semaphore_mem>>) src(%dma_wait3A_86 : memref<40x128xi32, #tpu.memory_space<hbm>>) dst(%arg7 : memref<40x128xi32, #tpu.memory_space<vmem>>)
          tpu.yield
        }) : () -> ()
        %dma_start3A = arith.constant 0 : i32
        %dma_start3A_67 = arith.constant 0 : i32
        %dma_start3A_68 = tpu.memref_slice %arg6[%dma_start3A, %dma_start3A_67] : memref<40x128xi32, #tpu.memory_space<vmem>> -> memref<1x128xi32, #tpu.memory_space<vmem>>
        %dma_start3A_69 = tpu.memref_squeeze %dma_start3A_68 : memref<1x128xi32, #tpu.memory_space<vmem>> -> memref<128xi32, #tpu.memory_space<vmem>>
        %dma_start3A_70 = arith.constant 0 : i32
        %dma_start3A_71 = arith.constant 0 : i32
        %dma_start3A_72 = tpu.memref_slice %arg2[%dma_start3A_70, %dma_start3A_71] : memref<10000x128xf32, #tpu.memory_space<hbm>> -> memref<10000x128xf32, #tpu.memory_space<hbm>>
        tpu.enqueue_indirect_dma source(%dma_start3A_72 : memref<10000x128xf32, #tpu.memory_space<hbm>>) target(%arg8 : memref<128x128xf32, #tpu.memory_space<vmem>>) offsets(%dma_start3A_69 : memref<128xi32, #tpu.memory_space<vmem>>) semaphore(%arg11 : memref<!tpu.dma_semaphore, #tpu.memory_space<semaphore_mem>>)
        %scan3A_73 = arith.constant 0 : i32
        %scan3A_74 = arith.constant 0 : i32
        %scan3A_75 = arith.constant 20 : i32
        %scan3A_76 = arith.addi %scan3A_74, %scan3A_75 : i32
        %scan3A_77 = arith.constant 1 : i32
        %scan3A_78 = scf.for %scan3A_80 = %scan3A_74 to %scan3A_76 step %scan3A_77 iter_args(%scan3A_81 = %scan3A_73) -> (i32)  : i32 {
          %mul3A_82 = arith.constant 2 : i32
          %mul3A_83 = arith.muli %mul3A_82, %scan3A_80 : i32
          %dma_wait3A = arith.constant 0 : i32
          %dma_wait3A_84 = tpu.memref_slice %arg6[%mul3A_83, %dma_wait3A] : memref<40x128xi32, #tpu.memory_space<vmem>> -> memref<1x128xi32, #tpu.memory_space<vmem>>
          %dma_wait3A_85 = tpu.memref_squeeze %dma_wait3A_84 : memref<1x128xi32, #tpu.memory_space<vmem>> -> memref<128xi32, #tpu.memory_space<vmem>>
          %dma_wait3A_86 = arith.constant 0 : i32
          %dma_wait3A_87 = arith.constant 0 : i32
          %dma_wait3A_88 = tpu.memref_slice %arg2[%dma_wait3A_86, %dma_wait3A_87] : memref<10000x128xf32, #tpu.memory_space<hbm>> -> memref<10000x128xf32, #tpu.memory_space<hbm>>
          tpu.wait_indirect_dma semaphore(%arg11 : memref<!tpu.dma_semaphore, #tpu.memory_space<semaphore_mem>>) src(%dma_wait3A_88 : memref<10000x128xf32, #tpu.memory_space<hbm>>) dst(%arg8 : memref<128x128xf32, #tpu.memory_space<vmem>>)
          %gt3A_89 = arith.constant 0 : i32
          %gt3A_90 = arith.cmpi sgt, %scan3A_58, %gt3A_89 : i32
          %gt3A_91 = arith.constant 0 : i32
          %gt3A_92 = arith.cmpi sgt, %scan3A_80, %gt3A_91 : i32
          %or3A = arith.ori %gt3A_90, %gt3A_92 : i1
          %convert_element_type3A_93 = arith.extui %or3A : i1 to i32
          %cond3A_94 = arith.constant 0 : i32
          %cond3A_95 = arith.cmpi ne, %convert_element_type3A_93, %cond3A_94 : i32
          scf.if %cond3A_95 {
            %dma_wait3A_140 = arith.constant 0 : i32
            %dma_wait3A_141 = tpu.memref_slice %arg7[%mul3A_83, %dma_wait3A_140] : memref<40x128xi32, #tpu.memory_space<vmem>> -> memref<1x128xi32, #tpu.memory_space<vmem>>
            %dma_wait3A_142 = tpu.memref_squeeze %dma_wait3A_141 : memref<1x128xi32, #tpu.memory_space<vmem>> -> memref<128xi32, #tpu.memory_space<vmem>>
            %dma_wait3A_143 = arith.constant 0 : i32
            %dma_wait3A_144 = arith.constant 0 : i32
            %dma_wait3A_145 = tpu.memref_slice %arg10[%dma_wait3A_143, %dma_wait3A_144] : memref<10112x128xf32, #tpu.memory_space<vmem_shared>> -> memref<10112x128xf32, #tpu.memory_space<vmem_shared>>
            tpu.wait_indirect_dma semaphore(%arg14 : memref<!tpu.dma_semaphore, #tpu.memory_space<semaphore_mem>>) src(%arg9 : memref<128x128xf32, #tpu.memory_space<vmem>>) dst(%dma_wait3A_145 : memref<10112x128xf32, #tpu.memory_space<vmem_shared>>)
          } else {
          }
          %add3A_96 = arith.constant 1 : i32
          %add3A_97 = arith.addi %mul3A_83, %add3A_96 : i32
          %dma_start3A_98 = arith.constant 0 : i32
          %dma_start3A_99 = tpu.memref_slice %arg6[%add3A_97, %dma_start3A_98] : memref<40x128xi32, #tpu.memory_space<vmem>> -> memref<1x128xi32, #tpu.memory_space<vmem>>
          %dma_start3A_100 = tpu.memref_squeeze %dma_start3A_99 : memref<1x128xi32, #tpu.memory_space<vmem>> -> memref<128xi32, #tpu.memory_space<vmem>>
          %dma_start3A_101 = arith.constant 0 : i32
          %dma_start3A_102 = arith.constant 0 : i32
          %dma_start3A_103 = tpu.memref_slice %arg2[%dma_start3A_101, %dma_start3A_102] : memref<10000x128xf32, #tpu.memory_space<hbm>> -> memref<10000x128xf32, #tpu.memory_space<hbm>>
          tpu.enqueue_indirect_dma source(%dma_start3A_103 : memref<10000x128xf32, #tpu.memory_space<hbm>>) target(%arg9 : memref<128x128xf32, #tpu.memory_space<vmem>>) offsets(%dma_start3A_100 : memref<128xi32, #tpu.memory_space<vmem>>) semaphore(%arg12 : memref<!tpu.dma_semaphore, #tpu.memory_space<semaphore_mem>>)
          %dma_start3A_104 = arith.constant 0 : i32
          %dma_start3A_105 = tpu.memref_slice %arg7[%mul3A_83, %dma_start3A_104] : memref<40x128xi32, #tpu.memory_space<vmem>> -> memref<1x128xi32, #tpu.memory_space<vmem>>
          %dma_start3A_106 = tpu.memref_squeeze %dma_start3A_105 : memref<1x128xi32, #tpu.memory_space<vmem>> -> memref<128xi32, #tpu.memory_space<vmem>>
          %dma_start3A_107 = arith.constant 0 : i32
          %dma_start3A_108 = arith.constant 0 : i32
          %dma_start3A_109 = tpu.memref_slice %arg10[%dma_start3A_107, %dma_start3A_108] : memref<10112x128xf32, #tpu.memory_space<vmem_shared>> -> memref<10112x128xf32, #tpu.memory_space<vmem_shared>>
          tpu.enqueue_indirect_dma source(%arg8 : memref<128x128xf32, #tpu.memory_space<vmem>>) target(%dma_start3A_109 : memref<10112x128xf32, #tpu.memory_space<vmem_shared>>) offsets(%dma_start3A_106 : memref<128xi32, #tpu.memory_space<vmem>>) semaphore(%arg13 : memref<!tpu.dma_semaphore, #tpu.memory_space<semaphore_mem>>) {add = true}
          %add3A_110 = arith.constant 1 : i32
          %add3A_111 = arith.addi %mul3A_83, %add3A_110 : i32
          %dma_wait3A_112 = arith.constant 0 : i32
          %dma_wait3A_113 = tpu.memref_slice %arg6[%add3A_111, %dma_wait3A_112] : memref<40x128xi32, #tpu.memory_space<vmem>> -> memref<1x128xi32, #tpu.memory_space<vmem>>
          %dma_wait3A_114 = tpu.memref_squeeze %dma_wait3A_113 : memref<1x128xi32, #tpu.memory_space<vmem>> -> memref<128xi32, #tpu.memory_space<vmem>>
          %dma_wait3A_115 = arith.constant 0 : i32
          %dma_wait3A_116 = arith.constant 0 : i32
          %dma_wait3A_117 = tpu.memref_slice %arg2[%dma_wait3A_115, %dma_wait3A_116] : memref<10000x128xf32, #tpu.memory_space<hbm>> -> memref<10000x128xf32, #tpu.memory_space<hbm>>
          tpu.wait_indirect_dma semaphore(%arg12 : memref<!tpu.dma_semaphore, #tpu.memory_space<semaphore_mem>>) src(%dma_wait3A_117 : memref<10000x128xf32, #tpu.memory_space<hbm>>) dst(%arg9 : memref<128x128xf32, #tpu.memory_space<vmem>>)
          %dma_wait3A_118 = arith.constant 0 : i32
          %dma_wait3A_119 = tpu.memref_slice %arg7[%mul3A_83, %dma_wait3A_118] : memref<40x128xi32, #tpu.memory_space<vmem>> -> memref<1x128xi32, #tpu.memory_space<vmem>>
          %dma_wait3A_120 = tpu.memref_squeeze %dma_wait3A_119 : memref<1x128xi32, #tpu.memory_space<vmem>> -> memref<128xi32, #tpu.memory_space<vmem>>
          %dma_wait3A_121 = arith.constant 0 : i32
          %dma_wait3A_122 = arith.constant 0 : i32
          %dma_wait3A_123 = tpu.memref_slice %arg10[%dma_wait3A_121, %dma_wait3A_122] : memref<10112x128xf32, #tpu.memory_space<vmem_shared>> -> memref<10112x128xf32, #tpu.memory_space<vmem_shared>>
          tpu.wait_indirect_dma semaphore(%arg13 : memref<!tpu.dma_semaphore, #tpu.memory_space<semaphore_mem>>) src(%arg8 : memref<128x128xf32, #tpu.memory_space<vmem>>) dst(%dma_wait3A_123 : memref<10112x128xf32, #tpu.memory_space<vmem_shared>>)
          %add3A_124 = arith.constant 2 : i32
          %add3A_125 = arith.addi %mul3A_83, %add3A_124 : i32
          %lt3A_126 = arith.constant 40 : i32
          %lt3A_127 = arith.cmpi slt, %add3A_125, %lt3A_126 : i32
          %convert_element_type3A_128 = arith.extui %lt3A_127 : i1 to i32
          %cond3A_129 = arith.constant 0 : i32
          %cond3A_130 = arith.cmpi ne, %convert_element_type3A_128, %cond3A_129 : i32
          scf.if %cond3A_130 {
            %add3A_140 = arith.constant 2 : i32
            %add3A_141 = arith.addi %mul3A_83, %add3A_140 : i32
            %dma_start3A_142 = arith.constant 0 : i32
            %dma_start3A_143 = tpu.memref_slice %arg6[%add3A_141, %dma_start3A_142] : memref<40x128xi32, #tpu.memory_space<vmem>> -> memref<1x128xi32, #tpu.memory_space<vmem>>
            %dma_start3A_144 = tpu.memref_squeeze %dma_start3A_143 : memref<1x128xi32, #tpu.memory_space<vmem>> -> memref<128xi32, #tpu.memory_space<vmem>>
            %dma_start3A_145 = arith.constant 0 : i32
            %dma_start3A_146 = arith.constant 0 : i32
            %dma_start3A_147 = tpu.memref_slice %arg2[%dma_start3A_145, %dma_start3A_146] : memref<10000x128xf32, #tpu.memory_space<hbm>> -> memref<10000x128xf32, #tpu.memory_space<hbm>>
            tpu.enqueue_indirect_dma source(%dma_start3A_147 : memref<10000x128xf32, #tpu.memory_space<hbm>>) target(%arg8 : memref<128x128xf32, #tpu.memory_space<vmem>>) offsets(%dma_start3A_144 : memref<128xi32, #tpu.memory_space<vmem>>) semaphore(%arg11 : memref<!tpu.dma_semaphore, #tpu.memory_space<semaphore_mem>>)
          } else {
          }
          %add3A_131 = arith.constant 1 : i32
          %add3A_132 = arith.addi %mul3A_83, %add3A_131 : i32
          %dma_start3A_133 = arith.constant 0 : i32
          %dma_start3A_134 = tpu.memref_slice %arg7[%add3A_132, %dma_start3A_133] : memref<40x128xi32, #tpu.memory_space<vmem>> -> memref<1x128xi32, #tpu.memory_space<vmem>>
          %dma_start3A_135 = tpu.memref_squeeze %dma_start3A_134 : memref<1x128xi32, #tpu.memory_space<vmem>> -> memref<128xi32, #tpu.memory_space<vmem>>
          %dma_start3A_136 = arith.constant 0 : i32
          %dma_start3A_137 = arith.constant 0 : i32
          %dma_start3A_138 = tpu.memref_slice %arg10[%dma_start3A_136, %dma_start3A_137] : memref<10112x128xf32, #tpu.memory_space<vmem_shared>> -> memref<10112x128xf32, #tpu.memory_space<vmem_shared>>
          tpu.enqueue_indirect_dma source(%arg9 : memref<128x128xf32, #tpu.memory_space<vmem>>) target(%dma_start3A_138 : memref<10112x128xf32, #tpu.memory_space<vmem_shared>>) offsets(%dma_start3A_135 : memref<128xi32, #tpu.memory_space<vmem>>) semaphore(%arg14 : memref<!tpu.dma_semaphore, #tpu.memory_space<semaphore_mem>>) {add = true}
          %scan3A_139 = arith.constant 0 : i32
          scf.yield %scan3A_139 : i32
        }
        %scan3A_79 = arith.constant 20 : i32
      } else {
      }
      %scan3A_63 = arith.constant 0 : i32
      scf.yield %scan3A_63 : i32
    }
    %scan3A_34 = arith.constant 2 : i32
    %gt3A = arith.constant 0 : i32
    %gt3A_35 = arith.cmpi sgt, %select_n3A_8, %gt3A : i32
    %convert_element_type3A = arith.extui %gt3A_35 : i1 to i32
    %cond3A = arith.constant 0 : i32
    %cond3A_36 = arith.cmpi ne, %convert_element_type3A, %cond3A : i32
    scf.if %cond3A_36 {
      %dma_wait3A = arith.constant 39 : i32
      %dma_wait3A_58 = arith.constant 0 : i32
      %dma_wait3A_59 = tpu.memref_slice %arg7[%dma_wait3A, %dma_wait3A_58] : memref<40x128xi32, #tpu.memory_space<vmem>> -> memref<1x128xi32, #tpu.memory_space<vmem>>
      %dma_wait3A_60 = tpu.memref_squeeze %dma_wait3A_59 : memref<1x128xi32, #tpu.memory_space<vmem>> -> memref<128xi32, #tpu.memory_space<vmem>>
      %dma_wait3A_61 = arith.constant 0 : i32
      %dma_wait3A_62 = arith.constant 0 : i32
      %dma_wait3A_63 = tpu.memref_slice %arg10[%dma_wait3A_61, %dma_wait3A_62] : memref<10112x128xf32, #tpu.memory_space<vmem_shared>> -> memref<10112x128xf32, #tpu.memory_space<vmem_shared>>
      tpu.wait_indirect_dma semaphore(%arg14 : memref<!tpu.dma_semaphore, #tpu.memory_space<semaphore_mem>>) src(%arg9 : memref<128x128xf32, #tpu.memory_space<vmem>>) dst(%dma_wait3A_63 : memref<10112x128xf32, #tpu.memory_space<vmem_shared>>)
    } else {
    }
    %barrier3A_37 = arith.constant 0 : index
    tpu.barrier barrier_id(%barrier3A_37)
    "tpu.trace_stop"() : () -> ()
    "tpu.trace_start"() <{level = 10 : i32, message = "segcopyout"}> : () -> ()
    %add3A_38 = arith.constant 0 : i32
    %add3A_39 = arith.addi %mul3A_17, %add3A_38 : i32
    "tpu.region"() ({
      %run_scoped3A = tpu.sem_alloc : memref<!tpu.dma_semaphore, #tpu.memory_space<semaphore_mem>>
      %dma_start3A = arith.constant 0 : i32
      %dma_start3A_58 = tpu.memref_slice %arg10[%add3A_39, %dma_start3A] : memref<10112x128xf32, #tpu.memory_space<vmem_shared>> -> memref<128x128xf32, #tpu.memory_space<vmem_shared>>
      %dma_start3A_59 = arith.constant 0 : i32
      %dma_start3A_60 = tpu.memref_slice %arg10[%add3A_39, %dma_start3A_59] : memref<10112x128xf32, #tpu.memory_space<vmem_shared>> -> memref<128x128xf32, #tpu.memory_space<vmem_shared>>
      tpu.enqueue_dma source(%dma_start3A_60 : memref<128x128xf32, #tpu.memory_space<vmem_shared>>) target(%arg8 : memref<128x128xf32, #tpu.memory_space<vmem>>) target_semaphore(%run_scoped3A : memref<!tpu.dma_semaphore, #tpu.memory_space<semaphore_mem>>)
      %dma_wait3A = arith.constant 0 : i32
      %dma_wait3A_61 = tpu.memref_slice %arg10[%add3A_39, %dma_wait3A] : memref<10112x128xf32, #tpu.memory_space<vmem_shared>> -> memref<128x128xf32, #tpu.memory_space<vmem_shared>>
      %dma_wait3A_62 = arith.constant 0 : i32
      %dma_wait3A_63 = tpu.memref_slice %arg10[%add3A_39, %dma_wait3A_62] : memref<10112x128xf32, #tpu.memory_space<vmem_shared>> -> memref<128x128xf32, #tpu.memory_space<vmem_shared>>
      tpu.wait_dma2 semaphore(%run_scoped3A : memref<!tpu.dma_semaphore, #tpu.memory_space<semaphore_mem>>) src(%dma_wait3A_63 : memref<128x128xf32, #tpu.memory_space<vmem_shared>>) dst(%arg8 : memref<128x128xf32, #tpu.memory_space<vmem>>)
      tpu.yield
    }) : () -> ()
    %add3A_40 = arith.constant 0 : i32
    %add3A_41 = arith.addi %mul3A_17, %add3A_40 : i32
    "tpu.region"() ({
      %run_scoped3A = tpu.sem_alloc : memref<!tpu.dma_semaphore, #tpu.memory_space<semaphore_mem>>
      %dma_start3A = arith.constant 0 : i32
      %dma_start3A_58 = tpu.memref_slice %arg5[%arg0, %add3A_41, %dma_start3A] : memref<2x10112x128xf32, #tpu.memory_space<hbm>> -> memref<1x128x128xf32, #tpu.memory_space<hbm>>
      %dma_start3A_59 = tpu.memref_squeeze %dma_start3A_58 : memref<1x128x128xf32, #tpu.memory_space<hbm>> -> memref<128x128xf32, #tpu.memory_space<hbm>>
      %dma_start3A_60 = arith.constant 0 : i32
      %dma_start3A_61 = tpu.memref_slice %arg5[%arg0, %add3A_41, %dma_start3A_60] : memref<2x10112x128xf32, #tpu.memory_space<hbm>> -> memref<1x128x128xf32, #tpu.memory_space<hbm>>
      %dma_start3A_62 = tpu.memref_squeeze %dma_start3A_61 : memref<1x128x128xf32, #tpu.memory_space<hbm>> -> memref<128x128xf32, #tpu.memory_space<hbm>>
      tpu.enqueue_dma source(%arg8 : memref<128x128xf32, #tpu.memory_space<vmem>>) target(%dma_start3A_62 : memref<128x128xf32, #tpu.memory_space<hbm>>) target_semaphore(%run_scoped3A : memref<!tpu.dma_semaphore, #tpu.memory_space<semaphore_mem>>)
      %dma_wait3A = arith.constant 0 : i32
      %dma_wait3A_63 = tpu.memref_slice %arg5[%arg0, %add3A_41, %dma_wait3A] : memref<2x10112x128xf32, #tpu.memory_space<hbm>> -> memref<1x128x128xf32, #tpu.memory_space<hbm>>
      %dma_wait3A_64 = tpu.memref_squeeze %dma_wait3A_63 : memref<1x128x128xf32, #tpu.memory_space<hbm>> -> memref<128x128xf32, #tpu.memory_space<hbm>>
      %dma_wait3A_65 = arith.constant 0 : i32
      %dma_wait3A_66 = tpu.memref_slice %arg5[%arg0, %add3A_41, %dma_wait3A_65] : memref<2x10112x128xf32, #tpu.memory_space<hbm>> -> memref<1x128x128xf32, #tpu.memory_space<hbm>>
      %dma_wait3A_67 = tpu.memref_squeeze %dma_wait3A_66 : memref<1x128x128xf32, #tpu.memory_space<hbm>> -> memref<128x128xf32, #tpu.memory_space<hbm>>
      tpu.wait_dma2 semaphore(%run_scoped3A : memref<!tpu.dma_semaphore, #tpu.memory_space<semaphore_mem>>) src(%arg8 : memref<128x128xf32, #tpu.memory_space<vmem>>) dst(%dma_wait3A_67 : memref<128x128xf32, #tpu.memory_space<hbm>>)
      tpu.yield
    }) : () -> ()
    %add3A_42 = arith.constant 128 : i32
    %add3A_43 = arith.addi %mul3A_17, %add3A_42 : i32
    "tpu.region"() ({
      %run_scoped3A = tpu.sem_alloc : memref<!tpu.dma_semaphore, #tpu.memory_space<semaphore_mem>>
      %dma_start3A = arith.constant 0 : i32
      %dma_start3A_58 = tpu.memref_slice %arg10[%add3A_43, %dma_start3A] : memref<10112x128xf32, #tpu.memory_space<vmem_shared>> -> memref<128x128xf32, #tpu.memory_space<vmem_shared>>
      %dma_start3A_59 = arith.constant 0 : i32
      %dma_start3A_60 = tpu.memref_slice %arg10[%add3A_43, %dma_start3A_59] : memref<10112x128xf32, #tpu.memory_space<vmem_shared>> -> memref<128x128xf32, #tpu.memory_space<vmem_shared>>
      tpu.enqueue_dma source(%dma_start3A_60 : memref<128x128xf32, #tpu.memory_space<vmem_shared>>) target(%arg8 : memref<128x128xf32, #tpu.memory_space<vmem>>) target_semaphore(%run_scoped3A : memref<!tpu.dma_semaphore, #tpu.memory_space<semaphore_mem>>)
      %dma_wait3A = arith.constant 0 : i32
      %dma_wait3A_61 = tpu.memref_slice %arg10[%add3A_43, %dma_wait3A] : memref<10112x128xf32, #tpu.memory_space<vmem_shared>> -> memref<128x128xf32, #tpu.memory_space<vmem_shared>>
      %dma_wait3A_62 = arith.constant 0 : i32
      %dma_wait3A_63 = tpu.memref_slice %arg10[%add3A_43, %dma_wait3A_62] : memref<10112x128xf32, #tpu.memory_space<vmem_shared>> -> memref<128x128xf32, #tpu.memory_space<vmem_shared>>
      tpu.wait_dma2 semaphore(%run_scoped3A : memref<!tpu.dma_semaphore, #tpu.memory_space<semaphore_mem>>) src(%dma_wait3A_63 : memref<128x128xf32, #tpu.memory_space<vmem_shared>>) dst(%arg8 : memref<128x128xf32, #tpu.memory_space<vmem>>)
      tpu.yield
    }) : () -> ()
    %add3A_44 = arith.constant 128 : i32
    %add3A_45 = arith.addi %mul3A_17, %add3A_44 : i32
    "tpu.region"() ({
      %run_scoped3A = tpu.sem_alloc : memref<!tpu.dma_semaphore, #tpu.memory_space<semaphore_mem>>
      %dma_start3A = arith.constant 0 : i32
      %dma_start3A_58 = tpu.memref_slice %arg5[%arg0, %add3A_45, %dma_start3A] : memref<2x10112x128xf32, #tpu.memory_space<hbm>> -> memref<1x128x128xf32, #tpu.memory_space<hbm>>
      %dma_start3A_59 = tpu.memref_squeeze %dma_start3A_58 : memref<1x128x128xf32, #tpu.memory_space<hbm>> -> memref<128x128xf32, #tpu.memory_space<hbm>>
      %dma_start3A_60 = arith.constant 0 : i32
      %dma_start3A_61 = tpu.memref_slice %arg5[%arg0, %add3A_45, %dma_start3A_60] : memref<2x10112x128xf32, #tpu.memory_space<hbm>> -> memref<1x128x128xf32, #tpu.memory_space<hbm>>
      %dma_start3A_62 = tpu.memref_squeeze %dma_start3A_61 : memref<1x128x128xf32, #tpu.memory_space<hbm>> -> memref<128x128xf32, #tpu.memory_space<hbm>>
      tpu.enqueue_dma source(%arg8 : memref<128x128xf32, #tpu.memory_space<vmem>>) target(%dma_start3A_62 : memref<128x128xf32, #tpu.memory_space<hbm>>) target_semaphore(%run_scoped3A : memref<!tpu.dma_semaphore, #tpu.memory_space<semaphore_mem>>)
      %dma_wait3A = arith.constant 0 : i32
      %dma_wait3A_63 = tpu.memref_slice %arg5[%arg0, %add3A_45, %dma_wait3A] : memref<2x10112x128xf32, #tpu.memory_space<hbm>> -> memref<1x128x128xf32, #tpu.memory_space<hbm>>
      %dma_wait3A_64 = tpu.memref_squeeze %dma_wait3A_63 : memref<1x128x128xf32, #tpu.memory_space<hbm>> -> memref<128x128xf32, #tpu.memory_space<hbm>>
      %dma_wait3A_65 = arith.constant 0 : i32
      %dma_wait3A_66 = tpu.memref_slice %arg5[%arg0, %add3A_45, %dma_wait3A_65] : memref<2x10112x128xf32, #tpu.memory_space<hbm>> -> memref<1x128x128xf32, #tpu.memory_space<hbm>>
      %dma_wait3A_67 = tpu.memref_squeeze %dma_wait3A_66 : memref<1x128x128xf32, #tpu.memory_space<hbm>> -> memref<128x128xf32, #tpu.memory_space<hbm>>
      tpu.wait_dma2 semaphore(%run_scoped3A : memref<!tpu.dma_semaphore, #tpu.memory_space<semaphore_mem>>) src(%arg8 : memref<128x128xf32, #tpu.memory_space<vmem>>) dst(%dma_wait3A_67 : memref<128x128xf32, #tpu.memory_space<hbm>>)
      tpu.yield
    }) : () -> ()
    %add3A_46 = arith.constant 256 : i32
    %add3A_47 = arith.addi %mul3A_17, %add3A_46 : i32
    "tpu.region"() ({
      %run_scoped3A = tpu.sem_alloc : memref<!tpu.dma_semaphore, #tpu.memory_space<semaphore_mem>>
      %dma_start3A = arith.constant 0 : i32
      %dma_start3A_58 = tpu.memref_slice %arg10[%add3A_47, %dma_start3A] : memref<10112x128xf32, #tpu.memory_space<vmem_shared>> -> memref<128x128xf32, #tpu.memory_space<vmem_shared>>
      %dma_start3A_59 = arith.constant 0 : i32
      %dma_start3A_60 = tpu.memref_slice %arg10[%add3A_47, %dma_start3A_59] : memref<10112x128xf32, #tpu.memory_space<vmem_shared>> -> memref<128x128xf32, #tpu.memory_space<vmem_shared>>
      tpu.enqueue_dma source(%dma_start3A_60 : memref<128x128xf32, #tpu.memory_space<vmem_shared>>) target(%arg8 : memref<128x128xf32, #tpu.memory_space<vmem>>) target_semaphore(%run_scoped3A : memref<!tpu.dma_semaphore, #tpu.memory_space<semaphore_mem>>)
      %dma_wait3A = arith.constant 0 : i32
      %dma_wait3A_61 = tpu.memref_slice %arg10[%add3A_47, %dma_wait3A] : memref<10112x128xf32, #tpu.memory_space<vmem_shared>> -> memref<128x128xf32, #tpu.memory_space<vmem_shared>>
      %dma_wait3A_62 = arith.constant 0 : i32
      %dma_wait3A_63 = tpu.memref_slice %arg10[%add3A_47, %dma_wait3A_62] : memref<10112x128xf32, #tpu.memory_space<vmem_shared>> -> memref<128x128xf32, #tpu.memory_space<vmem_shared>>
      tpu.wait_dma2 semaphore(%run_scoped3A : memref<!tpu.dma_semaphore, #tpu.memory_space<semaphore_mem>>) src(%dma_wait3A_63 : memref<128x128xf32, #tpu.memory_space<vmem_shared>>) dst(%arg8 : memref<128x128xf32, #tpu.memory_space<vmem>>)
      tpu.yield
    }) : () -> ()
    %add3A_48 = arith.constant 256 : i32
    %add3A_49 = arith.addi %mul3A_17, %add3A_48 : i32
    "tpu.region"() ({
      %run_scoped3A = tpu.sem_alloc : memref<!tpu.dma_semaphore, #tpu.memory_space<semaphore_mem>>
      %dma_start3A = arith.constant 0 : i32
      %dma_start3A_58 = tpu.memref_slice %arg5[%arg0, %add3A_49, %dma_start3A] : memref<2x10112x128xf32, #tpu.memory_space<hbm>> -> memref<1x128x128xf32, #tpu.memory_space<hbm>>
      %dma_start3A_59 = tpu.memref_squeeze %dma_start3A_58 : memref<1x128x128xf32, #tpu.memory_space<hbm>> -> memref<128x128xf32, #tpu.memory_space<hbm>>
      %dma_start3A_60 = arith.constant 0 : i32
      %dma_start3A_61 = tpu.memref_slice %arg5[%arg0, %add3A_49, %dma_start3A_60] : memref<2x10112x128xf32, #tpu.memory_space<hbm>> -> memref<1x128x128xf32, #tpu.memory_space<hbm>>
      %dma_start3A_62 = tpu.memref_squeeze %dma_start3A_61 : memref<1x128x128xf32, #tpu.memory_space<hbm>> -> memref<128x128xf32, #tpu.memory_space<hbm>>
      tpu.enqueue_dma source(%arg8 : memref<128x128xf32, #tpu.memory_space<vmem>>) target(%dma_start3A_62 : memref<128x128xf32, #tpu.memory_space<hbm>>) target_semaphore(%run_scoped3A : memref<!tpu.dma_semaphore, #tpu.memory_space<semaphore_mem>>)
      %dma_wait3A = arith.constant 0 : i32
      %dma_wait3A_63 = tpu.memref_slice %arg5[%arg0, %add3A_49, %dma_wait3A] : memref<2x10112x128xf32, #tpu.memory_space<hbm>> -> memref<1x128x128xf32, #tpu.memory_space<hbm>>
      %dma_wait3A_64 = tpu.memref_squeeze %dma_wait3A_63 : memref<1x128x128xf32, #tpu.memory_space<hbm>> -> memref<128x128xf32, #tpu.memory_space<hbm>>
      %dma_wait3A_65 = arith.constant 0 : i32
      %dma_wait3A_66 = tpu.memref_slice %arg5[%arg0, %add3A_49, %dma_wait3A_65] : memref<2x10112x128xf32, #tpu.memory_space<hbm>> -> memref<1x128x128xf32, #tpu.memory_space<hbm>>
      %dma_wait3A_67 = tpu.memref_squeeze %dma_wait3A_66 : memref<1x128x128xf32, #tpu.memory_space<hbm>> -> memref<128x128xf32, #tpu.memory_space<hbm>>
      tpu.wait_dma2 semaphore(%run_scoped3A : memref<!tpu.dma_semaphore, #tpu.memory_space<semaphore_mem>>) src(%arg8 : memref<128x128xf32, #tpu.memory_space<vmem>>) dst(%dma_wait3A_67 : memref<128x128xf32, #tpu.memory_space<hbm>>)
      tpu.yield
    }) : () -> ()
    %add3A_50 = arith.constant 384 : i32
    %add3A_51 = arith.addi %mul3A_17, %add3A_50 : i32
    "tpu.region"() ({
      %run_scoped3A = tpu.sem_alloc : memref<!tpu.dma_semaphore, #tpu.memory_space<semaphore_mem>>
      %dma_start3A = arith.constant 0 : i32
      %dma_start3A_58 = tpu.memref_slice %arg10[%add3A_51, %dma_start3A] : memref<10112x128xf32, #tpu.memory_space<vmem_shared>> -> memref<128x128xf32, #tpu.memory_space<vmem_shared>>
      %dma_start3A_59 = arith.constant 0 : i32
      %dma_start3A_60 = tpu.memref_slice %arg10[%add3A_51, %dma_start3A_59] : memref<10112x128xf32, #tpu.memory_space<vmem_shared>> -> memref<128x128xf32, #tpu.memory_space<vmem_shared>>
      tpu.enqueue_dma source(%dma_start3A_60 : memref<128x128xf32, #tpu.memory_space<vmem_shared>>) target(%arg8 : memref<128x128xf32, #tpu.memory_space<vmem>>) target_semaphore(%run_scoped3A : memref<!tpu.dma_semaphore, #tpu.memory_space<semaphore_mem>>)
      %dma_wait3A = arith.constant 0 : i32
      %dma_wait3A_61 = tpu.memref_slice %arg10[%add3A_51, %dma_wait3A] : memref<10112x128xf32, #tpu.memory_space<vmem_shared>> -> memref<128x128xf32, #tpu.memory_space<vmem_shared>>
      %dma_wait3A_62 = arith.constant 0 : i32
      %dma_wait3A_63 = tpu.memref_slice %arg10[%add3A_51, %dma_wait3A_62] : memref<10112x128xf32, #tpu.memory_space<vmem_shared>> -> memref<128x128xf32, #tpu.memory_space<vmem_shared>>
      tpu.wait_dma2 semaphore(%run_scoped3A : memref<!tpu.dma_semaphore, #tpu.memory_space<semaphore_mem>>) src(%dma_wait3A_63 : memref<128x128xf32, #tpu.memory_space<vmem_shared>>) dst(%arg8 : memref<128x128xf32, #tpu.memory_space<vmem>>)
      tpu.yield
    }) : () -> ()
    %add3A_52 = arith.constant 384 : i32
    %add3A_53 = arith.addi %mul3A_17, %add3A_52 : i32
    "tpu.region"() ({
      %run_scoped3A = tpu.sem_alloc : memref<!tpu.dma_semaphore, #tpu.memory_space<semaphore_mem>>
      %dma_start3A = arith.constant 0 : i32
      %dma_start3A_58 = tpu.memref_slice %arg5[%arg0, %add3A_53, %dma_start3A] : memref<2x10112x128xf32, #tpu.memory_space<hbm>> -> memref<1x128x128xf32, #tpu.memory_space<hbm>>
      %dma_start3A_59 = tpu.memref_squeeze %dma_start3A_58 : memref<1x128x128xf32, #tpu.memory_space<hbm>> -> memref<128x128xf32, #tpu.memory_space<hbm>>
      %dma_start3A_60 = arith.constant 0 : i32
      %dma_start3A_61 = tpu.memref_slice %arg5[%arg0, %add3A_53, %dma_start3A_60] : memref<2x10112x128xf32, #tpu.memory_space<hbm>> -> memref<1x128x128xf32, #tpu.memory_space<hbm>>
      %dma_start3A_62 = tpu.memref_squeeze %dma_start3A_61 : memref<1x128x128xf32, #tpu.memory_space<hbm>> -> memref<128x128xf32, #tpu.memory_space<hbm>>
      tpu.enqueue_dma source(%arg8 : memref<128x128xf32, #tpu.memory_space<vmem>>) target(%dma_start3A_62 : memref<128x128xf32, #tpu.memory_space<hbm>>) target_semaphore(%run_scoped3A : memref<!tpu.dma_semaphore, #tpu.memory_space<semaphore_mem>>)
      %dma_wait3A = arith.constant 0 : i32
      %dma_wait3A_63 = tpu.memref_slice %arg5[%arg0, %add3A_53, %dma_wait3A] : memref<2x10112x128xf32, #tpu.memory_space<hbm>> -> memref<1x128x128xf32, #tpu.memory_space<hbm>>
      %dma_wait3A_64 = tpu.memref_squeeze %dma_wait3A_63 : memref<1x128x128xf32, #tpu.memory_space<hbm>> -> memref<128x128xf32, #tpu.memory_space<hbm>>
      %dma_wait3A_65 = arith.constant 0 : i32
      %dma_wait3A_66 = tpu.memref_slice %arg5[%arg0, %add3A_53, %dma_wait3A_65] : memref<2x10112x128xf32, #tpu.memory_space<hbm>> -> memref<1x128x128xf32, #tpu.memory_space<hbm>>
      %dma_wait3A_67 = tpu.memref_squeeze %dma_wait3A_66 : memref<1x128x128xf32, #tpu.memory_space<hbm>> -> memref<128x128xf32, #tpu.memory_space<hbm>>
      tpu.wait_dma2 semaphore(%run_scoped3A : memref<!tpu.dma_semaphore, #tpu.memory_space<semaphore_mem>>) src(%arg8 : memref<128x128xf32, #tpu.memory_space<vmem>>) dst(%dma_wait3A_67 : memref<128x128xf32, #tpu.memory_space<hbm>>)
      tpu.yield
    }) : () -> ()
    %add3A_54 = arith.constant 512 : i32
    %add3A_55 = arith.addi %mul3A_17, %add3A_54 : i32
    "tpu.region"() ({
      %run_scoped3A = tpu.sem_alloc : memref<!tpu.dma_semaphore, #tpu.memory_space<semaphore_mem>>
      %dma_start3A = arith.constant 0 : i32
      %dma_start3A_58 = arith.constant 0 : i32
      %dma_start3A_59 = tpu.memref_slice %arg8[%dma_start3A, %dma_start3A_58] : memref<128x128xf32, #tpu.memory_space<vmem>> -> memref<120x128xf32, #tpu.memory_space<vmem>>
      %dma_start3A_60 = arith.constant 0 : i32
      %dma_start3A_61 = tpu.memref_slice %arg10[%add3A_55, %dma_start3A_60] : memref<10112x128xf32, #tpu.memory_space<vmem_shared>> -> memref<120x128xf32, #tpu.memory_space<vmem_shared>>
      %dma_start3A_62 = arith.constant 0 : i32
      %dma_start3A_63 = arith.constant 0 : i32
      %dma_start3A_64 = tpu.memref_slice %arg8[%dma_start3A_62, %dma_start3A_63] : memref<128x128xf32, #tpu.memory_space<vmem>> -> memref<120x128xf32, #tpu.memory_space<vmem>>
      %dma_start3A_65 = arith.constant 0 : i32
      %dma_start3A_66 = tpu.memref_slice %arg10[%add3A_55, %dma_start3A_65] : memref<10112x128xf32, #tpu.memory_space<vmem_shared>> -> memref<120x128xf32, #tpu.memory_space<vmem_shared>>
      tpu.enqueue_dma source(%dma_start3A_66 : memref<120x128xf32, #tpu.memory_space<vmem_shared>>) target(%dma_start3A_64 : memref<120x128xf32, #tpu.memory_space<vmem>>) target_semaphore(%run_scoped3A : memref<!tpu.dma_semaphore, #tpu.memory_space<semaphore_mem>>)
      %dma_wait3A = arith.constant 0 : i32
      %dma_wait3A_67 = arith.constant 0 : i32
      %dma_wait3A_68 = tpu.memref_slice %arg8[%dma_wait3A, %dma_wait3A_67] : memref<128x128xf32, #tpu.memory_space<vmem>> -> memref<120x128xf32, #tpu.memory_space<vmem>>
      %dma_wait3A_69 = arith.constant 0 : i32
      %dma_wait3A_70 = tpu.memref_slice %arg10[%add3A_55, %dma_wait3A_69] : memref<10112x128xf32, #tpu.memory_space<vmem_shared>> -> memref<120x128xf32, #tpu.memory_space<vmem_shared>>
      %dma_wait3A_71 = arith.constant 0 : i32
      %dma_wait3A_72 = arith.constant 0 : i32
      %dma_wait3A_73 = tpu.memref_slice %arg8[%dma_wait3A_71, %dma_wait3A_72] : memref<128x128xf32, #tpu.memory_space<vmem>> -> memref<120x128xf32, #tpu.memory_space<vmem>>
      %dma_wait3A_74 = arith.constant 0 : i32
      %dma_wait3A_75 = tpu.memref_slice %arg10[%add3A_55, %dma_wait3A_74] : memref<10112x128xf32, #tpu.memory_space<vmem_shared>> -> memref<120x128xf32, #tpu.memory_space<vmem_shared>>
      tpu.wait_dma2 semaphore(%run_scoped3A : memref<!tpu.dma_semaphore, #tpu.memory_space<semaphore_mem>>) src(%dma_wait3A_75 : memref<120x128xf32, #tpu.memory_space<vmem_shared>>) dst(%dma_wait3A_73 : memref<120x128xf32, #tpu.memory_space<vmem>>)
      tpu.yield
    }) : () -> ()
    %add3A_56 = arith.constant 512 : i32
    %add3A_57 = arith.addi %mul3A_17, %add3A_56 : i32
    "tpu.region"() ({
      %run_scoped3A = tpu.sem_alloc : memref<!tpu.dma_semaphore, #tpu.memory_space<semaphore_mem>>
      %dma_start3A = arith.constant 0 : i32
      %dma_start3A_58 = arith.constant 0 : i32
      %dma_start3A_59 = tpu.memref_slice %arg8[%dma_start3A, %dma_start3A_58] : memref<128x128xf32, #tpu.memory_space<vmem>> -> memref<120x128xf32, #tpu.memory_space<vmem>>
      %dma_start3A_60 = arith.constant 0 : i32
      %dma_start3A_61 = tpu.memref_slice %arg5[%arg0, %add3A_57, %dma_start3A_60] : memref<2x10112x128xf32, #tpu.memory_space<hbm>> -> memref<1x120x128xf32, #tpu.memory_space<hbm>>
      %dma_start3A_62 = tpu.memref_squeeze %dma_start3A_61 : memref<1x120x128xf32, #tpu.memory_space<hbm>> -> memref<120x128xf32, #tpu.memory_space<hbm>>
      %dma_start3A_63 = arith.constant 0 : i32
      %dma_start3A_64 = tpu.memref_slice %arg5[%arg0, %add3A_57, %dma_start3A_63] : memref<2x10112x128xf32, #tpu.memory_space<hbm>> -> memref<1x120x128xf32, #tpu.memory_space<hbm>>
      %dma_start3A_65 = tpu.memref_squeeze %dma_start3A_64 : memref<1x120x128xf32, #tpu.memory_space<hbm>> -> memref<120x128xf32, #tpu.memory_space<hbm>>
      %dma_start3A_66 = arith.constant 0 : i32
      %dma_start3A_67 = arith.constant 0 : i32
      %dma_start3A_68 = tpu.memref_slice %arg8[%dma_start3A_66, %dma_start3A_67] : memref<128x128xf32, #tpu.memory_space<vmem>> -> memref<120x128xf32, #tpu.memory_space<vmem>>
      tpu.enqueue_dma source(%dma_start3A_68 : memref<120x128xf32, #tpu.memory_space<vmem>>) target(%dma_start3A_65 : memref<120x128xf32, #tpu.memory_space<hbm>>) target_semaphore(%run_scoped3A : memref<!tpu.dma_semaphore, #tpu.memory_space<semaphore_mem>>)
      %dma_wait3A = arith.constant 0 : i32
      %dma_wait3A_69 = arith.constant 0 : i32
      %dma_wait3A_70 = tpu.memref_slice %arg8[%dma_wait3A, %dma_wait3A_69] : memref<128x128xf32, #tpu.memory_space<vmem>> -> memref<120x128xf32, #tpu.memory_space<vmem>>
      %dma_wait3A_71 = arith.constant 0 : i32
      %dma_wait3A_72 = tpu.memref_slice %arg5[%arg0, %add3A_57, %dma_wait3A_71] : memref<2x10112x128xf32, #tpu.memory_space<hbm>> -> memref<1x120x128xf32, #tpu.memory_space<hbm>>
      %dma_wait3A_73 = tpu.memref_squeeze %dma_wait3A_72 : memref<1x120x128xf32, #tpu.memory_space<hbm>> -> memref<120x128xf32, #tpu.memory_space<hbm>>
      %dma_wait3A_74 = arith.constant 0 : i32
      %dma_wait3A_75 = tpu.memref_slice %arg5[%arg0, %add3A_57, %dma_wait3A_74] : memref<2x10112x128xf32, #tpu.memory_space<hbm>> -> memref<1x120x128xf32, #tpu.memory_space<hbm>>
      %dma_wait3A_76 = tpu.memref_squeeze %dma_wait3A_75 : memref<1x120x128xf32, #tpu.memory_space<hbm>> -> memref<120x128xf32, #tpu.memory_space<hbm>>
      %dma_wait3A_77 = arith.constant 0 : i32
      %dma_wait3A_78 = arith.constant 0 : i32
      %dma_wait3A_79 = tpu.memref_slice %arg8[%dma_wait3A_77, %dma_wait3A_78] : memref<128x128xf32, #tpu.memory_space<vmem>> -> memref<120x128xf32, #tpu.memory_space<vmem>>
      tpu.wait_dma2 semaphore(%run_scoped3A : memref<!tpu.dma_semaphore, #tpu.memory_space<semaphore_mem>>) src(%dma_wait3A_79 : memref<120x128xf32, #tpu.memory_space<vmem>>) dst(%dma_wait3A_76 : memref<120x128xf32, #tpu.memory_space<hbm>>)
      tpu.yield
    }) : () -> ()
    "tpu.trace_stop"() : () -> ()
    return
  }
}

#map = affine_map<(d0, d1) -> (0, 0)>
#map1 = affine_map<(d0, d1) -> (0, 0, 0)>
module attributes {stable_mosaic.version = 14 : i64} {
  func.func @seg_kernel(%arg0: i32, %arg1: i32, %arg2: memref<10000x128xf32, #tpu.memory_space<hbm>>, %arg3: memref<2560x128xi32, #tpu.memory_space<hbm>>, %arg4: memref<2560x128xi32, #tpu.memory_space<hbm>>, %arg5: memref<2x10112x128xf32, #tpu.memory_space<hbm>>, %arg6: memref<40x128xi32, #tpu.memory_space<vmem>>, %arg7: memref<40x128xi32, #tpu.memory_space<vmem>>, %arg8: memref<128x128xf32, #tpu.memory_space<vmem>>, %arg9: memref<128x128xf32, #tpu.memory_space<vmem>>, %arg10: memref<10112x128xf32, #tpu.memory_space<vmem_shared>>, %arg11: memref<!tpu.dma_semaphore, #tpu.memory_space<semaphore_mem>>, %arg12: memref<!tpu.dma_semaphore, #tpu.memory_space<semaphore_mem>>, %arg13: memref<!tpu.dma_semaphore, #tpu.memory_space<semaphore_mem>>, %arg14: memref<!tpu.dma_semaphore, #tpu.memory_space<semaphore_mem>>) attributes {dimension_semantics = [#tpu.dimension_semantics<core_parallel>, #tpu.dimension_semantics<subcore_parallel>], iteration_bounds = array<i64: 2, 16>, scalar_prefetch = 0 : i64, scratch_operands = 9 : i64, tpu.core_type = #tpu.core_type<sc_vector_subcore>, window_params = [{transform_indices = #map}, {transform_indices = #map}, {transform_indices = #map}, {transform_indices = #map1}]} {
    %eq3A = arith.constant 0 : i32
    %eq3A_0 = arith.cmpi eq, %arg0, %eq3A : i32
    %mul3A = arith.constant 80 : i32
    %mul3A_1 = arith.muli %arg1, %mul3A : i32
    %mul3A_2 = arith.constant 80 : i32
    %mul3A_3 = arith.muli %arg1, %mul3A_2 : i32
    %add3A = arith.constant 1280 : i32
    %add3A_4 = arith.addi %add3A, %mul3A_3 : i32
    %select_n3A = arith.select %eq3A_0, %mul3A_1, %add3A_4 : i32
    %eq3A_5 = arith.constant 0 : i32
    %eq3A_6 = arith.cmpi eq, %arg0, %eq3A_5 : i32
    %jit3A = arith.constant 2 : i32
    %jit3A_7 = arith.constant 2 : i32
    %select_n3A_8 = arith.select %eq3A_6, %jit3A, %jit3A_7 : i32
    %broadcast_in_dim3A = arith.constant 0.000000e+00 : f32
    %broadcast_in_dim3A_9 = vector.broadcast %broadcast_in_dim3A : f32 to vector<16xf32>
    "tpu.trace_start"() <{level = 10 : i32, message = "segzero"}> : () -> ()
    %scan3A = arith.constant 0 : i32
    %scan3A_10 = arith.constant 0 : i32
    %scan3A_11 = arith.constant 128 : i32
    %scan3A_12 = arith.addi %scan3A_10, %scan3A_11 : i32
    %scan3A_13 = arith.constant 1 : i32
    %scan3A_14 = scf.for %scan3A_58 = %scan3A_10 to %scan3A_12 step %scan3A_13 iter_args(%scan3A_59 = %scan3A) -> (i32)  : i32 {
      %swap3A = arith.index_cast %scan3A_58 : i32 to index
      %swap3A_60 = arith.constant 0 : index
      %swap3A_61 = tpu.vector_load %arg8[%swap3A, %swap3A_60] {strides = array<i32>} : memref<128x128xf32, #tpu.memory_space<vmem>>, vector<1x16xf32>,
      %swap3A_62 = vector.shape_cast %swap3A_61 : vector<1x16xf32> to vector<16xf32>
      %swap3A_63 = vector.shape_cast %broadcast_in_dim3A_9 : vector<16xf32> to vector<1x16xf32>
      tpu.vector_store %arg8[%swap3A, %swap3A_60], %swap3A_63 {strides = array<i32>} : memref<128x128xf32, #tpu.memory_space<vmem>>, vector<1x16xf32>,
      %swap3A_64 = arith.index_cast %scan3A_58 : i32 to index
      %swap3A_65 = arith.constant 16 : index
      %swap3A_66 = tpu.vector_load %arg8[%swap3A_64, %swap3A_65] {strides = array<i32>} : memref<128x128xf32, #tpu.memory_space<vmem>>, vector<1x16xf32>,
      %swap3A_67 = vector.shape_cast %swap3A_66 : vector<1x16xf32> to vector<16xf32>
      %swap3A_68 = vector.shape_cast %broadcast_in_dim3A_9 : vector<16xf32> to vector<1x16xf32>
      tpu.vector_store %arg8[%swap3A_64, %swap3A_65], %swap3A_68 {strides = array<i32>} : memref<128x128xf32, #tpu.memory_space<vmem>>, vector<1x16xf32>,
      %swap3A_69 = arith.index_cast %scan3A_58 : i32 to index
      %swap3A_70 = arith.constant 32 : index
      %swap3A_71 = tpu.vector_load %arg8[%swap3A_69, %swap3A_70] {strides = array<i32>} : memref<128x128xf32, #tpu.memory_space<vmem>>, vector<1x16xf32>,
      %swap3A_72 = vector.shape_cast %swap3A_71 : vector<1x16xf32> to vector<16xf32>
      %swap3A_73 = vector.shape_cast %broadcast_in_dim3A_9 : vector<16xf32> to vector<1x16xf32>
      tpu.vector_store %arg8[%swap3A_69, %swap3A_70], %swap3A_73 {strides = array<i32>} : memref<128x128xf32, #tpu.memory_space<vmem>>, vector<1x16xf32>,
      %swap3A_74 = arith.index_cast %scan3A_58 : i32 to index
      %swap3A_75 = arith.constant 48 : index
      %swap3A_76 = tpu.vector_load %arg8[%swap3A_74, %swap3A_75] {strides = array<i32>} : memref<128x128xf32, #tpu.memory_space<vmem>>, vector<1x16xf32>,
      %swap3A_77 = vector.shape_cast %swap3A_76 : vector<1x16xf32> to vector<16xf32>
      %swap3A_78 = vector.shape_cast %broadcast_in_dim3A_9 : vector<16xf32> to vector<1x16xf32>
      tpu.vector_store %arg8[%swap3A_74, %swap3A_75], %swap3A_78 {strides = array<i32>} : memref<128x128xf32, #tpu.memory_space<vmem>>, vector<1x16xf32>,
      %swap3A_79 = arith.index_cast %scan3A_58 : i32 to index
      %swap3A_80 = arith.constant 64 : index
      %swap3A_81 = tpu.vector_load %arg8[%swap3A_79, %swap3A_80] {strides = array<i32>} : memref<128x128xf32, #tpu.memory_space<vmem>>, vector<1x16xf32>,
      %swap3A_82 = vector.shape_cast %swap3A_81 : vector<1x16xf32> to vector<16xf32>
      %swap3A_83 = vector.shape_cast %broadcast_in_dim3A_9 : vector<16xf32> to vector<1x16xf32>
      tpu.vector_store %arg8[%swap3A_79, %swap3A_80], %swap3A_83 {strides = array<i32>} : memref<128x128xf32, #tpu.memory_space<vmem>>, vector<1x16xf32>,
      %swap3A_84 = arith.index_cast %scan3A_58 : i32 to index
      %swap3A_85 = arith.constant 80 : index
      %swap3A_86 = tpu.vector_load %arg8[%swap3A_84, %swap3A_85] {strides = array<i32>} : memref<128x128xf32, #tpu.memory_space<vmem>>, vector<1x16xf32>,
      %swap3A_87 = vector.shape_cast %swap3A_86 : vector<1x16xf32> to vector<16xf32>
      %swap3A_88 = vector.shape_cast %broadcast_in_dim3A_9 : vector<16xf32> to vector<1x16xf32>
      tpu.vector_store %arg8[%swap3A_84, %swap3A_85], %swap3A_88 {strides = array<i32>} : memref<128x128xf32, #tpu.memory_space<vmem>>, vector<1x16xf32>,
      %swap3A_89 = arith.index_cast %scan3A_58 : i32 to index
      %swap3A_90 = arith.constant 96 : index
      %swap3A_91 = tpu.vector_load %arg8[%swap3A_89, %swap3A_90] {strides = array<i32>} : memref<128x128xf32, #tpu.memory_space<vmem>>, vector<1x16xf32>,
      %swap3A_92 = vector.shape_cast %swap3A_91 : vector<1x16xf32> to vector<16xf32>
      %swap3A_93 = vector.shape_cast %broadcast_in_dim3A_9 : vector<16xf32> to vector<1x16xf32>
      tpu.vector_store %arg8[%swap3A_89, %swap3A_90], %swap3A_93 {strides = array<i32>} : memref<128x128xf32, #tpu.memory_space<vmem>>, vector<1x16xf32>,
      %swap3A_94 = arith.index_cast %scan3A_58 : i32 to index
      %swap3A_95 = arith.constant 112 : index
      %swap3A_96 = tpu.vector_load %arg8[%swap3A_94, %swap3A_95] {strides = array<i32>} : memref<128x128xf32, #tpu.memory_space<vmem>>, vector<1x16xf32>,
      %swap3A_97 = vector.shape_cast %swap3A_96 : vector<1x16xf32> to vector<16xf32>
      %swap3A_98 = vector.shape_cast %broadcast_in_dim3A_9 : vector<16xf32> to vector<1x16xf32>
      tpu.vector_store %arg8[%swap3A_94, %swap3A_95], %swap3A_98 {strides = array<i32>} : memref<128x128xf32, #tpu.memory_space<vmem>>, vector<1x16xf32>,
      %scan3A_99 = arith.constant 0 : i32
      scf.yield %scan3A_99 : i32
    }
    %scan3A_15 = arith.constant 128 : i32
    %mul3A_16 = arith.constant 632 : i32
    %mul3A_17 = arith.muli %arg1, %mul3A_16 : i32
    %add3A_18 = arith.constant 0 : i32
    %add3A_19 = arith.addi %mul3A_17, %add3A_18 : i32
    "tpu.region"() ({
      %run_scoped3A = tpu.sem_alloc : memref<!tpu.dma_semaphore, #tpu.memory_space<semaphore_mem>>
      %dma_start3A = arith.constant 0 : i32
      %dma_start3A_58 = tpu.memref_slice %arg10[%add3A_19, %dma_start3A] : memref<10112x128xf32, #tpu.memory_space<vmem_shared>> -> memref<128x128xf32, #tpu.memory_space<vmem_shared>>
      %dma_start3A_59 = arith.constant 0 : i32
      %dma_start3A_60 = tpu.memref_slice %arg10[%add3A_19, %dma_start3A_59] : memref<10112x128xf32, #tpu.memory_space<vmem_shared>> -> memref<128x128xf32, #tpu.memory_space<vmem_shared>>
      tpu.enqueue_dma source(%arg8 : memref<128x128xf32, #tpu.memory_space<vmem>>) target(%dma_start3A_60 : memref<128x128xf32, #tpu.memory_space<vmem_shared>>) target_semaphore(%run_scoped3A : memref<!tpu.dma_semaphore, #tpu.memory_space<semaphore_mem>>)
      %dma_wait3A = arith.constant 0 : i32
      %dma_wait3A_61 = tpu.memref_slice %arg10[%add3A_19, %dma_wait3A] : memref<10112x128xf32, #tpu.memory_space<vmem_shared>> -> memref<128x128xf32, #tpu.memory_space<vmem_shared>>
      %dma_wait3A_62 = arith.constant 0 : i32
      %dma_wait3A_63 = tpu.memref_slice %arg10[%add3A_19, %dma_wait3A_62] : memref<10112x128xf32, #tpu.memory_space<vmem_shared>> -> memref<128x128xf32, #tpu.memory_space<vmem_shared>>
      tpu.wait_dma2 semaphore(%run_scoped3A : memref<!tpu.dma_semaphore, #tpu.memory_space<semaphore_mem>>) src(%arg8 : memref<128x128xf32, #tpu.memory_space<vmem>>) dst(%dma_wait3A_63 : memref<128x128xf32, #tpu.memory_space<vmem_shared>>)
      tpu.yield
    }) : () -> ()
    %add3A_20 = arith.constant 128 : i32
    %add3A_21 = arith.addi %mul3A_17, %add3A_20 : i32
    "tpu.region"() ({
      %run_scoped3A = tpu.sem_alloc : memref<!tpu.dma_semaphore, #tpu.memory_space<semaphore_mem>>
      %dma_start3A = arith.constant 0 : i32
      %dma_start3A_58 = tpu.memref_slice %arg10[%add3A_21, %dma_start3A] : memref<10112x128xf32, #tpu.memory_space<vmem_shared>> -> memref<128x128xf32, #tpu.memory_space<vmem_shared>>
      %dma_start3A_59 = arith.constant 0 : i32
      %dma_start3A_60 = tpu.memref_slice %arg10[%add3A_21, %dma_start3A_59] : memref<10112x128xf32, #tpu.memory_space<vmem_shared>> -> memref<128x128xf32, #tpu.memory_space<vmem_shared>>
      tpu.enqueue_dma source(%arg8 : memref<128x128xf32, #tpu.memory_space<vmem>>) target(%dma_start3A_60 : memref<128x128xf32, #tpu.memory_space<vmem_shared>>) target_semaphore(%run_scoped3A : memref<!tpu.dma_semaphore, #tpu.memory_space<semaphore_mem>>)
      %dma_wait3A = arith.constant 0 : i32
      %dma_wait3A_61 = tpu.memref_slice %arg10[%add3A_21, %dma_wait3A] : memref<10112x128xf32, #tpu.memory_space<vmem_shared>> -> memref<128x128xf32, #tpu.memory_space<vmem_shared>>
      %dma_wait3A_62 = arith.constant 0 : i32
      %dma_wait3A_63 = tpu.memref_slice %arg10[%add3A_21, %dma_wait3A_62] : memref<10112x128xf32, #tpu.memory_space<vmem_shared>> -> memref<128x128xf32, #tpu.memory_space<vmem_shared>>
      tpu.wait_dma2 semaphore(%run_scoped3A : memref<!tpu.dma_semaphore, #tpu.memory_space<semaphore_mem>>) src(%arg8 : memref<128x128xf32, #tpu.memory_space<vmem>>) dst(%dma_wait3A_63 : memref<128x128xf32, #tpu.memory_space<vmem_shared>>)
      tpu.yield
    }) : () -> ()
    %add3A_22 = arith.constant 256 : i32
    %add3A_23 = arith.addi %mul3A_17, %add3A_22 : i32
    "tpu.region"() ({
      %run_scoped3A = tpu.sem_alloc : memref<!tpu.dma_semaphore, #tpu.memory_space<semaphore_mem>>
      %dma_start3A = arith.constant 0 : i32
      %dma_start3A_58 = tpu.memref_slice %arg10[%add3A_23, %dma_start3A] : memref<10112x128xf32, #tpu.memory_space<vmem_shared>> -> memref<128x128xf32, #tpu.memory_space<vmem_shared>>
      %dma_start3A_59 = arith.constant 0 : i32
      %dma_start3A_60 = tpu.memref_slice %arg10[%add3A_23, %dma_start3A_59] : memref<10112x128xf32, #tpu.memory_space<vmem_shared>> -> memref<128x128xf32, #tpu.memory_space<vmem_shared>>
      tpu.enqueue_dma source(%arg8 : memref<128x128xf32, #tpu.memory_space<vmem>>) target(%dma_start3A_60 : memref<128x128xf32, #tpu.memory_space<vmem_shared>>) target_semaphore(%run_scoped3A : memref<!tpu.dma_semaphore, #tpu.memory_space<semaphore_mem>>)
      %dma_wait3A = arith.constant 0 : i32
      %dma_wait3A_61 = tpu.memref_slice %arg10[%add3A_23, %dma_wait3A] : memref<10112x128xf32, #tpu.memory_space<vmem_shared>> -> memref<128x128xf32, #tpu.memory_space<vmem_shared>>
      %dma_wait3A_62 = arith.constant 0 : i32
      %dma_wait3A_63 = tpu.memref_slice %arg10[%add3A_23, %dma_wait3A_62] : memref<10112x128xf32, #tpu.memory_space<vmem_shared>> -> memref<128x128xf32, #tpu.memory_space<vmem_shared>>
      tpu.wait_dma2 semaphore(%run_scoped3A : memref<!tpu.dma_semaphore, #tpu.memory_space<semaphore_mem>>) src(%arg8 : memref<128x128xf32, #tpu.memory_space<vmem>>) dst(%dma_wait3A_63 : memref<128x128xf32, #tpu.memory_space<vmem_shared>>)
      tpu.yield
    }) : () -> ()
    %add3A_24 = arith.constant 384 : i32
    %add3A_25 = arith.addi %mul3A_17, %add3A_24 : i32
    "tpu.region"() ({
      %run_scoped3A = tpu.sem_alloc : memref<!tpu.dma_semaphore, #tpu.memory_space<semaphore_mem>>
      %dma_start3A = arith.constant 0 : i32
      %dma_start3A_58 = tpu.memref_slice %arg10[%add3A_25, %dma_start3A] : memref<10112x128xf32, #tpu.memory_space<vmem_shared>> -> memref<128x128xf32, #tpu.memory_space<vmem_shared>>
      %dma_start3A_59 = arith.constant 0 : i32
      %dma_start3A_60 = tpu.memref_slice %arg10[%add3A_25, %dma_start3A_59] : memref<10112x128xf32, #tpu.memory_space<vmem_shared>> -> memref<128x128xf32, #tpu.memory_space<vmem_shared>>
      tpu.enqueue_dma source(%arg8 : memref<128x128xf32, #tpu.memory_space<vmem>>) target(%dma_start3A_60 : memref<128x128xf32, #tpu.memory_space<vmem_shared>>) target_semaphore(%run_scoped3A : memref<!tpu.dma_semaphore, #tpu.memory_space<semaphore_mem>>)
      %dma_wait3A = arith.constant 0 : i32
      %dma_wait3A_61 = tpu.memref_slice %arg10[%add3A_25, %dma_wait3A] : memref<10112x128xf32, #tpu.memory_space<vmem_shared>> -> memref<128x128xf32, #tpu.memory_space<vmem_shared>>
      %dma_wait3A_62 = arith.constant 0 : i32
      %dma_wait3A_63 = tpu.memref_slice %arg10[%add3A_25, %dma_wait3A_62] : memref<10112x128xf32, #tpu.memory_space<vmem_shared>> -> memref<128x128xf32, #tpu.memory_space<vmem_shared>>
      tpu.wait_dma2 semaphore(%run_scoped3A : memref<!tpu.dma_semaphore, #tpu.memory_space<semaphore_mem>>) src(%arg8 : memref<128x128xf32, #tpu.memory_space<vmem>>) dst(%dma_wait3A_63 : memref<128x128xf32, #tpu.memory_space<vmem_shared>>)
      tpu.yield
    }) : () -> ()
    %add3A_26 = arith.constant 512 : i32
    %add3A_27 = arith.addi %mul3A_17, %add3A_26 : i32
    "tpu.region"() ({
      %run_scoped3A = tpu.sem_alloc : memref<!tpu.dma_semaphore, #tpu.memory_space<semaphore_mem>>
      %dma_start3A = arith.constant 0 : i32
      %dma_start3A_58 = arith.constant 0 : i32
      %dma_start3A_59 = tpu.memref_slice %arg8[%dma_start3A, %dma_start3A_58] : memref<128x128xf32, #tpu.memory_space<vmem>> -> memref<120x128xf32, #tpu.memory_space<vmem>>
      %dma_start3A_60 = arith.constant 0 : i32
      %dma_start3A_61 = tpu.memref_slice %arg10[%add3A_27, %dma_start3A_60] : memref<10112x128xf32, #tpu.memory_space<vmem_shared>> -> memref<120x128xf32, #tpu.memory_space<vmem_shared>>
      %dma_start3A_62 = arith.constant 0 : i32
      %dma_start3A_63 = tpu.memref_slice %arg10[%add3A_27, %dma_start3A_62] : memref<10112x128xf32, #tpu.memory_space<vmem_shared>> -> memref<120x128xf32, #tpu.memory_space<vmem_shared>>
      %dma_start3A_64 = arith.constant 0 : i32
      %dma_start3A_65 = arith.constant 0 : i32
      %dma_start3A_66 = tpu.memref_slice %arg8[%dma_start3A_64, %dma_start3A_65] : memref<128x128xf32, #tpu.memory_space<vmem>> -> memref<120x128xf32, #tpu.memory_space<vmem>>
      tpu.enqueue_dma source(%dma_start3A_66 : memref<120x128xf32, #tpu.memory_space<vmem>>) target(%dma_start3A_63 : memref<120x128xf32, #tpu.memory_space<vmem_shared>>) target_semaphore(%run_scoped3A : memref<!tpu.dma_semaphore, #tpu.memory_space<semaphore_mem>>)
      %dma_wait3A = arith.constant 0 : i32
      %dma_wait3A_67 = arith.constant 0 : i32
      %dma_wait3A_68 = tpu.memref_slice %arg8[%dma_wait3A, %dma_wait3A_67] : memref<128x128xf32, #tpu.memory_space<vmem>> -> memref<120x128xf32, #tpu.memory_space<vmem>>
      %dma_wait3A_69 = arith.constant 0 : i32
      %dma_wait3A_70 = tpu.memref_slice %arg10[%add3A_27, %dma_wait3A_69] : memref<10112x128xf32, #tpu.memory_space<vmem_shared>> -> memref<120x128xf32, #tpu.memory_space<vmem_shared>>
      %dma_wait3A_71 = arith.constant 0 : i32
      %dma_wait3A_72 = tpu.memref_slice %arg10[%add3A_27, %dma_wait3A_71] : memref<10112x128xf32, #tpu.memory_space<vmem_shared>> -> memref<120x128xf32, #tpu.memory_space<vmem_shared>>
      %dma_wait3A_73 = arith.constant 0 : i32
      %dma_wait3A_74 = arith.constant 0 : i32
      %dma_wait3A_75 = tpu.memref_slice %arg8[%dma_wait3A_73, %dma_wait3A_74] : memref<128x128xf32, #tpu.memory_space<vmem>> -> memref<120x128xf32, #tpu.memory_space<vmem>>
      tpu.wait_dma2 semaphore(%run_scoped3A : memref<!tpu.dma_semaphore, #tpu.memory_space<semaphore_mem>>) src(%dma_wait3A_75 : memref<120x128xf32, #tpu.memory_space<vmem>>) dst(%dma_wait3A_72 : memref<120x128xf32, #tpu.memory_space<vmem_shared>>)
      tpu.yield
    }) : () -> ()
    %barrier3A = arith.constant 0 : index
    tpu.barrier barrier_id(%barrier3A)
    "tpu.trace_stop"() : () -> ()
    "tpu.trace_start"() <{level = 10 : i32, message = "segedges"}> : () -> ()
    %scan3A_28 = arith.constant 0 : i32
    %scan3A_29 = arith.constant 0 : i32
    %scan3A_30 = arith.constant 2 : i32
    %scan3A_31 = arith.addi %scan3A_29, %scan3A_30 : i32
    %scan3A_32 = arith.constant 1 : i32
    %scan3A_33 = scf.for %scan3A_58 = %scan3A_29 to %scan3A_31 step %scan3A_32 iter_args(%scan3A_59 = %scan3A_28) -> (i32)  : i32 {
      %lt3A = arith.cmpi slt, %scan3A_58, %select_n3A_8 : i32
      %convert_element_type3A_60 = arith.extui %lt3A : i1 to i32
      %cond3A_61 = arith.constant 0 : i32
      %cond3A_62 = arith.cmpi ne, %convert_element_type3A_60, %cond3A_61 : i32
      scf.if %cond3A_62 {
        %mul3A_64 = arith.constant 40 : i32
        %mul3A_65 = arith.muli %scan3A_58, %mul3A_64 : i32
        %add3A_66 = arith.addi %select_n3A, %mul3A_65 : i32
        "tpu.region"() ({
          %run_scoped3A = tpu.sem_alloc : memref<!tpu.dma_semaphore, #tpu.memory_space<semaphore_mem>>
          %dma_start3A_80 = arith.constant 0 : i32
          %dma_start3A_81 = tpu.memref_slice %arg3[%add3A_66, %dma_start3A_80] : memref<2560x128xi32, #tpu.memory_space<hbm>> -> memref<40x128xi32, #tpu.memory_space<hbm>>
          %dma_start3A_82 = arith.constant 0 : i32
          %dma_start3A_83 = tpu.memref_slice %arg3[%add3A_66, %dma_start3A_82] : memref<2560x128xi32, #tpu.memory_space<hbm>> -> memref<40x128xi32, #tpu.memory_space<hbm>>
          tpu.enqueue_dma source(%dma_start3A_83 : memref<40x128xi32, #tpu.memory_space<hbm>>) target(%arg6 : memref<40x128xi32, #tpu.memory_space<vmem>>) target_semaphore(%run_scoped3A : memref<!tpu.dma_semaphore, #tpu.memory_space<semaphore_mem>>)
          %dma_wait3A = arith.constant 0 : i32
          %dma_wait3A_84 = tpu.memref_slice %arg3[%add3A_66, %dma_wait3A] : memref<2560x128xi32, #tpu.memory_space<hbm>> -> memref<40x128xi32, #tpu.memory_space<hbm>>
          %dma_wait3A_85 = arith.constant 0 : i32
          %dma_wait3A_86 = tpu.memref_slice %arg3[%add3A_66, %dma_wait3A_85] : memref<2560x128xi32, #tpu.memory_space<hbm>> -> memref<40x128xi32, #tpu.memory_space<hbm>>
          tpu.wait_dma2 semaphore(%run_scoped3A : memref<!tpu.dma_semaphore, #tpu.memory_space<semaphore_mem>>) src(%dma_wait3A_86 : memref<40x128xi32, #tpu.memory_space<hbm>>) dst(%arg6 : memref<40x128xi32, #tpu.memory_space<vmem>>)
          tpu.yield
        }) : () -> ()
        "tpu.region"() ({
          %run_scoped3A = tpu.sem_alloc : memref<!tpu.dma_semaphore, #tpu.memory_space<semaphore_mem>>
          %dma_start3A_80 = arith.constant 0 : i32
          %dma_start3A_81 = tpu.memref_slice %arg4[%add3A_66, %dma_start3A_80] : memref<2560x128xi32, #tpu.memory_space<hbm>> -> memref<40x128xi32, #tpu.memory_space<hbm>>
          %dma_start3A_82 = arith.constant 0 : i32
          %dma_start3A_83 = tpu.memref_slice %arg4[%add3A_66, %dma_start3A_82] : memref<2560x128xi32, #tpu.memory_space<hbm>> -> memref<40x128xi32, #tpu.memory_space<hbm>>
          tpu.enqueue_dma source(%dma_start3A_83 : memref<40x128xi32, #tpu.memory_space<hbm>>) target(%arg7 : memref<40x128xi32, #tpu.memory_space<vmem>>) target_semaphore(%run_scoped3A : memref<!tpu.dma_semaphore, #tpu.memory_space<semaphore_mem>>)
          %dma_wait3A = arith.constant 0 : i32
          %dma_wait3A_84 = tpu.memref_slice %arg4[%add3A_66, %dma_wait3A] : memref<2560x128xi32, #tpu.memory_space<hbm>> -> memref<40x128xi32, #tpu.memory_space<hbm>>
          %dma_wait3A_85 = arith.constant 0 : i32
          %dma_wait3A_86 = tpu.memref_slice %arg4[%add3A_66, %dma_wait3A_85] : memref<2560x128xi32, #tpu.memory_space<hbm>> -> memref<40x128xi32, #tpu.memory_space<hbm>>
          tpu.wait_dma2 semaphore(%run_scoped3A : memref<!tpu.dma_semaphore, #tpu.memory_space<semaphore_mem>>) src(%dma_wait3A_86 : memref<40x128xi32, #tpu.memory_space<hbm>>) dst(%arg7 : memref<40x128xi32, #tpu.memory_space<vmem>>)
          tpu.yield
        }) : () -> ()
        %dma_start3A = arith.constant 0 : i32
        %dma_start3A_67 = arith.constant 0 : i32
        %dma_start3A_68 = tpu.memref_slice %arg6[%dma_start3A, %dma_start3A_67] : memref<40x128xi32, #tpu.memory_space<vmem>> -> memref<1x128xi32, #tpu.memory_space<vmem>>
        %dma_start3A_69 = tpu.memref_squeeze %dma_start3A_68 : memref<1x128xi32, #tpu.memory_space<vmem>> -> memref<128xi32, #tpu.memory_space<vmem>>
        %dma_start3A_70 = arith.constant 0 : i32
        %dma_start3A_71 = arith.constant 0 : i32
        %dma_start3A_72 = tpu.memref_slice %arg2[%dma_start3A_70, %dma_start3A_71] : memref<10000x128xf32, #tpu.memory_space<hbm>> -> memref<10000x128xf32, #tpu.memory_space<hbm>>
        tpu.enqueue_indirect_dma source(%dma_start3A_72 : memref<10000x128xf32, #tpu.memory_space<hbm>>) target(%arg8 : memref<128x128xf32, #tpu.memory_space<vmem>>) offsets(%dma_start3A_69 : memref<128xi32, #tpu.memory_space<vmem>>) semaphore(%arg11 : memref<!tpu.dma_semaphore, #tpu.memory_space<semaphore_mem>>)
        %scan3A_73 = arith.constant 0 : i32
        %scan3A_74 = arith.constant 0 : i32
        %scan3A_75 = arith.constant 20 : i32
        %scan3A_76 = arith.addi %scan3A_74, %scan3A_75 : i32
        %scan3A_77 = arith.constant 1 : i32
        %scan3A_78 = scf.for %scan3A_80 = %scan3A_74 to %scan3A_76 step %scan3A_77 iter_args(%scan3A_81 = %scan3A_73) -> (i32)  : i32 {
          %mul3A_82 = arith.constant 2 : i32
          %mul3A_83 = arith.muli %mul3A_82, %scan3A_80 : i32
          %dma_wait3A = arith.constant 0 : i32
          %dma_wait3A_84 = tpu.memref_slice %arg6[%mul3A_83, %dma_wait3A] : memref<40x128xi32, #tpu.memory_space<vmem>> -> memref<1x128xi32, #tpu.memory_space<vmem>>
          %dma_wait3A_85 = tpu.memref_squeeze %dma_wait3A_84 : memref<1x128xi32, #tpu.memory_space<vmem>> -> memref<128xi32, #tpu.memory_space<vmem>>
          %dma_wait3A_86 = arith.constant 0 : i32
          %dma_wait3A_87 = arith.constant 0 : i32
          %dma_wait3A_88 = tpu.memref_slice %arg2[%dma_wait3A_86, %dma_wait3A_87] : memref<10000x128xf32, #tpu.memory_space<hbm>> -> memref<10000x128xf32, #tpu.memory_space<hbm>>
          tpu.wait_indirect_dma semaphore(%arg11 : memref<!tpu.dma_semaphore, #tpu.memory_space<semaphore_mem>>) src(%dma_wait3A_88 : memref<10000x128xf32, #tpu.memory_space<hbm>>) dst(%arg8 : memref<128x128xf32, #tpu.memory_space<vmem>>)
          %gt3A_89 = arith.constant 0 : i32
          %gt3A_90 = arith.cmpi sgt, %scan3A_58, %gt3A_89 : i32
          %gt3A_91 = arith.constant 0 : i32
          %gt3A_92 = arith.cmpi sgt, %scan3A_80, %gt3A_91 : i32
          %or3A = arith.ori %gt3A_90, %gt3A_92 : i1
          %convert_element_type3A_93 = arith.extui %or3A : i1 to i32
          %cond3A_94 = arith.constant 0 : i32
          %cond3A_95 = arith.cmpi ne, %convert_element_type3A_93, %cond3A_94 : i32
          scf.if %cond3A_95 {
            %dma_wait3A_140 = arith.constant 0 : i32
            %dma_wait3A_141 = tpu.memref_slice %arg7[%mul3A_83, %dma_wait3A_140] : memref<40x128xi32, #tpu.memory_space<vmem>> -> memref<1x128xi32, #tpu.memory_space<vmem>>
            %dma_wait3A_142 = tpu.memref_squeeze %dma_wait3A_141 : memref<1x128xi32, #tpu.memory_space<vmem>> -> memref<128xi32, #tpu.memory_space<vmem>>
            %dma_wait3A_143 = arith.constant 0 : i32
            %dma_wait3A_144 = arith.constant 0 : i32
            %dma_wait3A_145 = tpu.memref_slice %arg10[%dma_wait3A_143, %dma_wait3A_144] : memref<10112x128xf32, #tpu.memory_space<vmem_shared>> -> memref<10112x128xf32, #tpu.memory_space<vmem_shared>>
            tpu.wait_indirect_dma semaphore(%arg14 : memref<!tpu.dma_semaphore, #tpu.memory_space<semaphore_mem>>) src(%arg9 : memref<128x128xf32, #tpu.memory_space<vmem>>) dst(%dma_wait3A_145 : memref<10112x128xf32, #tpu.memory_space<vmem_shared>>)
          } else {
          }
          %add3A_96 = arith.constant 1 : i32
          %add3A_97 = arith.addi %mul3A_83, %add3A_96 : i32
          %dma_start3A_98 = arith.constant 0 : i32
          %dma_start3A_99 = tpu.memref_slice %arg6[%add3A_97, %dma_start3A_98] : memref<40x128xi32, #tpu.memory_space<vmem>> -> memref<1x128xi32, #tpu.memory_space<vmem>>
          %dma_start3A_100 = tpu.memref_squeeze %dma_start3A_99 : memref<1x128xi32, #tpu.memory_space<vmem>> -> memref<128xi32, #tpu.memory_space<vmem>>
          %dma_start3A_101 = arith.constant 0 : i32
          %dma_start3A_102 = arith.constant 0 : i32
          %dma_start3A_103 = tpu.memref_slice %arg2[%dma_start3A_101, %dma_start3A_102] : memref<10000x128xf32, #tpu.memory_space<hbm>> -> memref<10000x128xf32, #tpu.memory_space<hbm>>
          tpu.enqueue_indirect_dma source(%dma_start3A_103 : memref<10000x128xf32, #tpu.memory_space<hbm>>) target(%arg9 : memref<128x128xf32, #tpu.memory_space<vmem>>) offsets(%dma_start3A_100 : memref<128xi32, #tpu.memory_space<vmem>>) semaphore(%arg12 : memref<!tpu.dma_semaphore, #tpu.memory_space<semaphore_mem>>)
          %dma_start3A_104 = arith.constant 0 : i32
          %dma_start3A_105 = tpu.memref_slice %arg7[%mul3A_83, %dma_start3A_104] : memref<40x128xi32, #tpu.memory_space<vmem>> -> memref<1x128xi32, #tpu.memory_space<vmem>>
          %dma_start3A_106 = tpu.memref_squeeze %dma_start3A_105 : memref<1x128xi32, #tpu.memory_space<vmem>> -> memref<128xi32, #tpu.memory_space<vmem>>
          %dma_start3A_107 = arith.constant 0 : i32
          %dma_start3A_108 = arith.constant 0 : i32
          %dma_start3A_109 = tpu.memref_slice %arg10[%dma_start3A_107, %dma_start3A_108] : memref<10112x128xf32, #tpu.memory_space<vmem_shared>> -> memref<10112x128xf32, #tpu.memory_space<vmem_shared>>
          tpu.enqueue_indirect_dma source(%arg8 : memref<128x128xf32, #tpu.memory_space<vmem>>) target(%dma_start3A_109 : memref<10112x128xf32, #tpu.memory_space<vmem_shared>>) offsets(%dma_start3A_106 : memref<128xi32, #tpu.memory_space<vmem>>) semaphore(%arg13 : memref<!tpu.dma_semaphore, #tpu.memory_space<semaphore_mem>>) {add = true}
          %add3A_110 = arith.constant 1 : i32
          %add3A_111 = arith.addi %mul3A_83, %add3A_110 : i32
          %dma_wait3A_112 = arith.constant 0 : i32
          %dma_wait3A_113 = tpu.memref_slice %arg6[%add3A_111, %dma_wait3A_112] : memref<40x128xi32, #tpu.memory_space<vmem>> -> memref<1x128xi32, #tpu.memory_space<vmem>>
          %dma_wait3A_114 = tpu.memref_squeeze %dma_wait3A_113 : memref<1x128xi32, #tpu.memory_space<vmem>> -> memref<128xi32, #tpu.memory_space<vmem>>
          %dma_wait3A_115 = arith.constant 0 : i32
          %dma_wait3A_116 = arith.constant 0 : i32
          %dma_wait3A_117 = tpu.memref_slice %arg2[%dma_wait3A_115, %dma_wait3A_116] : memref<10000x128xf32, #tpu.memory_space<hbm>> -> memref<10000x128xf32, #tpu.memory_space<hbm>>
          tpu.wait_indirect_dma semaphore(%arg12 : memref<!tpu.dma_semaphore, #tpu.memory_space<semaphore_mem>>) src(%dma_wait3A_117 : memref<10000x128xf32, #tpu.memory_space<hbm>>) dst(%arg9 : memref<128x128xf32, #tpu.memory_space<vmem>>)
          %dma_wait3A_118 = arith.constant 0 : i32
          %dma_wait3A_119 = tpu.memref_slice %arg7[%mul3A_83, %dma_wait3A_118] : memref<40x128xi32, #tpu.memory_space<vmem>> -> memref<1x128xi32, #tpu.memory_space<vmem>>
          %dma_wait3A_120 = tpu.memref_squeeze %dma_wait3A_119 : memref<1x128xi32, #tpu.memory_space<vmem>> -> memref<128xi32, #tpu.memory_space<vmem>>
          %dma_wait3A_121 = arith.constant 0 : i32
          %dma_wait3A_122 = arith.constant 0 : i32
          %dma_wait3A_123 = tpu.memref_slice %arg10[%dma_wait3A_121, %dma_wait3A_122] : memref<10112x128xf32, #tpu.memory_space<vmem_shared>> -> memref<10112x128xf32, #tpu.memory_space<vmem_shared>>
          tpu.wait_indirect_dma semaphore(%arg13 : memref<!tpu.dma_semaphore, #tpu.memory_space<semaphore_mem>>) src(%arg8 : memref<128x128xf32, #tpu.memory_space<vmem>>) dst(%dma_wait3A_123 : memref<10112x128xf32, #tpu.memory_space<vmem_shared>>)
          %add3A_124 = arith.constant 2 : i32
          %add3A_125 = arith.addi %mul3A_83, %add3A_124 : i32
          %lt3A_126 = arith.constant 40 : i32
          %lt3A_127 = arith.cmpi slt, %add3A_125, %lt3A_126 : i32
          %convert_element_type3A_128 = arith.extui %lt3A_127 : i1 to i32
          %cond3A_129 = arith.constant 0 : i32
          %cond3A_130 = arith.cmpi ne, %convert_element_type3A_128, %cond3A_129 : i32
          scf.if %cond3A_130 {
            %add3A_140 = arith.constant 2 : i32
            %add3A_141 = arith.addi %mul3A_83, %add3A_140 : i32
            %dma_start3A_142 = arith.constant 0 : i32
            %dma_start3A_143 = tpu.memref_slice %arg6[%add3A_141, %dma_start3A_142] : memref<40x128xi32, #tpu.memory_space<vmem>> -> memref<1x128xi32, #tpu.memory_space<vmem>>
            %dma_start3A_144 = tpu.memref_squeeze %dma_start3A_143 : memref<1x128xi32, #tpu.memory_space<vmem>> -> memref<128xi32, #tpu.memory_space<vmem>>
            %dma_start3A_145 = arith.constant 0 : i32
            %dma_start3A_146 = arith.constant 0 : i32
            %dma_start3A_147 = tpu.memref_slice %arg2[%dma_start3A_145, %dma_start3A_146] : memref<10000x128xf32, #tpu.memory_space<hbm>> -> memref<10000x128xf32, #tpu.memory_space<hbm>>
            tpu.enqueue_indirect_dma source(%dma_start3A_147 : memref<10000x128xf32, #tpu.memory_space<hbm>>) target(%arg8 : memref<128x128xf32, #tpu.memory_space<vmem>>) offsets(%dma_start3A_144 : memref<128xi32, #tpu.memory_space<vmem>>) semaphore(%arg11 : memref<!tpu.dma_semaphore, #tpu.memory_space<semaphore_mem>>)
          } else {
          }
          %add3A_131 = arith.constant 1 : i32
          %add3A_132 = arith.addi %mul3A_83, %add3A_131 : i32
          %dma_start3A_133 = arith.constant 0 : i32
          %dma_start3A_134 = tpu.memref_slice %arg7[%add3A_132, %dma_start3A_133] : memref<40x128xi32, #tpu.memory_space<vmem>> -> memref<1x128xi32, #tpu.memory_space<vmem>>
          %dma_start3A_135 = tpu.memref_squeeze %dma_start3A_134 : memref<1x128xi32, #tpu.memory_space<vmem>> -> memref<128xi32, #tpu.memory_space<vmem>>
          %dma_start3A_136 = arith.constant 0 : i32
          %dma_start3A_137 = arith.constant 0 : i32
          %dma_start3A_138 = tpu.memref_slice %arg10[%dma_start3A_136, %dma_start3A_137] : memref<10112x128xf32, #tpu.memory_space<vmem_shared>> -> memref<10112x128xf32, #tpu.memory_space<vmem_shared>>
          tpu.enqueue_indirect_dma source(%arg9 : memref<128x128xf32, #tpu.memory_space<vmem>>) target(%dma_start3A_138 : memref<10112x128xf32, #tpu.memory_space<vmem_shared>>) offsets(%dma_start3A_135 : memref<128xi32, #tpu.memory_space<vmem>>) semaphore(%arg14 : memref<!tpu.dma_semaphore, #tpu.memory_space<semaphore_mem>>) {add = true}
          %scan3A_139 = arith.constant 0 : i32
          scf.yield %scan3A_139 : i32
        }
        %scan3A_79 = arith.constant 20 : i32
      } else {
      }
      %scan3A_63 = arith.constant 0 : i32
      scf.yield %scan3A_63 : i32
    }
    %scan3A_34 = arith.constant 2 : i32
    %gt3A = arith.constant 0 : i32
    %gt3A_35 = arith.cmpi sgt, %select_n3A_8, %gt3A : i32
    %convert_element_type3A = arith.extui %gt3A_35 : i1 to i32
    %cond3A = arith.constant 0 : i32
    %cond3A_36 = arith.cmpi ne, %convert_element_type3A, %cond3A : i32
    scf.if %cond3A_36 {
      %dma_wait3A = arith.constant 39 : i32
      %dma_wait3A_58 = arith.constant 0 : i32
      %dma_wait3A_59 = tpu.memref_slice %arg7[%dma_wait3A, %dma_wait3A_58] : memref<40x128xi32, #tpu.memory_space<vmem>> -> memref<1x128xi32, #tpu.memory_space<vmem>>
      %dma_wait3A_60 = tpu.memref_squeeze %dma_wait3A_59 : memref<1x128xi32, #tpu.memory_space<vmem>> -> memref<128xi32, #tpu.memory_space<vmem>>
      %dma_wait3A_61 = arith.constant 0 : i32
      %dma_wait3A_62 = arith.constant 0 : i32
      %dma_wait3A_63 = tpu.memref_slice %arg10[%dma_wait3A_61, %dma_wait3A_62] : memref<10112x128xf32, #tpu.memory_space<vmem_shared>> -> memref<10112x128xf32, #tpu.memory_space<vmem_shared>>
      tpu.wait_indirect_dma semaphore(%arg14 : memref<!tpu.dma_semaphore, #tpu.memory_space<semaphore_mem>>) src(%arg9 : memref<128x128xf32, #tpu.memory_space<vmem>>) dst(%dma_wait3A_63 : memref<10112x128xf32, #tpu.memory_space<vmem_shared>>)
    } else {
    }
    %barrier3A_37 = arith.constant 0 : index
    tpu.barrier barrier_id(%barrier3A_37)
    "tpu.trace_stop"() : () -> ()
    "tpu.trace_start"() <{level = 10 : i32, message = "segcopyout"}> : () -> ()
    %add3A_38 = arith.constant 0 : i32
    %add3A_39 = arith.addi %mul3A_17, %add3A_38 : i32
    "tpu.region"() ({
      %run_scoped3A = tpu.sem_alloc : memref<!tpu.dma_semaphore, #tpu.memory_space<semaphore_mem>>
      %dma_start3A = arith.constant 0 : i32
      %dma_start3A_58 = tpu.memref_slice %arg10[%add3A_39, %dma_start3A] : memref<10112x128xf32, #tpu.memory_space<vmem_shared>> -> memref<128x128xf32, #tpu.memory_space<vmem_shared>>
      %dma_start3A_59 = arith.constant 0 : i32
      %dma_start3A_60 = tpu.memref_slice %arg10[%add3A_39, %dma_start3A_59] : memref<10112x128xf32, #tpu.memory_space<vmem_shared>> -> memref<128x128xf32, #tpu.memory_space<vmem_shared>>
      tpu.enqueue_dma source(%dma_start3A_60 : memref<128x128xf32, #tpu.memory_space<vmem_shared>>) target(%arg8 : memref<128x128xf32, #tpu.memory_space<vmem>>) target_semaphore(%run_scoped3A : memref<!tpu.dma_semaphore, #tpu.memory_space<semaphore_mem>>)
      %dma_wait3A = arith.constant 0 : i32
      %dma_wait3A_61 = tpu.memref_slice %arg10[%add3A_39, %dma_wait3A] : memref<10112x128xf32, #tpu.memory_space<vmem_shared>> -> memref<128x128xf32, #tpu.memory_space<vmem_shared>>
      %dma_wait3A_62 = arith.constant 0 : i32
      %dma_wait3A_63 = tpu.memref_slice %arg10[%add3A_39, %dma_wait3A_62] : memref<10112x128xf32, #tpu.memory_space<vmem_shared>> -> memref<128x128xf32, #tpu.memory_space<vmem_shared>>
      tpu.wait_dma2 semaphore(%run_scoped3A : memref<!tpu.dma_semaphore, #tpu.memory_space<semaphore_mem>>) src(%dma_wait3A_63 : memref<128x128xf32, #tpu.memory_space<vmem_shared>>) dst(%arg8 : memref<128x128xf32, #tpu.memory_space<vmem>>)
      tpu.yield
    }) : () -> ()
    %add3A_40 = arith.constant 0 : i32
    %add3A_41 = arith.addi %mul3A_17, %add3A_40 : i32
    "tpu.region"() ({
      %run_scoped3A = tpu.sem_alloc : memref<!tpu.dma_semaphore, #tpu.memory_space<semaphore_mem>>
      %dma_start3A = arith.constant 0 : i32
      %dma_start3A_58 = tpu.memref_slice %arg5[%arg0, %add3A_41, %dma_start3A] : memref<2x10112x128xf32, #tpu.memory_space<hbm>> -> memref<1x128x128xf32, #tpu.memory_space<hbm>>
      %dma_start3A_59 = tpu.memref_squeeze %dma_start3A_58 : memref<1x128x128xf32, #tpu.memory_space<hbm>> -> memref<128x128xf32, #tpu.memory_space<hbm>>
      %dma_start3A_60 = arith.constant 0 : i32
      %dma_start3A_61 = tpu.memref_slice %arg5[%arg0, %add3A_41, %dma_start3A_60] : memref<2x10112x128xf32, #tpu.memory_space<hbm>> -> memref<1x128x128xf32, #tpu.memory_space<hbm>>
      %dma_start3A_62 = tpu.memref_squeeze %dma_start3A_61 : memref<1x128x128xf32, #tpu.memory_space<hbm>> -> memref<128x128xf32, #tpu.memory_space<hbm>>
      tpu.enqueue_dma source(%arg8 : memref<128x128xf32, #tpu.memory_space<vmem>>) target(%dma_start3A_62 : memref<128x128xf32, #tpu.memory_space<hbm>>) target_semaphore(%run_scoped3A : memref<!tpu.dma_semaphore, #tpu.memory_space<semaphore_mem>>)
      %dma_wait3A = arith.constant 0 : i32
      %dma_wait3A_63 = tpu.memref_slice %arg5[%arg0, %add3A_41, %dma_wait3A] : memref<2x10112x128xf32, #tpu.memory_space<hbm>> -> memref<1x128x128xf32, #tpu.memory_space<hbm>>
      %dma_wait3A_64 = tpu.memref_squeeze %dma_wait3A_63 : memref<1x128x128xf32, #tpu.memory_space<hbm>> -> memref<128x128xf32, #tpu.memory_space<hbm>>
      %dma_wait3A_65 = arith.constant 0 : i32
      %dma_wait3A_66 = tpu.memref_slice %arg5[%arg0, %add3A_41, %dma_wait3A_65] : memref<2x10112x128xf32, #tpu.memory_space<hbm>> -> memref<1x128x128xf32, #tpu.memory_space<hbm>>
      %dma_wait3A_67 = tpu.memref_squeeze %dma_wait3A_66 : memref<1x128x128xf32, #tpu.memory_space<hbm>> -> memref<128x128xf32, #tpu.memory_space<hbm>>
      tpu.wait_dma2 semaphore(%run_scoped3A : memref<!tpu.dma_semaphore, #tpu.memory_space<semaphore_mem>>) src(%arg8 : memref<128x128xf32, #tpu.memory_space<vmem>>) dst(%dma_wait3A_67 : memref<128x128xf32, #tpu.memory_space<hbm>>)
      tpu.yield
    }) : () -> ()
    %add3A_42 = arith.constant 128 : i32
    %add3A_43 = arith.addi %mul3A_17, %add3A_42 : i32
    "tpu.region"() ({
      %run_scoped3A = tpu.sem_alloc : memref<!tpu.dma_semaphore, #tpu.memory_space<semaphore_mem>>
      %dma_start3A = arith.constant 0 : i32
      %dma_start3A_58 = tpu.memref_slice %arg10[%add3A_43, %dma_start3A] : memref<10112x128xf32, #tpu.memory_space<vmem_shared>> -> memref<128x128xf32, #tpu.memory_space<vmem_shared>>
      %dma_start3A_59 = arith.constant 0 : i32
      %dma_start3A_60 = tpu.memref_slice %arg10[%add3A_43, %dma_start3A_59] : memref<10112x128xf32, #tpu.memory_space<vmem_shared>> -> memref<128x128xf32, #tpu.memory_space<vmem_shared>>
      tpu.enqueue_dma source(%dma_start3A_60 : memref<128x128xf32, #tpu.memory_space<vmem_shared>>) target(%arg8 : memref<128x128xf32, #tpu.memory_space<vmem>>) target_semaphore(%run_scoped3A : memref<!tpu.dma_semaphore, #tpu.memory_space<semaphore_mem>>)
      %dma_wait3A = arith.constant 0 : i32
      %dma_wait3A_61 = tpu.memref_slice %arg10[%add3A_43, %dma_wait3A] : memref<10112x128xf32, #tpu.memory_space<vmem_shared>> -> memref<128x128xf32, #tpu.memory_space<vmem_shared>>
      %dma_wait3A_62 = arith.constant 0 : i32
      %dma_wait3A_63 = tpu.memref_slice %arg10[%add3A_43, %dma_wait3A_62] : memref<10112x128xf32, #tpu.memory_space<vmem_shared>> -> memref<128x128xf32, #tpu.memory_space<vmem_shared>>
      tpu.wait_dma2 semaphore(%run_scoped3A : memref<!tpu.dma_semaphore, #tpu.memory_space<semaphore_mem>>) src(%dma_wait3A_63 : memref<128x128xf32, #tpu.memory_space<vmem_shared>>) dst(%arg8 : memref<128x128xf32, #tpu.memory_space<vmem>>)
      tpu.yield
    }) : () -> ()
    %add3A_44 = arith.constant 128 : i32
    %add3A_45 = arith.addi %mul3A_17, %add3A_44 : i32
    "tpu.region"() ({
      %run_scoped3A = tpu.sem_alloc : memref<!tpu.dma_semaphore, #tpu.memory_space<semaphore_mem>>
      %dma_start3A = arith.constant 0 : i32
      %dma_start3A_58 = tpu.memref_slice %arg5[%arg0, %add3A_45, %dma_start3A] : memref<2x10112x128xf32, #tpu.memory_space<hbm>> -> memref<1x128x128xf32, #tpu.memory_space<hbm>>
      %dma_start3A_59 = tpu.memref_squeeze %dma_start3A_58 : memref<1x128x128xf32, #tpu.memory_space<hbm>> -> memref<128x128xf32, #tpu.memory_space<hbm>>
      %dma_start3A_60 = arith.constant 0 : i32
      %dma_start3A_61 = tpu.memref_slice %arg5[%arg0, %add3A_45, %dma_start3A_60] : memref<2x10112x128xf32, #tpu.memory_space<hbm>> -> memref<1x128x128xf32, #tpu.memory_space<hbm>>
      %dma_start3A_62 = tpu.memref_squeeze %dma_start3A_61 : memref<1x128x128xf32, #tpu.memory_space<hbm>> -> memref<128x128xf32, #tpu.memory_space<hbm>>
      tpu.enqueue_dma source(%arg8 : memref<128x128xf32, #tpu.memory_space<vmem>>) target(%dma_start3A_62 : memref<128x128xf32, #tpu.memory_space<hbm>>) target_semaphore(%run_scoped3A : memref<!tpu.dma_semaphore, #tpu.memory_space<semaphore_mem>>)
      %dma_wait3A = arith.constant 0 : i32
      %dma_wait3A_63 = tpu.memref_slice %arg5[%arg0, %add3A_45, %dma_wait3A] : memref<2x10112x128xf32, #tpu.memory_space<hbm>> -> memref<1x128x128xf32, #tpu.memory_space<hbm>>
      %dma_wait3A_64 = tpu.memref_squeeze %dma_wait3A_63 : memref<1x128x128xf32, #tpu.memory_space<hbm>> -> memref<128x128xf32, #tpu.memory_space<hbm>>
      %dma_wait3A_65 = arith.constant 0 : i32
      %dma_wait3A_66 = tpu.memref_slice %arg5[%arg0, %add3A_45, %dma_wait3A_65] : memref<2x10112x128xf32, #tpu.memory_space<hbm>> -> memref<1x128x128xf32, #tpu.memory_space<hbm>>
      %dma_wait3A_67 = tpu.memref_squeeze %dma_wait3A_66 : memref<1x128x128xf32, #tpu.memory_space<hbm>> -> memref<128x128xf32, #tpu.memory_space<hbm>>
      tpu.wait_dma2 semaphore(%run_scoped3A : memref<!tpu.dma_semaphore, #tpu.memory_space<semaphore_mem>>) src(%arg8 : memref<128x128xf32, #tpu.memory_space<vmem>>) dst(%dma_wait3A_67 : memref<128x128xf32, #tpu.memory_space<hbm>>)
      tpu.yield
    }) : () -> ()
    %add3A_46 = arith.constant 256 : i32
    %add3A_47 = arith.addi %mul3A_17, %add3A_46 : i32
    "tpu.region"() ({
      %run_scoped3A = tpu.sem_alloc : memref<!tpu.dma_semaphore, #tpu.memory_space<semaphore_mem>>
      %dma_start3A = arith.constant 0 : i32
      %dma_start3A_58 = tpu.memref_slice %arg10[%add3A_47, %dma_start3A] : memref<10112x128xf32, #tpu.memory_space<vmem_shared>> -> memref<128x128xf32, #tpu.memory_space<vmem_shared>>
      %dma_start3A_59 = arith.constant 0 : i32
      %dma_start3A_60 = tpu.memref_slice %arg10[%add3A_47, %dma_start3A_59] : memref<10112x128xf32, #tpu.memory_space<vmem_shared>> -> memref<128x128xf32, #tpu.memory_space<vmem_shared>>
      tpu.enqueue_dma source(%dma_start3A_60 : memref<128x128xf32, #tpu.memory_space<vmem_shared>>) target(%arg8 : memref<128x128xf32, #tpu.memory_space<vmem>>) target_semaphore(%run_scoped3A : memref<!tpu.dma_semaphore, #tpu.memory_space<semaphore_mem>>)
      %dma_wait3A = arith.constant 0 : i32
      %dma_wait3A_61 = tpu.memref_slice %arg10[%add3A_47, %dma_wait3A] : memref<10112x128xf32, #tpu.memory_space<vmem_shared>> -> memref<128x128xf32, #tpu.memory_space<vmem_shared>>
      %dma_wait3A_62 = arith.constant 0 : i32
      %dma_wait3A_63 = tpu.memref_slice %arg10[%add3A_47, %dma_wait3A_62] : memref<10112x128xf32, #tpu.memory_space<vmem_shared>> -> memref<128x128xf32, #tpu.memory_space<vmem_shared>>
      tpu.wait_dma2 semaphore(%run_scoped3A : memref<!tpu.dma_semaphore, #tpu.memory_space<semaphore_mem>>) src(%dma_wait3A_63 : memref<128x128xf32, #tpu.memory_space<vmem_shared>>) dst(%arg8 : memref<128x128xf32, #tpu.memory_space<vmem>>)
      tpu.yield
    }) : () -> ()
    %add3A_48 = arith.constant 256 : i32
    %add3A_49 = arith.addi %mul3A_17, %add3A_48 : i32
    "tpu.region"() ({
      %run_scoped3A = tpu.sem_alloc : memref<!tpu.dma_semaphore, #tpu.memory_space<semaphore_mem>>
      %dma_start3A = arith.constant 0 : i32
      %dma_start3A_58 = tpu.memref_slice %arg5[%arg0, %add3A_49, %dma_start3A] : memref<2x10112x128xf32, #tpu.memory_space<hbm>> -> memref<1x128x128xf32, #tpu.memory_space<hbm>>
      %dma_start3A_59 = tpu.memref_squeeze %dma_start3A_58 : memref<1x128x128xf32, #tpu.memory_space<hbm>> -> memref<128x128xf32, #tpu.memory_space<hbm>>
      %dma_start3A_60 = arith.constant 0 : i32
      %dma_start3A_61 = tpu.memref_slice %arg5[%arg0, %add3A_49, %dma_start3A_60] : memref<2x10112x128xf32, #tpu.memory_space<hbm>> -> memref<1x128x128xf32, #tpu.memory_space<hbm>>
      %dma_start3A_62 = tpu.memref_squeeze %dma_start3A_61 : memref<1x128x128xf32, #tpu.memory_space<hbm>> -> memref<128x128xf32, #tpu.memory_space<hbm>>
      tpu.enqueue_dma source(%arg8 : memref<128x128xf32, #tpu.memory_space<vmem>>) target(%dma_start3A_62 : memref<128x128xf32, #tpu.memory_space<hbm>>) target_semaphore(%run_scoped3A : memref<!tpu.dma_semaphore, #tpu.memory_space<semaphore_mem>>)
      %dma_wait3A = arith.constant 0 : i32
      %dma_wait3A_63 = tpu.memref_slice %arg5[%arg0, %add3A_49, %dma_wait3A] : memref<2x10112x128xf32, #tpu.memory_space<hbm>> -> memref<1x128x128xf32, #tpu.memory_space<hbm>>
      %dma_wait3A_64 = tpu.memref_squeeze %dma_wait3A_63 : memref<1x128x128xf32, #tpu.memory_space<hbm>> -> memref<128x128xf32, #tpu.memory_space<hbm>>
      %dma_wait3A_65 = arith.constant 0 : i32
      %dma_wait3A_66 = tpu.memref_slice %arg5[%arg0, %add3A_49, %dma_wait3A_65] : memref<2x10112x128xf32, #tpu.memory_space<hbm>> -> memref<1x128x128xf32, #tpu.memory_space<hbm>>
      %dma_wait3A_67 = tpu.memref_squeeze %dma_wait3A_66 : memref<1x128x128xf32, #tpu.memory_space<hbm>> -> memref<128x128xf32, #tpu.memory_space<hbm>>
      tpu.wait_dma2 semaphore(%run_scoped3A : memref<!tpu.dma_semaphore, #tpu.memory_space<semaphore_mem>>) src(%arg8 : memref<128x128xf32, #tpu.memory_space<vmem>>) dst(%dma_wait3A_67 : memref<128x128xf32, #tpu.memory_space<hbm>>)
      tpu.yield
    }) : () -> ()
    %add3A_50 = arith.constant 384 : i32
    %add3A_51 = arith.addi %mul3A_17, %add3A_50 : i32
    "tpu.region"() ({
      %run_scoped3A = tpu.sem_alloc : memref<!tpu.dma_semaphore, #tpu.memory_space<semaphore_mem>>
      %dma_start3A = arith.constant 0 : i32
      %dma_start3A_58 = tpu.memref_slice %arg10[%add3A_51, %dma_start3A] : memref<10112x128xf32, #tpu.memory_space<vmem_shared>> -> memref<128x128xf32, #tpu.memory_space<vmem_shared>>
      %dma_start3A_59 = arith.constant 0 : i32
      %dma_start3A_60 = tpu.memref_slice %arg10[%add3A_51, %dma_start3A_59] : memref<10112x128xf32, #tpu.memory_space<vmem_shared>> -> memref<128x128xf32, #tpu.memory_space<vmem_shared>>
      tpu.enqueue_dma source(%dma_start3A_60 : memref<128x128xf32, #tpu.memory_space<vmem_shared>>) target(%arg8 : memref<128x128xf32, #tpu.memory_space<vmem>>) target_semaphore(%run_scoped3A : memref<!tpu.dma_semaphore, #tpu.memory_space<semaphore_mem>>)
      %dma_wait3A = arith.constant 0 : i32
      %dma_wait3A_61 = tpu.memref_slice %arg10[%add3A_51, %dma_wait3A] : memref<10112x128xf32, #tpu.memory_space<vmem_shared>> -> memref<128x128xf32, #tpu.memory_space<vmem_shared>>
      %dma_wait3A_62 = arith.constant 0 : i32
      %dma_wait3A_63 = tpu.memref_slice %arg10[%add3A_51, %dma_wait3A_62] : memref<10112x128xf32, #tpu.memory_space<vmem_shared>> -> memref<128x128xf32, #tpu.memory_space<vmem_shared>>
      tpu.wait_dma2 semaphore(%run_scoped3A : memref<!tpu.dma_semaphore, #tpu.memory_space<semaphore_mem>>) src(%dma_wait3A_63 : memref<128x128xf32, #tpu.memory_space<vmem_shared>>) dst(%arg8 : memref<128x128xf32, #tpu.memory_space<vmem>>)
      tpu.yield
    }) : () -> ()
    %add3A_52 = arith.constant 384 : i32
    %add3A_53 = arith.addi %mul3A_17, %add3A_52 : i32
    "tpu.region"() ({
      %run_scoped3A = tpu.sem_alloc : memref<!tpu.dma_semaphore, #tpu.memory_space<semaphore_mem>>
      %dma_start3A = arith.constant 0 : i32
      %dma_start3A_58 = tpu.memref_slice %arg5[%arg0, %add3A_53, %dma_start3A] : memref<2x10112x128xf32, #tpu.memory_space<hbm>> -> memref<1x128x128xf32, #tpu.memory_space<hbm>>
      %dma_start3A_59 = tpu.memref_squeeze %dma_start3A_58 : memref<1x128x128xf32, #tpu.memory_space<hbm>> -> memref<128x128xf32, #tpu.memory_space<hbm>>
      %dma_start3A_60 = arith.constant 0 : i32
      %dma_start3A_61 = tpu.memref_slice %arg5[%arg0, %add3A_53, %dma_start3A_60] : memref<2x10112x128xf32, #tpu.memory_space<hbm>> -> memref<1x128x128xf32, #tpu.memory_space<hbm>>
      %dma_start3A_62 = tpu.memref_squeeze %dma_start3A_61 : memref<1x128x128xf32, #tpu.memory_space<hbm>> -> memref<128x128xf32, #tpu.memory_space<hbm>>
      tpu.enqueue_dma source(%arg8 : memref<128x128xf32, #tpu.memory_space<vmem>>) target(%dma_start3A_62 : memref<128x128xf32, #tpu.memory_space<hbm>>) target_semaphore(%run_scoped3A : memref<!tpu.dma_semaphore, #tpu.memory_space<semaphore_mem>>)
      %dma_wait3A = arith.constant 0 : i32
      %dma_wait3A_63 = tpu.memref_slice %arg5[%arg0, %add3A_53, %dma_wait3A] : memref<2x10112x128xf32, #tpu.memory_space<hbm>> -> memref<1x128x128xf32, #tpu.memory_space<hbm>>
      %dma_wait3A_64 = tpu.memref_squeeze %dma_wait3A_63 : memref<1x128x128xf32, #tpu.memory_space<hbm>> -> memref<128x128xf32, #tpu.memory_space<hbm>>
      %dma_wait3A_65 = arith.constant 0 : i32
      %dma_wait3A_66 = tpu.memref_slice %arg5[%arg0, %add3A_53, %dma_wait3A_65] : memref<2x10112x128xf32, #tpu.memory_space<hbm>> -> memref<1x128x128xf32, #tpu.memory_space<hbm>>
      %dma_wait3A_67 = tpu.memref_squeeze %dma_wait3A_66 : memref<1x128x128xf32, #tpu.memory_space<hbm>> -> memref<128x128xf32, #tpu.memory_space<hbm>>
      tpu.wait_dma2 semaphore(%run_scoped3A : memref<!tpu.dma_semaphore, #tpu.memory_space<semaphore_mem>>) src(%arg8 : memref<128x128xf32, #tpu.memory_space<vmem>>) dst(%dma_wait3A_67 : memref<128x128xf32, #tpu.memory_space<hbm>>)
      tpu.yield
    }) : () -> ()
    %add3A_54 = arith.constant 512 : i32
    %add3A_55 = arith.addi %mul3A_17, %add3A_54 : i32
    "tpu.region"() ({
      %run_scoped3A = tpu.sem_alloc : memref<!tpu.dma_semaphore, #tpu.memory_space<semaphore_mem>>
      %dma_start3A = arith.constant 0 : i32
      %dma_start3A_58 = arith.constant 0 : i32
      %dma_start3A_59 = tpu.memref_slice %arg8[%dma_start3A, %dma_start3A_58] : memref<128x128xf32, #tpu.memory_space<vmem>> -> memref<120x128xf32, #tpu.memory_space<vmem>>
      %dma_start3A_60 = arith.constant 0 : i32
      %dma_start3A_61 = tpu.memref_slice %arg10[%add3A_55, %dma_start3A_60] : memref<10112x128xf32, #tpu.memory_space<vmem_shared>> -> memref<120x128xf32, #tpu.memory_space<vmem_shared>>
      %dma_start3A_62 = arith.constant 0 : i32
      %dma_start3A_63 = arith.constant 0 : i32
      %dma_start3A_64 = tpu.memref_slice %arg8[%dma_start3A_62, %dma_start3A_63] : memref<128x128xf32, #tpu.memory_space<vmem>> -> memref<120x128xf32, #tpu.memory_space<vmem>>
      %dma_start3A_65 = arith.constant 0 : i32
      %dma_start3A_66 = tpu.memref_slice %arg10[%add3A_55, %dma_start3A_65] : memref<10112x128xf32, #tpu.memory_space<vmem_shared>> -> memref<120x128xf32, #tpu.memory_space<vmem_shared>>
      tpu.enqueue_dma source(%dma_start3A_66 : memref<120x128xf32, #tpu.memory_space<vmem_shared>>) target(%dma_start3A_64 : memref<120x128xf32, #tpu.memory_space<vmem>>) target_semaphore(%run_scoped3A : memref<!tpu.dma_semaphore, #tpu.memory_space<semaphore_mem>>)
      %dma_wait3A = arith.constant 0 : i32
      %dma_wait3A_67 = arith.constant 0 : i32
      %dma_wait3A_68 = tpu.memref_slice %arg8[%dma_wait3A, %dma_wait3A_67] : memref<128x128xf32, #tpu.memory_space<vmem>> -> memref<120x128xf32, #tpu.memory_space<vmem>>
      %dma_wait3A_69 = arith.constant 0 : i32
      %dma_wait3A_70 = tpu.memref_slice %arg10[%add3A_55, %dma_wait3A_69] : memref<10112x128xf32, #tpu.memory_space<vmem_shared>> -> memref<120x128xf32, #tpu.memory_space<vmem_shared>>
      %dma_wait3A_71 = arith.constant 0 : i32
      %dma_wait3A_72 = arith.constant 0 : i32
      %dma_wait3A_73 = tpu.memref_slice %arg8[%dma_wait3A_71, %dma_wait3A_72] : memref<128x128xf32, #tpu.memory_space<vmem>> -> memref<120x128xf32, #tpu.memory_space<vmem>>
      %dma_wait3A_74 = arith.constant 0 : i32
      %dma_wait3A_75 = tpu.memref_slice %arg10[%add3A_55, %dma_wait3A_74] : memref<10112x128xf32, #tpu.memory_space<vmem_shared>> -> memref<120x128xf32, #tpu.memory_space<vmem_shared>>
      tpu.wait_dma2 semaphore(%run_scoped3A : memref<!tpu.dma_semaphore, #tpu.memory_space<semaphore_mem>>) src(%dma_wait3A_75 : memref<120x128xf32, #tpu.memory_space<vmem_shared>>) dst(%dma_wait3A_73 : memref<120x128xf32, #tpu.memory_space<vmem>>)
      tpu.yield
    }) : () -> ()
    %add3A_56 = arith.constant 512 : i32
    %add3A_57 = arith.addi %mul3A_17, %add3A_56 : i32
    "tpu.region"() ({
      %run_scoped3A = tpu.sem_alloc : memref<!tpu.dma_semaphore, #tpu.memory_space<semaphore_mem>>
      %dma_start3A = arith.constant 0 : i32
      %dma_start3A_58 = arith.constant 0 : i32
      %dma_start3A_59 = tpu.memref_slice %arg8[%dma_start3A, %dma_start3A_58] : memref<128x128xf32, #tpu.memory_space<vmem>> -> memref<120x128xf32, #tpu.memory_space<vmem>>
      %dma_start3A_60 = arith.constant 0 : i32
      %dma_start3A_61 = tpu.memref_slice %arg5[%arg0, %add3A_57, %dma_start3A_60] : memref<2x10112x128xf32, #tpu.memory_space<hbm>> -> memref<1x120x128xf32, #tpu.memory_space<hbm>>
      %dma_start3A_62 = tpu.memref_squeeze %dma_start3A_61 : memref<1x120x128xf32, #tpu.memory_space<hbm>> -> memref<120x128xf32, #tpu.memory_space<hbm>>
      %dma_start3A_63 = arith.constant 0 : i32
      %dma_start3A_64 = tpu.memref_slice %arg5[%arg0, %add3A_57, %dma_start3A_63] : memref<2x10112x128xf32, #tpu.memory_space<hbm>> -> memref<1x120x128xf32, #tpu.memory_space<hbm>>
      %dma_start3A_65 = tpu.memref_squeeze %dma_start3A_64 : memref<1x120x128xf32, #tpu.memory_space<hbm>> -> memref<120x128xf32, #tpu.memory_space<hbm>>
      %dma_start3A_66 = arith.constant 0 : i32
      %dma_start3A_67 = arith.constant 0 : i32
      %dma_start3A_68 = tpu.memref_slice %arg8[%dma_start3A_66, %dma_start3A_67] : memref<128x128xf32, #tpu.memory_space<vmem>> -> memref<120x128xf32, #tpu.memory_space<vmem>>
      tpu.enqueue_dma source(%dma_start3A_68 : memref<120x128xf32, #tpu.memory_space<vmem>>) target(%dma_start3A_65 : memref<120x128xf32, #tpu.memory_space<hbm>>) target_semaphore(%run_scoped3A : memref<!tpu.dma_semaphore, #tpu.memory_space<semaphore_mem>>)
      %dma_wait3A = arith.constant 0 : i32
      %dma_wait3A_69 = arith.constant 0 : i32
      %dma_wait3A_70 = tpu.memref_slice %arg8[%dma_wait3A, %dma_wait3A_69] : memref<128x128xf32, #tpu.memory_space<vmem>> -> memref<120x128xf32, #tpu.memory_space<vmem>>
      %dma_wait3A_71 = arith.constant 0 : i32
      %dma_wait3A_72 = tpu.memref_slice %arg5[%arg0, %add3A_57, %dma_wait3A_71] : memref<2x10112x128xf32, #tpu.memory_space<hbm>> -> memref<1x120x128xf32, #tpu.memory_space<hbm>>
      %dma_wait3A_73 = tpu.memref_squeeze %dma_wait3A_72 : memref<1x120x128xf32, #tpu.memory_space<hbm>> -> memref<120x128xf32, #tpu.memory_space<hbm>>
      %dma_wait3A_74 = arith.constant 0 : i32
      %dma_wait3A_75 = tpu.memref_slice %arg5[%arg0, %add3A_57, %dma_wait3A_74] : memref<2x10112x128xf32, #tpu.memory_space<hbm>> -> memref<1x120x128xf32, #tpu.memory_space<hbm>>
      %dma_wait3A_76 = tpu.memref_squeeze %dma_wait3A_75 : memref<1x120x128xf32, #tpu.memory_space<hbm>> -> memref<120x128xf32, #tpu.memory_space<hbm>>
      %dma_wait3A_77 = arith.constant 0 : i32
      %dma_wait3A_78 = arith.constant 0 : i32
      %dma_wait3A_79 = tpu.memref_slice %arg8[%dma_wait3A_77, %dma_wait3A_78] : memref<128x128xf32, #tpu.memory_space<vmem>> -> memref<120x128xf32, #tpu.memory_space<vmem>>
      tpu.wait_dma2 semaphore(%run_scoped3A : memref<!tpu.dma_semaphore, #tpu.memory_space<semaphore_mem>>) src(%dma_wait3A_79 : memref<120x128xf32, #tpu.memory_space<vmem>>) dst(%dma_wait3A_76 : memref<120x128xf32, #tpu.memory_space<hbm>>)
      tpu.yield
    }) : () -> ()
    "tpu.trace_stop"() : () -> ()
    return
  }
}

#map = affine_map<(d0, d1) -> (0, 0)>
#map1 = affine_map<(d0, d1) -> (0, 0, 0)>
module attributes {stable_mosaic.version = 14 : i64} {
  func.func @seg_kernel(%arg0: i32, %arg1: i32, %arg2: memref<10000x128xf32, #tpu.memory_space<hbm>>, %arg3: memref<2560x128xi32, #tpu.memory_space<hbm>>, %arg4: memref<2560x128xi32, #tpu.memory_space<hbm>>, %arg5: memref<2x10112x128xf32, #tpu.memory_space<hbm>>, %arg6: memref<40x128xi32, #tpu.memory_space<vmem>>, %arg7: memref<40x128xi32, #tpu.memory_space<vmem>>, %arg8: memref<128x128xf32, #tpu.memory_space<vmem>>, %arg9: memref<128x128xf32, #tpu.memory_space<vmem>>, %arg10: memref<10112x128xf32, #tpu.memory_space<vmem_shared>>, %arg11: memref<!tpu.dma_semaphore, #tpu.memory_space<semaphore_mem>>, %arg12: memref<!tpu.dma_semaphore, #tpu.memory_space<semaphore_mem>>, %arg13: memref<!tpu.dma_semaphore, #tpu.memory_space<semaphore_mem>>, %arg14: memref<!tpu.dma_semaphore, #tpu.memory_space<semaphore_mem>>) attributes {dimension_semantics = [#tpu.dimension_semantics<core_parallel>, #tpu.dimension_semantics<subcore_parallel>], iteration_bounds = array<i64: 2, 16>, scalar_prefetch = 0 : i64, scratch_operands = 9 : i64, tpu.core_type = #tpu.core_type<sc_vector_subcore>, window_params = [{transform_indices = #map}, {transform_indices = #map}, {transform_indices = #map}, {transform_indices = #map1}]} {
    %eq3A = arith.constant 0 : i32
    %eq3A_0 = arith.cmpi eq, %arg0, %eq3A : i32
    %mul3A = arith.constant 80 : i32
    %mul3A_1 = arith.muli %arg1, %mul3A : i32
    %mul3A_2 = arith.constant 80 : i32
    %mul3A_3 = arith.muli %arg1, %mul3A_2 : i32
    %add3A = arith.constant 1280 : i32
    %add3A_4 = arith.addi %add3A, %mul3A_3 : i32
    %select_n3A = arith.select %eq3A_0, %mul3A_1, %add3A_4 : i32
    %eq3A_5 = arith.constant 0 : i32
    %eq3A_6 = arith.cmpi eq, %arg0, %eq3A_5 : i32
    %jit3A = arith.constant 2 : i32
    %jit3A_7 = arith.constant 2 : i32
    %select_n3A_8 = arith.select %eq3A_6, %jit3A, %jit3A_7 : i32
    %broadcast_in_dim3A = arith.constant 0.000000e+00 : f32
    %broadcast_in_dim3A_9 = vector.broadcast %broadcast_in_dim3A : f32 to vector<16xf32>
    "tpu.trace_start"() <{level = 10 : i32, message = "segzero"}> : () -> ()
    %scan3A = arith.constant 0 : i32
    %scan3A_10 = arith.constant 0 : i32
    %scan3A_11 = arith.constant 128 : i32
    %scan3A_12 = arith.addi %scan3A_10, %scan3A_11 : i32
    %scan3A_13 = arith.constant 1 : i32
    %scan3A_14 = scf.for %scan3A_58 = %scan3A_10 to %scan3A_12 step %scan3A_13 iter_args(%scan3A_59 = %scan3A) -> (i32)  : i32 {
      %swap3A = arith.index_cast %scan3A_58 : i32 to index
      %swap3A_60 = arith.constant 0 : index
      %swap3A_61 = tpu.vector_load %arg8[%swap3A, %swap3A_60] {strides = array<i32>} : memref<128x128xf32, #tpu.memory_space<vmem>>, vector<1x16xf32>,
      %swap3A_62 = vector.shape_cast %swap3A_61 : vector<1x16xf32> to vector<16xf32>
      %swap3A_63 = vector.shape_cast %broadcast_in_dim3A_9 : vector<16xf32> to vector<1x16xf32>
      tpu.vector_store %arg8[%swap3A, %swap3A_60], %swap3A_63 {strides = array<i32>} : memref<128x128xf32, #tpu.memory_space<vmem>>, vector<1x16xf32>,
      %swap3A_64 = arith.index_cast %scan3A_58 : i32 to index
      %swap3A_65 = arith.constant 16 : index
      %swap3A_66 = tpu.vector_load %arg8[%swap3A_64, %swap3A_65] {strides = array<i32>} : memref<128x128xf32, #tpu.memory_space<vmem>>, vector<1x16xf32>,
      %swap3A_67 = vector.shape_cast %swap3A_66 : vector<1x16xf32> to vector<16xf32>
      %swap3A_68 = vector.shape_cast %broadcast_in_dim3A_9 : vector<16xf32> to vector<1x16xf32>
      tpu.vector_store %arg8[%swap3A_64, %swap3A_65], %swap3A_68 {strides = array<i32>} : memref<128x128xf32, #tpu.memory_space<vmem>>, vector<1x16xf32>,
      %swap3A_69 = arith.index_cast %scan3A_58 : i32 to index
      %swap3A_70 = arith.constant 32 : index
      %swap3A_71 = tpu.vector_load %arg8[%swap3A_69, %swap3A_70] {strides = array<i32>} : memref<128x128xf32, #tpu.memory_space<vmem>>, vector<1x16xf32>,
      %swap3A_72 = vector.shape_cast %swap3A_71 : vector<1x16xf32> to vector<16xf32>
      %swap3A_73 = vector.shape_cast %broadcast_in_dim3A_9 : vector<16xf32> to vector<1x16xf32>
      tpu.vector_store %arg8[%swap3A_69, %swap3A_70], %swap3A_73 {strides = array<i32>} : memref<128x128xf32, #tpu.memory_space<vmem>>, vector<1x16xf32>,
      %swap3A_74 = arith.index_cast %scan3A_58 : i32 to index
      %swap3A_75 = arith.constant 48 : index
      %swap3A_76 = tpu.vector_load %arg8[%swap3A_74, %swap3A_75] {strides = array<i32>} : memref<128x128xf32, #tpu.memory_space<vmem>>, vector<1x16xf32>,
      %swap3A_77 = vector.shape_cast %swap3A_76 : vector<1x16xf32> to vector<16xf32>
      %swap3A_78 = vector.shape_cast %broadcast_in_dim3A_9 : vector<16xf32> to vector<1x16xf32>
      tpu.vector_store %arg8[%swap3A_74, %swap3A_75], %swap3A_78 {strides = array<i32>} : memref<128x128xf32, #tpu.memory_space<vmem>>, vector<1x16xf32>,
      %swap3A_79 = arith.index_cast %scan3A_58 : i32 to index
      %swap3A_80 = arith.constant 64 : index
      %swap3A_81 = tpu.vector_load %arg8[%swap3A_79, %swap3A_80] {strides = array<i32>} : memref<128x128xf32, #tpu.memory_space<vmem>>, vector<1x16xf32>,
      %swap3A_82 = vector.shape_cast %swap3A_81 : vector<1x16xf32> to vector<16xf32>
      %swap3A_83 = vector.shape_cast %broadcast_in_dim3A_9 : vector<16xf32> to vector<1x16xf32>
      tpu.vector_store %arg8[%swap3A_79, %swap3A_80], %swap3A_83 {strides = array<i32>} : memref<128x128xf32, #tpu.memory_space<vmem>>, vector<1x16xf32>,
      %swap3A_84 = arith.index_cast %scan3A_58 : i32 to index
      %swap3A_85 = arith.constant 80 : index
      %swap3A_86 = tpu.vector_load %arg8[%swap3A_84, %swap3A_85] {strides = array<i32>} : memref<128x128xf32, #tpu.memory_space<vmem>>, vector<1x16xf32>,
      %swap3A_87 = vector.shape_cast %swap3A_86 : vector<1x16xf32> to vector<16xf32>
      %swap3A_88 = vector.shape_cast %broadcast_in_dim3A_9 : vector<16xf32> to vector<1x16xf32>
      tpu.vector_store %arg8[%swap3A_84, %swap3A_85], %swap3A_88 {strides = array<i32>} : memref<128x128xf32, #tpu.memory_space<vmem>>, vector<1x16xf32>,
      %swap3A_89 = arith.index_cast %scan3A_58 : i32 to index
      %swap3A_90 = arith.constant 96 : index
      %swap3A_91 = tpu.vector_load %arg8[%swap3A_89, %swap3A_90] {strides = array<i32>} : memref<128x128xf32, #tpu.memory_space<vmem>>, vector<1x16xf32>,
      %swap3A_92 = vector.shape_cast %swap3A_91 : vector<1x16xf32> to vector<16xf32>
      %swap3A_93 = vector.shape_cast %broadcast_in_dim3A_9 : vector<16xf32> to vector<1x16xf32>
      tpu.vector_store %arg8[%swap3A_89, %swap3A_90], %swap3A_93 {strides = array<i32>} : memref<128x128xf32, #tpu.memory_space<vmem>>, vector<1x16xf32>,
      %swap3A_94 = arith.index_cast %scan3A_58 : i32 to index
      %swap3A_95 = arith.constant 112 : index
      %swap3A_96 = tpu.vector_load %arg8[%swap3A_94, %swap3A_95] {strides = array<i32>} : memref<128x128xf32, #tpu.memory_space<vmem>>, vector<1x16xf32>,
      %swap3A_97 = vector.shape_cast %swap3A_96 : vector<1x16xf32> to vector<16xf32>
      %swap3A_98 = vector.shape_cast %broadcast_in_dim3A_9 : vector<16xf32> to vector<1x16xf32>
      tpu.vector_store %arg8[%swap3A_94, %swap3A_95], %swap3A_98 {strides = array<i32>} : memref<128x128xf32, #tpu.memory_space<vmem>>, vector<1x16xf32>,
      %scan3A_99 = arith.constant 0 : i32
      scf.yield %scan3A_99 : i32
    }
    %scan3A_15 = arith.constant 128 : i32
    %mul3A_16 = arith.constant 632 : i32
    %mul3A_17 = arith.muli %arg1, %mul3A_16 : i32
    %add3A_18 = arith.constant 0 : i32
    %add3A_19 = arith.addi %mul3A_17, %add3A_18 : i32
    "tpu.region"() ({
      %run_scoped3A = tpu.sem_alloc : memref<!tpu.dma_semaphore, #tpu.memory_space<semaphore_mem>>
      %dma_start3A = arith.constant 0 : i32
      %dma_start3A_58 = tpu.memref_slice %arg10[%add3A_19, %dma_start3A] : memref<10112x128xf32, #tpu.memory_space<vmem_shared>> -> memref<128x128xf32, #tpu.memory_space<vmem_shared>>
      %dma_start3A_59 = arith.constant 0 : i32
      %dma_start3A_60 = tpu.memref_slice %arg10[%add3A_19, %dma_start3A_59] : memref<10112x128xf32, #tpu.memory_space<vmem_shared>> -> memref<128x128xf32, #tpu.memory_space<vmem_shared>>
      tpu.enqueue_dma source(%arg8 : memref<128x128xf32, #tpu.memory_space<vmem>>) target(%dma_start3A_60 : memref<128x128xf32, #tpu.memory_space<vmem_shared>>) target_semaphore(%run_scoped3A : memref<!tpu.dma_semaphore, #tpu.memory_space<semaphore_mem>>)
      %dma_wait3A = arith.constant 0 : i32
      %dma_wait3A_61 = tpu.memref_slice %arg10[%add3A_19, %dma_wait3A] : memref<10112x128xf32, #tpu.memory_space<vmem_shared>> -> memref<128x128xf32, #tpu.memory_space<vmem_shared>>
      %dma_wait3A_62 = arith.constant 0 : i32
      %dma_wait3A_63 = tpu.memref_slice %arg10[%add3A_19, %dma_wait3A_62] : memref<10112x128xf32, #tpu.memory_space<vmem_shared>> -> memref<128x128xf32, #tpu.memory_space<vmem_shared>>
      tpu.wait_dma2 semaphore(%run_scoped3A : memref<!tpu.dma_semaphore, #tpu.memory_space<semaphore_mem>>) src(%arg8 : memref<128x128xf32, #tpu.memory_space<vmem>>) dst(%dma_wait3A_63 : memref<128x128xf32, #tpu.memory_space<vmem_shared>>)
      tpu.yield
    }) : () -> ()
    %add3A_20 = arith.constant 128 : i32
    %add3A_21 = arith.addi %mul3A_17, %add3A_20 : i32
    "tpu.region"() ({
      %run_scoped3A = tpu.sem_alloc : memref<!tpu.dma_semaphore, #tpu.memory_space<semaphore_mem>>
      %dma_start3A = arith.constant 0 : i32
      %dma_start3A_58 = tpu.memref_slice %arg10[%add3A_21, %dma_start3A] : memref<10112x128xf32, #tpu.memory_space<vmem_shared>> -> memref<128x128xf32, #tpu.memory_space<vmem_shared>>
      %dma_start3A_59 = arith.constant 0 : i32
      %dma_start3A_60 = tpu.memref_slice %arg10[%add3A_21, %dma_start3A_59] : memref<10112x128xf32, #tpu.memory_space<vmem_shared>> -> memref<128x128xf32, #tpu.memory_space<vmem_shared>>
      tpu.enqueue_dma source(%arg8 : memref<128x128xf32, #tpu.memory_space<vmem>>) target(%dma_start3A_60 : memref<128x128xf32, #tpu.memory_space<vmem_shared>>) target_semaphore(%run_scoped3A : memref<!tpu.dma_semaphore, #tpu.memory_space<semaphore_mem>>)
      %dma_wait3A = arith.constant 0 : i32
      %dma_wait3A_61 = tpu.memref_slice %arg10[%add3A_21, %dma_wait3A] : memref<10112x128xf32, #tpu.memory_space<vmem_shared>> -> memref<128x128xf32, #tpu.memory_space<vmem_shared>>
      %dma_wait3A_62 = arith.constant 0 : i32
      %dma_wait3A_63 = tpu.memref_slice %arg10[%add3A_21, %dma_wait3A_62] : memref<10112x128xf32, #tpu.memory_space<vmem_shared>> -> memref<128x128xf32, #tpu.memory_space<vmem_shared>>
      tpu.wait_dma2 semaphore(%run_scoped3A : memref<!tpu.dma_semaphore, #tpu.memory_space<semaphore_mem>>) src(%arg8 : memref<128x128xf32, #tpu.memory_space<vmem>>) dst(%dma_wait3A_63 : memref<128x128xf32, #tpu.memory_space<vmem_shared>>)
      tpu.yield
    }) : () -> ()
    %add3A_22 = arith.constant 256 : i32
    %add3A_23 = arith.addi %mul3A_17, %add3A_22 : i32
    "tpu.region"() ({
      %run_scoped3A = tpu.sem_alloc : memref<!tpu.dma_semaphore, #tpu.memory_space<semaphore_mem>>
      %dma_start3A = arith.constant 0 : i32
      %dma_start3A_58 = tpu.memref_slice %arg10[%add3A_23, %dma_start3A] : memref<10112x128xf32, #tpu.memory_space<vmem_shared>> -> memref<128x128xf32, #tpu.memory_space<vmem_shared>>
      %dma_start3A_59 = arith.constant 0 : i32
      %dma_start3A_60 = tpu.memref_slice %arg10[%add3A_23, %dma_start3A_59] : memref<10112x128xf32, #tpu.memory_space<vmem_shared>> -> memref<128x128xf32, #tpu.memory_space<vmem_shared>>
      tpu.enqueue_dma source(%arg8 : memref<128x128xf32, #tpu.memory_space<vmem>>) target(%dma_start3A_60 : memref<128x128xf32, #tpu.memory_space<vmem_shared>>) target_semaphore(%run_scoped3A : memref<!tpu.dma_semaphore, #tpu.memory_space<semaphore_mem>>)
      %dma_wait3A = arith.constant 0 : i32
      %dma_wait3A_61 = tpu.memref_slice %arg10[%add3A_23, %dma_wait3A] : memref<10112x128xf32, #tpu.memory_space<vmem_shared>> -> memref<128x128xf32, #tpu.memory_space<vmem_shared>>
      %dma_wait3A_62 = arith.constant 0 : i32
      %dma_wait3A_63 = tpu.memref_slice %arg10[%add3A_23, %dma_wait3A_62] : memref<10112x128xf32, #tpu.memory_space<vmem_shared>> -> memref<128x128xf32, #tpu.memory_space<vmem_shared>>
      tpu.wait_dma2 semaphore(%run_scoped3A : memref<!tpu.dma_semaphore, #tpu.memory_space<semaphore_mem>>) src(%arg8 : memref<128x128xf32, #tpu.memory_space<vmem>>) dst(%dma_wait3A_63 : memref<128x128xf32, #tpu.memory_space<vmem_shared>>)
      tpu.yield
    }) : () -> ()
    %add3A_24 = arith.constant 384 : i32
    %add3A_25 = arith.addi %mul3A_17, %add3A_24 : i32
    "tpu.region"() ({
      %run_scoped3A = tpu.sem_alloc : memref<!tpu.dma_semaphore, #tpu.memory_space<semaphore_mem>>
      %dma_start3A = arith.constant 0 : i32
      %dma_start3A_58 = tpu.memref_slice %arg10[%add3A_25, %dma_start3A] : memref<10112x128xf32, #tpu.memory_space<vmem_shared>> -> memref<128x128xf32, #tpu.memory_space<vmem_shared>>
      %dma_start3A_59 = arith.constant 0 : i32
      %dma_start3A_60 = tpu.memref_slice %arg10[%add3A_25, %dma_start3A_59] : memref<10112x128xf32, #tpu.memory_space<vmem_shared>> -> memref<128x128xf32, #tpu.memory_space<vmem_shared>>
      tpu.enqueue_dma source(%arg8 : memref<128x128xf32, #tpu.memory_space<vmem>>) target(%dma_start3A_60 : memref<128x128xf32, #tpu.memory_space<vmem_shared>>) target_semaphore(%run_scoped3A : memref<!tpu.dma_semaphore, #tpu.memory_space<semaphore_mem>>)
      %dma_wait3A = arith.constant 0 : i32
      %dma_wait3A_61 = tpu.memref_slice %arg10[%add3A_25, %dma_wait3A] : memref<10112x128xf32, #tpu.memory_space<vmem_shared>> -> memref<128x128xf32, #tpu.memory_space<vmem_shared>>
      %dma_wait3A_62 = arith.constant 0 : i32
      %dma_wait3A_63 = tpu.memref_slice %arg10[%add3A_25, %dma_wait3A_62] : memref<10112x128xf32, #tpu.memory_space<vmem_shared>> -> memref<128x128xf32, #tpu.memory_space<vmem_shared>>
      tpu.wait_dma2 semaphore(%run_scoped3A : memref<!tpu.dma_semaphore, #tpu.memory_space<semaphore_mem>>) src(%arg8 : memref<128x128xf32, #tpu.memory_space<vmem>>) dst(%dma_wait3A_63 : memref<128x128xf32, #tpu.memory_space<vmem_shared>>)
      tpu.yield
    }) : () -> ()
    %add3A_26 = arith.constant 512 : i32
    %add3A_27 = arith.addi %mul3A_17, %add3A_26 : i32
    "tpu.region"() ({
      %run_scoped3A = tpu.sem_alloc : memref<!tpu.dma_semaphore, #tpu.memory_space<semaphore_mem>>
      %dma_start3A = arith.constant 0 : i32
      %dma_start3A_58 = arith.constant 0 : i32
      %dma_start3A_59 = tpu.memref_slice %arg8[%dma_start3A, %dma_start3A_58] : memref<128x128xf32, #tpu.memory_space<vmem>> -> memref<120x128xf32, #tpu.memory_space<vmem>>
      %dma_start3A_60 = arith.constant 0 : i32
      %dma_start3A_61 = tpu.memref_slice %arg10[%add3A_27, %dma_start3A_60] : memref<10112x128xf32, #tpu.memory_space<vmem_shared>> -> memref<120x128xf32, #tpu.memory_space<vmem_shared>>
      %dma_start3A_62 = arith.constant 0 : i32
      %dma_start3A_63 = tpu.memref_slice %arg10[%add3A_27, %dma_start3A_62] : memref<10112x128xf32, #tpu.memory_space<vmem_shared>> -> memref<120x128xf32, #tpu.memory_space<vmem_shared>>
      %dma_start3A_64 = arith.constant 0 : i32
      %dma_start3A_65 = arith.constant 0 : i32
      %dma_start3A_66 = tpu.memref_slice %arg8[%dma_start3A_64, %dma_start3A_65] : memref<128x128xf32, #tpu.memory_space<vmem>> -> memref<120x128xf32, #tpu.memory_space<vmem>>
      tpu.enqueue_dma source(%dma_start3A_66 : memref<120x128xf32, #tpu.memory_space<vmem>>) target(%dma_start3A_63 : memref<120x128xf32, #tpu.memory_space<vmem_shared>>) target_semaphore(%run_scoped3A : memref<!tpu.dma_semaphore, #tpu.memory_space<semaphore_mem>>)
      %dma_wait3A = arith.constant 0 : i32
      %dma_wait3A_67 = arith.constant 0 : i32
      %dma_wait3A_68 = tpu.memref_slice %arg8[%dma_wait3A, %dma_wait3A_67] : memref<128x128xf32, #tpu.memory_space<vmem>> -> memref<120x128xf32, #tpu.memory_space<vmem>>
      %dma_wait3A_69 = arith.constant 0 : i32
      %dma_wait3A_70 = tpu.memref_slice %arg10[%add3A_27, %dma_wait3A_69] : memref<10112x128xf32, #tpu.memory_space<vmem_shared>> -> memref<120x128xf32, #tpu.memory_space<vmem_shared>>
      %dma_wait3A_71 = arith.constant 0 : i32
      %dma_wait3A_72 = tpu.memref_slice %arg10[%add3A_27, %dma_wait3A_71] : memref<10112x128xf32, #tpu.memory_space<vmem_shared>> -> memref<120x128xf32, #tpu.memory_space<vmem_shared>>
      %dma_wait3A_73 = arith.constant 0 : i32
      %dma_wait3A_74 = arith.constant 0 : i32
      %dma_wait3A_75 = tpu.memref_slice %arg8[%dma_wait3A_73, %dma_wait3A_74] : memref<128x128xf32, #tpu.memory_space<vmem>> -> memref<120x128xf32, #tpu.memory_space<vmem>>
      tpu.wait_dma2 semaphore(%run_scoped3A : memref<!tpu.dma_semaphore, #tpu.memory_space<semaphore_mem>>) src(%dma_wait3A_75 : memref<120x128xf32, #tpu.memory_space<vmem>>) dst(%dma_wait3A_72 : memref<120x128xf32, #tpu.memory_space<vmem_shared>>)
      tpu.yield
    }) : () -> ()
    %barrier3A = arith.constant 0 : index
    tpu.barrier barrier_id(%barrier3A)
    "tpu.trace_stop"() : () -> ()
    "tpu.trace_start"() <{level = 10 : i32, message = "segedges"}> : () -> ()
    %scan3A_28 = arith.constant 0 : i32
    %scan3A_29 = arith.constant 0 : i32
    %scan3A_30 = arith.constant 2 : i32
    %scan3A_31 = arith.addi %scan3A_29, %scan3A_30 : i32
    %scan3A_32 = arith.constant 1 : i32
    %scan3A_33 = scf.for %scan3A_58 = %scan3A_29 to %scan3A_31 step %scan3A_32 iter_args(%scan3A_59 = %scan3A_28) -> (i32)  : i32 {
      %lt3A = arith.cmpi slt, %scan3A_58, %select_n3A_8 : i32
      %convert_element_type3A_60 = arith.extui %lt3A : i1 to i32
      %cond3A_61 = arith.constant 0 : i32
      %cond3A_62 = arith.cmpi ne, %convert_element_type3A_60, %cond3A_61 : i32
      scf.if %cond3A_62 {
        %mul3A_64 = arith.constant 40 : i32
        %mul3A_65 = arith.muli %scan3A_58, %mul3A_64 : i32
        %add3A_66 = arith.addi %select_n3A, %mul3A_65 : i32
        "tpu.region"() ({
          %run_scoped3A = tpu.sem_alloc : memref<!tpu.dma_semaphore, #tpu.memory_space<semaphore_mem>>
          %dma_start3A_80 = arith.constant 0 : i32
          %dma_start3A_81 = tpu.memref_slice %arg3[%add3A_66, %dma_start3A_80] : memref<2560x128xi32, #tpu.memory_space<hbm>> -> memref<40x128xi32, #tpu.memory_space<hbm>>
          %dma_start3A_82 = arith.constant 0 : i32
          %dma_start3A_83 = tpu.memref_slice %arg3[%add3A_66, %dma_start3A_82] : memref<2560x128xi32, #tpu.memory_space<hbm>> -> memref<40x128xi32, #tpu.memory_space<hbm>>
          tpu.enqueue_dma source(%dma_start3A_83 : memref<40x128xi32, #tpu.memory_space<hbm>>) target(%arg6 : memref<40x128xi32, #tpu.memory_space<vmem>>) target_semaphore(%run_scoped3A : memref<!tpu.dma_semaphore, #tpu.memory_space<semaphore_mem>>)
          %dma_wait3A = arith.constant 0 : i32
          %dma_wait3A_84 = tpu.memref_slice %arg3[%add3A_66, %dma_wait3A] : memref<2560x128xi32, #tpu.memory_space<hbm>> -> memref<40x128xi32, #tpu.memory_space<hbm>>
          %dma_wait3A_85 = arith.constant 0 : i32
          %dma_wait3A_86 = tpu.memref_slice %arg3[%add3A_66, %dma_wait3A_85] : memref<2560x128xi32, #tpu.memory_space<hbm>> -> memref<40x128xi32, #tpu.memory_space<hbm>>
          tpu.wait_dma2 semaphore(%run_scoped3A : memref<!tpu.dma_semaphore, #tpu.memory_space<semaphore_mem>>) src(%dma_wait3A_86 : memref<40x128xi32, #tpu.memory_space<hbm>>) dst(%arg6 : memref<40x128xi32, #tpu.memory_space<vmem>>)
          tpu.yield
        }) : () -> ()
        "tpu.region"() ({
          %run_scoped3A = tpu.sem_alloc : memref<!tpu.dma_semaphore, #tpu.memory_space<semaphore_mem>>
          %dma_start3A_80 = arith.constant 0 : i32
          %dma_start3A_81 = tpu.memref_slice %arg4[%add3A_66, %dma_start3A_80] : memref<2560x128xi32, #tpu.memory_space<hbm>> -> memref<40x128xi32, #tpu.memory_space<hbm>>
          %dma_start3A_82 = arith.constant 0 : i32
          %dma_start3A_83 = tpu.memref_slice %arg4[%add3A_66, %dma_start3A_82] : memref<2560x128xi32, #tpu.memory_space<hbm>> -> memref<40x128xi32, #tpu.memory_space<hbm>>
          tpu.enqueue_dma source(%dma_start3A_83 : memref<40x128xi32, #tpu.memory_space<hbm>>) target(%arg7 : memref<40x128xi32, #tpu.memory_space<vmem>>) target_semaphore(%run_scoped3A : memref<!tpu.dma_semaphore, #tpu.memory_space<semaphore_mem>>)
          %dma_wait3A = arith.constant 0 : i32
          %dma_wait3A_84 = tpu.memref_slice %arg4[%add3A_66, %dma_wait3A] : memref<2560x128xi32, #tpu.memory_space<hbm>> -> memref<40x128xi32, #tpu.memory_space<hbm>>
          %dma_wait3A_85 = arith.constant 0 : i32
          %dma_wait3A_86 = tpu.memref_slice %arg4[%add3A_66, %dma_wait3A_85] : memref<2560x128xi32, #tpu.memory_space<hbm>> -> memref<40x128xi32, #tpu.memory_space<hbm>>
          tpu.wait_dma2 semaphore(%run_scoped3A : memref<!tpu.dma_semaphore, #tpu.memory_space<semaphore_mem>>) src(%dma_wait3A_86 : memref<40x128xi32, #tpu.memory_space<hbm>>) dst(%arg7 : memref<40x128xi32, #tpu.memory_space<vmem>>)
          tpu.yield
        }) : () -> ()
        %dma_start3A = arith.constant 0 : i32
        %dma_start3A_67 = arith.constant 0 : i32
        %dma_start3A_68 = tpu.memref_slice %arg6[%dma_start3A, %dma_start3A_67] : memref<40x128xi32, #tpu.memory_space<vmem>> -> memref<1x128xi32, #tpu.memory_space<vmem>>
        %dma_start3A_69 = tpu.memref_squeeze %dma_start3A_68 : memref<1x128xi32, #tpu.memory_space<vmem>> -> memref<128xi32, #tpu.memory_space<vmem>>
        %dma_start3A_70 = arith.constant 0 : i32
        %dma_start3A_71 = arith.constant 0 : i32
        %dma_start3A_72 = tpu.memref_slice %arg2[%dma_start3A_70, %dma_start3A_71] : memref<10000x128xf32, #tpu.memory_space<hbm>> -> memref<10000x128xf32, #tpu.memory_space<hbm>>
        tpu.enqueue_indirect_dma source(%dma_start3A_72 : memref<10000x128xf32, #tpu.memory_space<hbm>>) target(%arg8 : memref<128x128xf32, #tpu.memory_space<vmem>>) offsets(%dma_start3A_69 : memref<128xi32, #tpu.memory_space<vmem>>) semaphore(%arg11 : memref<!tpu.dma_semaphore, #tpu.memory_space<semaphore_mem>>)
        %scan3A_73 = arith.constant 0 : i32
        %scan3A_74 = arith.constant 0 : i32
        %scan3A_75 = arith.constant 20 : i32
        %scan3A_76 = arith.addi %scan3A_74, %scan3A_75 : i32
        %scan3A_77 = arith.constant 1 : i32
        %scan3A_78 = scf.for %scan3A_80 = %scan3A_74 to %scan3A_76 step %scan3A_77 iter_args(%scan3A_81 = %scan3A_73) -> (i32)  : i32 {
          %mul3A_82 = arith.constant 2 : i32
          %mul3A_83 = arith.muli %mul3A_82, %scan3A_80 : i32
          %dma_wait3A = arith.constant 0 : i32
          %dma_wait3A_84 = tpu.memref_slice %arg6[%mul3A_83, %dma_wait3A] : memref<40x128xi32, #tpu.memory_space<vmem>> -> memref<1x128xi32, #tpu.memory_space<vmem>>
          %dma_wait3A_85 = tpu.memref_squeeze %dma_wait3A_84 : memref<1x128xi32, #tpu.memory_space<vmem>> -> memref<128xi32, #tpu.memory_space<vmem>>
          %dma_wait3A_86 = arith.constant 0 : i32
          %dma_wait3A_87 = arith.constant 0 : i32
          %dma_wait3A_88 = tpu.memref_slice %arg2[%dma_wait3A_86, %dma_wait3A_87] : memref<10000x128xf32, #tpu.memory_space<hbm>> -> memref<10000x128xf32, #tpu.memory_space<hbm>>
          tpu.wait_indirect_dma semaphore(%arg11 : memref<!tpu.dma_semaphore, #tpu.memory_space<semaphore_mem>>) src(%dma_wait3A_88 : memref<10000x128xf32, #tpu.memory_space<hbm>>) dst(%arg8 : memref<128x128xf32, #tpu.memory_space<vmem>>)
          %gt3A_89 = arith.constant 0 : i32
          %gt3A_90 = arith.cmpi sgt, %scan3A_58, %gt3A_89 : i32
          %gt3A_91 = arith.constant 0 : i32
          %gt3A_92 = arith.cmpi sgt, %scan3A_80, %gt3A_91 : i32
          %or3A = arith.ori %gt3A_90, %gt3A_92 : i1
          %convert_element_type3A_93 = arith.extui %or3A : i1 to i32
          %cond3A_94 = arith.constant 0 : i32
          %cond3A_95 = arith.cmpi ne, %convert_element_type3A_93, %cond3A_94 : i32
          scf.if %cond3A_95 {
            %dma_wait3A_140 = arith.constant 0 : i32
            %dma_wait3A_141 = tpu.memref_slice %arg7[%mul3A_83, %dma_wait3A_140] : memref<40x128xi32, #tpu.memory_space<vmem>> -> memref<1x128xi32, #tpu.memory_space<vmem>>
            %dma_wait3A_142 = tpu.memref_squeeze %dma_wait3A_141 : memref<1x128xi32, #tpu.memory_space<vmem>> -> memref<128xi32, #tpu.memory_space<vmem>>
            %dma_wait3A_143 = arith.constant 0 : i32
            %dma_wait3A_144 = arith.constant 0 : i32
            %dma_wait3A_145 = tpu.memref_slice %arg10[%dma_wait3A_143, %dma_wait3A_144] : memref<10112x128xf32, #tpu.memory_space<vmem_shared>> -> memref<10112x128xf32, #tpu.memory_space<vmem_shared>>
            tpu.wait_indirect_dma semaphore(%arg14 : memref<!tpu.dma_semaphore, #tpu.memory_space<semaphore_mem>>) src(%arg9 : memref<128x128xf32, #tpu.memory_space<vmem>>) dst(%dma_wait3A_145 : memref<10112x128xf32, #tpu.memory_space<vmem_shared>>)
          } else {
          }
          %add3A_96 = arith.constant 1 : i32
          %add3A_97 = arith.addi %mul3A_83, %add3A_96 : i32
          %dma_start3A_98 = arith.constant 0 : i32
          %dma_start3A_99 = tpu.memref_slice %arg6[%add3A_97, %dma_start3A_98] : memref<40x128xi32, #tpu.memory_space<vmem>> -> memref<1x128xi32, #tpu.memory_space<vmem>>
          %dma_start3A_100 = tpu.memref_squeeze %dma_start3A_99 : memref<1x128xi32, #tpu.memory_space<vmem>> -> memref<128xi32, #tpu.memory_space<vmem>>
          %dma_start3A_101 = arith.constant 0 : i32
          %dma_start3A_102 = arith.constant 0 : i32
          %dma_start3A_103 = tpu.memref_slice %arg2[%dma_start3A_101, %dma_start3A_102] : memref<10000x128xf32, #tpu.memory_space<hbm>> -> memref<10000x128xf32, #tpu.memory_space<hbm>>
          tpu.enqueue_indirect_dma source(%dma_start3A_103 : memref<10000x128xf32, #tpu.memory_space<hbm>>) target(%arg9 : memref<128x128xf32, #tpu.memory_space<vmem>>) offsets(%dma_start3A_100 : memref<128xi32, #tpu.memory_space<vmem>>) semaphore(%arg12 : memref<!tpu.dma_semaphore, #tpu.memory_space<semaphore_mem>>)
          %dma_start3A_104 = arith.constant 0 : i32
          %dma_start3A_105 = tpu.memref_slice %arg7[%mul3A_83, %dma_start3A_104] : memref<40x128xi32, #tpu.memory_space<vmem>> -> memref<1x128xi32, #tpu.memory_space<vmem>>
          %dma_start3A_106 = tpu.memref_squeeze %dma_start3A_105 : memref<1x128xi32, #tpu.memory_space<vmem>> -> memref<128xi32, #tpu.memory_space<vmem>>
          %dma_start3A_107 = arith.constant 0 : i32
          %dma_start3A_108 = arith.constant 0 : i32
          %dma_start3A_109 = tpu.memref_slice %arg10[%dma_start3A_107, %dma_start3A_108] : memref<10112x128xf32, #tpu.memory_space<vmem_shared>> -> memref<10112x128xf32, #tpu.memory_space<vmem_shared>>
          tpu.enqueue_indirect_dma source(%arg8 : memref<128x128xf32, #tpu.memory_space<vmem>>) target(%dma_start3A_109 : memref<10112x128xf32, #tpu.memory_space<vmem_shared>>) offsets(%dma_start3A_106 : memref<128xi32, #tpu.memory_space<vmem>>) semaphore(%arg13 : memref<!tpu.dma_semaphore, #tpu.memory_space<semaphore_mem>>) {add = true}
          %add3A_110 = arith.constant 1 : i32
          %add3A_111 = arith.addi %mul3A_83, %add3A_110 : i32
          %dma_wait3A_112 = arith.constant 0 : i32
          %dma_wait3A_113 = tpu.memref_slice %arg6[%add3A_111, %dma_wait3A_112] : memref<40x128xi32, #tpu.memory_space<vmem>> -> memref<1x128xi32, #tpu.memory_space<vmem>>
          %dma_wait3A_114 = tpu.memref_squeeze %dma_wait3A_113 : memref<1x128xi32, #tpu.memory_space<vmem>> -> memref<128xi32, #tpu.memory_space<vmem>>
          %dma_wait3A_115 = arith.constant 0 : i32
          %dma_wait3A_116 = arith.constant 0 : i32
          %dma_wait3A_117 = tpu.memref_slice %arg2[%dma_wait3A_115, %dma_wait3A_116] : memref<10000x128xf32, #tpu.memory_space<hbm>> -> memref<10000x128xf32, #tpu.memory_space<hbm>>
          tpu.wait_indirect_dma semaphore(%arg12 : memref<!tpu.dma_semaphore, #tpu.memory_space<semaphore_mem>>) src(%dma_wait3A_117 : memref<10000x128xf32, #tpu.memory_space<hbm>>) dst(%arg9 : memref<128x128xf32, #tpu.memory_space<vmem>>)
          %dma_wait3A_118 = arith.constant 0 : i32
          %dma_wait3A_119 = tpu.memref_slice %arg7[%mul3A_83, %dma_wait3A_118] : memref<40x128xi32, #tpu.memory_space<vmem>> -> memref<1x128xi32, #tpu.memory_space<vmem>>
          %dma_wait3A_120 = tpu.memref_squeeze %dma_wait3A_119 : memref<1x128xi32, #tpu.memory_space<vmem>> -> memref<128xi32, #tpu.memory_space<vmem>>
          %dma_wait3A_121 = arith.constant 0 : i32
          %dma_wait3A_122 = arith.constant 0 : i32
          %dma_wait3A_123 = tpu.memref_slice %arg10[%dma_wait3A_121, %dma_wait3A_122] : memref<10112x128xf32, #tpu.memory_space<vmem_shared>> -> memref<10112x128xf32, #tpu.memory_space<vmem_shared>>
          tpu.wait_indirect_dma semaphore(%arg13 : memref<!tpu.dma_semaphore, #tpu.memory_space<semaphore_mem>>) src(%arg8 : memref<128x128xf32, #tpu.memory_space<vmem>>) dst(%dma_wait3A_123 : memref<10112x128xf32, #tpu.memory_space<vmem_shared>>)
          %add3A_124 = arith.constant 2 : i32
          %add3A_125 = arith.addi %mul3A_83, %add3A_124 : i32
          %lt3A_126 = arith.constant 40 : i32
          %lt3A_127 = arith.cmpi slt, %add3A_125, %lt3A_126 : i32
          %convert_element_type3A_128 = arith.extui %lt3A_127 : i1 to i32
          %cond3A_129 = arith.constant 0 : i32
          %cond3A_130 = arith.cmpi ne, %convert_element_type3A_128, %cond3A_129 : i32
          scf.if %cond3A_130 {
            %add3A_140 = arith.constant 2 : i32
            %add3A_141 = arith.addi %mul3A_83, %add3A_140 : i32
            %dma_start3A_142 = arith.constant 0 : i32
            %dma_start3A_143 = tpu.memref_slice %arg6[%add3A_141, %dma_start3A_142] : memref<40x128xi32, #tpu.memory_space<vmem>> -> memref<1x128xi32, #tpu.memory_space<vmem>>
            %dma_start3A_144 = tpu.memref_squeeze %dma_start3A_143 : memref<1x128xi32, #tpu.memory_space<vmem>> -> memref<128xi32, #tpu.memory_space<vmem>>
            %dma_start3A_145 = arith.constant 0 : i32
            %dma_start3A_146 = arith.constant 0 : i32
            %dma_start3A_147 = tpu.memref_slice %arg2[%dma_start3A_145, %dma_start3A_146] : memref<10000x128xf32, #tpu.memory_space<hbm>> -> memref<10000x128xf32, #tpu.memory_space<hbm>>
            tpu.enqueue_indirect_dma source(%dma_start3A_147 : memref<10000x128xf32, #tpu.memory_space<hbm>>) target(%arg8 : memref<128x128xf32, #tpu.memory_space<vmem>>) offsets(%dma_start3A_144 : memref<128xi32, #tpu.memory_space<vmem>>) semaphore(%arg11 : memref<!tpu.dma_semaphore, #tpu.memory_space<semaphore_mem>>)
          } else {
          }
          %add3A_131 = arith.constant 1 : i32
          %add3A_132 = arith.addi %mul3A_83, %add3A_131 : i32
          %dma_start3A_133 = arith.constant 0 : i32
          %dma_start3A_134 = tpu.memref_slice %arg7[%add3A_132, %dma_start3A_133] : memref<40x128xi32, #tpu.memory_space<vmem>> -> memref<1x128xi32, #tpu.memory_space<vmem>>
          %dma_start3A_135 = tpu.memref_squeeze %dma_start3A_134 : memref<1x128xi32, #tpu.memory_space<vmem>> -> memref<128xi32, #tpu.memory_space<vmem>>
          %dma_start3A_136 = arith.constant 0 : i32
          %dma_start3A_137 = arith.constant 0 : i32
          %dma_start3A_138 = tpu.memref_slice %arg10[%dma_start3A_136, %dma_start3A_137] : memref<10112x128xf32, #tpu.memory_space<vmem_shared>> -> memref<10112x128xf32, #tpu.memory_space<vmem_shared>>
          tpu.enqueue_indirect_dma source(%arg9 : memref<128x128xf32, #tpu.memory_space<vmem>>) target(%dma_start3A_138 : memref<10112x128xf32, #tpu.memory_space<vmem_shared>>) offsets(%dma_start3A_135 : memref<128xi32, #tpu.memory_space<vmem>>) semaphore(%arg14 : memref<!tpu.dma_semaphore, #tpu.memory_space<semaphore_mem>>) {add = true}
          %scan3A_139 = arith.constant 0 : i32
          scf.yield %scan3A_139 : i32
        }
        %scan3A_79 = arith.constant 20 : i32
      } else {
      }
      %scan3A_63 = arith.constant 0 : i32
      scf.yield %scan3A_63 : i32
    }
    %scan3A_34 = arith.constant 2 : i32
    %gt3A = arith.constant 0 : i32
    %gt3A_35 = arith.cmpi sgt, %select_n3A_8, %gt3A : i32
    %convert_element_type3A = arith.extui %gt3A_35 : i1 to i32
    %cond3A = arith.constant 0 : i32
    %cond3A_36 = arith.cmpi ne, %convert_element_type3A, %cond3A : i32
    scf.if %cond3A_36 {
      %dma_wait3A = arith.constant 39 : i32
      %dma_wait3A_58 = arith.constant 0 : i32
      %dma_wait3A_59 = tpu.memref_slice %arg7[%dma_wait3A, %dma_wait3A_58] : memref<40x128xi32, #tpu.memory_space<vmem>> -> memref<1x128xi32, #tpu.memory_space<vmem>>
      %dma_wait3A_60 = tpu.memref_squeeze %dma_wait3A_59 : memref<1x128xi32, #tpu.memory_space<vmem>> -> memref<128xi32, #tpu.memory_space<vmem>>
      %dma_wait3A_61 = arith.constant 0 : i32
      %dma_wait3A_62 = arith.constant 0 : i32
      %dma_wait3A_63 = tpu.memref_slice %arg10[%dma_wait3A_61, %dma_wait3A_62] : memref<10112x128xf32, #tpu.memory_space<vmem_shared>> -> memref<10112x128xf32, #tpu.memory_space<vmem_shared>>
      tpu.wait_indirect_dma semaphore(%arg14 : memref<!tpu.dma_semaphore, #tpu.memory_space<semaphore_mem>>) src(%arg9 : memref<128x128xf32, #tpu.memory_space<vmem>>) dst(%dma_wait3A_63 : memref<10112x128xf32, #tpu.memory_space<vmem_shared>>)
    } else {
    }
    %barrier3A_37 = arith.constant 0 : index
    tpu.barrier barrier_id(%barrier3A_37)
    "tpu.trace_stop"() : () -> ()
    "tpu.trace_start"() <{level = 10 : i32, message = "segcopyout"}> : () -> ()
    %add3A_38 = arith.constant 0 : i32
    %add3A_39 = arith.addi %mul3A_17, %add3A_38 : i32
    "tpu.region"() ({
      %run_scoped3A = tpu.sem_alloc : memref<!tpu.dma_semaphore, #tpu.memory_space<semaphore_mem>>
      %dma_start3A = arith.constant 0 : i32
      %dma_start3A_58 = tpu.memref_slice %arg10[%add3A_39, %dma_start3A] : memref<10112x128xf32, #tpu.memory_space<vmem_shared>> -> memref<128x128xf32, #tpu.memory_space<vmem_shared>>
      %dma_start3A_59 = arith.constant 0 : i32
      %dma_start3A_60 = tpu.memref_slice %arg10[%add3A_39, %dma_start3A_59] : memref<10112x128xf32, #tpu.memory_space<vmem_shared>> -> memref<128x128xf32, #tpu.memory_space<vmem_shared>>
      tpu.enqueue_dma source(%dma_start3A_60 : memref<128x128xf32, #tpu.memory_space<vmem_shared>>) target(%arg8 : memref<128x128xf32, #tpu.memory_space<vmem>>) target_semaphore(%run_scoped3A : memref<!tpu.dma_semaphore, #tpu.memory_space<semaphore_mem>>)
      %dma_wait3A = arith.constant 0 : i32
      %dma_wait3A_61 = tpu.memref_slice %arg10[%add3A_39, %dma_wait3A] : memref<10112x128xf32, #tpu.memory_space<vmem_shared>> -> memref<128x128xf32, #tpu.memory_space<vmem_shared>>
      %dma_wait3A_62 = arith.constant 0 : i32
      %dma_wait3A_63 = tpu.memref_slice %arg10[%add3A_39, %dma_wait3A_62] : memref<10112x128xf32, #tpu.memory_space<vmem_shared>> -> memref<128x128xf32, #tpu.memory_space<vmem_shared>>
      tpu.wait_dma2 semaphore(%run_scoped3A : memref<!tpu.dma_semaphore, #tpu.memory_space<semaphore_mem>>) src(%dma_wait3A_63 : memref<128x128xf32, #tpu.memory_space<vmem_shared>>) dst(%arg8 : memref<128x128xf32, #tpu.memory_space<vmem>>)
      tpu.yield
    }) : () -> ()
    %add3A_40 = arith.constant 0 : i32
    %add3A_41 = arith.addi %mul3A_17, %add3A_40 : i32
    "tpu.region"() ({
      %run_scoped3A = tpu.sem_alloc : memref<!tpu.dma_semaphore, #tpu.memory_space<semaphore_mem>>
      %dma_start3A = arith.constant 0 : i32
      %dma_start3A_58 = tpu.memref_slice %arg5[%arg0, %add3A_41, %dma_start3A] : memref<2x10112x128xf32, #tpu.memory_space<hbm>> -> memref<1x128x128xf32, #tpu.memory_space<hbm>>
      %dma_start3A_59 = tpu.memref_squeeze %dma_start3A_58 : memref<1x128x128xf32, #tpu.memory_space<hbm>> -> memref<128x128xf32, #tpu.memory_space<hbm>>
      %dma_start3A_60 = arith.constant 0 : i32
      %dma_start3A_61 = tpu.memref_slice %arg5[%arg0, %add3A_41, %dma_start3A_60] : memref<2x10112x128xf32, #tpu.memory_space<hbm>> -> memref<1x128x128xf32, #tpu.memory_space<hbm>>
      %dma_start3A_62 = tpu.memref_squeeze %dma_start3A_61 : memref<1x128x128xf32, #tpu.memory_space<hbm>> -> memref<128x128xf32, #tpu.memory_space<hbm>>
      tpu.enqueue_dma source(%arg8 : memref<128x128xf32, #tpu.memory_space<vmem>>) target(%dma_start3A_62 : memref<128x128xf32, #tpu.memory_space<hbm>>) target_semaphore(%run_scoped3A : memref<!tpu.dma_semaphore, #tpu.memory_space<semaphore_mem>>)
      %dma_wait3A = arith.constant 0 : i32
      %dma_wait3A_63 = tpu.memref_slice %arg5[%arg0, %add3A_41, %dma_wait3A] : memref<2x10112x128xf32, #tpu.memory_space<hbm>> -> memref<1x128x128xf32, #tpu.memory_space<hbm>>
      %dma_wait3A_64 = tpu.memref_squeeze %dma_wait3A_63 : memref<1x128x128xf32, #tpu.memory_space<hbm>> -> memref<128x128xf32, #tpu.memory_space<hbm>>
      %dma_wait3A_65 = arith.constant 0 : i32
      %dma_wait3A_66 = tpu.memref_slice %arg5[%arg0, %add3A_41, %dma_wait3A_65] : memref<2x10112x128xf32, #tpu.memory_space<hbm>> -> memref<1x128x128xf32, #tpu.memory_space<hbm>>
      %dma_wait3A_67 = tpu.memref_squeeze %dma_wait3A_66 : memref<1x128x128xf32, #tpu.memory_space<hbm>> -> memref<128x128xf32, #tpu.memory_space<hbm>>
      tpu.wait_dma2 semaphore(%run_scoped3A : memref<!tpu.dma_semaphore, #tpu.memory_space<semaphore_mem>>) src(%arg8 : memref<128x128xf32, #tpu.memory_space<vmem>>) dst(%dma_wait3A_67 : memref<128x128xf32, #tpu.memory_space<hbm>>)
      tpu.yield
    }) : () -> ()
    %add3A_42 = arith.constant 128 : i32
    %add3A_43 = arith.addi %mul3A_17, %add3A_42 : i32
    "tpu.region"() ({
      %run_scoped3A = tpu.sem_alloc : memref<!tpu.dma_semaphore, #tpu.memory_space<semaphore_mem>>
      %dma_start3A = arith.constant 0 : i32
      %dma_start3A_58 = tpu.memref_slice %arg10[%add3A_43, %dma_start3A] : memref<10112x128xf32, #tpu.memory_space<vmem_shared>> -> memref<128x128xf32, #tpu.memory_space<vmem_shared>>
      %dma_start3A_59 = arith.constant 0 : i32
      %dma_start3A_60 = tpu.memref_slice %arg10[%add3A_43, %dma_start3A_59] : memref<10112x128xf32, #tpu.memory_space<vmem_shared>> -> memref<128x128xf32, #tpu.memory_space<vmem_shared>>
      tpu.enqueue_dma source(%dma_start3A_60 : memref<128x128xf32, #tpu.memory_space<vmem_shared>>) target(%arg8 : memref<128x128xf32, #tpu.memory_space<vmem>>) target_semaphore(%run_scoped3A : memref<!tpu.dma_semaphore, #tpu.memory_space<semaphore_mem>>)
      %dma_wait3A = arith.constant 0 : i32
      %dma_wait3A_61 = tpu.memref_slice %arg10[%add3A_43, %dma_wait3A] : memref<10112x128xf32, #tpu.memory_space<vmem_shared>> -> memref<128x128xf32, #tpu.memory_space<vmem_shared>>
      %dma_wait3A_62 = arith.constant 0 : i32
      %dma_wait3A_63 = tpu.memref_slice %arg10[%add3A_43, %dma_wait3A_62] : memref<10112x128xf32, #tpu.memory_space<vmem_shared>> -> memref<128x128xf32, #tpu.memory_space<vmem_shared>>
      tpu.wait_dma2 semaphore(%run_scoped3A : memref<!tpu.dma_semaphore, #tpu.memory_space<semaphore_mem>>) src(%dma_wait3A_63 : memref<128x128xf32, #tpu.memory_space<vmem_shared>>) dst(%arg8 : memref<128x128xf32, #tpu.memory_space<vmem>>)
      tpu.yield
    }) : () -> ()
    %add3A_44 = arith.constant 128 : i32
    %add3A_45 = arith.addi %mul3A_17, %add3A_44 : i32
    "tpu.region"() ({
      %run_scoped3A = tpu.sem_alloc : memref<!tpu.dma_semaphore, #tpu.memory_space<semaphore_mem>>
      %dma_start3A = arith.constant 0 : i32
      %dma_start3A_58 = tpu.memref_slice %arg5[%arg0, %add3A_45, %dma_start3A] : memref<2x10112x128xf32, #tpu.memory_space<hbm>> -> memref<1x128x128xf32, #tpu.memory_space<hbm>>
      %dma_start3A_59 = tpu.memref_squeeze %dma_start3A_58 : memref<1x128x128xf32, #tpu.memory_space<hbm>> -> memref<128x128xf32, #tpu.memory_space<hbm>>
      %dma_start3A_60 = arith.constant 0 : i32
      %dma_start3A_61 = tpu.memref_slice %arg5[%arg0, %add3A_45, %dma_start3A_60] : memref<2x10112x128xf32, #tpu.memory_space<hbm>> -> memref<1x128x128xf32, #tpu.memory_space<hbm>>
      %dma_start3A_62 = tpu.memref_squeeze %dma_start3A_61 : memref<1x128x128xf32, #tpu.memory_space<hbm>> -> memref<128x128xf32, #tpu.memory_space<hbm>>
      tpu.enqueue_dma source(%arg8 : memref<128x128xf32, #tpu.memory_space<vmem>>) target(%dma_start3A_62 : memref<128x128xf32, #tpu.memory_space<hbm>>) target_semaphore(%run_scoped3A : memref<!tpu.dma_semaphore, #tpu.memory_space<semaphore_mem>>)
      %dma_wait3A = arith.constant 0 : i32
      %dma_wait3A_63 = tpu.memref_slice %arg5[%arg0, %add3A_45, %dma_wait3A] : memref<2x10112x128xf32, #tpu.memory_space<hbm>> -> memref<1x128x128xf32, #tpu.memory_space<hbm>>
      %dma_wait3A_64 = tpu.memref_squeeze %dma_wait3A_63 : memref<1x128x128xf32, #tpu.memory_space<hbm>> -> memref<128x128xf32, #tpu.memory_space<hbm>>
      %dma_wait3A_65 = arith.constant 0 : i32
      %dma_wait3A_66 = tpu.memref_slice %arg5[%arg0, %add3A_45, %dma_wait3A_65] : memref<2x10112x128xf32, #tpu.memory_space<hbm>> -> memref<1x128x128xf32, #tpu.memory_space<hbm>>
      %dma_wait3A_67 = tpu.memref_squeeze %dma_wait3A_66 : memref<1x128x128xf32, #tpu.memory_space<hbm>> -> memref<128x128xf32, #tpu.memory_space<hbm>>
      tpu.wait_dma2 semaphore(%run_scoped3A : memref<!tpu.dma_semaphore, #tpu.memory_space<semaphore_mem>>) src(%arg8 : memref<128x128xf32, #tpu.memory_space<vmem>>) dst(%dma_wait3A_67 : memref<128x128xf32, #tpu.memory_space<hbm>>)
      tpu.yield
    }) : () -> ()
    %add3A_46 = arith.constant 256 : i32
    %add3A_47 = arith.addi %mul3A_17, %add3A_46 : i32
    "tpu.region"() ({
      %run_scoped3A = tpu.sem_alloc : memref<!tpu.dma_semaphore, #tpu.memory_space<semaphore_mem>>
      %dma_start3A = arith.constant 0 : i32
      %dma_start3A_58 = tpu.memref_slice %arg10[%add3A_47, %dma_start3A] : memref<10112x128xf32, #tpu.memory_space<vmem_shared>> -> memref<128x128xf32, #tpu.memory_space<vmem_shared>>
      %dma_start3A_59 = arith.constant 0 : i32
      %dma_start3A_60 = tpu.memref_slice %arg10[%add3A_47, %dma_start3A_59] : memref<10112x128xf32, #tpu.memory_space<vmem_shared>> -> memref<128x128xf32, #tpu.memory_space<vmem_shared>>
      tpu.enqueue_dma source(%dma_start3A_60 : memref<128x128xf32, #tpu.memory_space<vmem_shared>>) target(%arg8 : memref<128x128xf32, #tpu.memory_space<vmem>>) target_semaphore(%run_scoped3A : memref<!tpu.dma_semaphore, #tpu.memory_space<semaphore_mem>>)
      %dma_wait3A = arith.constant 0 : i32
      %dma_wait3A_61 = tpu.memref_slice %arg10[%add3A_47, %dma_wait3A] : memref<10112x128xf32, #tpu.memory_space<vmem_shared>> -> memref<128x128xf32, #tpu.memory_space<vmem_shared>>
      %dma_wait3A_62 = arith.constant 0 : i32
      %dma_wait3A_63 = tpu.memref_slice %arg10[%add3A_47, %dma_wait3A_62] : memref<10112x128xf32, #tpu.memory_space<vmem_shared>> -> memref<128x128xf32, #tpu.memory_space<vmem_shared>>
      tpu.wait_dma2 semaphore(%run_scoped3A : memref<!tpu.dma_semaphore, #tpu.memory_space<semaphore_mem>>) src(%dma_wait3A_63 : memref<128x128xf32, #tpu.memory_space<vmem_shared>>) dst(%arg8 : memref<128x128xf32, #tpu.memory_space<vmem>>)
      tpu.yield
    }) : () -> ()
    %add3A_48 = arith.constant 256 : i32
    %add3A_49 = arith.addi %mul3A_17, %add3A_48 : i32
    "tpu.region"() ({
      %run_scoped3A = tpu.sem_alloc : memref<!tpu.dma_semaphore, #tpu.memory_space<semaphore_mem>>
      %dma_start3A = arith.constant 0 : i32
      %dma_start3A_58 = tpu.memref_slice %arg5[%arg0, %add3A_49, %dma_start3A] : memref<2x10112x128xf32, #tpu.memory_space<hbm>> -> memref<1x128x128xf32, #tpu.memory_space<hbm>>
      %dma_start3A_59 = tpu.memref_squeeze %dma_start3A_58 : memref<1x128x128xf32, #tpu.memory_space<hbm>> -> memref<128x128xf32, #tpu.memory_space<hbm>>
      %dma_start3A_60 = arith.constant 0 : i32
      %dma_start3A_61 = tpu.memref_slice %arg5[%arg0, %add3A_49, %dma_start3A_60] : memref<2x10112x128xf32, #tpu.memory_space<hbm>> -> memref<1x128x128xf32, #tpu.memory_space<hbm>>
      %dma_start3A_62 = tpu.memref_squeeze %dma_start3A_61 : memref<1x128x128xf32, #tpu.memory_space<hbm>> -> memref<128x128xf32, #tpu.memory_space<hbm>>
      tpu.enqueue_dma source(%arg8 : memref<128x128xf32, #tpu.memory_space<vmem>>) target(%dma_start3A_62 : memref<128x128xf32, #tpu.memory_space<hbm>>) target_semaphore(%run_scoped3A : memref<!tpu.dma_semaphore, #tpu.memory_space<semaphore_mem>>)
      %dma_wait3A = arith.constant 0 : i32
      %dma_wait3A_63 = tpu.memref_slice %arg5[%arg0, %add3A_49, %dma_wait3A] : memref<2x10112x128xf32, #tpu.memory_space<hbm>> -> memref<1x128x128xf32, #tpu.memory_space<hbm>>
      %dma_wait3A_64 = tpu.memref_squeeze %dma_wait3A_63 : memref<1x128x128xf32, #tpu.memory_space<hbm>> -> memref<128x128xf32, #tpu.memory_space<hbm>>
      %dma_wait3A_65 = arith.constant 0 : i32
      %dma_wait3A_66 = tpu.memref_slice %arg5[%arg0, %add3A_49, %dma_wait3A_65] : memref<2x10112x128xf32, #tpu.memory_space<hbm>> -> memref<1x128x128xf32, #tpu.memory_space<hbm>>
      %dma_wait3A_67 = tpu.memref_squeeze %dma_wait3A_66 : memref<1x128x128xf32, #tpu.memory_space<hbm>> -> memref<128x128xf32, #tpu.memory_space<hbm>>
      tpu.wait_dma2 semaphore(%run_scoped3A : memref<!tpu.dma_semaphore, #tpu.memory_space<semaphore_mem>>) src(%arg8 : memref<128x128xf32, #tpu.memory_space<vmem>>) dst(%dma_wait3A_67 : memref<128x128xf32, #tpu.memory_space<hbm>>)
      tpu.yield
    }) : () -> ()
    %add3A_50 = arith.constant 384 : i32
    %add3A_51 = arith.addi %mul3A_17, %add3A_50 : i32
    "tpu.region"() ({
      %run_scoped3A = tpu.sem_alloc : memref<!tpu.dma_semaphore, #tpu.memory_space<semaphore_mem>>
      %dma_start3A = arith.constant 0 : i32
      %dma_start3A_58 = tpu.memref_slice %arg10[%add3A_51, %dma_start3A] : memref<10112x128xf32, #tpu.memory_space<vmem_shared>> -> memref<128x128xf32, #tpu.memory_space<vmem_shared>>
      %dma_start3A_59 = arith.constant 0 : i32
      %dma_start3A_60 = tpu.memref_slice %arg10[%add3A_51, %dma_start3A_59] : memref<10112x128xf32, #tpu.memory_space<vmem_shared>> -> memref<128x128xf32, #tpu.memory_space<vmem_shared>>
      tpu.enqueue_dma source(%dma_start3A_60 : memref<128x128xf32, #tpu.memory_space<vmem_shared>>) target(%arg8 : memref<128x128xf32, #tpu.memory_space<vmem>>) target_semaphore(%run_scoped3A : memref<!tpu.dma_semaphore, #tpu.memory_space<semaphore_mem>>)
      %dma_wait3A = arith.constant 0 : i32
      %dma_wait3A_61 = tpu.memref_slice %arg10[%add3A_51, %dma_wait3A] : memref<10112x128xf32, #tpu.memory_space<vmem_shared>> -> memref<128x128xf32, #tpu.memory_space<vmem_shared>>
      %dma_wait3A_62 = arith.constant 0 : i32
      %dma_wait3A_63 = tpu.memref_slice %arg10[%add3A_51, %dma_wait3A_62] : memref<10112x128xf32, #tpu.memory_space<vmem_shared>> -> memref<128x128xf32, #tpu.memory_space<vmem_shared>>
      tpu.wait_dma2 semaphore(%run_scoped3A : memref<!tpu.dma_semaphore, #tpu.memory_space<semaphore_mem>>) src(%dma_wait3A_63 : memref<128x128xf32, #tpu.memory_space<vmem_shared>>) dst(%arg8 : memref<128x128xf32, #tpu.memory_space<vmem>>)
      tpu.yield
    }) : () -> ()
    %add3A_52 = arith.constant 384 : i32
    %add3A_53 = arith.addi %mul3A_17, %add3A_52 : i32
    "tpu.region"() ({
      %run_scoped3A = tpu.sem_alloc : memref<!tpu.dma_semaphore, #tpu.memory_space<semaphore_mem>>
      %dma_start3A = arith.constant 0 : i32
      %dma_start3A_58 = tpu.memref_slice %arg5[%arg0, %add3A_53, %dma_start3A] : memref<2x10112x128xf32, #tpu.memory_space<hbm>> -> memref<1x128x128xf32, #tpu.memory_space<hbm>>
      %dma_start3A_59 = tpu.memref_squeeze %dma_start3A_58 : memref<1x128x128xf32, #tpu.memory_space<hbm>> -> memref<128x128xf32, #tpu.memory_space<hbm>>
      %dma_start3A_60 = arith.constant 0 : i32
      %dma_start3A_61 = tpu.memref_slice %arg5[%arg0, %add3A_53, %dma_start3A_60] : memref<2x10112x128xf32, #tpu.memory_space<hbm>> -> memref<1x128x128xf32, #tpu.memory_space<hbm>>
      %dma_start3A_62 = tpu.memref_squeeze %dma_start3A_61 : memref<1x128x128xf32, #tpu.memory_space<hbm>> -> memref<128x128xf32, #tpu.memory_space<hbm>>
      tpu.enqueue_dma source(%arg8 : memref<128x128xf32, #tpu.memory_space<vmem>>) target(%dma_start3A_62 : memref<128x128xf32, #tpu.memory_space<hbm>>) target_semaphore(%run_scoped3A : memref<!tpu.dma_semaphore, #tpu.memory_space<semaphore_mem>>)
      %dma_wait3A = arith.constant 0 : i32
      %dma_wait3A_63 = tpu.memref_slice %arg5[%arg0, %add3A_53, %dma_wait3A] : memref<2x10112x128xf32, #tpu.memory_space<hbm>> -> memref<1x128x128xf32, #tpu.memory_space<hbm>>
      %dma_wait3A_64 = tpu.memref_squeeze %dma_wait3A_63 : memref<1x128x128xf32, #tpu.memory_space<hbm>> -> memref<128x128xf32, #tpu.memory_space<hbm>>
      %dma_wait3A_65 = arith.constant 0 : i32
      %dma_wait3A_66 = tpu.memref_slice %arg5[%arg0, %add3A_53, %dma_wait3A_65] : memref<2x10112x128xf32, #tpu.memory_space<hbm>> -> memref<1x128x128xf32, #tpu.memory_space<hbm>>
      %dma_wait3A_67 = tpu.memref_squeeze %dma_wait3A_66 : memref<1x128x128xf32, #tpu.memory_space<hbm>> -> memref<128x128xf32, #tpu.memory_space<hbm>>
      tpu.wait_dma2 semaphore(%run_scoped3A : memref<!tpu.dma_semaphore, #tpu.memory_space<semaphore_mem>>) src(%arg8 : memref<128x128xf32, #tpu.memory_space<vmem>>) dst(%dma_wait3A_67 : memref<128x128xf32, #tpu.memory_space<hbm>>)
      tpu.yield
    }) : () -> ()
    %add3A_54 = arith.constant 512 : i32
    %add3A_55 = arith.addi %mul3A_17, %add3A_54 : i32
    "tpu.region"() ({
      %run_scoped3A = tpu.sem_alloc : memref<!tpu.dma_semaphore, #tpu.memory_space<semaphore_mem>>
      %dma_start3A = arith.constant 0 : i32
      %dma_start3A_58 = arith.constant 0 : i32
      %dma_start3A_59 = tpu.memref_slice %arg8[%dma_start3A, %dma_start3A_58] : memref<128x128xf32, #tpu.memory_space<vmem>> -> memref<120x128xf32, #tpu.memory_space<vmem>>
      %dma_start3A_60 = arith.constant 0 : i32
      %dma_start3A_61 = tpu.memref_slice %arg10[%add3A_55, %dma_start3A_60] : memref<10112x128xf32, #tpu.memory_space<vmem_shared>> -> memref<120x128xf32, #tpu.memory_space<vmem_shared>>
      %dma_start3A_62 = arith.constant 0 : i32
      %dma_start3A_63 = arith.constant 0 : i32
      %dma_start3A_64 = tpu.memref_slice %arg8[%dma_start3A_62, %dma_start3A_63] : memref<128x128xf32, #tpu.memory_space<vmem>> -> memref<120x128xf32, #tpu.memory_space<vmem>>
      %dma_start3A_65 = arith.constant 0 : i32
      %dma_start3A_66 = tpu.memref_slice %arg10[%add3A_55, %dma_start3A_65] : memref<10112x128xf32, #tpu.memory_space<vmem_shared>> -> memref<120x128xf32, #tpu.memory_space<vmem_shared>>
      tpu.enqueue_dma source(%dma_start3A_66 : memref<120x128xf32, #tpu.memory_space<vmem_shared>>) target(%dma_start3A_64 : memref<120x128xf32, #tpu.memory_space<vmem>>) target_semaphore(%run_scoped3A : memref<!tpu.dma_semaphore, #tpu.memory_space<semaphore_mem>>)
      %dma_wait3A = arith.constant 0 : i32
      %dma_wait3A_67 = arith.constant 0 : i32
      %dma_wait3A_68 = tpu.memref_slice %arg8[%dma_wait3A, %dma_wait3A_67] : memref<128x128xf32, #tpu.memory_space<vmem>> -> memref<120x128xf32, #tpu.memory_space<vmem>>
      %dma_wait3A_69 = arith.constant 0 : i32
      %dma_wait3A_70 = tpu.memref_slice %arg10[%add3A_55, %dma_wait3A_69] : memref<10112x128xf32, #tpu.memory_space<vmem_shared>> -> memref<120x128xf32, #tpu.memory_space<vmem_shared>>
      %dma_wait3A_71 = arith.constant 0 : i32
      %dma_wait3A_72 = arith.constant 0 : i32
      %dma_wait3A_73 = tpu.memref_slice %arg8[%dma_wait3A_71, %dma_wait3A_72] : memref<128x128xf32, #tpu.memory_space<vmem>> -> memref<120x128xf32, #tpu.memory_space<vmem>>
      %dma_wait3A_74 = arith.constant 0 : i32
      %dma_wait3A_75 = tpu.memref_slice %arg10[%add3A_55, %dma_wait3A_74] : memref<10112x128xf32, #tpu.memory_space<vmem_shared>> -> memref<120x128xf32, #tpu.memory_space<vmem_shared>>
      tpu.wait_dma2 semaphore(%run_scoped3A : memref<!tpu.dma_semaphore, #tpu.memory_space<semaphore_mem>>) src(%dma_wait3A_75 : memref<120x128xf32, #tpu.memory_space<vmem_shared>>) dst(%dma_wait3A_73 : memref<120x128xf32, #tpu.memory_space<vmem>>)
      tpu.yield
    }) : () -> ()
    %add3A_56 = arith.constant 512 : i32
    %add3A_57 = arith.addi %mul3A_17, %add3A_56 : i32
    "tpu.region"() ({
      %run_scoped3A = tpu.sem_alloc : memref<!tpu.dma_semaphore, #tpu.memory_space<semaphore_mem>>
      %dma_start3A = arith.constant 0 : i32
      %dma_start3A_58 = arith.constant 0 : i32
      %dma_start3A_59 = tpu.memref_slice %arg8[%dma_start3A, %dma_start3A_58] : memref<128x128xf32, #tpu.memory_space<vmem>> -> memref<120x128xf32, #tpu.memory_space<vmem>>
      %dma_start3A_60 = arith.constant 0 : i32
      %dma_start3A_61 = tpu.memref_slice %arg5[%arg0, %add3A_57, %dma_start3A_60] : memref<2x10112x128xf32, #tpu.memory_space<hbm>> -> memref<1x120x128xf32, #tpu.memory_space<hbm>>
      %dma_start3A_62 = tpu.memref_squeeze %dma_start3A_61 : memref<1x120x128xf32, #tpu.memory_space<hbm>> -> memref<120x128xf32, #tpu.memory_space<hbm>>
      %dma_start3A_63 = arith.constant 0 : i32
      %dma_start3A_64 = tpu.memref_slice %arg5[%arg0, %add3A_57, %dma_start3A_63] : memref<2x10112x128xf32, #tpu.memory_space<hbm>> -> memref<1x120x128xf32, #tpu.memory_space<hbm>>
      %dma_start3A_65 = tpu.memref_squeeze %dma_start3A_64 : memref<1x120x128xf32, #tpu.memory_space<hbm>> -> memref<120x128xf32, #tpu.memory_space<hbm>>
      %dma_start3A_66 = arith.constant 0 : i32
      %dma_start3A_67 = arith.constant 0 : i32
      %dma_start3A_68 = tpu.memref_slice %arg8[%dma_start3A_66, %dma_start3A_67] : memref<128x128xf32, #tpu.memory_space<vmem>> -> memref<120x128xf32, #tpu.memory_space<vmem>>
      tpu.enqueue_dma source(%dma_start3A_68 : memref<120x128xf32, #tpu.memory_space<vmem>>) target(%dma_start3A_65 : memref<120x128xf32, #tpu.memory_space<hbm>>) target_semaphore(%run_scoped3A : memref<!tpu.dma_semaphore, #tpu.memory_space<semaphore_mem>>)
      %dma_wait3A = arith.constant 0 : i32
      %dma_wait3A_69 = arith.constant 0 : i32
      %dma_wait3A_70 = tpu.memref_slice %arg8[%dma_wait3A, %dma_wait3A_69] : memref<128x128xf32, #tpu.memory_space<vmem>> -> memref<120x128xf32, #tpu.memory_space<vmem>>
      %dma_wait3A_71 = arith.constant 0 : i32
      %dma_wait3A_72 = tpu.memref_slice %arg5[%arg0, %add3A_57, %dma_wait3A_71] : memref<2x10112x128xf32, #tpu.memory_space<hbm>> -> memref<1x120x128xf32, #tpu.memory_space<hbm>>
      %dma_wait3A_73 = tpu.memref_squeeze %dma_wait3A_72 : memref<1x120x128xf32, #tpu.memory_space<hbm>> -> memref<120x128xf32, #tpu.memory_space<hbm>>
      %dma_wait3A_74 = arith.constant 0 : i32
      %dma_wait3A_75 = tpu.memref_slice %arg5[%arg0, %add3A_57, %dma_wait3A_74] : memref<2x10112x128xf32, #tpu.memory_space<hbm>> -> memref<1x120x128xf32, #tpu.memory_space<hbm>>
      %dma_wait3A_76 = tpu.memref_squeeze %dma_wait3A_75 : memref<1x120x128xf32, #tpu.memory_space<hbm>> -> memref<120x128xf32, #tpu.memory_space<hbm>>
      %dma_wait3A_77 = arith.constant 0 : i32
      %dma_wait3A_78 = arith.constant 0 : i32
      %dma_wait3A_79 = tpu.memref_slice %arg8[%dma_wait3A_77, %dma_wait3A_78] : memref<128x128xf32, #tpu.memory_space<vmem>> -> memref<120x128xf32, #tpu.memory_space<vmem>>
      tpu.wait_dma2 semaphore(%run_scoped3A : memref<!tpu.dma_semaphore, #tpu.memory_space<semaphore_mem>>) src(%dma_wait3A_79 : memref<120x128xf32, #tpu.memory_space<vmem>>) dst(%dma_wait3A_76 : memref<120x128xf32, #tpu.memory_space<hbm>>)
      tpu.yield
    }) : () -> ()
    "tpu.trace_stop"() : () -> ()
    return
  }
}

#map = affine_map<(d0, d1) -> (0, 0)>
#map1 = affine_map<(d0, d1) -> (0, 0, 0)>
module attributes {stable_mosaic.version = 14 : i64} {
  func.func @deg_kernel(%arg0: i32, %arg1: i32, %arg2: memref<2560x128xi32, #tpu.memory_space<hbm>>, %arg3: memref<2x10112x128xf32, #tpu.memory_space<hbm>>, %arg4: memref<80x128xi32, #tpu.memory_space<vmem>>, %arg5: memref<128x128xf32, #tpu.memory_space<vmem>>, %arg6: memref<10112x128xf32, #tpu.memory_space<vmem_shared>>) attributes {dimension_semantics = [#tpu.dimension_semantics<core_parallel>, #tpu.dimension_semantics<subcore_parallel>], iteration_bounds = array<i64: 2, 16>, scalar_prefetch = 0 : i64, scratch_operands = 3 : i64, tpu.core_type = #tpu.core_type<sc_vector_subcore>, window_params = [{transform_indices = #map}, {transform_indices = #map1}]} {
    %mul3A = arith.constant 16 : i32
    %mul3A_0 = arith.muli %arg0, %mul3A : i32
    %add3A = arith.addi %mul3A_0, %arg1 : i32
    %mul3A_1 = arith.constant 80 : i32
    %mul3A_2 = arith.muli %add3A, %mul3A_1 : i32
    "tpu.region"() ({
      %run_scoped3A = tpu.sem_alloc : memref<!tpu.dma_semaphore, #tpu.memory_space<semaphore_mem>>
      %dma_start3A = arith.constant 0 : i32
      %dma_start3A_59 = tpu.memref_slice %arg2[%mul3A_2, %dma_start3A] : memref<2560x128xi32, #tpu.memory_space<hbm>> -> memref<80x128xi32, #tpu.memory_space<hbm>>
      %dma_start3A_60 = arith.constant 0 : i32
      %dma_start3A_61 = tpu.memref_slice %arg2[%mul3A_2, %dma_start3A_60] : memref<2560x128xi32, #tpu.memory_space<hbm>> -> memref<80x128xi32, #tpu.memory_space<hbm>>
      tpu.enqueue_dma source(%dma_start3A_61 : memref<80x128xi32, #tpu.memory_space<hbm>>) target(%arg4 : memref<80x128xi32, #tpu.memory_space<vmem>>) target_semaphore(%run_scoped3A : memref<!tpu.dma_semaphore, #tpu.memory_space<semaphore_mem>>)
      %dma_wait3A = arith.constant 0 : i32
      %dma_wait3A_62 = tpu.memref_slice %arg2[%mul3A_2, %dma_wait3A] : memref<2560x128xi32, #tpu.memory_space<hbm>> -> memref<80x128xi32, #tpu.memory_space<hbm>>
      %dma_wait3A_63 = arith.constant 0 : i32
      %dma_wait3A_64 = tpu.memref_slice %arg2[%mul3A_2, %dma_wait3A_63] : memref<2560x128xi32, #tpu.memory_space<hbm>> -> memref<80x128xi32, #tpu.memory_space<hbm>>
      tpu.wait_dma2 semaphore(%run_scoped3A : memref<!tpu.dma_semaphore, #tpu.memory_space<semaphore_mem>>) src(%dma_wait3A_64 : memref<80x128xi32, #tpu.memory_space<hbm>>) dst(%arg4 : memref<80x128xi32, #tpu.memory_space<vmem>>)
      tpu.yield
    }) : () -> ()
    %broadcast_in_dim3A = arith.constant 0.000000e+00 : f32
    %broadcast_in_dim3A_3 = vector.broadcast %broadcast_in_dim3A : f32 to vector<16xf32>
    %scan3A = arith.constant 0 : i32
    %scan3A_4 = arith.constant 0 : i32
    %scan3A_5 = arith.constant 128 : i32
    %scan3A_6 = arith.addi %scan3A_4, %scan3A_5 : i32
    %scan3A_7 = arith.constant 1 : i32
    %scan3A_8 = scf.for %scan3A_59 = %scan3A_4 to %scan3A_6 step %scan3A_7 iter_args(%scan3A_60 = %scan3A) -> (i32)  : i32 {
      %swap3A = arith.index_cast %scan3A_59 : i32 to index
      %swap3A_61 = arith.constant 0 : index
      %swap3A_62 = tpu.vector_load %arg5[%swap3A, %swap3A_61] {strides = array<i32>} : memref<128x128xf32, #tpu.memory_space<vmem>>, vector<1x16xf32>,
      %swap3A_63 = vector.shape_cast %swap3A_62 : vector<1x16xf32> to vector<16xf32>
      %swap3A_64 = vector.shape_cast %broadcast_in_dim3A_3 : vector<16xf32> to vector<1x16xf32>
      tpu.vector_store %arg5[%swap3A, %swap3A_61], %swap3A_64 {strides = array<i32>} : memref<128x128xf32, #tpu.memory_space<vmem>>, vector<1x16xf32>,
      %swap3A_65 = arith.index_cast %scan3A_59 : i32 to index
      %swap3A_66 = arith.constant 16 : index
      %swap3A_67 = tpu.vector_load %arg5[%swap3A_65, %swap3A_66] {strides = array<i32>} : memref<128x128xf32, #tpu.memory_space<vmem>>, vector<1x16xf32>,
      %swap3A_68 = vector.shape_cast %swap3A_67 : vector<1x16xf32> to vector<16xf32>
      %swap3A_69 = vector.shape_cast %broadcast_in_dim3A_3 : vector<16xf32> to vector<1x16xf32>
      tpu.vector_store %arg5[%swap3A_65, %swap3A_66], %swap3A_69 {strides = array<i32>} : memref<128x128xf32, #tpu.memory_space<vmem>>, vector<1x16xf32>,
      %swap3A_70 = arith.index_cast %scan3A_59 : i32 to index
      %swap3A_71 = arith.constant 32 : index
      %swap3A_72 = tpu.vector_load %arg5[%swap3A_70, %swap3A_71] {strides = array<i32>} : memref<128x128xf32, #tpu.memory_space<vmem>>, vector<1x16xf32>,
      %swap3A_73 = vector.shape_cast %swap3A_72 : vector<1x16xf32> to vector<16xf32>
      %swap3A_74 = vector.shape_cast %broadcast_in_dim3A_3 : vector<16xf32> to vector<1x16xf32>
      tpu.vector_store %arg5[%swap3A_70, %swap3A_71], %swap3A_74 {strides = array<i32>} : memref<128x128xf32, #tpu.memory_space<vmem>>, vector<1x16xf32>,
      %swap3A_75 = arith.index_cast %scan3A_59 : i32 to index
      %swap3A_76 = arith.constant 48 : index
      %swap3A_77 = tpu.vector_load %arg5[%swap3A_75, %swap3A_76] {strides = array<i32>} : memref<128x128xf32, #tpu.memory_space<vmem>>, vector<1x16xf32>,
      %swap3A_78 = vector.shape_cast %swap3A_77 : vector<1x16xf32> to vector<16xf32>
      %swap3A_79 = vector.shape_cast %broadcast_in_dim3A_3 : vector<16xf32> to vector<1x16xf32>
      tpu.vector_store %arg5[%swap3A_75, %swap3A_76], %swap3A_79 {strides = array<i32>} : memref<128x128xf32, #tpu.memory_space<vmem>>, vector<1x16xf32>,
      %swap3A_80 = arith.index_cast %scan3A_59 : i32 to index
      %swap3A_81 = arith.constant 64 : index
      %swap3A_82 = tpu.vector_load %arg5[%swap3A_80, %swap3A_81] {strides = array<i32>} : memref<128x128xf32, #tpu.memory_space<vmem>>, vector<1x16xf32>,
      %swap3A_83 = vector.shape_cast %swap3A_82 : vector<1x16xf32> to vector<16xf32>
      %swap3A_84 = vector.shape_cast %broadcast_in_dim3A_3 : vector<16xf32> to vector<1x16xf32>
      tpu.vector_store %arg5[%swap3A_80, %swap3A_81], %swap3A_84 {strides = array<i32>} : memref<128x128xf32, #tpu.memory_space<vmem>>, vector<1x16xf32>,
      %swap3A_85 = arith.index_cast %scan3A_59 : i32 to index
      %swap3A_86 = arith.constant 80 : index
      %swap3A_87 = tpu.vector_load %arg5[%swap3A_85, %swap3A_86] {strides = array<i32>} : memref<128x128xf32, #tpu.memory_space<vmem>>, vector<1x16xf32>,
      %swap3A_88 = vector.shape_cast %swap3A_87 : vector<1x16xf32> to vector<16xf32>
      %swap3A_89 = vector.shape_cast %broadcast_in_dim3A_3 : vector<16xf32> to vector<1x16xf32>
      tpu.vector_store %arg5[%swap3A_85, %swap3A_86], %swap3A_89 {strides = array<i32>} : memref<128x128xf32, #tpu.memory_space<vmem>>, vector<1x16xf32>,
      %swap3A_90 = arith.index_cast %scan3A_59 : i32 to index
      %swap3A_91 = arith.constant 96 : index
      %swap3A_92 = tpu.vector_load %arg5[%swap3A_90, %swap3A_91] {strides = array<i32>} : memref<128x128xf32, #tpu.memory_space<vmem>>, vector<1x16xf32>,
      %swap3A_93 = vector.shape_cast %swap3A_92 : vector<1x16xf32> to vector<16xf32>
      %swap3A_94 = vector.shape_cast %broadcast_in_dim3A_3 : vector<16xf32> to vector<1x16xf32>
      tpu.vector_store %arg5[%swap3A_90, %swap3A_91], %swap3A_94 {strides = array<i32>} : memref<128x128xf32, #tpu.memory_space<vmem>>, vector<1x16xf32>,
      %swap3A_95 = arith.index_cast %scan3A_59 : i32 to index
      %swap3A_96 = arith.constant 112 : index
      %swap3A_97 = tpu.vector_load %arg5[%swap3A_95, %swap3A_96] {strides = array<i32>} : memref<128x128xf32, #tpu.memory_space<vmem>>, vector<1x16xf32>,
      %swap3A_98 = vector.shape_cast %swap3A_97 : vector<1x16xf32> to vector<16xf32>
      %swap3A_99 = vector.shape_cast %broadcast_in_dim3A_3 : vector<16xf32> to vector<1x16xf32>
      tpu.vector_store %arg5[%swap3A_95, %swap3A_96], %swap3A_99 {strides = array<i32>} : memref<128x128xf32, #tpu.memory_space<vmem>>, vector<1x16xf32>,
      %scan3A_100 = arith.constant 0 : i32
      scf.yield %scan3A_100 : i32
    }
    %scan3A_9 = arith.constant 128 : i32
    %mul3A_10 = arith.constant 632 : i32
    %mul3A_11 = arith.muli %arg1, %mul3A_10 : i32
    %add3A_12 = arith.constant 0 : i32
    %add3A_13 = arith.addi %mul3A_11, %add3A_12 : i32
    "tpu.region"() ({
      %run_scoped3A = tpu.sem_alloc : memref<!tpu.dma_semaphore, #tpu.memory_space<semaphore_mem>>
      %dma_start3A = arith.constant 0 : i32
      %dma_start3A_59 = tpu.memref_slice %arg6[%add3A_13, %dma_start3A] : memref<10112x128xf32, #tpu.memory_space<vmem_shared>> -> memref<128x128xf32, #tpu.memory_space<vmem_shared>>
      %dma_start3A_60 = arith.constant 0 : i32
      %dma_start3A_61 = tpu.memref_slice %arg6[%add3A_13, %dma_start3A_60] : memref<10112x128xf32, #tpu.memory_space<vmem_shared>> -> memref<128x128xf32, #tpu.memory_space<vmem_shared>>
      tpu.enqueue_dma source(%arg5 : memref<128x128xf32, #tpu.memory_space<vmem>>) target(%dma_start3A_61 : memref<128x128xf32, #tpu.memory_space<vmem_shared>>) target_semaphore(%run_scoped3A : memref<!tpu.dma_semaphore, #tpu.memory_space<semaphore_mem>>)
      %dma_wait3A = arith.constant 0 : i32
      %dma_wait3A_62 = tpu.memref_slice %arg6[%add3A_13, %dma_wait3A] : memref<10112x128xf32, #tpu.memory_space<vmem_shared>> -> memref<128x128xf32, #tpu.memory_space<vmem_shared>>
      %dma_wait3A_63 = arith.constant 0 : i32
      %dma_wait3A_64 = tpu.memref_slice %arg6[%add3A_13, %dma_wait3A_63] : memref<10112x128xf32, #tpu.memory_space<vmem_shared>> -> memref<128x128xf32, #tpu.memory_space<vmem_shared>>
      tpu.wait_dma2 semaphore(%run_scoped3A : memref<!tpu.dma_semaphore, #tpu.memory_space<semaphore_mem>>) src(%arg5 : memref<128x128xf32, #tpu.memory_space<vmem>>) dst(%dma_wait3A_64 : memref<128x128xf32, #tpu.memory_space<vmem_shared>>)
      tpu.yield
    }) : () -> ()
    %add3A_14 = arith.constant 128 : i32
    %add3A_15 = arith.addi %mul3A_11, %add3A_14 : i32
    "tpu.region"() ({
      %run_scoped3A = tpu.sem_alloc : memref<!tpu.dma_semaphore, #tpu.memory_space<semaphore_mem>>
      %dma_start3A = arith.constant 0 : i32
      %dma_start3A_59 = tpu.memref_slice %arg6[%add3A_15, %dma_start3A] : memref<10112x128xf32, #tpu.memory_space<vmem_shared>> -> memref<128x128xf32, #tpu.memory_space<vmem_shared>>
      %dma_start3A_60 = arith.constant 0 : i32
      %dma_start3A_61 = tpu.memref_slice %arg6[%add3A_15, %dma_start3A_60] : memref<10112x128xf32, #tpu.memory_space<vmem_shared>> -> memref<128x128xf32, #tpu.memory_space<vmem_shared>>
      tpu.enqueue_dma source(%arg5 : memref<128x128xf32, #tpu.memory_space<vmem>>) target(%dma_start3A_61 : memref<128x128xf32, #tpu.memory_space<vmem_shared>>) target_semaphore(%run_scoped3A : memref<!tpu.dma_semaphore, #tpu.memory_space<semaphore_mem>>)
      %dma_wait3A = arith.constant 0 : i32
      %dma_wait3A_62 = tpu.memref_slice %arg6[%add3A_15, %dma_wait3A] : memref<10112x128xf32, #tpu.memory_space<vmem_shared>> -> memref<128x128xf32, #tpu.memory_space<vmem_shared>>
      %dma_wait3A_63 = arith.constant 0 : i32
      %dma_wait3A_64 = tpu.memref_slice %arg6[%add3A_15, %dma_wait3A_63] : memref<10112x128xf32, #tpu.memory_space<vmem_shared>> -> memref<128x128xf32, #tpu.memory_space<vmem_shared>>
      tpu.wait_dma2 semaphore(%run_scoped3A : memref<!tpu.dma_semaphore, #tpu.memory_space<semaphore_mem>>) src(%arg5 : memref<128x128xf32, #tpu.memory_space<vmem>>) dst(%dma_wait3A_64 : memref<128x128xf32, #tpu.memory_space<vmem_shared>>)
      tpu.yield
    }) : () -> ()
    %add3A_16 = arith.constant 256 : i32
    %add3A_17 = arith.addi %mul3A_11, %add3A_16 : i32
    "tpu.region"() ({
      %run_scoped3A = tpu.sem_alloc : memref<!tpu.dma_semaphore, #tpu.memory_space<semaphore_mem>>
      %dma_start3A = arith.constant 0 : i32
      %dma_start3A_59 = tpu.memref_slice %arg6[%add3A_17, %dma_start3A] : memref<10112x128xf32, #tpu.memory_space<vmem_shared>> -> memref<128x128xf32, #tpu.memory_space<vmem_shared>>
      %dma_start3A_60 = arith.constant 0 : i32
      %dma_start3A_61 = tpu.memref_slice %arg6[%add3A_17, %dma_start3A_60] : memref<10112x128xf32, #tpu.memory_space<vmem_shared>> -> memref<128x128xf32, #tpu.memory_space<vmem_shared>>
      tpu.enqueue_dma source(%arg5 : memref<128x128xf32, #tpu.memory_space<vmem>>) target(%dma_start3A_61 : memref<128x128xf32, #tpu.memory_space<vmem_shared>>) target_semaphore(%run_scoped3A : memref<!tpu.dma_semaphore, #tpu.memory_space<semaphore_mem>>)
      %dma_wait3A = arith.constant 0 : i32
      %dma_wait3A_62 = tpu.memref_slice %arg6[%add3A_17, %dma_wait3A] : memref<10112x128xf32, #tpu.memory_space<vmem_shared>> -> memref<128x128xf32, #tpu.memory_space<vmem_shared>>
      %dma_wait3A_63 = arith.constant 0 : i32
      %dma_wait3A_64 = tpu.memref_slice %arg6[%add3A_17, %dma_wait3A_63] : memref<10112x128xf32, #tpu.memory_space<vmem_shared>> -> memref<128x128xf32, #tpu.memory_space<vmem_shared>>
      tpu.wait_dma2 semaphore(%run_scoped3A : memref<!tpu.dma_semaphore, #tpu.memory_space<semaphore_mem>>) src(%arg5 : memref<128x128xf32, #tpu.memory_space<vmem>>) dst(%dma_wait3A_64 : memref<128x128xf32, #tpu.memory_space<vmem_shared>>)
      tpu.yield
    }) : () -> ()
    %add3A_18 = arith.constant 384 : i32
    %add3A_19 = arith.addi %mul3A_11, %add3A_18 : i32
    "tpu.region"() ({
      %run_scoped3A = tpu.sem_alloc : memref<!tpu.dma_semaphore, #tpu.memory_space<semaphore_mem>>
      %dma_start3A = arith.constant 0 : i32
      %dma_start3A_59 = tpu.memref_slice %arg6[%add3A_19, %dma_start3A] : memref<10112x128xf32, #tpu.memory_space<vmem_shared>> -> memref<128x128xf32, #tpu.memory_space<vmem_shared>>
      %dma_start3A_60 = arith.constant 0 : i32
      %dma_start3A_61 = tpu.memref_slice %arg6[%add3A_19, %dma_start3A_60] : memref<10112x128xf32, #tpu.memory_space<vmem_shared>> -> memref<128x128xf32, #tpu.memory_space<vmem_shared>>
      tpu.enqueue_dma source(%arg5 : memref<128x128xf32, #tpu.memory_space<vmem>>) target(%dma_start3A_61 : memref<128x128xf32, #tpu.memory_space<vmem_shared>>) target_semaphore(%run_scoped3A : memref<!tpu.dma_semaphore, #tpu.memory_space<semaphore_mem>>)
      %dma_wait3A = arith.constant 0 : i32
      %dma_wait3A_62 = tpu.memref_slice %arg6[%add3A_19, %dma_wait3A] : memref<10112x128xf32, #tpu.memory_space<vmem_shared>> -> memref<128x128xf32, #tpu.memory_space<vmem_shared>>
      %dma_wait3A_63 = arith.constant 0 : i32
      %dma_wait3A_64 = tpu.memref_slice %arg6[%add3A_19, %dma_wait3A_63] : memref<10112x128xf32, #tpu.memory_space<vmem_shared>> -> memref<128x128xf32, #tpu.memory_space<vmem_shared>>
      tpu.wait_dma2 semaphore(%run_scoped3A : memref<!tpu.dma_semaphore, #tpu.memory_space<semaphore_mem>>) src(%arg5 : memref<128x128xf32, #tpu.memory_space<vmem>>) dst(%dma_wait3A_64 : memref<128x128xf32, #tpu.memory_space<vmem_shared>>)
      tpu.yield
    }) : () -> ()
    %add3A_20 = arith.constant 512 : i32
    %add3A_21 = arith.addi %mul3A_11, %add3A_20 : i32
    "tpu.region"() ({
      %run_scoped3A = tpu.sem_alloc : memref<!tpu.dma_semaphore, #tpu.memory_space<semaphore_mem>>
      %dma_start3A = arith.constant 0 : i32
      %dma_start3A_59 = arith.constant 0 : i32
      %dma_start3A_60 = tpu.memref_slice %arg5[%dma_start3A, %dma_start3A_59] : memref<128x128xf32, #tpu.memory_space<vmem>> -> memref<120x128xf32, #tpu.memory_space<vmem>>
      %dma_start3A_61 = arith.constant 0 : i32
      %dma_start3A_62 = tpu.memref_slice %arg6[%add3A_21, %dma_start3A_61] : memref<10112x128xf32, #tpu.memory_space<vmem_shared>> -> memref<120x128xf32, #tpu.memory_space<vmem_shared>>
      %dma_start3A_63 = arith.constant 0 : i32
      %dma_start3A_64 = tpu.memref_slice %arg6[%add3A_21, %dma_start3A_63] : memref<10112x128xf32, #tpu.memory_space<vmem_shared>> -> memref<120x128xf32, #tpu.memory_space<vmem_shared>>
      %dma_start3A_65 = arith.constant 0 : i32
      %dma_start3A_66 = arith.constant 0 : i32
      %dma_start3A_67 = tpu.memref_slice %arg5[%dma_start3A_65, %dma_start3A_66] : memref<128x128xf32, #tpu.memory_space<vmem>> -> memref<120x128xf32, #tpu.memory_space<vmem>>
      tpu.enqueue_dma source(%dma_start3A_67 : memref<120x128xf32, #tpu.memory_space<vmem>>) target(%dma_start3A_64 : memref<120x128xf32, #tpu.memory_space<vmem_shared>>) target_semaphore(%run_scoped3A : memref<!tpu.dma_semaphore, #tpu.memory_space<semaphore_mem>>)
      %dma_wait3A = arith.constant 0 : i32
      %dma_wait3A_68 = arith.constant 0 : i32
      %dma_wait3A_69 = tpu.memref_slice %arg5[%dma_wait3A, %dma_wait3A_68] : memref<128x128xf32, #tpu.memory_space<vmem>> -> memref<120x128xf32, #tpu.memory_space<vmem>>
      %dma_wait3A_70 = arith.constant 0 : i32
      %dma_wait3A_71 = tpu.memref_slice %arg6[%add3A_21, %dma_wait3A_70] : memref<10112x128xf32, #tpu.memory_space<vmem_shared>> -> memref<120x128xf32, #tpu.memory_space<vmem_shared>>
      %dma_wait3A_72 = arith.constant 0 : i32
      %dma_wait3A_73 = tpu.memref_slice %arg6[%add3A_21, %dma_wait3A_72] : memref<10112x128xf32, #tpu.memory_space<vmem_shared>> -> memref<120x128xf32, #tpu.memory_space<vmem_shared>>
      %dma_wait3A_74 = arith.constant 0 : i32
      %dma_wait3A_75 = arith.constant 0 : i32
      %dma_wait3A_76 = tpu.memref_slice %arg5[%dma_wait3A_74, %dma_wait3A_75] : memref<128x128xf32, #tpu.memory_space<vmem>> -> memref<120x128xf32, #tpu.memory_space<vmem>>
      tpu.wait_dma2 semaphore(%run_scoped3A : memref<!tpu.dma_semaphore, #tpu.memory_space<semaphore_mem>>) src(%dma_wait3A_76 : memref<120x128xf32, #tpu.memory_space<vmem>>) dst(%dma_wait3A_73 : memref<120x128xf32, #tpu.memory_space<vmem_shared>>)
      tpu.yield
    }) : () -> ()
    %barrier3A = arith.constant 0 : index
    tpu.barrier barrier_id(%barrier3A)
    %broadcast_in_dim3A_22 = arith.constant 1.000000e+00 : f32
    %broadcast_in_dim3A_23 = vector.broadcast %broadcast_in_dim3A_22 : f32 to vector<16xf32>
    %scan3A_24 = arith.constant 0 : i32
    %scan3A_25 = arith.constant 0 : i32
    %scan3A_26 = arith.constant 128 : i32
    %scan3A_27 = arith.addi %scan3A_25, %scan3A_26 : i32
    %scan3A_28 = arith.constant 1 : i32
    %scan3A_29 = scf.for %scan3A_59 = %scan3A_25 to %scan3A_27 step %scan3A_28 iter_args(%scan3A_60 = %scan3A_24) -> (i32)  : i32 {
      %swap3A = arith.index_cast %scan3A_59 : i32 to index
      %swap3A_61 = arith.constant 0 : index
      %swap3A_62 = tpu.vector_load %arg5[%swap3A, %swap3A_61] {strides = array<i32>} : memref<128x128xf32, #tpu.memory_space<vmem>>, vector<1x16xf32>,
      %swap3A_63 = vector.shape_cast %swap3A_62 : vector<1x16xf32> to vector<16xf32>
      %swap3A_64 = vector.shape_cast %broadcast_in_dim3A_23 : vector<16xf32> to vector<1x16xf32>
      tpu.vector_store %arg5[%swap3A, %swap3A_61], %swap3A_64 {strides = array<i32>} : memref<128x128xf32, #tpu.memory_space<vmem>>, vector<1x16xf32>,
      %swap3A_65 = arith.index_cast %scan3A_59 : i32 to index
      %swap3A_66 = arith.constant 16 : index
      %swap3A_67 = tpu.vector_load %arg5[%swap3A_65, %swap3A_66] {strides = array<i32>} : memref<128x128xf32, #tpu.memory_space<vmem>>, vector<1x16xf32>,
      %swap3A_68 = vector.shape_cast %swap3A_67 : vector<1x16xf32> to vector<16xf32>
      %swap3A_69 = vector.shape_cast %broadcast_in_dim3A_23 : vector<16xf32> to vector<1x16xf32>
      tpu.vector_store %arg5[%swap3A_65, %swap3A_66], %swap3A_69 {strides = array<i32>} : memref<128x128xf32, #tpu.memory_space<vmem>>, vector<1x16xf32>,
      %swap3A_70 = arith.index_cast %scan3A_59 : i32 to index
      %swap3A_71 = arith.constant 32 : index
      %swap3A_72 = tpu.vector_load %arg5[%swap3A_70, %swap3A_71] {strides = array<i32>} : memref<128x128xf32, #tpu.memory_space<vmem>>, vector<1x16xf32>,
      %swap3A_73 = vector.shape_cast %swap3A_72 : vector<1x16xf32> to vector<16xf32>
      %swap3A_74 = vector.shape_cast %broadcast_in_dim3A_23 : vector<16xf32> to vector<1x16xf32>
      tpu.vector_store %arg5[%swap3A_70, %swap3A_71], %swap3A_74 {strides = array<i32>} : memref<128x128xf32, #tpu.memory_space<vmem>>, vector<1x16xf32>,
      %swap3A_75 = arith.index_cast %scan3A_59 : i32 to index
      %swap3A_76 = arith.constant 48 : index
      %swap3A_77 = tpu.vector_load %arg5[%swap3A_75, %swap3A_76] {strides = array<i32>} : memref<128x128xf32, #tpu.memory_space<vmem>>, vector<1x16xf32>,
      %swap3A_78 = vector.shape_cast %swap3A_77 : vector<1x16xf32> to vector<16xf32>
      %swap3A_79 = vector.shape_cast %broadcast_in_dim3A_23 : vector<16xf32> to vector<1x16xf32>
      tpu.vector_store %arg5[%swap3A_75, %swap3A_76], %swap3A_79 {strides = array<i32>} : memref<128x128xf32, #tpu.memory_space<vmem>>, vector<1x16xf32>,
      %swap3A_80 = arith.index_cast %scan3A_59 : i32 to index
      %swap3A_81 = arith.constant 64 : index
      %swap3A_82 = tpu.vector_load %arg5[%swap3A_80, %swap3A_81] {strides = array<i32>} : memref<128x128xf32, #tpu.memory_space<vmem>>, vector<1x16xf32>,
      %swap3A_83 = vector.shape_cast %swap3A_82 : vector<1x16xf32> to vector<16xf32>
      %swap3A_84 = vector.shape_cast %broadcast_in_dim3A_23 : vector<16xf32> to vector<1x16xf32>
      tpu.vector_store %arg5[%swap3A_80, %swap3A_81], %swap3A_84 {strides = array<i32>} : memref<128x128xf32, #tpu.memory_space<vmem>>, vector<1x16xf32>,
      %swap3A_85 = arith.index_cast %scan3A_59 : i32 to index
      %swap3A_86 = arith.constant 80 : index
      %swap3A_87 = tpu.vector_load %arg5[%swap3A_85, %swap3A_86] {strides = array<i32>} : memref<128x128xf32, #tpu.memory_space<vmem>>, vector<1x16xf32>,
      %swap3A_88 = vector.shape_cast %swap3A_87 : vector<1x16xf32> to vector<16xf32>
      %swap3A_89 = vector.shape_cast %broadcast_in_dim3A_23 : vector<16xf32> to vector<1x16xf32>
      tpu.vector_store %arg5[%swap3A_85, %swap3A_86], %swap3A_89 {strides = array<i32>} : memref<128x128xf32, #tpu.memory_space<vmem>>, vector<1x16xf32>,
      %swap3A_90 = arith.index_cast %scan3A_59 : i32 to index
      %swap3A_91 = arith.constant 96 : index
      %swap3A_92 = tpu.vector_load %arg5[%swap3A_90, %swap3A_91] {strides = array<i32>} : memref<128x128xf32, #tpu.memory_space<vmem>>, vector<1x16xf32>,
      %swap3A_93 = vector.shape_cast %swap3A_92 : vector<1x16xf32> to vector<16xf32>
      %swap3A_94 = vector.shape_cast %broadcast_in_dim3A_23 : vector<16xf32> to vector<1x16xf32>
      tpu.vector_store %arg5[%swap3A_90, %swap3A_91], %swap3A_94 {strides = array<i32>} : memref<128x128xf32, #tpu.memory_space<vmem>>, vector<1x16xf32>,
      %swap3A_95 = arith.index_cast %scan3A_59 : i32 to index
      %swap3A_96 = arith.constant 112 : index
      %swap3A_97 = tpu.vector_load %arg5[%swap3A_95, %swap3A_96] {strides = array<i32>} : memref<128x128xf32, #tpu.memory_space<vmem>>, vector<1x16xf32>,
      %swap3A_98 = vector.shape_cast %swap3A_97 : vector<1x16xf32> to vector<16xf32>
      %swap3A_99 = vector.shape_cast %broadcast_in_dim3A_23 : vector<16xf32> to vector<1x16xf32>
      tpu.vector_store %arg5[%swap3A_95, %swap3A_96], %swap3A_99 {strides = array<i32>} : memref<128x128xf32, #tpu.memory_space<vmem>>, vector<1x16xf32>,
      %scan3A_100 = arith.constant 0 : i32
      scf.yield %scan3A_100 : i32
    }
    %scan3A_30 = arith.constant 128 : i32
    %scan3A_31 = arith.constant 0 : i32
    %scan3A_32 = arith.constant 0 : i32
    %scan3A_33 = arith.constant 80 : i32
    %scan3A_34 = arith.addi %scan3A_32, %scan3A_33 : i32
    %scan3A_35 = arith.constant 1 : i32
    %scan3A_36 = scf.for %scan3A_59 = %scan3A_32 to %scan3A_34 step %scan3A_35 iter_args(%scan3A_60 = %scan3A_31) -> (i32)  : i32 {
      "tpu.region"() ({
        %run_scoped3A = tpu.sem_alloc : memref<!tpu.dma_semaphore, #tpu.memory_space<semaphore_mem>>
        %dma_start3A = arith.constant 0 : i32
        %dma_start3A_62 = tpu.memref_slice %arg4[%scan3A_59, %dma_start3A] : memref<80x128xi32, #tpu.memory_space<vmem>> -> memref<1x128xi32, #tpu.memory_space<vmem>>
        %dma_start3A_63 = tpu.memref_squeeze %dma_start3A_62 : memref<1x128xi32, #tpu.memory_space<vmem>> -> memref<128xi32, #tpu.memory_space<vmem>>
        %dma_start3A_64 = arith.constant 0 : i32
        %dma_start3A_65 = arith.constant 0 : i32
        %dma_start3A_66 = tpu.memref_slice %arg6[%dma_start3A_64, %dma_start3A_65] : memref<10112x128xf32, #tpu.memory_space<vmem_shared>> -> memref<10112x128xf32, #tpu.memory_space<vmem_shared>>
        tpu.enqueue_indirect_dma source(%arg5 : memref<128x128xf32, #tpu.memory_space<vmem>>) target(%dma_start3A_66 : memref<10112x128xf32, #tpu.memory_space<vmem_shared>>) offsets(%dma_start3A_63 : memref<128xi32, #tpu.memory_space<vmem>>) semaphore(%run_scoped3A : memref<!tpu.dma_semaphore, #tpu.memory_space<semaphore_mem>>) {add = true}
        %dma_wait3A = arith.constant 0 : i32
        %dma_wait3A_67 = tpu.memref_slice %arg4[%scan3A_59, %dma_wait3A] : memref<80x128xi32, #tpu.memory_space<vmem>> -> memref<1x128xi32, #tpu.memory_space<vmem>>
        %dma_wait3A_68 = tpu.memref_squeeze %dma_wait3A_67 : memref<1x128xi32, #tpu.memory_space<vmem>> -> memref<128xi32, #tpu.memory_space<vmem>>
        %dma_wait3A_69 = arith.constant 0 : i32
        %dma_wait3A_70 = arith.constant 0 : i32
        %dma_wait3A_71 = tpu.memref_slice %arg6[%dma_wait3A_69, %dma_wait3A_70] : memref<10112x128xf32, #tpu.memory_space<vmem_shared>> -> memref<10112x128xf32, #tpu.memory_space<vmem_shared>>
        tpu.wait_indirect_dma semaphore(%run_scoped3A : memref<!tpu.dma_semaphore, #tpu.memory_space<semaphore_mem>>) src(%arg5 : memref<128x128xf32, #tpu.memory_space<vmem>>) dst(%dma_wait3A_71 : memref<10112x128xf32, #tpu.memory_space<vmem_shared>>)
        tpu.yield
      }) : () -> ()
      %scan3A_61 = arith.constant 0 : i32
      scf.yield %scan3A_61 : i32
    }
    %scan3A_37 = arith.constant 80 : i32
    %barrier3A_38 = arith.constant 0 : index
    tpu.barrier barrier_id(%barrier3A_38)
    %add3A_39 = arith.constant 0 : i32
    %add3A_40 = arith.addi %mul3A_11, %add3A_39 : i32
    "tpu.region"() ({
      %run_scoped3A = tpu.sem_alloc : memref<!tpu.dma_semaphore, #tpu.memory_space<semaphore_mem>>
      %dma_start3A = arith.constant 0 : i32
      %dma_start3A_59 = tpu.memref_slice %arg6[%add3A_40, %dma_start3A] : memref<10112x128xf32, #tpu.memory_space<vmem_shared>> -> memref<128x128xf32, #tpu.memory_space<vmem_shared>>
      %dma_start3A_60 = arith.constant 0 : i32
      %dma_start3A_61 = tpu.memref_slice %arg6[%add3A_40, %dma_start3A_60] : memref<10112x128xf32, #tpu.memory_space<vmem_shared>> -> memref<128x128xf32, #tpu.memory_space<vmem_shared>>
      tpu.enqueue_dma source(%dma_start3A_61 : memref<128x128xf32, #tpu.memory_space<vmem_shared>>) target(%arg5 : memref<128x128xf32, #tpu.memory_space<vmem>>) target_semaphore(%run_scoped3A : memref<!tpu.dma_semaphore, #tpu.memory_space<semaphore_mem>>)
      %dma_wait3A = arith.constant 0 : i32
      %dma_wait3A_62 = tpu.memref_slice %arg6[%add3A_40, %dma_wait3A] : memref<10112x128xf32, #tpu.memory_space<vmem_shared>> -> memref<128x128xf32, #tpu.memory_space<vmem_shared>>
      %dma_wait3A_63 = arith.constant 0 : i32
      %dma_wait3A_64 = tpu.memref_slice %arg6[%add3A_40, %dma_wait3A_63] : memref<10112x128xf32, #tpu.memory_space<vmem_shared>> -> memref<128x128xf32, #tpu.memory_space<vmem_shared>>
      tpu.wait_dma2 semaphore(%run_scoped3A : memref<!tpu.dma_semaphore, #tpu.memory_space<semaphore_mem>>) src(%dma_wait3A_64 : memref<128x128xf32, #tpu.memory_space<vmem_shared>>) dst(%arg5 : memref<128x128xf32, #tpu.memory_space<vmem>>)
      tpu.yield
    }) : () -> ()
    %add3A_41 = arith.constant 0 : i32
    %add3A_42 = arith.addi %mul3A_11, %add3A_41 : i32
    "tpu.region"() ({
      %run_scoped3A = tpu.sem_alloc : memref<!tpu.dma_semaphore, #tpu.memory_space<semaphore_mem>>
      %dma_start3A = arith.constant 0 : i32
      %dma_start3A_59 = tpu.memref_slice %arg3[%arg0, %add3A_42, %dma_start3A] : memref<2x10112x128xf32, #tpu.memory_space<hbm>> -> memref<1x128x128xf32, #tpu.memory_space<hbm>>
      %dma_start3A_60 = tpu.memref_squeeze %dma_start3A_59 : memref<1x128x128xf32, #tpu.memory_space<hbm>> -> memref<128x128xf32, #tpu.memory_space<hbm>>
      %dma_start3A_61 = arith.constant 0 : i32
      %dma_start3A_62 = tpu.memref_slice %arg3[%arg0, %add3A_42, %dma_start3A_61] : memref<2x10112x128xf32, #tpu.memory_space<hbm>> -> memref<1x128x128xf32, #tpu.memory_space<hbm>>
      %dma_start3A_63 = tpu.memref_squeeze %dma_start3A_62 : memref<1x128x128xf32, #tpu.memory_space<hbm>> -> memref<128x128xf32, #tpu.memory_space<hbm>>
      tpu.enqueue_dma source(%arg5 : memref<128x128xf32, #tpu.memory_space<vmem>>) target(%dma_start3A_63 : memref<128x128xf32, #tpu.memory_space<hbm>>) target_semaphore(%run_scoped3A : memref<!tpu.dma_semaphore, #tpu.memory_space<semaphore_mem>>)
      %dma_wait3A = arith.constant 0 : i32
      %dma_wait3A_64 = tpu.memref_slice %arg3[%arg0, %add3A_42, %dma_wait3A] : memref<2x10112x128xf32, #tpu.memory_space<hbm>> -> memref<1x128x128xf32, #tpu.memory_space<hbm>>
      %dma_wait3A_65 = tpu.memref_squeeze %dma_wait3A_64 : memref<1x128x128xf32, #tpu.memory_space<hbm>> -> memref<128x128xf32, #tpu.memory_space<hbm>>
      %dma_wait3A_66 = arith.constant 0 : i32
      %dma_wait3A_67 = tpu.memref_slice %arg3[%arg0, %add3A_42, %dma_wait3A_66] : memref<2x10112x128xf32, #tpu.memory_space<hbm>> -> memref<1x128x128xf32, #tpu.memory_space<hbm>>
      %dma_wait3A_68 = tpu.memref_squeeze %dma_wait3A_67 : memref<1x128x128xf32, #tpu.memory_space<hbm>> -> memref<128x128xf32, #tpu.memory_space<hbm>>
      tpu.wait_dma2 semaphore(%run_scoped3A : memref<!tpu.dma_semaphore, #tpu.memory_space<semaphore_mem>>) src(%arg5 : memref<128x128xf32, #tpu.memory_space<vmem>>) dst(%dma_wait3A_68 : memref<128x128xf32, #tpu.memory_space<hbm>>)
      tpu.yield
    }) : () -> ()
    %add3A_43 = arith.constant 128 : i32
    %add3A_44 = arith.addi %mul3A_11, %add3A_43 : i32
    "tpu.region"() ({
      %run_scoped3A = tpu.sem_alloc : memref<!tpu.dma_semaphore, #tpu.memory_space<semaphore_mem>>
      %dma_start3A = arith.constant 0 : i32
      %dma_start3A_59 = tpu.memref_slice %arg6[%add3A_44, %dma_start3A] : memref<10112x128xf32, #tpu.memory_space<vmem_shared>> -> memref<128x128xf32, #tpu.memory_space<vmem_shared>>
      %dma_start3A_60 = arith.constant 0 : i32
      %dma_start3A_61 = tpu.memref_slice %arg6[%add3A_44, %dma_start3A_60] : memref<10112x128xf32, #tpu.memory_space<vmem_shared>> -> memref<128x128xf32, #tpu.memory_space<vmem_shared>>
      tpu.enqueue_dma source(%dma_start3A_61 : memref<128x128xf32, #tpu.memory_space<vmem_shared>>) target(%arg5 : memref<128x128xf32, #tpu.memory_space<vmem>>) target_semaphore(%run_scoped3A : memref<!tpu.dma_semaphore, #tpu.memory_space<semaphore_mem>>)
      %dma_wait3A = arith.constant 0 : i32
      %dma_wait3A_62 = tpu.memref_slice %arg6[%add3A_44, %dma_wait3A] : memref<10112x128xf32, #tpu.memory_space<vmem_shared>> -> memref<128x128xf32, #tpu.memory_space<vmem_shared>>
      %dma_wait3A_63 = arith.constant 0 : i32
      %dma_wait3A_64 = tpu.memref_slice %arg6[%add3A_44, %dma_wait3A_63] : memref<10112x128xf32, #tpu.memory_space<vmem_shared>> -> memref<128x128xf32, #tpu.memory_space<vmem_shared>>
      tpu.wait_dma2 semaphore(%run_scoped3A : memref<!tpu.dma_semaphore, #tpu.memory_space<semaphore_mem>>) src(%dma_wait3A_64 : memref<128x128xf32, #tpu.memory_space<vmem_shared>>) dst(%arg5 : memref<128x128xf32, #tpu.memory_space<vmem>>)
      tpu.yield
    }) : () -> ()
    %add3A_45 = arith.constant 128 : i32
    %add3A_46 = arith.addi %mul3A_11, %add3A_45 : i32
    "tpu.region"() ({
      %run_scoped3A = tpu.sem_alloc : memref<!tpu.dma_semaphore, #tpu.memory_space<semaphore_mem>>
      %dma_start3A = arith.constant 0 : i32
      %dma_start3A_59 = tpu.memref_slice %arg3[%arg0, %add3A_46, %dma_start3A] : memref<2x10112x128xf32, #tpu.memory_space<hbm>> -> memref<1x128x128xf32, #tpu.memory_space<hbm>>
      %dma_start3A_60 = tpu.memref_squeeze %dma_start3A_59 : memref<1x128x128xf32, #tpu.memory_space<hbm>> -> memref<128x128xf32, #tpu.memory_space<hbm>>
      %dma_start3A_61 = arith.constant 0 : i32
      %dma_start3A_62 = tpu.memref_slice %arg3[%arg0, %add3A_46, %dma_start3A_61] : memref<2x10112x128xf32, #tpu.memory_space<hbm>> -> memref<1x128x128xf32, #tpu.memory_space<hbm>>
      %dma_start3A_63 = tpu.memref_squeeze %dma_start3A_62 : memref<1x128x128xf32, #tpu.memory_space<hbm>> -> memref<128x128xf32, #tpu.memory_space<hbm>>
      tpu.enqueue_dma source(%arg5 : memref<128x128xf32, #tpu.memory_space<vmem>>) target(%dma_start3A_63 : memref<128x128xf32, #tpu.memory_space<hbm>>) target_semaphore(%run_scoped3A : memref<!tpu.dma_semaphore, #tpu.memory_space<semaphore_mem>>)
      %dma_wait3A = arith.constant 0 : i32
      %dma_wait3A_64 = tpu.memref_slice %arg3[%arg0, %add3A_46, %dma_wait3A] : memref<2x10112x128xf32, #tpu.memory_space<hbm>> -> memref<1x128x128xf32, #tpu.memory_space<hbm>>
      %dma_wait3A_65 = tpu.memref_squeeze %dma_wait3A_64 : memref<1x128x128xf32, #tpu.memory_space<hbm>> -> memref<128x128xf32, #tpu.memory_space<hbm>>
      %dma_wait3A_66 = arith.constant 0 : i32
      %dma_wait3A_67 = tpu.memref_slice %arg3[%arg0, %add3A_46, %dma_wait3A_66] : memref<2x10112x128xf32, #tpu.memory_space<hbm>> -> memref<1x128x128xf32, #tpu.memory_space<hbm>>
      %dma_wait3A_68 = tpu.memref_squeeze %dma_wait3A_67 : memref<1x128x128xf32, #tpu.memory_space<hbm>> -> memref<128x128xf32, #tpu.memory_space<hbm>>
      tpu.wait_dma2 semaphore(%run_scoped3A : memref<!tpu.dma_semaphore, #tpu.memory_space<semaphore_mem>>) src(%arg5 : memref<128x128xf32, #tpu.memory_space<vmem>>) dst(%dma_wait3A_68 : memref<128x128xf32, #tpu.memory_space<hbm>>)
      tpu.yield
    }) : () -> ()
    %add3A_47 = arith.constant 256 : i32
    %add3A_48 = arith.addi %mul3A_11, %add3A_47 : i32
    "tpu.region"() ({
      %run_scoped3A = tpu.sem_alloc : memref<!tpu.dma_semaphore, #tpu.memory_space<semaphore_mem>>
      %dma_start3A = arith.constant 0 : i32
      %dma_start3A_59 = tpu.memref_slice %arg6[%add3A_48, %dma_start3A] : memref<10112x128xf32, #tpu.memory_space<vmem_shared>> -> memref<128x128xf32, #tpu.memory_space<vmem_shared>>
      %dma_start3A_60 = arith.constant 0 : i32
      %dma_start3A_61 = tpu.memref_slice %arg6[%add3A_48, %dma_start3A_60] : memref<10112x128xf32, #tpu.memory_space<vmem_shared>> -> memref<128x128xf32, #tpu.memory_space<vmem_shared>>
      tpu.enqueue_dma source(%dma_start3A_61 : memref<128x128xf32, #tpu.memory_space<vmem_shared>>) target(%arg5 : memref<128x128xf32, #tpu.memory_space<vmem>>) target_semaphore(%run_scoped3A : memref<!tpu.dma_semaphore, #tpu.memory_space<semaphore_mem>>)
      %dma_wait3A = arith.constant 0 : i32
      %dma_wait3A_62 = tpu.memref_slice %arg6[%add3A_48, %dma_wait3A] : memref<10112x128xf32, #tpu.memory_space<vmem_shared>> -> memref<128x128xf32, #tpu.memory_space<vmem_shared>>
      %dma_wait3A_63 = arith.constant 0 : i32
      %dma_wait3A_64 = tpu.memref_slice %arg6[%add3A_48, %dma_wait3A_63] : memref<10112x128xf32, #tpu.memory_space<vmem_shared>> -> memref<128x128xf32, #tpu.memory_space<vmem_shared>>
      tpu.wait_dma2 semaphore(%run_scoped3A : memref<!tpu.dma_semaphore, #tpu.memory_space<semaphore_mem>>) src(%dma_wait3A_64 : memref<128x128xf32, #tpu.memory_space<vmem_shared>>) dst(%arg5 : memref<128x128xf32, #tpu.memory_space<vmem>>)
      tpu.yield
    }) : () -> ()
    %add3A_49 = arith.constant 256 : i32
    %add3A_50 = arith.addi %mul3A_11, %add3A_49 : i32
    "tpu.region"() ({
      %run_scoped3A = tpu.sem_alloc : memref<!tpu.dma_semaphore, #tpu.memory_space<semaphore_mem>>
      %dma_start3A = arith.constant 0 : i32
      %dma_start3A_59 = tpu.memref_slice %arg3[%arg0, %add3A_50, %dma_start3A] : memref<2x10112x128xf32, #tpu.memory_space<hbm>> -> memref<1x128x128xf32, #tpu.memory_space<hbm>>
      %dma_start3A_60 = tpu.memref_squeeze %dma_start3A_59 : memref<1x128x128xf32, #tpu.memory_space<hbm>> -> memref<128x128xf32, #tpu.memory_space<hbm>>
      %dma_start3A_61 = arith.constant 0 : i32
      %dma_start3A_62 = tpu.memref_slice %arg3[%arg0, %add3A_50, %dma_start3A_61] : memref<2x10112x128xf32, #tpu.memory_space<hbm>> -> memref<1x128x128xf32, #tpu.memory_space<hbm>>
      %dma_start3A_63 = tpu.memref_squeeze %dma_start3A_62 : memref<1x128x128xf32, #tpu.memory_space<hbm>> -> memref<128x128xf32, #tpu.memory_space<hbm>>
      tpu.enqueue_dma source(%arg5 : memref<128x128xf32, #tpu.memory_space<vmem>>) target(%dma_start3A_63 : memref<128x128xf32, #tpu.memory_space<hbm>>) target_semaphore(%run_scoped3A : memref<!tpu.dma_semaphore, #tpu.memory_space<semaphore_mem>>)
      %dma_wait3A = arith.constant 0 : i32
      %dma_wait3A_64 = tpu.memref_slice %arg3[%arg0, %add3A_50, %dma_wait3A] : memref<2x10112x128xf32, #tpu.memory_space<hbm>> -> memref<1x128x128xf32, #tpu.memory_space<hbm>>
      %dma_wait3A_65 = tpu.memref_squeeze %dma_wait3A_64 : memref<1x128x128xf32, #tpu.memory_space<hbm>> -> memref<128x128xf32, #tpu.memory_space<hbm>>
      %dma_wait3A_66 = arith.constant 0 : i32
      %dma_wait3A_67 = tpu.memref_slice %arg3[%arg0, %add3A_50, %dma_wait3A_66] : memref<2x10112x128xf32, #tpu.memory_space<hbm>> -> memref<1x128x128xf32, #tpu.memory_space<hbm>>
      %dma_wait3A_68 = tpu.memref_squeeze %dma_wait3A_67 : memref<1x128x128xf32, #tpu.memory_space<hbm>> -> memref<128x128xf32, #tpu.memory_space<hbm>>
      tpu.wait_dma2 semaphore(%run_scoped3A : memref<!tpu.dma_semaphore, #tpu.memory_space<semaphore_mem>>) src(%arg5 : memref<128x128xf32, #tpu.memory_space<vmem>>) dst(%dma_wait3A_68 : memref<128x128xf32, #tpu.memory_space<hbm>>)
      tpu.yield
    }) : () -> ()
    %add3A_51 = arith.constant 384 : i32
    %add3A_52 = arith.addi %mul3A_11, %add3A_51 : i32
    "tpu.region"() ({
      %run_scoped3A = tpu.sem_alloc : memref<!tpu.dma_semaphore, #tpu.memory_space<semaphore_mem>>
      %dma_start3A = arith.constant 0 : i32
      %dma_start3A_59 = tpu.memref_slice %arg6[%add3A_52, %dma_start3A] : memref<10112x128xf32, #tpu.memory_space<vmem_shared>> -> memref<128x128xf32, #tpu.memory_space<vmem_shared>>
      %dma_start3A_60 = arith.constant 0 : i32
      %dma_start3A_61 = tpu.memref_slice %arg6[%add3A_52, %dma_start3A_60] : memref<10112x128xf32, #tpu.memory_space<vmem_shared>> -> memref<128x128xf32, #tpu.memory_space<vmem_shared>>
      tpu.enqueue_dma source(%dma_start3A_61 : memref<128x128xf32, #tpu.memory_space<vmem_shared>>) target(%arg5 : memref<128x128xf32, #tpu.memory_space<vmem>>) target_semaphore(%run_scoped3A : memref<!tpu.dma_semaphore, #tpu.memory_space<semaphore_mem>>)
      %dma_wait3A = arith.constant 0 : i32
      %dma_wait3A_62 = tpu.memref_slice %arg6[%add3A_52, %dma_wait3A] : memref<10112x128xf32, #tpu.memory_space<vmem_shared>> -> memref<128x128xf32, #tpu.memory_space<vmem_shared>>
      %dma_wait3A_63 = arith.constant 0 : i32
      %dma_wait3A_64 = tpu.memref_slice %arg6[%add3A_52, %dma_wait3A_63] : memref<10112x128xf32, #tpu.memory_space<vmem_shared>> -> memref<128x128xf32, #tpu.memory_space<vmem_shared>>
      tpu.wait_dma2 semaphore(%run_scoped3A : memref<!tpu.dma_semaphore, #tpu.memory_space<semaphore_mem>>) src(%dma_wait3A_64 : memref<128x128xf32, #tpu.memory_space<vmem_shared>>) dst(%arg5 : memref<128x128xf32, #tpu.memory_space<vmem>>)
      tpu.yield
    }) : () -> ()
    %add3A_53 = arith.constant 384 : i32
    %add3A_54 = arith.addi %mul3A_11, %add3A_53 : i32
    "tpu.region"() ({
      %run_scoped3A = tpu.sem_alloc : memref<!tpu.dma_semaphore, #tpu.memory_space<semaphore_mem>>
      %dma_start3A = arith.constant 0 : i32
      %dma_start3A_59 = tpu.memref_slice %arg3[%arg0, %add3A_54, %dma_start3A] : memref<2x10112x128xf32, #tpu.memory_space<hbm>> -> memref<1x128x128xf32, #tpu.memory_space<hbm>>
      %dma_start3A_60 = tpu.memref_squeeze %dma_start3A_59 : memref<1x128x128xf32, #tpu.memory_space<hbm>> -> memref<128x128xf32, #tpu.memory_space<hbm>>
      %dma_start3A_61 = arith.constant 0 : i32
      %dma_start3A_62 = tpu.memref_slice %arg3[%arg0, %add3A_54, %dma_start3A_61] : memref<2x10112x128xf32, #tpu.memory_space<hbm>> -> memref<1x128x128xf32, #tpu.memory_space<hbm>>
      %dma_start3A_63 = tpu.memref_squeeze %dma_start3A_62 : memref<1x128x128xf32, #tpu.memory_space<hbm>> -> memref<128x128xf32, #tpu.memory_space<hbm>>
      tpu.enqueue_dma source(%arg5 : memref<128x128xf32, #tpu.memory_space<vmem>>) target(%dma_start3A_63 : memref<128x128xf32, #tpu.memory_space<hbm>>) target_semaphore(%run_scoped3A : memref<!tpu.dma_semaphore, #tpu.memory_space<semaphore_mem>>)
      %dma_wait3A = arith.constant 0 : i32
      %dma_wait3A_64 = tpu.memref_slice %arg3[%arg0, %add3A_54, %dma_wait3A] : memref<2x10112x128xf32, #tpu.memory_space<hbm>> -> memref<1x128x128xf32, #tpu.memory_space<hbm>>
      %dma_wait3A_65 = tpu.memref_squeeze %dma_wait3A_64 : memref<1x128x128xf32, #tpu.memory_space<hbm>> -> memref<128x128xf32, #tpu.memory_space<hbm>>
      %dma_wait3A_66 = arith.constant 0 : i32
      %dma_wait3A_67 = tpu.memref_slice %arg3[%arg0, %add3A_54, %dma_wait3A_66] : memref<2x10112x128xf32, #tpu.memory_space<hbm>> -> memref<1x128x128xf32, #tpu.memory_space<hbm>>
      %dma_wait3A_68 = tpu.memref_squeeze %dma_wait3A_67 : memref<1x128x128xf32, #tpu.memory_space<hbm>> -> memref<128x128xf32, #tpu.memory_space<hbm>>
      tpu.wait_dma2 semaphore(%run_scoped3A : memref<!tpu.dma_semaphore, #tpu.memory_space<semaphore_mem>>) src(%arg5 : memref<128x128xf32, #tpu.memory_space<vmem>>) dst(%dma_wait3A_68 : memref<128x128xf32, #tpu.memory_space<hbm>>)
      tpu.yield
    }) : () -> ()
    %add3A_55 = arith.constant 512 : i32
    %add3A_56 = arith.addi %mul3A_11, %add3A_55 : i32
    "tpu.region"() ({
      %run_scoped3A = tpu.sem_alloc : memref<!tpu.dma_semaphore, #tpu.memory_space<semaphore_mem>>
      %dma_start3A = arith.constant 0 : i32
      %dma_start3A_59 = arith.constant 0 : i32
      %dma_start3A_60 = tpu.memref_slice %arg5[%dma_start3A, %dma_start3A_59] : memref<128x128xf32, #tpu.memory_space<vmem>> -> memref<120x128xf32, #tpu.memory_space<vmem>>
      %dma_start3A_61 = arith.constant 0 : i32
      %dma_start3A_62 = tpu.memref_slice %arg6[%add3A_56, %dma_start3A_61] : memref<10112x128xf32, #tpu.memory_space<vmem_shared>> -> memref<120x128xf32, #tpu.memory_space<vmem_shared>>
      %dma_start3A_63 = arith.constant 0 : i32
      %dma_start3A_64 = arith.constant 0 : i32
      %dma_start3A_65 = tpu.memref_slice %arg5[%dma_start3A_63, %dma_start3A_64] : memref<128x128xf32, #tpu.memory_space<vmem>> -> memref<120x128xf32, #tpu.memory_space<vmem>>
      %dma_start3A_66 = arith.constant 0 : i32
      %dma_start3A_67 = tpu.memref_slice %arg6[%add3A_56, %dma_start3A_66] : memref<10112x128xf32, #tpu.memory_space<vmem_shared>> -> memref<120x128xf32, #tpu.memory_space<vmem_shared>>
      tpu.enqueue_dma source(%dma_start3A_67 : memref<120x128xf32, #tpu.memory_space<vmem_shared>>) target(%dma_start3A_65 : memref<120x128xf32, #tpu.memory_space<vmem>>) target_semaphore(%run_scoped3A : memref<!tpu.dma_semaphore, #tpu.memory_space<semaphore_mem>>)
      %dma_wait3A = arith.constant 0 : i32
      %dma_wait3A_68 = arith.constant 0 : i32
      %dma_wait3A_69 = tpu.memref_slice %arg5[%dma_wait3A, %dma_wait3A_68] : memref<128x128xf32, #tpu.memory_space<vmem>> -> memref<120x128xf32, #tpu.memory_space<vmem>>
      %dma_wait3A_70 = arith.constant 0 : i32
      %dma_wait3A_71 = tpu.memref_slice %arg6[%add3A_56, %dma_wait3A_70] : memref<10112x128xf32, #tpu.memory_space<vmem_shared>> -> memref<120x128xf32, #tpu.memory_space<vmem_shared>>
      %dma_wait3A_72 = arith.constant 0 : i32
      %dma_wait3A_73 = arith.constant 0 : i32
      %dma_wait3A_74 = tpu.memref_slice %arg5[%dma_wait3A_72, %dma_wait3A_73] : memref<128x128xf32, #tpu.memory_space<vmem>> -> memref<120x128xf32, #tpu.memory_space<vmem>>
      %dma_wait3A_75 = arith.constant 0 : i32
      %dma_wait3A_76 = tpu.memref_slice %arg6[%add3A_56, %dma_wait3A_75] : memref<10112x128xf32, #tpu.memory_space<vmem_shared>> -> memref<120x128xf32, #tpu.memory_space<vmem_shared>>
      tpu.wait_dma2 semaphore(%run_scoped3A : memref<!tpu.dma_semaphore, #tpu.memory_space<semaphore_mem>>) src(%dma_wait3A_76 : memref<120x128xf32, #tpu.memory_space<vmem_shared>>) dst(%dma_wait3A_74 : memref<120x128xf32, #tpu.memory_space<vmem>>)
      tpu.yield
    }) : () -> ()
    %add3A_57 = arith.constant 512 : i32
    %add3A_58 = arith.addi %mul3A_11, %add3A_57 : i32
    "tpu.region"() ({
      %run_scoped3A = tpu.sem_alloc : memref<!tpu.dma_semaphore, #tpu.memory_space<semaphore_mem>>
      %dma_start3A = arith.constant 0 : i32
      %dma_start3A_59 = arith.constant 0 : i32
      %dma_start3A_60 = tpu.memref_slice %arg5[%dma_start3A, %dma_start3A_59] : memref<128x128xf32, #tpu.memory_space<vmem>> -> memref<120x128xf32, #tpu.memory_space<vmem>>
      %dma_start3A_61 = arith.constant 0 : i32
      %dma_start3A_62 = tpu.memref_slice %arg3[%arg0, %add3A_58, %dma_start3A_61] : memref<2x10112x128xf32, #tpu.memory_space<hbm>> -> memref<1x120x128xf32, #tpu.memory_space<hbm>>
      %dma_start3A_63 = tpu.memref_squeeze %dma_start3A_62 : memref<1x120x128xf32, #tpu.memory_space<hbm>> -> memref<120x128xf32, #tpu.memory_space<hbm>>
      %dma_start3A_64 = arith.constant 0 : i32
      %dma_start3A_65 = tpu.memref_slice %arg3[%arg0, %add3A_58, %dma_start3A_64] : memref<2x10112x128xf32, #tpu.memory_space<hbm>> -> memref<1x120x128xf32, #tpu.memory_space<hbm>>
      %dma_start3A_66 = tpu.memref_squeeze %dma_start3A_65 : memref<1x120x128xf32, #tpu.memory_space<hbm>> -> memref<120x128xf32, #tpu.memory_space<hbm>>
      %dma_start3A_67 = arith.constant 0 : i32
      %dma_start3A_68 = arith.constant 0 : i32
      %dma_start3A_69 = tpu.memref_slice %arg5[%dma_start3A_67, %dma_start3A_68] : memref<128x128xf32, #tpu.memory_space<vmem>> -> memref<120x128xf32, #tpu.memory_space<vmem>>
      tpu.enqueue_dma source(%dma_start3A_69 : memref<120x128xf32, #tpu.memory_space<vmem>>) target(%dma_start3A_66 : memref<120x128xf32, #tpu.memory_space<hbm>>) target_semaphore(%run_scoped3A : memref<!tpu.dma_semaphore, #tpu.memory_space<semaphore_mem>>)
      %dma_wait3A = arith.constant 0 : i32
      %dma_wait3A_70 = arith.constant 0 : i32
      %dma_wait3A_71 = tpu.memref_slice %arg5[%dma_wait3A, %dma_wait3A_70] : memref<128x128xf32, #tpu.memory_space<vmem>> -> memref<120x128xf32, #tpu.memory_space<vmem>>
      %dma_wait3A_72 = arith.constant 0 : i32
      %dma_wait3A_73 = tpu.memref_slice %arg3[%arg0, %add3A_58, %dma_wait3A_72] : memref<2x10112x128xf32, #tpu.memory_space<hbm>> -> memref<1x120x128xf32, #tpu.memory_space<hbm>>
      %dma_wait3A_74 = tpu.memref_squeeze %dma_wait3A_73 : memref<1x120x128xf32, #tpu.memory_space<hbm>> -> memref<120x128xf32, #tpu.memory_space<hbm>>
      %dma_wait3A_75 = arith.constant 0 : i32
      %dma_wait3A_76 = tpu.memref_slice %arg3[%arg0, %add3A_58, %dma_wait3A_75] : memref<2x10112x128xf32, #tpu.memory_space<hbm>> -> memref<1x120x128xf32, #tpu.memory_space<hbm>>
      %dma_wait3A_77 = tpu.memref_squeeze %dma_wait3A_76 : memref<1x120x128xf32, #tpu.memory_space<hbm>> -> memref<120x128xf32, #tpu.memory_space<hbm>>
      %dma_wait3A_78 = arith.constant 0 : i32
      %dma_wait3A_79 = arith.constant 0 : i32
      %dma_wait3A_80 = tpu.memref_slice %arg5[%dma_wait3A_78, %dma_wait3A_79] : memref<128x128xf32, #tpu.memory_space<vmem>> -> memref<120x128xf32, #tpu.memory_space<vmem>>
      tpu.wait_dma2 semaphore(%run_scoped3A : memref<!tpu.dma_semaphore, #tpu.memory_space<semaphore_mem>>) src(%dma_wait3A_80 : memref<120x128xf32, #tpu.memory_space<vmem>>) dst(%dma_wait3A_77 : memref<120x128xf32, #tpu.memory_space<hbm>>)
      tpu.yield
    }) : () -> ()
    return
  }
}

module attributes {stable_mosaic.version = 14 : i64} {
  func.func @body(%arg0: i32, %arg1: memref<1000x128xf32, #tpu.memory_space<vmem>>, %arg2: memref<128x128xf32, #tpu.memory_space<vmem>>, %arg3: memref<128x128xf32, #tpu.memory_space<vmem>>, %arg4: memref<1x128xf32, #tpu.memory_space<vmem>>, %arg5: memref<1000x128xf32, #tpu.memory_space<vmem>>, %arg6: memref<1000x128xf32, #tpu.memory_space<vmem>>) attributes {dimension_semantics = [#tpu.dimension_semantics<arbitrary>], iteration_bounds = array<i64: 10>, scalar_prefetch = 0 : i64, scratch_operands = 0 : i64, tpu.core_type = #tpu.core_type<tc>, window_params = [{transform_indices = @transform_0, window_bounds = array<i64: 1000, 128>}, {pipeline_mode = #tpu.pipeline_mode<synchronous>, transform_indices = @transform_1, window_bounds = array<i64: 128, 128>}, {pipeline_mode = #tpu.pipeline_mode<synchronous>, transform_indices = @transform_2, window_bounds = array<i64: 128, 128>}, {pipeline_mode = #tpu.pipeline_mode<synchronous>, transform_indices = @transform_3, window_bounds = array<i64: 1, 128>}, {transform_indices = @transform_4, window_bounds = array<i64: 1000, 128>}, {transform_indices = @transform_5, window_bounds = array<i64: 1000, 128>}]} {
    %get3A = arith.constant 0 : index
    %get3A_0 = arith.constant 0 : index
    %get3A_1 = vector.load %arg1[%get3A, %get3A_0] : memref<1000x128xf32, #tpu.memory_space<vmem>>, vector<1000x128xf32>
    %get3A_2 = arith.constant 0 : index
    %get3A_3 = arith.constant 0 : index
    %get3A_4 = vector.load %arg2[%get3A_2, %get3A_3] : memref<128x128xf32, #tpu.memory_space<vmem>>, vector<128x128xf32>
    %dot_general3A = arith.constant dense<0.000000e+00> : vector<1000x128xf32>
    %dot_general3A_5 = tpu.matmul %get3A_1, %get3A_4, %dot_general3A {dimension_numbers = #tpu.dot_dimension_numbers<[1], [0], [0], [1], [0, 0, 1, 1], [], []>, transpose_lhs_hint = false} : vector<1000x128xf32>, vector<128x128xf32>, vector<1000x128xf32> -> vector<1000x128xf32>
    %get3A_6 = arith.constant 0 : index
    %get3A_7 = arith.constant 0 : index
    %get3A_8 = vector.load %arg4[%get3A_6, %get3A_7] : memref<1x128xf32, #tpu.memory_space<vmem>>, vector<1x128xf32>
    %add3A = vector.broadcast %get3A_8 : vector<1x128xf32> to vector<1000x128xf32>
    %add3A_9 = arith.addf %dot_general3A_5, %add3A : vector<1000x128xf32>
    %swap3A = arith.constant 0 : index
    %swap3A_10 = arith.constant 0 : index
    %swap3A_11 = vector.load %arg5[%swap3A, %swap3A_10] : memref<1000x128xf32, #tpu.memory_space<vmem>>, vector<1000x128xf32>
    tpu.vector_store %arg5[%swap3A, %swap3A_10], %add3A_9 {strides = array<i32>} : memref<1000x128xf32, #tpu.memory_space<vmem>>, vector<1000x128xf32>,
    %get3A_12 = arith.constant 0 : index
    %get3A_13 = arith.constant 0 : index
    %get3A_14 = vector.load %arg3[%get3A_12, %get3A_13] : memref<128x128xf32, #tpu.memory_space<vmem>>, vector<128x128xf32>
    %dot_general3A_15 = arith.constant dense<0.000000e+00> : vector<1000x128xf32>
    %dot_general3A_16 = tpu.matmul %get3A_1, %get3A_14, %dot_general3A_15 {dimension_numbers = #tpu.dot_dimension_numbers<[1], [0], [0], [1], [0, 0, 1, 1], [], []>, transpose_lhs_hint = false} : vector<1000x128xf32>, vector<128x128xf32>, vector<1000x128xf32> -> vector<1000x128xf32>
    %swap3A_17 = arith.constant 0 : index
    %swap3A_18 = arith.constant 0 : index
    %swap3A_19 = vector.load %arg6[%swap3A_17, %swap3A_18] : memref<1000x128xf32, #tpu.memory_space<vmem>>, vector<1000x128xf32>
    tpu.vector_store %arg6[%swap3A_17, %swap3A_18], %dot_general3A_16 {strides = array<i32>} : memref<1000x128xf32, #tpu.memory_space<vmem>>, vector<1000x128xf32>,
    return
  }
  func.func @transform_0(%arg0: i32) -> (i32, i32) {
    %c0_i32 = arith.constant 0 : i32
    %c0_i32_0 = arith.constant 0 : i32
    return %arg0, %c0_i32 : i32, i32
  }
  func.func @transform_1(%arg0: i32) -> (i32, i32) {
    %c0_i32 = arith.constant 0 : i32
    %c0_i32_0 = arith.constant 0 : i32
    %c0_i32_1 = arith.constant 0 : i32
    return %c0_i32, %c0_i32_0 : i32, i32
  }
  func.func @transform_2(%arg0: i32) -> (i32, i32) {
    %c0_i32 = arith.constant 0 : i32
    %c0_i32_0 = arith.constant 0 : i32
    %c0_i32_1 = arith.constant 0 : i32
    return %c0_i32, %c0_i32_0 : i32, i32
  }
  func.func @transform_3(%arg0: i32) -> (i32, i32) {
    %c0_i32 = arith.constant 0 : i32
    %c0_i32_0 = arith.constant 0 : i32
    %c0_i32_1 = arith.constant 0 : i32
    return %c0_i32, %c0_i32_0 : i32, i32
  }
  func.func @transform_4(%arg0: i32) -> (i32, i32) {
    %c0_i32 = arith.constant 0 : i32
    %c0_i32_0 = arith.constant 0 : i32
    return %arg0, %c0_i32 : i32, i32
  }
  func.func @transform_5(%arg0: i32) -> (i32, i32) {
    %c0_i32 = arith.constant 0 : i32
    %c0_i32_0 = arith.constant 0 : i32
    return %arg0, %c0_i32 : i32, i32
  }
}

module attributes {stable_mosaic.version = 14 : i64} {
  func.func @body(%arg0: i32, %arg1: memref<1000x128xf32, #tpu.memory_space<vmem>>, %arg2: memref<1x1000x128xf32, #tpu.memory_space<vmem>>, %arg3: memref<1x1000x128xf32, #tpu.memory_space<vmem>>, %arg4: memref<1x1000x128xf32, #tpu.memory_space<vmem>>, %arg5: memref<1x1000x128xf32, #tpu.memory_space<vmem>>, %arg6: memref<128x128xf32, #tpu.memory_space<vmem>>, %arg7: memref<128x128xf32, #tpu.memory_space<vmem>>, %arg8: memref<1x128xf32, #tpu.memory_space<vmem>>, %arg9: memref<1000x128xf32, #tpu.memory_space<vmem>>, %arg10: memref<1000x128xf32, #tpu.memory_space<vmem>>) attributes {dimension_semantics = [#tpu.dimension_semantics<arbitrary>], iteration_bounds = array<i64: 10>, scalar_prefetch = 0 : i64, scratch_operands = 0 : i64, tpu.core_type = #tpu.core_type<tc>, window_params = [{transform_indices = @transform_0, window_bounds = array<i64: 1000, 128>}, {transform_indices = @transform_1, window_bounds = array<i64: 1, 1000, 128>}, {transform_indices = @transform_2, window_bounds = array<i64: 1, 1000, 128>}, {transform_indices = @transform_3, window_bounds = array<i64: 1, 1000, 128>}, {transform_indices = @transform_4, window_bounds = array<i64: 1, 1000, 128>}, {pipeline_mode = #tpu.pipeline_mode<synchronous>, transform_indices = @transform_5, window_bounds = array<i64: 128, 128>}, {pipeline_mode = #tpu.pipeline_mode<synchronous>, transform_indices = @transform_6, window_bounds = array<i64: 128, 128>}, {pipeline_mode = #tpu.pipeline_mode<synchronous>, transform_indices = @transform_7, window_bounds = array<i64: 1, 128>}, {transform_indices = @transform_8, window_bounds = array<i64: 1000, 128>}, {transform_indices = @transform_9, window_bounds = array<i64: 1000, 128>}]} {
    %get3A = arith.constant 0 : index
    %get3A_0 = arith.constant 0 : index
    %get3A_1 = arith.constant 0 : index
    %get3A_2 = vector.load %arg4[%get3A, %get3A_0, %get3A_1] : memref<1x1000x128xf32, #tpu.memory_space<vmem>>, vector<1x1000x1xf32>
    %get3A_3 = vector.shape_cast %get3A_2 : vector<1x1000x1xf32> to vector<1000x1xf32>
    %get3A_4 = arith.constant 0 : index
    %get3A_5 = arith.constant 0 : index
    %get3A_6 = arith.constant 0 : index
    %get3A_7 = vector.load %arg5[%get3A_4, %get3A_5, %get3A_6] : memref<1x1000x128xf32, #tpu.memory_space<vmem>>, vector<1x1000x1xf32>
    %get3A_8 = vector.shape_cast %get3A_7 : vector<1x1000x1xf32> to vector<1000x1xf32>
    %add3A = arith.addf %get3A_3, %get3A_8 : vector<1000x1xf32>
    %max3A = arith.constant 1.000000e+00 : f32
    %max3A_9 = vector.broadcast %max3A : f32 to vector<1000x1xf32>
    %max3A_10 = arith.maximumf %add3A, %max3A_9 : vector<1000x1xf32>
    %div3A = arith.constant 1.000000e+00 : f32
    %div3A_11 = vector.broadcast %div3A : f32 to vector<1000x1xf32>
    %div3A_12 = arith.divf %div3A_11, %max3A_10 : vector<1000x1xf32>
    %get3A_13 = arith.constant 0 : index
    %get3A_14 = arith.constant 0 : index
    %get3A_15 = vector.load %arg1[%get3A_13, %get3A_14] : memref<1000x128xf32, #tpu.memory_space<vmem>>, vector<1000x128xf32>
    %get3A_16 = arith.constant 0 : index
    %get3A_17 = arith.constant 0 : index
    %get3A_18 = arith.constant 0 : index
    %get3A_19 = vector.load %arg2[%get3A_16, %get3A_17, %get3A_18] : memref<1x1000x128xf32, #tpu.memory_space<vmem>>, vector<1x1000x128xf32>
    %get3A_20 = vector.shape_cast %get3A_19 : vector<1x1000x128xf32> to vector<1000x128xf32>
    %get3A_21 = arith.constant 0 : index
    %get3A_22 = arith.constant 0 : index
    %get3A_23 = arith.constant 0 : index
    %get3A_24 = vector.load %arg3[%get3A_21, %get3A_22, %get3A_23] : memref<1x1000x128xf32, #tpu.memory_space<vmem>>, vector<1x1000x128xf32>
    %get3A_25 = vector.shape_cast %get3A_24 : vector<1x1000x128xf32> to vector<1000x128xf32>
    %add3A_26 = arith.addf %get3A_20, %get3A_25 : vector<1000x128xf32>
    %mul3A = vector.broadcast %div3A_12 : vector<1000x1xf32> to vector<1000x128xf32>
    %mul3A_27 = arith.mulf %add3A_26, %mul3A : vector<1000x128xf32>
    %add3A_28 = arith.addf %get3A_15, %mul3A_27 : vector<1000x128xf32>
    %max3A_29 = arith.constant 0.000000e+00 : f32
    %max3A_30 = vector.broadcast %max3A_29 : f32 to vector<1000x128xf32>
    %max3A_31 = arith.maximumf %add3A_28, %max3A_30 : vector<1000x128xf32>
    %get3A_32 = arith.constant 0 : index
    %get3A_33 = arith.constant 0 : index
    %get3A_34 = vector.load %arg6[%get3A_32, %get3A_33] : memref<128x128xf32, #tpu.memory_space<vmem>>, vector<128x128xf32>
    %dot_general3A = arith.constant dense<0.000000e+00> : vector<1000x128xf32>
    %dot_general3A_35 = tpu.matmul %max3A_31, %get3A_34, %dot_general3A {dimension_numbers = #tpu.dot_dimension_numbers<[1], [0], [0], [1], [0, 0, 1, 1], [], []>, transpose_lhs_hint = false} : vector<1000x128xf32>, vector<128x128xf32>, vector<1000x128xf32> -> vector<1000x128xf32>
    %get3A_36 = arith.constant 0 : index
    %get3A_37 = arith.constant 0 : index
    %get3A_38 = vector.load %arg8[%get3A_36, %get3A_37] : memref<1x128xf32, #tpu.memory_space<vmem>>, vector<1x128xf32>
    %add3A_39 = vector.broadcast %get3A_38 : vector<1x128xf32> to vector<1000x128xf32>
    %add3A_40 = arith.addf %dot_general3A_35, %add3A_39 : vector<1000x128xf32>
    %swap3A = arith.constant 0 : index
    %swap3A_41 = arith.constant 0 : index
    %swap3A_42 = vector.load %arg9[%swap3A, %swap3A_41] : memref<1000x128xf32, #tpu.memory_space<vmem>>, vector<1000x128xf32>
    tpu.vector_store %arg9[%swap3A, %swap3A_41], %add3A_40 {strides = array<i32>} : memref<1000x128xf32, #tpu.memory_space<vmem>>, vector<1000x128xf32>,
    %get3A_43 = arith.constant 0 : index
    %get3A_44 = arith.constant 0 : index
    %get3A_45 = vector.load %arg7[%get3A_43, %get3A_44] : memref<128x128xf32, #tpu.memory_space<vmem>>, vector<128x128xf32>
    %dot_general3A_46 = arith.constant dense<0.000000e+00> : vector<1000x128xf32>
    %dot_general3A_47 = tpu.matmul %max3A_31, %get3A_45, %dot_general3A_46 {dimension_numbers = #tpu.dot_dimension_numbers<[1], [0], [0], [1], [0, 0, 1, 1], [], []>, transpose_lhs_hint = false} : vector<1000x128xf32>, vector<128x128xf32>, vector<1000x128xf32> -> vector<1000x128xf32>
    %swap3A_48 = arith.constant 0 : index
    %swap3A_49 = arith.constant 0 : index
    %swap3A_50 = vector.load %arg10[%swap3A_48, %swap3A_49] : memref<1000x128xf32, #tpu.memory_space<vmem>>, vector<1000x128xf32>
    tpu.vector_store %arg10[%swap3A_48, %swap3A_49], %dot_general3A_47 {strides = array<i32>} : memref<1000x128xf32, #tpu.memory_space<vmem>>, vector<1000x128xf32>,
    return
  }
  func.func @transform_0(%arg0: i32) -> (i32, i32) {
    %c0_i32 = arith.constant 0 : i32
    %c0_i32_0 = arith.constant 0 : i32
    return %arg0, %c0_i32 : i32, i32
  }
  func.func @transform_1(%arg0: i32) -> (i32, i32, i32) {
    %c0_i32 = arith.constant 0 : i32
    %c0_i32_0 = arith.constant 0 : i32
    %c0_i32_1 = arith.constant 0 : i32
    return %c0_i32, %arg0, %c0_i32_0 : i32, i32, i32
  }
  func.func @transform_2(%arg0: i32) -> (i32, i32, i32) {
    %c1_i32 = arith.constant 1 : i32
    %c0_i32 = arith.constant 0 : i32
    %c0_i32_0 = arith.constant 0 : i32
    return %c1_i32, %arg0, %c0_i32 : i32, i32, i32
  }
  func.func @transform_3(%arg0: i32) -> (i32, i32, i32) {
    %c0_i32 = arith.constant 0 : i32
    %c0_i32_0 = arith.constant 0 : i32
    %c0_i32_1 = arith.constant 0 : i32
    return %c0_i32, %arg0, %c0_i32_0 : i32, i32, i32
  }
  func.func @transform_4(%arg0: i32) -> (i32, i32, i32) {
    %c1_i32 = arith.constant 1 : i32
    %c0_i32 = arith.constant 0 : i32
    %c0_i32_0 = arith.constant 0 : i32
    return %c1_i32, %arg0, %c0_i32 : i32, i32, i32
  }
  func.func @transform_5(%arg0: i32) -> (i32, i32) {
    %c0_i32 = arith.constant 0 : i32
    %c0_i32_0 = arith.constant 0 : i32
    %c0_i32_1 = arith.constant 0 : i32
    return %c0_i32, %c0_i32_0 : i32, i32
  }
  func.func @transform_6(%arg0: i32) -> (i32, i32) {
    %c0_i32 = arith.constant 0 : i32
    %c0_i32_0 = arith.constant 0 : i32
    %c0_i32_1 = arith.constant 0 : i32
    return %c0_i32, %c0_i32_0 : i32, i32
  }
  func.func @transform_7(%arg0: i32) -> (i32, i32) {
    %c0_i32 = arith.constant 0 : i32
    %c0_i32_0 = arith.constant 0 : i32
    %c0_i32_1 = arith.constant 0 : i32
    return %c0_i32, %c0_i32_0 : i32, i32
  }
  func.func @transform_8(%arg0: i32) -> (i32, i32) {
    %c0_i32 = arith.constant 0 : i32
    %c0_i32_0 = arith.constant 0 : i32
    return %arg0, %c0_i32 : i32, i32
  }
  func.func @transform_9(%arg0: i32) -> (i32, i32) {
    %c0_i32 = arith.constant 0 : i32
    %c0_i32_0 = arith.constant 0 : i32
    return %arg0, %c0_i32 : i32, i32
  }
}

module attributes {stable_mosaic.version = 14 : i64} {
  func.func @body(%arg0: i32, %arg1: memref<1000x128xf32, #tpu.memory_space<vmem>>, %arg2: memref<1x1000x128xf32, #tpu.memory_space<vmem>>, %arg3: memref<1x1000x128xf32, #tpu.memory_space<vmem>>, %arg4: memref<1x1000x128xf32, #tpu.memory_space<vmem>>, %arg5: memref<1x1000x128xf32, #tpu.memory_space<vmem>>, %arg6: memref<1000x128xf32, #tpu.memory_space<vmem>>) attributes {dimension_semantics = [#tpu.dimension_semantics<arbitrary>], iteration_bounds = array<i64: 10>, scalar_prefetch = 0 : i64, scratch_operands = 0 : i64, tpu.core_type = #tpu.core_type<tc>, window_params = [{transform_indices = @transform_0, window_bounds = array<i64: 1000, 128>}, {transform_indices = @transform_1, window_bounds = array<i64: 1, 1000, 128>}, {transform_indices = @transform_2, window_bounds = array<i64: 1, 1000, 128>}, {transform_indices = @transform_3, window_bounds = array<i64: 1, 1000, 128>}, {transform_indices = @transform_4, window_bounds = array<i64: 1, 1000, 128>}, {transform_indices = @transform_5, window_bounds = array<i64: 1000, 128>}]} {
    %get3A = arith.constant 0 : index
    %get3A_0 = arith.constant 0 : index
    %get3A_1 = arith.constant 0 : index
    %get3A_2 = vector.load %arg4[%get3A, %get3A_0, %get3A_1] : memref<1x1000x128xf32, #tpu.memory_space<vmem>>, vector<1x1000x1xf32>
    %get3A_3 = vector.shape_cast %get3A_2 : vector<1x1000x1xf32> to vector<1000x1xf32>
    %get3A_4 = arith.constant 0 : index
    %get3A_5 = arith.constant 0 : index
    %get3A_6 = arith.constant 0 : index
    %get3A_7 = vector.load %arg5[%get3A_4, %get3A_5, %get3A_6] : memref<1x1000x128xf32, #tpu.memory_space<vmem>>, vector<1x1000x1xf32>
    %get3A_8 = vector.shape_cast %get3A_7 : vector<1x1000x1xf32> to vector<1000x1xf32>
    %add3A = arith.addf %get3A_3, %get3A_8 : vector<1000x1xf32>
    %max3A = arith.constant 1.000000e+00 : f32
    %max3A_9 = vector.broadcast %max3A : f32 to vector<1000x1xf32>
    %max3A_10 = arith.maximumf %add3A, %max3A_9 : vector<1000x1xf32>
    %div3A = arith.constant 1.000000e+00 : f32
    %div3A_11 = vector.broadcast %div3A : f32 to vector<1000x1xf32>
    %div3A_12 = arith.divf %div3A_11, %max3A_10 : vector<1000x1xf32>
    %get3A_13 = arith.constant 0 : index
    %get3A_14 = arith.constant 0 : index
    %get3A_15 = vector.load %arg1[%get3A_13, %get3A_14] : memref<1000x128xf32, #tpu.memory_space<vmem>>, vector<1000x128xf32>
    %get3A_16 = arith.constant 0 : index
    %get3A_17 = arith.constant 0 : index
    %get3A_18 = arith.constant 0 : index
    %get3A_19 = vector.load %arg2[%get3A_16, %get3A_17, %get3A_18] : memref<1x1000x128xf32, #tpu.memory_space<vmem>>, vector<1x1000x128xf32>
    %get3A_20 = vector.shape_cast %get3A_19 : vector<1x1000x128xf32> to vector<1000x128xf32>
    %get3A_21 = arith.constant 0 : index
    %get3A_22 = arith.constant 0 : index
    %get3A_23 = arith.constant 0 : index
    %get3A_24 = vector.load %arg3[%get3A_21, %get3A_22, %get3A_23] : memref<1x1000x128xf32, #tpu.memory_space<vmem>>, vector<1x1000x128xf32>
    %get3A_25 = vector.shape_cast %get3A_24 : vector<1x1000x128xf32> to vector<1000x128xf32>
    %add3A_26 = arith.addf %get3A_20, %get3A_25 : vector<1000x128xf32>
    %mul3A = vector.broadcast %div3A_12 : vector<1000x1xf32> to vector<1000x128xf32>
    %mul3A_27 = arith.mulf %add3A_26, %mul3A : vector<1000x128xf32>
    %add3A_28 = arith.addf %get3A_15, %mul3A_27 : vector<1000x128xf32>
    %swap3A = arith.constant 0 : index
    %swap3A_29 = arith.constant 0 : index
    %swap3A_30 = vector.load %arg6[%swap3A, %swap3A_29] : memref<1000x128xf32, #tpu.memory_space<vmem>>, vector<1000x128xf32>
    tpu.vector_store %arg6[%swap3A, %swap3A_29], %add3A_28 {strides = array<i32>} : memref<1000x128xf32, #tpu.memory_space<vmem>>, vector<1000x128xf32>,
    return
  }
  func.func @transform_0(%arg0: i32) -> (i32, i32) {
    %c0_i32 = arith.constant 0 : i32
    %c0_i32_0 = arith.constant 0 : i32
    return %arg0, %c0_i32 : i32, i32
  }
  func.func @transform_1(%arg0: i32) -> (i32, i32, i32) {
    %c0_i32 = arith.constant 0 : i32
    %c0_i32_0 = arith.constant 0 : i32
    %c0_i32_1 = arith.constant 0 : i32
    return %c0_i32, %arg0, %c0_i32_0 : i32, i32, i32
  }
  func.func @transform_2(%arg0: i32) -> (i32, i32, i32) {
    %c1_i32 = arith.constant 1 : i32
    %c0_i32 = arith.constant 0 : i32
    %c0_i32_0 = arith.constant 0 : i32
    return %c1_i32, %arg0, %c0_i32 : i32, i32, i32
  }
  func.func @transform_3(%arg0: i32) -> (i32, i32, i32) {
    %c0_i32 = arith.constant 0 : i32
    %c0_i32_0 = arith.constant 0 : i32
    %c0_i32_1 = arith.constant 0 : i32
    return %c0_i32, %arg0, %c0_i32_0 : i32, i32, i32
  }
  func.func @transform_4(%arg0: i32) -> (i32, i32, i32) {
    %c1_i32 = arith.constant 1 : i32
    %c0_i32 = arith.constant 0 : i32
    %c0_i32_0 = arith.constant 0 : i32
    return %c1_i32, %arg0, %c0_i32 : i32, i32, i32
  }
  func.func @transform_5(%arg0: i32) -> (i32, i32) {
    %c0_i32 = arith.constant 0 : i32
    %c0_i32_0 = arith.constant 0 : i32
    return %arg0, %c0_i32 : i32, i32
  }
}

</mosaic_0001>

<sc_bundles>
// kernel: kernel.10.cloned.1.call-start
scs
__scs_entry_jumppad:
0x0: {  	(pc) =	sbr.rel $0x88, $3  }
0x1: {  	(tag) =	ssettag $0x0;
	lr =	simm.s32 $0x1  }
0x2: {  	[smem:$0x3F96] =	sst lr;
	_ =	strace $0xD0000000  }
0x3: {  	_ = 	snop  }
0x4: {  	_ = 	snop  }
0x5: {  	_ = 	snop  }
0x6: {  	_ = 	snop  }
0x7: {  	_ = 	snop  }
__scs_overlays_trampoline_lowered:
0x8: {  	[smem:$0x3FA5] =	sst s0  }
0x9: {  	[smem:$0x3FA6] =	sst s1  }
0xa: {  	[smem:$0x3FA7] =	sst s2  }
0xb: {  	[smem:$0x3FA8] =	sst s3  }
0xc: {  	[smem:$0x3FA9] =	sst s4  }
0xd: {  	[smem:$0x3FAA] =	sst s5  }
0xe: {  	[smem:$0x3FAB] =	sst s6  }
0xf: {  	[smem:$0x3FAC] =	sst s7  }
0x10: {  	[smem:$0x3FAD] =	sst s8  }
0x11: {  	[smem:$0x3FAE] =	sst s9;
	s0 =	simm.s32 @!p0 $0x0  }
0x12: {  	s1 =	sld [smem:$0x3F94];
	s0 =	simm.s32 @p0 $0x1  }
0x13: {  	[smem:$0x3FAF] =	sst s0;
	s0 =	simm.s32 @!p1 $0x0  }
0x14: {  	s2 =	sld [smem:$0x3F93];
	s0 =	simm.s32 @p1 $0x1  }
0x15: {  	[smem:$0x3FB0] =	sst s0;
	s0 =	simm.s32 @!p2 $0x0  }
0x16: {  	s3 =	sld [smem:$0x3FDB];
	s0 =	simm.s32 @p2 $0x1  }
0x17: {  	s4 =	simm.s32 $0x1BF5;
	[smem:$0x3FB2] =	sst s0  }
0x18: {  	s0 =	sld [smem:$0x3F95];
	_ =	swait.ge [sflag:s4], $0x0  }
0x19: {  	s7 =	sld [smem:$0x3F96]  }
0x1a: {  	s8 =	sadd.s32 $0xFFFFE003, lr  }
0x1b: {  	s9 =	sadd.s32 $0xFFFFFEF7, lr;
	s5 =	simm.s32 $0xFFFFFFFF;
	p2 =	slt.u32 s8, $0xFFFFF086  }
0x1c: {  	p1 =	slt.u32 s9, $0xF7A;
	s5 =	simm.s32 @!p2 $0x0  }
0x1d: {  	s5 =	simm.s32 @p1 $0x1;
	p0 =	seq.s32 s7, s2  }
0x1e: {  	s7 =	smul.u32 @!p0 $0xF7A, s2;
	p2 =	seq.s32 @!p0 s5, $0x0  }
0x1f: {  	s9 =	smul.u32 $0xF7A, s1;
	s8 =	simm.s32 @!p0 $0x1BF5;
	p2 =	por !p2, p0  }
0x20: {  	[sflag:s8] =	ssyncset.s32 @!p0 $0xFFFFF086;
	s6 =	sadd.s32 @!p0 s3, s7;
	s7 =	simm.s32 @!p0 $0x108  }
0x21: {  	s3 =	sadd.s32 s3, s9;
	s6 =	sadd.s32 @!p0 $0x88, s6;
	s7 =	simm.s32 @p2 $0x1082  }
0x22: {  	[simem:s7], [sflag:s8] =	dma.local @!p0 [hbm:s6], $0xF7A  }
0x23: {  	s9 =	sor.u32 $0xD0000000, s2;
	s6 =	simm.s32 $0x108;
	_ =	swait.ge @!p0 [sflag:s8], $0x0  }
0x24: {  	s3 =	sadd.s32 $0x88, s3;
	s6 =	simm.s32 @!p1 $0x1082;
	[sflag:s4] =	ssyncset.s32 $0xFFFFF086  }
0x25: {  	[simem:s6], [sflag:s4] =	dma.local [hbm:s3], $0xF7A  }
0x26: {  	[smem:$0x3F96] =	sst s1;
	(tag) =	ssettag s2;
	_ =	strace s9  }
0x27: {  	s1 =	sld [smem:$0x3FA6]  }
0x28: {  	s2 =	sld [smem:$0x3FA7]  }
0x29: {  	s4 =	sld [smem:$0x3FA9]  }
0x2a: {  	p0 =	seq.s32 s5, $0x0;
	s5 =	sld [smem:$0x3FAA]  }
0x2b: {  	s6 =	sld [smem:$0x3FAB]  }
0x2c: {  	s7 =	sld [smem:$0x3FAC]  }
0x2d: {  	s3 =	simm.s32 $0x108;
	s8 =	sld [smem:$0x3FAD]  }
0x2e: {  	s3 =	simm.s32 @!p0 $0x1082;
	s9 =	sld [smem:$0x3FAE]  }
0x2f: {  	lr =	sadd.s32 s0, s3;
	s0 =	sld [smem:$0x3FA5]  }
0x30: {  	s3 =	sld [smem:$0x3FA8]  }
0x31: {  	[smem:$0x3FB1] =	sst s10  }
0x32: {  	s10 =	sld [smem:$0x3FAF];
	_ =	sdelay $0x3  }
0x33: {  	p0 =	seq.s32 s10, $0x1;
	s10 =	sld [smem:$0x3FB1];
	_ =	sdelay $0x3  }
0x34: {  	[smem:$0x3FB1] =	sst s10  }
0x35: {  	s10 =	sld [smem:$0x3FB0];
	_ =	sdelay $0x3  }
0x36: {  	p1 =	seq.s32 s10, $0x1;
	s10 =	sld [smem:$0x3FB1];
	_ =	sdelay $0x3  }
0x37: {  	[smem:$0x3FB1] =	sst s10  }
0x38: {  	s10 =	sld [smem:$0x3FB2]  }
0x39: {  	_ = 	snop;
	(pc) =	sbr.ind lr, $3  }
0x3a: {  	_ = 	snop  }
0x3b: {  	_ = 	snop  }
0x3c: {  	p2 =	seq.s32 s10, $0x1;
	s10 =	sld [smem:$0x3FB1]  }
0x3d: {  	_ =	shalt  }
0x3e: {  	_ =	shalt  }
0x3f: {  	_ =	shalt  }
0x40: {  	_ =	shalt  }
0x41: {  	_ =	shalt  }
0x42: {  	_ =	shalt  }
0x43: {  	_ =	shalt  }
0x44: {  	_ =	shalt  }
0x45: {  	_ =	shalt  }
0x46: {  	_ =	shalt  }
0x47: {  	_ =	shalt  }
0x48: {  	_ =	shalt  }
0x49: {  	_ =	shalt  }
0x4a: {  	_ =	shalt  }
0x4b: {  	_ =	shalt  }
0x4c: {  	_ =	shalt  }
0x4d: {  	_ =	shalt  }
0x4e: {  	_ =	shalt  }
0x4f: {  	_ =	shalt  }
0x50: {  	_ =	shalt  }
0x51: {  	_ =	shalt  }
0x52: {  	_ =	shalt  }
0x53: {  	_ =	shalt  }
0x54: {  	_ =	shalt  }
0x55: {  	_ =	shalt  }
0x56: {  	_ =	shalt  }
0x57: {  	_ =	shalt  }
0x58: {  	_ =	shalt  }
0x59: {  	_ =	shalt  }
0x5a: {  	_ =	shalt  }
0x5b: {  	_ =	shalt  }
0x5c: {  	_ =	shalt  }
0x5d: {  	_ =	shalt  }
0x5e: {  	_ =	shalt  }
0x5f: {  	_ =	shalt  }
0x60: {  	_ =	shalt  }
0x61: {  	_ =	shalt  }
0x62: {  	_ =	shalt  }
0x63: {  	_ =	shalt  }
0x64: {  	_ =	shalt  }
0x65: {  	_ =	shalt  }
0x66: {  	_ =	shalt  }
0x67: {  	_ =	shalt  }
0x68: {  	_ =	shalt  }
0x69: {  	_ =	shalt  }
0x6a: {  	_ =	shalt  }
0x6b: {  	_ =	shalt  }
0x6c: {  	_ =	shalt  }
0x6d: {  	_ =	shalt  }
0x6e: {  	_ =	shalt  }
0x6f: {  	_ =	shalt  }
0x70: {  	_ =	shalt  }
0x71: {  	_ =	shalt  }
0x72: {  	_ =	shalt  }
0x73: {  	_ =	shalt  }
0x74: {  	_ =	shalt  }
0x75: {  	_ =	shalt  }
0x76: {  	_ =	shalt  }
0x77: {  	_ =	shalt  }
0x78: {  	_ =	shalt  }
0x79: {  	_ =	shalt  }
0x7a: {  	_ =	shalt  }
0x7b: {  	_ =	shalt  }
0x7c: {  	_ =	shalt  }
0x7d: {  	_ =	shalt  }
0x7e: {  	_ =	shalt  }
0x7f: {  	_ =	shalt  }
0x80: {  	_ =	shalt  }
0x81: {  	_ =	shalt  }
0x82: {  	_ =	shalt  }
0x83: {  	_ =	shalt  }
0x84: {  	_ =	shalt  }
0x85: {  	_ =	shalt  }
0x86: {  	_ =	shalt  }
0x87: {  	_ =	shalt  }
.Lfunc_end0:
.L_simem_size_0:
called_computation_lowered:
.L_overlay_start_0:
0x88: {  	s2 =	sld [smem:$0x3FD9]  }
0x89: {  	s3 =	sld [smem:$0x3FFE];
	_ =	sdelay $0x1  }
0x8a: {  	s1 =	srdreg.scid  }
0x8b: {  	s0 =	sand.u32 $0x1, s1  }
0x8c: {  	s17 =	sshll.u32 s0, $0xA;
	s2 =	sadd.s32 s3, s2  }
0x8d: {  	s2 =	sadd.s32 s2, s17  }
0x8e: {  	[smem:$0x3FBD] =	sst s2  }
0x8f: {  	_ = 	snop  }
0x90: {  	(tm) =	ssettm $0x1  }
0x91: {  	s18 =	sld [smem:$0x3FFB];
	_ =	sdelay $0x3  }
0x92: {  	_ =	strace s18  }
0x93: {  	s2 =	sld [smem:$0x3FFC];
	_ =	sdelay $0x3  }
0x94: {  	_ =	strace s2  }
0x95: {  	s2 =	sld [smem:$0x3FFD];
	_ =	sdelay $0x3  }
0x96: {  	_ =	strace s2  }
0x97: {  	_ =	strace $0x8FFFFFFF  }
0x98: {  	s19 =	sld [smem:$0x3FDB];
	_ =	sdelay $0x1  }
0x99: {  	s20 =	simm.s32 $_scs_section_size  }
0x9a: {  	s4 =	simm.s32 $_size__tile_overlayer_lowered;
	s5 =	simm.s32 $_tile_overlayer_lowered  }
0x9b: {  	s6 =	simm.s32 $0x1BFF;
	s21 =	sshll.u32 s5, $0x1;
	s3 =	sadd.s32 s20, s19  }
0x9c: {  	s22 =	simm.s32 $0x0;
	s4 =	sshll.u32 s4, $0x1;
	s5 =	sadd.s32 s21, s3  }
0x9d: {  	[timem:s22], [sflag:s6] =	dma.local [hbm:s5], s4  }
0x9e: {  	_ =	swait.ge [sflag:s6], s4  }
0x9f: {  	s4 =	ssub.s32 $0x0, s4;
	[sflag:s6] =	ssyncset.done $0x0  }
0xa0: {  	[sflag:s6] =	ssyncadd.s32 s4;
	_ =	sdelay $0x1  }
0xa1: {  	s23 =	simm.s32 $0x1B8B  }
0xa2: {  	_ =	swait.ge [sflag:s23], $0x1  }
0xa3: {  	[sflag:s23] =	ssyncset.done $0x0  }
0xa4: {  	[sflag:s23] =	ssyncadd.s32 $0xFFFFFFFF  }
0xa5: {  	s4 =	sld [smem:$0x0]  }
0xa6: {  	s5 =	sand.u32 $0xFFFFFFFE, s1  }
0xa7: {  	p0 =	sne.s32 s1, s5  }
0xa8: {  	s5 =	sshll.u32 @p0 s5, $0xE  }
0xa9: {  	s5 =	sadd.s32 @p0 $0x11B8D, s5;
	s6 =	sshll.u32 @p0 s4, $0x11  }
0xaa: {  	s5 =	sor.u32 @p0 s6, s5  }
0xab: {  	[sflag:s5] =	ssyncadd.remote.s32 @p0 $0x1;
	_ =	sdelay $0x1  }
0xac: {  	s5 =	simm.s32 @p0 $0x1B8D  }
0xad: {  	_ =	swait.eq @p0 [sflag:s5], $0x1  }
0xae: {  	[sflag:s5] =	ssyncadd.s32 @p0 $0xFFFFFFFF  }
0xaf: {  	s6 =	sshll.u32 @!p0 s1, $0xE  }
0xb0: {  	s6 =	sor.u32 @!p0 $0x4000, s6;
	s5 =	simm.s32 @!p0 $0x1B8D  }
0xb1: {  	s4 =	sshll.u32 @!p0 s4, $0x11;
	s6 =	sadd.s32 @!p0 $0x11B8D, s6;
	_ =	swait.eq @!p0 [sflag:s5], $0x1  }
0xb2: {  	s4 =	sor.u32 @!p0 s4, s6;
	[sflag:s5] =	ssyncadd.s32 @!p0 $0xFFFFFFFF  }
0xb3: {  	s25 =	simm.s32 $0x1B8E;
	s24 =	sld [smem:$0x3FFE];
	[sflag:s4] =	ssyncadd.remote.s32 @!p0 $0x1  }
0xb4: {  	s26 =	simm.s32 $execute0_lowered;
	[smem:$0x3FD2] =	sst s25  }
0xb5: {  	s5 =	sshll.u32 s26, $0x1;
	_ =	strace $0x8000004C;
	[dreg:$0x1] =	wrdreg $0xFFFFFFFF  }
0xb6: {  	s28 =	simm.s32 $_size_execute0_lowered;
	s3 =	sadd.s32 s3, s5;
	[dreg:$0x0] =	wrdreg $0x0  }
0xb7: {  	s5 =	sshll.u32 s28, $0x1;
	[dreg:$0x2] =	wrdreg s3  }
0xb8: {  	[dreg:$0x3] =	wrdreg s5  }
0xb9: {  	[dreg:$0x4] =	wrdreg $0xC0  }
0xba: {  	_ =	task [dreg:s22], $0x5FFFF  }
0xbb: {  	[dreg:$0x1] =	wrdreg $0xFFFFFFFF  }
0xbc: {  	[dreg:$0x0] =	wrdreg $0x60  }
0xbd: {  	[dreg:$0x2] =	wrdreg s24  }
0xbe: {  	[dreg:$0x3] =	wrdreg $0x68000  }
0xbf: {  	[dreg:$0x4] =	wrdreg $0x9  }
0xc0: {  	_ =	task.clear_ibuf [dreg:s22], $0x5FFFF;
	_ =	strace $0x9000004C  }
0xc1: {  	s29 =	simm.s32 $0x9;
	_ =	strace $0x8000004E  }
0xc2: {  	_ =	swait.ge [sflag:s29], $0x1  }
0xc3: {  	[sflag:s29] =	ssyncadd.s32 $0xFFFFFFFF  }
0xc4: {  	_ =	strace $0x9000004E  }
0xc5: {  	_ =	sfence  }
0xc6: {  	s30 =	sld [smem:$0x0];
	_ =	sdelay $0x2  }
0xc7: {  	s31 =	sshll.u32 s1, $0xD;
	s1 =	sshrl.u32 s1, $0x2  }
0xc8: {  	s4 =	sand.u32 $0x4000, s31;
	s1 =	sadd.s32 s1, s30  }
0xc9: {  	s0 =	sor.u32 s4, s0;
	s1 =	sshll.u32 s1, $0x11  }
0xca: {  	s0 =	sor.u32 s1, s0  }
0xcb: {  	s0 =	sadd.s32 $0x8F2B, s0  }
0xcc: {  	[sflag:s0] =	ssyncadd.remote.s32 $0x1  }
0xcd: {  	_ =	sfence.sel $0xFFFF  }
0xce: {  	[dreg:$0x0] =	wrdreg $0xFFFFFFFF;
	(pc) =	sbr.abs _section_cstart, $3  }
0xcf: {  	[dreg:$0x1] =	wrdreg $0xFFFFFFFF  }
0xd0: {  	_ =	task.clear_ibuf [dreg:s22], $0x2FFFF;
	_ =	strace $0x9FFFFFFF  }
0xd1: {  	(tm) =	ssettm $0x7FFFFFFF  }
tec
execute0_lowered:
.L_overlay_start_1:
0x0: {  	(tag) =	ssettag $0x1  }
0x1: {  	s4 =	rddreg [dreg:$0x0]  }
0x2: {  	s0 =	srdreg.scid;
	s2 =	rddreg [dreg:$0x1]  }
0x3: {  	s1 =	stileid.u32;
	s3 =	simm.s32 $0x0;
	s19 =	simm.s32 $0x0  }
0x4: {  	s6 =	sand.u32 $0x1, s0;
	s0 =	rddreg [dreg:$0x2];
	s8 =	smul.u32 $0x4F000, s1  }
0x5: {  	[smem:$0x7FF] =	sst s3;
	s14 =	sadd.s32 $0x65C00, s4;
	s9 =	smul.u32 $0x13C00, s1  }
0x6: {  	s5 =	sshll.u32 s6, $0x4;
	_ =	strace $0x8000004D;
	s7 =	ssub.s32 $0x2, s6  }
0x7: {  	s12 =	smul.u32 $0x13C000, s6;
	s5 =	sor.u32 s1, s5;
	s28 =	sshrl.u32 s7, $0x1  }
0x8: {  	s29 =	sshrl.u32 s8, $0x2;
	s10 =	sadd.s32 $0x4000, s9;
	s13 =	sadd.s32 $0x8000, s9  }
0x9: {  	s16 =	sadd.s32 $0xC000, s9;
	s17 =	sadd.s32 $0x10000, s9;
	s5 =	smul.u32 $0x500, s5  }
0xa: {  	s15 =	ssub.s32 s7, s28;
	s6 =	sadd.s32 s10, s2;
	s7 =	sadd.s32 s13, s2  }
0xb: {  	s8 =	sadd.s32 s16, s2;
	s11 =	sadd.s32 s9, s12;
	s18 =	sadd.s32 s12, s10  }
0xc: {  	s9 =	sadd.s32 s17, s2;
	s13 =	sadd.s32 s12, s13;
	s16 =	sadd.s32 s12, s16  }
0xd: {  	s17 =	sadd.s32 s12, s17;
	s11 =	sshrl.u32 s11, $0x3;
	s30 =	sshrl.u32 s18, $0x3  }
0xe: {  	s13 =	sshrl.u32 s13, $0x3;
	s16 =	sshrl.u32 s16, $0x3;
	s31 =	sshrl.u32 s17, $0x3  }
0xf: {  	s15 =	smax.u32 s15, $0x1;
	s17 =	simm.s32 $0x2800;
	s18 =	simm.s32 $0x80  }
0x10: {  	s5 =	sadd.s32 s5, s4;
	s10 =	sadd.s32 s14, s11;
	s11 =	sadd.s32 s14, s30  }
0x11: {  	s12 =	sadd.s32 s14, s13;
	s13 =	sadd.s32 s14, s16;
	s14 =	sadd.s32 s14, s31  }
0x12: {  	v0 =	vimm.f32 $0.0e+00;
	v1 =	vimm.f32 $1.000000000e+00;
	s16 =	simm.s32 $0x1;
	s4 =	sadd.s32 $0xCC00, s5;
	s5 =	sadd.s32 s29, s2  }
.LBB2_1:
0x13: {  	[tilespmem:s3], [sflag:$0x1] =	stream.linear.gather [hbm4b:s4+s3], $0x2800, $0x38;
	[tilespmem:$0x1A400] =	vst v63  }
0x14: {  	_ =	swait.ge [sflag:s16], $0x2800  }
0x15: {  	[sflag:s16] =	ssyncset.done $0x0  }
0x16: {  	s20 =	simm.s32 $0x0;
	s21 =	simm.s32 $0x200;
	[sflag:s16] =	ssyncadd.s32 $0xFFFFD800  }
.LBB2_2:
0x17: {  	p0 =	sne.s32 s21, $0xFE00;
	[tilespmem:s20+$0x2870] =	vst v0  }
0x18: {  	[tilespmem:s20+$0x2800] =	vst v0  }
0x19: {  	[tilespmem:s20+$0x2810] =	vst v0  }
.Ltmp0:
0x1a: {  	[tilespmem:s20+$0x2820] =	vst v0;
	(pc) =	sbr.rel @p0 .LBB2_2-.Ltmp0, $4  }
0x1b: {  	[tilespmem:s20+$0x2830] =	vst v0  }
0x1c: {  	[tilespmem:s20+$0x2840] =	vst v0  }
0x1d: {  	[tilespmem:s20+$0x2850] =	vst v0  }
0x1e: {  	[tilespmem:s20+$0x2860] =	vst v0;
	s20 =	sshra.s32 s21, $0x2;
	s21 =	sadd.s32 $0x200, s21  }
0x1f: {  	[tilespmem:s20+$0x2870] =	vst v0  }
0x20: {  	[tilespmem:s20+$0x2800] =	vst v0  }
0x21: {  	[tilespmem:s20+$0x2810] =	vst v0  }
0x22: {  	[tilespmem:s20+$0x2820] =	vst v0  }
0x23: {  	[tilespmem:s20+$0x2830] =	vst v0  }
0x24: {  	[tilespmem:s20+$0x2840] =	vst v0  }
0x25: {  	[tilespmem:s20+$0x2850] =	vst v0  }
0x26: {  	[tilespmem:s20+$0x2860] =	vst v0  }
0x27: {  	[spmem:s5] =	stream.linear.scatter [tilespmem:s17], [sflag:$0x1], $0x4000, $0x38;
	[tilespmem:$0x1A400] =	vst v63  }
0x28: {  	_ =	swait.ge [sflag:s16], $0x4000  }
0x29: {  	[sflag:s16] =	ssyncset.done $0x0  }
0x2a: {  	[sflag:s16] =	ssyncadd.s32 $0xFFFFC000  }
0x2b: {  	[spmem:s6] =	stream.linear.scatter [tilespmem:s17], [sflag:$0x1], $0x4000, $0x38;
	[tilespmem:$0x1A400] =	vst v63  }
0x2c: {  	_ =	swait.ge [sflag:s16], $0x4000  }
0x2d: {  	[sflag:s16] =	ssyncset.done $0x0  }
0x2e: {  	[sflag:s16] =	ssyncadd.s32 $0xFFFFC000  }
0x2f: {  	[spmem:s7] =	stream.linear.scatter [tilespmem:s17], [sflag:$0x1], $0x4000, $0x38;
	[tilespmem:$0x1A400] =	vst v63  }
0x30: {  	_ =	swait.ge [sflag:s16], $0x4000  }
0x31: {  	[sflag:s16] =	ssyncset.done $0x0  }
0x32: {  	[sflag:s16] =	ssyncadd.s32 $0xFFFFC000  }
0x33: {  	[spmem:s8] =	stream.linear.scatter [tilespmem:s17], [sflag:$0x1], $0x4000, $0x38;
	[tilespmem:$0x1A400] =	vst v63  }
0x34: {  	_ =	swait.ge [sflag:s16], $0x4000  }
0x35: {  	[sflag:s16] =	ssyncset.done $0x0  }
0x36: {  	[sflag:s16] =	ssyncadd.s32 $0xFFFFC000  }
0x37: {  	[spmem:s9] =	stream.linear.scatter [tilespmem:s17], [sflag:$0x1], $0x3C00, $0x38;
	[tilespmem:$0x1A400] =	vst v63  }
0x38: {  	_ =	swait.ge [sflag:s16], $0x3C00  }
0x39: {  	[sflag:s16] =	ssyncset.done $0x0  }
0x3a: {  	[sflag:s16] =	ssyncadd.s32 $0xFFFFC400  }
0x3b: {  	s20 =	simm.s32 $0x0;
	s21 =	simm.s32 $0x200;
	[bflag:$0x0] =	sbarrier.arrive $0xFFFF  }
.LBB2_4:
0x3c: {  	p0 =	sne.s32 s21, $0xFE00;
	[tilespmem:s20+$0x2870] =	vst v1  }
0x3d: {  	[tilespmem:s20+$0x2800] =	vst v1  }
0x3e: {  	[tilespmem:s20+$0x2810] =	vst v1  }
.Ltmp1:
0x3f: {  	[tilespmem:s20+$0x2820] =	vst v1;
	(pc) =	sbr.rel @p0 .LBB2_4-.Ltmp1, $4  }
0x40: {  	[tilespmem:s20+$0x2830] =	vst v1  }
0x41: {  	[tilespmem:s20+$0x2840] =	vst v1  }
0x42: {  	[tilespmem:s20+$0x2850] =	vst v1  }
0x43: {  	[tilespmem:s20+$0x2860] =	vst v1;
	s20 =	sshra.s32 s21, $0x2;
	s21 =	sadd.s32 $0x200, s21  }
0x44: {  	[tilespmem:s20+$0x2870] =	vst v1  }
0x45: {  	[tilespmem:s20+$0x2800] =	vst v1  }
0x46: {  	[tilespmem:s20+$0x2810] =	vst v1  }
0x47: {  	[tilespmem:s20+$0x2820] =	vst v1  }
0x48: {  	[tilespmem:s20+$0x2830] =	vst v1  }
0x49: {  	[tilespmem:s20+$0x2840] =	vst v1  }
0x4a: {  	[tilespmem:s20+$0x2850] =	vst v1  }
0x4b: {  	[tilespmem:s20+$0x2860] =	vst v1;
	s31 =	simm.s32 $0x0  }
0x4c: {  	[spmem:s2] =	stream.indirect.scatter.add.f32 [tilespmem:s17], [sflag:$0x1], $0x80, s31, s18, $0xb8;
	[tilespmem:$0x1A400] =	vst v63  }
0x4d: {  	_ =	swait.ge [sflag:s16], $0x4000  }
0x4e: {  	s20 =	simm.s32 $0x200;
	[sflag:s16] =	ssyncset.done $0x0  }
.LBB2_6:
0x4f: {  	s21 =	sshra.s32 s20, $0x2;
	[sflag:s16] =	ssyncadd.s32 $0xFFFFC000;
	p0 =	sne.s32 s20, $0x9E00  }
0x50: {  	[spmem:s2] =	stream.indirect.scatter.add.f32 [tilespmem:s17], [sflag:$0x1], $0x80, s21, s18, $0xb8;
	[tilespmem:$0x1A400] =	vst v63  }
.Ltmp2:
0x51: {  	_ = 	snop;
	(pc) =	sbr.rel @p0 .LBB2_6-.Ltmp2, $4  }
0x52: {  	_ = 	snop  }
0x53: {  	s20 =	sadd.s32 $0x200, s20  }
0x54: {  	_ =	swait.ge [sflag:s16], $0x4000  }
0x55: {  	[sflag:s16] =	ssyncset.done $0x0  }
0x56: {  	[sflag:s16] =	ssyncadd.s32 $0xFFFFC000  }
0x57: {  	[bflag:$0x0] =	sbarrier.arrive $0xFFFF  }
0x58: {  	[tilespmem:s17], [sflag:$0x1] =	stream.linear.gather [spmem:s5], $0x4000, $0x38;
	[tilespmem:$0x1A400] =	vst v63  }
0x59: {  	_ =	swait.ge [sflag:s16], $0x4000  }
0x5a: {  	[sflag:s16] =	ssyncset.done $0x0  }
0x5b: {  	[sflag:s16] =	ssyncadd.s32 $0xFFFFC000  }
0x5c: {  	[hbm4b:s10+s3] =	stream.linear.scatter [tilespmem:s17], [sflag:$0x1], $0x4000, $0x38;
	[tilespmem:$0x1A400] =	vst v63  }
0x5d: {  	_ =	swait.ge [sflag:s16], $0x4000  }
0x5e: {  	[sflag:s16] =	ssyncset.done $0x0  }
0x5f: {  	[sflag:s16] =	ssyncadd.s32 $0xFFFFC000  }
0x60: {  	[tilespmem:s17], [sflag:$0x1] =	stream.linear.gather [spmem:s6], $0x4000, $0x38;
	[tilespmem:$0x1A400] =	vst v63  }
0x61: {  	_ =	swait.ge [sflag:s16], $0x4000  }
0x62: {  	[sflag:s16] =	ssyncset.done $0x0  }
0x63: {  	[sflag:s16] =	ssyncadd.s32 $0xFFFFC000  }
0x64: {  	[hbm4b:s11+s3] =	stream.linear.scatter [tilespmem:s17], [sflag:$0x1], $0x4000, $0x38;
	[tilespmem:$0x1A400] =	vst v63  }
0x65: {  	_ =	swait.ge [sflag:s16], $0x4000  }
0x66: {  	[sflag:s16] =	ssyncset.done $0x0  }
0x67: {  	[sflag:s16] =	ssyncadd.s32 $0xFFFFC000  }
0x68: {  	[tilespmem:s17], [sflag:$0x1] =	stream.linear.gather [spmem:s7], $0x4000, $0x38;
	[tilespmem:$0x1A400] =	vst v63  }
0x69: {  	_ =	swait.ge [sflag:s16], $0x4000  }
0x6a: {  	[sflag:s16] =	ssyncset.done $0x0  }
0x6b: {  	[sflag:s16] =	ssyncadd.s32 $0xFFFFC000  }
0x6c: {  	[hbm4b:s12+s3] =	stream.linear.scatter [tilespmem:s17], [sflag:$0x1], $0x4000, $0x38;
	[tilespmem:$0x1A400] =	vst v63  }
0x6d: {  	_ =	swait.ge [sflag:s16], $0x4000  }
0x6e: {  	[sflag:s16] =	ssyncset.done $0x0  }
0x6f: {  	[sflag:s16] =	ssyncadd.s32 $0xFFFFC000  }
0x70: {  	[tilespmem:s17], [sflag:$0x1] =	stream.linear.gather [spmem:s8], $0x4000, $0x38;
	[tilespmem:$0x1A400] =	vst v63  }
0x71: {  	_ =	swait.ge [sflag:s16], $0x4000  }
0x72: {  	[sflag:s16] =	ssyncset.done $0x0  }
0x73: {  	[sflag:s16] =	ssyncadd.s32 $0xFFFFC000  }
0x74: {  	[hbm4b:s13+s3] =	stream.linear.scatter [tilespmem:s17], [sflag:$0x1], $0x4000, $0x38;
	[tilespmem:$0x1A400] =	vst v63  }
0x75: {  	_ =	swait.ge [sflag:s16], $0x4000  }
0x76: {  	[sflag:s16] =	ssyncset.done $0x0  }
0x77: {  	[sflag:s16] =	ssyncadd.s32 $0xFFFFC000  }
0x78: {  	[tilespmem:s17], [sflag:$0x1] =	stream.linear.gather [spmem:s9], $0x3C00, $0x38;
	[tilespmem:$0x1A400] =	vst v63  }
0x79: {  	s19 =	sadd.s32 $0x1, s19;
	_ =	swait.ge [sflag:s16], $0x3C00  }
0x7a: {  	p0 =	sne.s32 s19, s15;
	[sflag:s16] =	ssyncset.done $0x0  }
.Ltmp3:
0x7b: {  	[sflag:s16] =	ssyncadd.s32 $0xFFFFC400;
	(pc) =	sbr.rel @p0 .LBB2_1-.Ltmp3, $4  }
0x7c: {  	[hbm4b:s14+s3] =	stream.linear.scatter [tilespmem:s17], [sflag:$0x1], $0x3C00, $0x38;
	[tilespmem:$0x1A400] =	vst v63  }
0x7d: {  	_ =	swait.ge [sflag:s16], $0x3C00  }
0x7e: {  	[sflag:s16] =	ssyncset.done $0x0  }
0x7f: {  	[sflag:s16] =	ssyncadd.s32 $0xFFFFC400  }
0x80: {  	_ =	sfence.sel $0x180000  }
0x81: {  	[bflag:$0x0] =	sbarrier.arrive $0xFFFF  }
0x82: {  	p0 =	sne.s32 s1, $0x0;
	_ =	strace $0x9000004D  }
0x83: {  	s0 =	sadd.s32 @!p0 $0x100000, s0;
	[bflag:$0x2] =	sbarrier.arrive $0xFFFF  }
0x84: {  	[sflag:s0] =	ssyncadd.tile.s32 @!p0 $0x1;
	_ =	shalt  }
.Lfunc_end2:
_tile_overlayer_lowered:
.L_overlay_start_2:
0x85: {  	(tag) =	ssettag $0x2  }
0x86: {  	s0 =	rddreg [dreg:$0x0];
	s2 =	stileid.u32  }
0x87: {  	s1 =	rddreg [dreg:$0x1];
	p0 =	sne.s32 s2, $0x0  }
0x88: {  	s3 =	rddreg [dreg:$0x2];
	[bflag:$0x3] =	sbarrier.arrive $0xFFFF;
	s2 =	simm.s32 @!p0 $0x1C01  }
0x89: {  	[timem:s3], [sflag:s2] =	dma.local @!p0 [hbm:s0], s1  }
0x8a: {  	s0 =	simm.s32 @!p0 $0x1  }
0x8b: {  	_ =	swait.ge @!p0 [sflag:s0], s1  }
0x8c: {  	s1 =	ssub.s32 @!p0 $0x0, s1;
	[sflag:s0] =	ssyncset.done @!p0 $0x0  }
0x8d: {  	[sflag:s0] =	ssyncadd.s32 @!p0 s1  }
0x8e: {  	[bflag:$0x3] =	sbarrier.arrive $0xFFFF  }
0x8f: {  	_ =	shalt  }

// kernel: kernel.13.cloned.1.call-start
scs
__scs_entry_jumppad:
0x0: {  	(pc) =	sbr.rel $0x88, $3  }
0x1: {  	(tag) =	ssettag $0x0;
	lr =	simm.s32 $0x1  }
0x2: {  	[smem:$0x3F96] =	sst lr;
	_ =	strace $0xD0000000  }
0x3: {  	_ = 	snop  }
0x4: {  	_ = 	snop  }
0x5: {  	_ = 	snop  }
0x6: {  	_ = 	snop  }
0x7: {  	_ = 	snop  }
__scs_overlays_trampoline_lowered:
0x8: {  	[smem:$0x3FA5] =	sst s0  }
0x9: {  	[smem:$0x3FA6] =	sst s1  }
0xa: {  	[smem:$0x3FA7] =	sst s2  }
0xb: {  	[smem:$0x3FA8] =	sst s3  }
0xc: {  	[smem:$0x3FA9] =	sst s4  }
0xd: {  	[smem:$0x3FAA] =	sst s5  }
0xe: {  	[smem:$0x3FAB] =	sst s6  }
0xf: {  	[smem:$0x3FAC] =	sst s7  }
0x10: {  	[smem:$0x3FAD] =	sst s8  }
0x11: {  	[smem:$0x3FAE] =	sst s9;
	s0 =	simm.s32 @!p0 $0x0  }
0x12: {  	s1 =	sld [smem:$0x3F94];
	s0 =	simm.s32 @p0 $0x1  }
0x13: {  	[smem:$0x3FAF] =	sst s0;
	s0 =	simm.s32 @!p1 $0x0  }
0x14: {  	s2 =	sld [smem:$0x3F93];
	s0 =	simm.s32 @p1 $0x1  }
0x15: {  	[smem:$0x3FB0] =	sst s0;
	s0 =	simm.s32 @!p2 $0x0  }
0x16: {  	s3 =	sld [smem:$0x3FDB];
	s0 =	simm.s32 @p2 $0x1  }
0x17: {  	s4 =	simm.s32 $0x1BF5;
	[smem:$0x3FB2] =	sst s0  }
0x18: {  	s0 =	sld [smem:$0x3F95];
	_ =	swait.ge [sflag:s4], $0x0  }
0x19: {  	s7 =	sld [smem:$0x3F96]  }
0x1a: {  	s8 =	sadd.s32 $0xFFFFE003, lr  }
0x1b: {  	s9 =	sadd.s32 $0xFFFFFEF7, lr;
	s5 =	simm.s32 $0xFFFFFFFF;
	p2 =	slt.u32 s8, $0xFFFFF086  }
0x1c: {  	p1 =	slt.u32 s9, $0xF7A;
	s5 =	simm.s32 @!p2 $0x0  }
0x1d: {  	s5 =	simm.s32 @p1 $0x1;
	p0 =	seq.s32 s7, s2  }
0x1e: {  	s7 =	smul.u32 @!p0 $0xF7A, s2;
	p2 =	seq.s32 @!p0 s5, $0x0  }
0x1f: {  	s9 =	smul.u32 $0xF7A, s1;
	s8 =	simm.s32 @!p0 $0x1BF5;
	p2 =	por !p2, p0  }
0x20: {  	[sflag:s8] =	ssyncset.s32 @!p0 $0xFFFFF086;
	s6 =	sadd.s32 @!p0 s3, s7;
	s7 =	simm.s32 @!p0 $0x108  }
0x21: {  	s3 =	sadd.s32 s3, s9;
	s6 =	sadd.s32 @!p0 $0x88, s6;
	s7 =	simm.s32 @p2 $0x1082  }
0x22: {  	[simem:s7], [sflag:s8] =	dma.local @!p0 [hbm:s6], $0xF7A  }
0x23: {  	s9 =	sor.u32 $0xD0000000, s2;
	s6 =	simm.s32 $0x108;
	_ =	swait.ge @!p0 [sflag:s8], $0x0  }
0x24: {  	s3 =	sadd.s32 $0x88, s3;
	s6 =	simm.s32 @!p1 $0x1082;
	[sflag:s4] =	ssyncset.s32 $0xFFFFF086  }
0x25: {  	[simem:s6], [sflag:s4] =	dma.local [hbm:s3], $0xF7A  }
0x26: {  	[smem:$0x3F96] =	sst s1;
	(tag) =	ssettag s2;
	_ =	strace s9  }
0x27: {  	s1 =	sld [smem:$0x3FA6]  }
0x28: {  	s2 =	sld [smem:$0x3FA7]  }
0x29: {  	s4 =	sld [smem:$0x3FA9]  }
0x2a: {  	p0 =	seq.s32 s5, $0x0;
	s5 =	sld [smem:$0x3FAA]  }
0x2b: {  	s6 =	sld [smem:$0x3FAB]  }
0x2c: {  	s7 =	sld [smem:$0x3FAC]  }
0x2d: {  	s3 =	simm.s32 $0x108;
	s8 =	sld [smem:$0x3FAD]  }
0x2e: {  	s3 =	simm.s32 @!p0 $0x1082;
	s9 =	sld [smem:$0x3FAE]  }
0x2f: {  	lr =	sadd.s32 s0, s3;
	s0 =	sld [smem:$0x3FA5]  }
0x30: {  	s3 =	sld [smem:$0x3FA8]  }
0x31: {  	[smem:$0x3FB1] =	sst s10  }
0x32: {  	s10 =	sld [smem:$0x3FAF];
	_ =	sdelay $0x3  }
0x33: {  	p0 =	seq.s32 s10, $0x1;
	s10 =	sld [smem:$0x3FB1];
	_ =	sdelay $0x3  }
0x34: {  	[smem:$0x3FB1] =	sst s10  }
0x35: {  	s10 =	sld [smem:$0x3FB0];
	_ =	sdelay $0x3  }
0x36: {  	p1 =	seq.s32 s10, $0x1;
	s10 =	sld [smem:$0x3FB1];
	_ =	sdelay $0x3  }
0x37: {  	[smem:$0x3FB1] =	sst s10  }
0x38: {  	s10 =	sld [smem:$0x3FB2]  }
0x39: {  	_ = 	snop;
	(pc) =	sbr.ind lr, $3  }
0x3a: {  	_ = 	snop  }
0x3b: {  	_ = 	snop  }
0x3c: {  	p2 =	seq.s32 s10, $0x1;
	s10 =	sld [smem:$0x3FB1]  }
0x3d: {  	_ =	shalt  }
0x3e: {  	_ =	shalt  }
0x3f: {  	_ =	shalt  }
0x40: {  	_ =	shalt  }
0x41: {  	_ =	shalt  }
0x42: {  	_ =	shalt  }
0x43: {  	_ =	shalt  }
0x44: {  	_ =	shalt  }
0x45: {  	_ =	shalt  }
0x46: {  	_ =	shalt  }
0x47: {  	_ =	shalt  }
0x48: {  	_ =	shalt  }
0x49: {  	_ =	shalt  }
0x4a: {  	_ =	shalt  }
0x4b: {  	_ =	shalt  }
0x4c: {  	_ =	shalt  }
0x4d: {  	_ =	shalt  }
0x4e: {  	_ =	shalt  }
0x4f: {  	_ =	shalt  }
0x50: {  	_ =	shalt  }
0x51: {  	_ =	shalt  }
0x52: {  	_ =	shalt  }
0x53: {  	_ =	shalt  }
0x54: {  	_ =	shalt  }
0x55: {  	_ =	shalt  }
0x56: {  	_ =	shalt  }
0x57: {  	_ =	shalt  }
0x58: {  	_ =	shalt  }
0x59: {  	_ =	shalt  }
0x5a: {  	_ =	shalt  }
0x5b: {  	_ =	shalt  }
0x5c: {  	_ =	shalt  }
0x5d: {  	_ =	shalt  }
0x5e: {  	_ =	shalt  }
0x5f: {  	_ =	shalt  }
0x60: {  	_ =	shalt  }
0x61: {  	_ =	shalt  }
0x62: {  	_ =	shalt  }
0x63: {  	_ =	shalt  }
0x64: {  	_ =	shalt  }
0x65: {  	_ =	shalt  }
0x66: {  	_ =	shalt  }
0x67: {  	_ =	shalt  }
0x68: {  	_ =	shalt  }
0x69: {  	_ =	shalt  }
0x6a: {  	_ =	shalt  }
0x6b: {  	_ =	shalt  }
0x6c: {  	_ =	shalt  }
0x6d: {  	_ =	shalt  }
0x6e: {  	_ =	shalt  }
0x6f: {  	_ =	shalt  }
0x70: {  	_ =	shalt  }
0x71: {  	_ =	shalt  }
0x72: {  	_ =	shalt  }
0x73: {  	_ =	shalt  }
0x74: {  	_ =	shalt  }
0x75: {  	_ =	shalt  }
0x76: {  	_ =	shalt  }
0x77: {  	_ =	shalt  }
0x78: {  	_ =	shalt  }
0x79: {  	_ =	shalt  }
0x7a: {  	_ =	shalt  }
0x7b: {  	_ =	shalt  }
0x7c: {  	_ =	shalt  }
0x7d: {  	_ =	shalt  }
0x7e: {  	_ =	shalt  }
0x7f: {  	_ =	shalt  }
0x80: {  	_ =	shalt  }
0x81: {  	_ =	shalt  }
0x82: {  	_ =	shalt  }
0x83: {  	_ =	shalt  }
0x84: {  	_ =	shalt  }
0x85: {  	_ =	shalt  }
0x86: {  	_ =	shalt  }
0x87: {  	_ =	shalt  }
.Lfunc_end0:
.L_simem_size_0:
called_computation.1_lowered:
.L_overlay_start_0:
0x88: {  	s2 =	sld [smem:$0x3FD9]  }
0x89: {  	s3 =	sld [smem:$0x3FFE];
	_ =	sdelay $0x1  }
0x8a: {  	s1 =	srdreg.scid  }
0x8b: {  	s0 =	sand.u32 $0x1, s1  }
0x8c: {  	s17 =	sshll.u32 s0, $0xA;
	s2 =	sadd.s32 s3, s2  }
0x8d: {  	s2 =	sadd.s32 s2, s17  }
0x8e: {  	[smem:$0x3FBD] =	sst s2  }
0x8f: {  	_ = 	snop  }
0x90: {  	s2 =	sld [smem:$0x3FD0];
	(tm) =	ssettm $0x1  }
0x91: {  	s18 =	sld [smem:$0x3FFB];
	_ =	sdelay $0x3  }
0x92: {  	_ =	strace s18  }
0x93: {  	s3 =	sld [smem:$0x3FFC];
	_ =	sdelay $0x3  }
0x94: {  	_ =	strace s3  }
0x95: {  	s3 =	sld [smem:$0x3FFD];
	_ =	sdelay $0x3  }
0x96: {  	_ =	strace s3  }
0x97: {  	_ =	strace $0x8FFFFFFF  }
0x98: {  	s19 =	sld [smem:$0x3FDB];
	_ =	sdelay $0x1  }
0x99: {  	s4 =	simm.s32 $_scs_section_size  }
0x9a: {  	s5 =	simm.s32 $_size__tile_overlayer_lowered;
	s6 =	simm.s32 $_tile_overlayer_lowered  }
0x9b: {  	s22 =	simm.s32 $0x1BFF;
	s21 =	sshll.u32 s6, $0x1;
	s3 =	sadd.s32 s4, s19  }
0x9c: {  	s7 =	simm.s32 $0x0;
	s20 =	sshll.u32 s5, $0x1;
	s5 =	sadd.s32 s21, s3  }
0x9d: {  	[timem:s7], [sflag:s22] =	dma.local [hbm:s5], s20  }
0x9e: {  	_ =	swait.ge [sflag:s22], s20  }
0x9f: {  	s4 =	ssub.s32 $0x0, s20;
	[sflag:s22] =	ssyncset.done $0x0  }
0xa0: {  	[sflag:s22] =	ssyncadd.s32 s4;
	_ =	sdelay $0x1  }
0xa1: {  	s23 =	simm.s32 $0x1B8B  }
0xa2: {  	_ =	swait.ge [sflag:s23], $0x1  }
0xa3: {  	[sflag:s23] =	ssyncset.done $0x0  }
0xa4: {  	s25 =	simm.s32 $0x1B8E;
	s24 =	sld [smem:$0x3FFE];
	[sflag:s23] =	ssyncadd.s32 $0xFFFFFFFF  }
0xa5: {  	s26 =	simm.s32 $execute0_lowered;
	[smem:$0x3FD2] =	sst s25  }
0xa6: {  	s5 =	sshll.u32 s26, $0x1;
	_ =	strace $0x80000046;
	[dreg:$0x1] =	wrdreg $0xFFFFFFFF  }
0xa7: {  	s28 =	simm.s32 $_size_execute0_lowered;
	s3 =	sadd.s32 s3, s5;
	[dreg:$0x0] =	wrdreg $0x0  }
0xa8: {  	s5 =	sshll.u32 s28, $0x1;
	[dreg:$0x2] =	wrdreg s3  }
0xa9: {  	[dreg:$0x3] =	wrdreg s5  }
0xaa: {  	[dreg:$0x4] =	wrdreg $0xC0  }
0xab: {  	_ =	task [dreg:s7], $0x5FFFF  }
0xac: {  	[dreg:$0x1] =	wrdreg $0xFFFFFFFF  }
0xad: {  	[dreg:$0x0] =	wrdreg $0x60  }
0xae: {  	[dreg:$0x2] =	wrdreg s2  }
0xaf: {  	[dreg:$0x3] =	wrdreg s24  }
0xb0: {  	[dreg:$0x4] =	wrdreg $0xA8000  }
0xb1: {  	[dreg:$0x5] =	wrdreg $0xA  }
0xb2: {  	_ =	task.clear_ibuf [dreg:s7], $0x6FFFF;
	_ =	strace $0x90000046  }
0xb3: {  	s29 =	simm.s32 $0xA;
	_ =	strace $0x8000004B  }
0xb4: {  	_ =	swait.ge [sflag:s29], $0x1  }
0xb5: {  	[sflag:s29] =	ssyncadd.s32 $0xFFFFFFFF  }
0xb6: {  	_ =	strace $0x9000004B  }
0xb7: {  	_ =	sfence  }
0xb8: {  	s30 =	sld [smem:$0x0];
	_ =	sdelay $0x2  }
0xb9: {  	s31 =	sshll.u32 s1, $0xD;
	s1 =	sshrl.u32 s1, $0x2  }
0xba: {  	s3 =	sand.u32 $0x4000, s31;
	s1 =	sadd.s32 s1, s30  }
0xbb: {  	s0 =	sor.u32 s3, s0;
	s1 =	sshll.u32 s1, $0x11  }
0xbc: {  	s0 =	sor.u32 s1, s0  }
0xbd: {  	s0 =	sadd.s32 $0x8F2B, s0  }
0xbe: {  	[sflag:s0] =	ssyncadd.remote.s32 $0x1  }
0xbf: {  	_ =	sfence.sel $0xFFFF  }
0xc0: {  	[dreg:$0x0] =	wrdreg $0xFFFFFFFF;
	(pc) =	sbr.abs _section_cstart, $3  }
0xc1: {  	[dreg:$0x1] =	wrdreg $0xFFFFFFFF  }
0xc2: {  	_ =	task.clear_ibuf [dreg:s7], $0x2FFFF;
	_ =	strace $0x9FFFFFFF  }
0xc3: {  	(tm) =	ssettm $0x7FFFFFFF  }
tec
execute0_lowered:
.L_overlay_start_1:
0x0: {  	(tag) =	ssettag $0x1  }
0x1: {  	s1 =	rddreg [dreg:$0x0]  }
0x2: {  	s0 =	rddreg [dreg:$0x1]  }
0x3: {  	s2 =	rddreg [dreg:$0x2];
	s4 =	simm.s32 $0x0;
	s3 =	srdreg.scid  }
0x4: {  	s18 =	stileid.u32;
	s20 =	simm.s32 $0x2800;
	s21 =	simm.s32 $0x5  }
0x5: {  	s22 =	simm.s32 $0x1400;
	s23 =	simm.s32 $0x80;
	s28 =	simm.s32 $0x3  }
0x6: {  	s29 =	simm.s32 $0x100;
	s30 =	simm.s32 $0x1480;
	s31 =	simm.s32 $0x4  }
0x7: {  	[smem:$0x7FF] =	sst s4;
	s10 =	sadd.s32 $0x2C00, s0;
	s3 =	sand.u32 $0x1, s3  }
0x8: {  	s5 =	smul.u32 $0x4F000, s18;
	s11 =	sadd.s32 $0xCC00, s0;
	s0 =	sadd.s32 $0x16C00, s0  }
0x9: {  	s9 =	smul.u32 $0x13C00, s18;
	_ =	strace $0x80000047;
	s6 =	ssub.s32 $0x2, s3  }
0xa: {  	p0 =	seq.s32 s3, $0x0;
	s3 =	smul.u32 $0x13C000, s3;
	s7 =	sshrl.u32 s6, $0x1  }
0xb: {  	s5 =	sshrl.u32 s5, $0x2;
	s12 =	sadd.s32 $0x4000, s9;
	s13 =	sadd.s32 $0x8000, s9  }
0xc: {  	s14 =	sadd.s32 $0xC000, s9;
	s16 =	sadd.s32 $0x10000, s9;
	s15 =	ssub.s32 s6, s7  }
0xd: {  	s5 =	sadd.s32 s5, s2;
	s6 =	sadd.s32 s12, s2;
	s7 =	sadd.s32 s13, s2  }
0xe: {  	s8 =	sadd.s32 s14, s2;
	s17 =	sadd.s32 s9, s3;
	s9 =	sadd.s32 s16, s2  }
0xf: {  	s12 =	sadd.s32 s3, s12;
	s13 =	sadd.s32 s3, s13;
	s25 =	sadd.s32 s3, s14  }
0x10: {  	s3 =	sadd.s32 s3, s16;
	s17 =	sshrl.u32 s17, $0x3;
	s12 =	sshrl.u32 s12, $0x3  }
0x11: {  	s24 =	sshrl.u32 s13, $0x3;
	s13 =	sshrl.u32 s25, $0x3;
	s3 =	sshrl.u32 s3, $0x3  }
0x12: {  	s15 =	smax.u32 s15, $0x1;
	s25 =	simm.s32 $0x6800;
	s17 =	sadd.s32 s0, s17  }
0x13: {  	s12 =	sadd.s32 s0, s12;
	[dreg:$0x4] =	wrdreg s17;
	s17 =	smul.u32 $0x500, s18  }
.Ltmp0:
0x14: {  	s13 =	sadd.s32 s0, s13;
	s14 =	sadd.s32 s0, s3;
	(pc) =	sbr.rel .LBB2_1-.Ltmp0, $4  }
0x15: {  	[dreg:$0x5] =	wrdreg s12;
	s12 =	sadd.s32 s0, s24;
	s18 =	sadd.s32 $0x5000, s17  }
0x16: {  	s24 =	simm.s32 $0x1;
	s0 =	simm.s32 $0x0;
	s18 =	smov.u32 @p0 s17  }
0x17: {  	s16 =	sadd.s32 s10, s18;
	s26 =	sadd.s32 $0x280, s18;
	s17 =	sadd.s32 s11, s18  }
0x18: {  	v0 =	vimm.f32 $0.0e+00;
	s18 =	sadd.s32 s10, s26;
	s19 =	sadd.s32 s11, s26;
	s26 =	simm.s32 $0x2  }
.LBB2_9:
0x19: {  	[spmem:s2] =	stream.indirect.scatter.add.f32 [tilespmem:s25], [sflag:$0x4], $0x80, s11, s23, $0x2000b8;
	[tilespmem:$0x1E400] =	vst v63  }
0x1a: {  	_ =	swait.ge [sflag:s31], $0x4000  }
0x1b: {  	[sflag:s31] =	ssyncset.done $0x0  }
0x1c: {  	[sflag:s31] =	ssyncadd.s32 $0xFFFFC000  }
0x1d: {  	[bflag:$0x0] =	sbarrier.arrive $0xFFFF  }
0x1e: {  	_ =	strace $0x90000049  }
0x1f: {  	_ =	strace $0x8000004A  }
0x20: {  	[tilespmem:s20], [sflag:$0x5] =	stream.linear.gather [spmem:s5], $0x4000, $0x200038;
	[tilespmem:$0x1E400] =	vst v63  }
0x21: {  	_ =	swait.ge [sflag:s21], $0x4000  }
0x22: {  	[sflag:s21] =	ssyncset.done $0x0  }
0x23: {  	s3 =	rddreg [dreg:$0x4];
	[sflag:s21] =	ssyncadd.s32 $0xFFFFC000  }
0x24: {  	[hbm4b:s3+s4] =	stream.linear.scatter [tilespmem:s20], [sflag:$0x5], $0x4000, $0x200038;
	[tilespmem:$0x1E400] =	vst v63  }
0x25: {  	_ =	swait.ge [sflag:s21], $0x4000  }
0x26: {  	[sflag:s21] =	ssyncset.done $0x0  }
0x27: {  	[sflag:s21] =	ssyncadd.s32 $0xFFFFC000  }
0x28: {  	[tilespmem:s20], [sflag:$0x5] =	stream.linear.gather [spmem:s6], $0x4000, $0x200038;
	[tilespmem:$0x1E400] =	vst v63  }
0x29: {  	_ =	swait.ge [sflag:s21], $0x4000  }
0x2a: {  	[sflag:s21] =	ssyncset.done $0x0  }
0x2b: {  	s11 =	rddreg [dreg:$0x5];
	[sflag:s21] =	ssyncadd.s32 $0xFFFFC000  }
0x2c: {  	[hbm4b:s11+s4] =	stream.linear.scatter [tilespmem:s20], [sflag:$0x5], $0x4000, $0x200038;
	[tilespmem:$0x1E400] =	vst v63  }
0x2d: {  	_ =	swait.ge [sflag:s21], $0x4000  }
0x2e: {  	[sflag:s21] =	ssyncset.done $0x0  }
0x2f: {  	[sflag:s21] =	ssyncadd.s32 $0xFFFFC000  }
0x30: {  	[tilespmem:s20], [sflag:$0x5] =	stream.linear.gather [spmem:s7], $0x4000, $0x200038;
	[tilespmem:$0x1E400] =	vst v63  }
0x31: {  	_ =	swait.ge [sflag:s21], $0x4000  }
0x32: {  	[sflag:s21] =	ssyncset.done $0x0  }
0x33: {  	[sflag:s21] =	ssyncadd.s32 $0xFFFFC000  }
0x34: {  	[hbm4b:s12+s4] =	stream.linear.scatter [tilespmem:s20], [sflag:$0x5], $0x4000, $0x200038;
	[tilespmem:$0x1E400] =	vst v63  }
0x35: {  	_ =	swait.ge [sflag:s21], $0x4000  }
0x36: {  	[sflag:s21] =	ssyncset.done $0x0  }
0x37: {  	[sflag:s21] =	ssyncadd.s32 $0xFFFFC000  }
0x38: {  	[tilespmem:s20], [sflag:$0x5] =	stream.linear.gather [spmem:s8], $0x4000, $0x200038;
	[tilespmem:$0x1E400] =	vst v63  }
0x39: {  	_ =	swait.ge [sflag:s21], $0x4000  }
0x3a: {  	[sflag:s21] =	ssyncset.done $0x0  }
0x3b: {  	[sflag:s21] =	ssyncadd.s32 $0xFFFFC000  }
0x3c: {  	[hbm4b:s13+s4] =	stream.linear.scatter [tilespmem:s20], [sflag:$0x5], $0x4000, $0x200038;
	[tilespmem:$0x1E400] =	vst v63  }
0x3d: {  	_ =	swait.ge [sflag:s21], $0x4000  }
0x3e: {  	[sflag:s21] =	ssyncset.done $0x0  }
0x3f: {  	[sflag:s21] =	ssyncadd.s32 $0xFFFFC000  }
0x40: {  	[tilespmem:s20], [sflag:$0x5] =	stream.linear.gather [spmem:s9], $0x3C00, $0x200038;
	[tilespmem:$0x1E400] =	vst v63  }
0x41: {  	_ =	swait.ge [sflag:s21], $0x3C00  }
0x42: {  	s0 =	sadd.s32 $0x1, s0;
	[sflag:s21] =	ssyncset.done $0x0  }
0x43: {  	p0 =	sne.s32 s0, s15;
	[sflag:s21] =	ssyncadd.s32 $0xFFFFC400  }
0x44: {  	[hbm4b:s14+s4] =	stream.linear.scatter [tilespmem:s20], [sflag:$0x5], $0x3C00, $0x200038;
	[tilespmem:$0x1E400] =	vst v63  }
.Ltmp1:
0x45: {  	_ = 	snop;
	(pc) =	sbr.rel @!p0 .LBB2_10-.Ltmp1, $4  }
0x46: {  	_ =	swait.ge [sflag:s21], $0x3C00  }
0x47: {  	[sflag:s21] =	ssyncset.done $0x0  }
0x48: {  	[sflag:s21] =	ssyncadd.s32 $0xFFFFC400  }
0x49: {  	_ =	strace $0x9000004A  }
.LBB2_1:
0x4a: {  	_ =	strace $0x80000048;
	s3 =	simm.s32 $0x0;
	s10 =	simm.s32 $0x200  }
.LBB2_2:
0x4b: {  	p0 =	sne.s32 s10, $0xFE00;
	[tilespmem:s3+$0x2870] =	vst v0  }
0x4c: {  	[tilespmem:s3+$0x2800] =	vst v0  }
0x4d: {  	[tilespmem:s3+$0x2810] =	vst v0  }
.Ltmp2:
0x4e: {  	[tilespmem:s3+$0x2820] =	vst v0;
	(pc) =	sbr.rel @p0 .LBB2_2-.Ltmp2, $4  }
0x4f: {  	[tilespmem:s3+$0x2830] =	vst v0  }
0x50: {  	[tilespmem:s3+$0x2840] =	vst v0  }
0x51: {  	[tilespmem:s3+$0x2850] =	vst v0  }
0x52: {  	[tilespmem:s3+$0x2860] =	vst v0;
	s3 =	sshra.s32 s10, $0x2;
	s10 =	sadd.s32 $0x200, s10  }
0x53: {  	[tilespmem:s3+$0x2870] =	vst v0  }
0x54: {  	[tilespmem:s3+$0x2800] =	vst v0  }
0x55: {  	[tilespmem:s3+$0x2810] =	vst v0  }
0x56: {  	[tilespmem:s3+$0x2820] =	vst v0  }
0x57: {  	[tilespmem:s3+$0x2830] =	vst v0  }
0x58: {  	[tilespmem:s3+$0x2840] =	vst v0  }
0x59: {  	[tilespmem:s3+$0x2850] =	vst v0  }
0x5a: {  	[tilespmem:s3+$0x2860] =	vst v0  }
0x5b: {  	[spmem:s5] =	stream.linear.scatter [tilespmem:s20], [sflag:$0x5], $0x4000, $0x200038;
	[tilespmem:$0x1E400] =	vst v63  }
0x5c: {  	_ =	swait.ge [sflag:s21], $0x4000  }
0x5d: {  	[sflag:s21] =	ssyncset.done $0x0  }
0x5e: {  	[sflag:s21] =	ssyncadd.s32 $0xFFFFC000  }
0x5f: {  	[spmem:s6] =	stream.linear.scatter [tilespmem:s20], [sflag:$0x5], $0x4000, $0x200038;
	[tilespmem:$0x1E400] =	vst v63  }
0x60: {  	_ =	swait.ge [sflag:s21], $0x4000  }
0x61: {  	[sflag:s21] =	ssyncset.done $0x0  }
0x62: {  	[sflag:s21] =	ssyncadd.s32 $0xFFFFC000  }
0x63: {  	[spmem:s7] =	stream.linear.scatter [tilespmem:s20], [sflag:$0x5], $0x4000, $0x200038;
	[tilespmem:$0x1E400] =	vst v63  }
0x64: {  	_ =	swait.ge [sflag:s21], $0x4000  }
0x65: {  	[sflag:s21] =	ssyncset.done $0x0  }
0x66: {  	[sflag:s21] =	ssyncadd.s32 $0xFFFFC000  }
0x67: {  	[spmem:s8] =	stream.linear.scatter [tilespmem:s20], [sflag:$0x5], $0x4000, $0x200038;
	[tilespmem:$0x1E400] =	vst v63  }
0x68: {  	_ =	swait.ge [sflag:s21], $0x4000  }
0x69: {  	[sflag:s21] =	ssyncset.done $0x0  }
0x6a: {  	[sflag:s21] =	ssyncadd.s32 $0xFFFFC000  }
0x6b: {  	[spmem:s9] =	stream.linear.scatter [tilespmem:s20], [sflag:$0x5], $0x3C00, $0x200038;
	[tilespmem:$0x1E400] =	vst v63  }
0x6c: {  	_ =	swait.ge [sflag:s21], $0x3C00  }
0x6d: {  	[sflag:s21] =	ssyncset.done $0x0  }
0x6e: {  	[sflag:s21] =	ssyncadd.s32 $0xFFFFC400  }
0x6f: {  	[bflag:$0x0] =	sbarrier.arrive $0xFFFF  }
0x70: {  	_ =	strace $0x90000048  }
0x71: {  	_ =	strace $0x80000049  }
0x72: {  	[tilespmem:s4], [sflag:$0x5] =	stream.linear.gather [hbm4b:s16+s4], $0x1400, $0x200038;
	[tilespmem:$0x1E400] =	vst v63  }
0x73: {  	_ =	swait.ge [sflag:s21], $0x1400  }
0x74: {  	[sflag:s21] =	ssyncset.done $0x0  }
0x75: {  	[sflag:s21] =	ssyncadd.s32 $0xFFFFEC00  }
0x76: {  	[tilespmem:s22], [sflag:$0x5] =	stream.linear.gather [hbm4b:s17+s4], $0x1400, $0x200038;
	[tilespmem:$0x1E400] =	vst v63  }
0x77: {  	_ =	swait.ge [sflag:s21], $0x1400  }
0x78: {  	[sflag:s21] =	ssyncset.done $0x0  }
0x79: {  	[sflag:s21] =	ssyncadd.s32 $0xFFFFEC00  }
0x7a: {  	[tilespmem:s20], [sflag:$0x1] =	stream.indirect.gather [hbm4b:s1+s23], $0x80, s4, s23, $0x2000b8;
	[tilespmem:$0x1E400] =	vst v63  }
0x7b: {  	_ =	swait.ge [sflag:s24], $0x4000  }
0x7c: {  	[sflag:s24] =	ssyncset.done $0x0  }
0x7d: {  	[sflag:s24] =	ssyncadd.s32 $0xFFFFC000  }
0x7e: {  	[tilespmem:s25], [sflag:$0x2] =	stream.indirect.gather [hbm4b:s1+s23], $0x80, s23, s23, $0x2000b8;
	[tilespmem:$0x1E400] =	vst v63  }
0x7f: {  	_ = 	snop  }
0x80: {  	[spmem:s2] =	stream.indirect.scatter.add.f32 [tilespmem:s20], [sflag:$0x3], $0x80, s22, s23, $0x2000b8;
	[tilespmem:$0x1E400] =	vst v63  }
0x81: {  	_ =	swait.ge [sflag:s26], $0x4000  }
0x82: {  	[sflag:s26] =	ssyncset.done $0x0  }
0x83: {  	[sflag:s26] =	ssyncadd.s32 $0xFFFFC000  }
0x84: {  	_ =	swait.ge [sflag:s28], $0x4000  }
0x85: {  	[sflag:s28] =	ssyncset.done $0x0  }
0x86: {  	[sflag:s28] =	ssyncadd.s32 $0xFFFFC000  }
0x87: {  	[tilespmem:s20], [sflag:$0x1] =	stream.indirect.gather [hbm4b:s1+s23], $0x80, s29, s23, $0x2000b8;
	[tilespmem:$0x1E400] =	vst v63  }
0x88: {  	s3 =	simm.s32 $0xFFFFB800  }
0x89: {  	[spmem:s2] =	stream.indirect.scatter.add.f32 [tilespmem:s25], [sflag:$0x4], $0x80, s30, s23, $0x2000b8;
	[tilespmem:$0x1E400] =	vst v63  }
.LBB2_4:
0x8a: {  	_ =	swait.ge [sflag:s24], $0x4000  }
0x8b: {  	[sflag:s24] =	ssyncset.done $0x0  }
0x8c: {  	[sflag:s24] =	ssyncadd.s32 $0xFFFFC000  }
0x8d: {  	_ =	swait.ge [sflag:s31], $0x4000  }
0x8e: {  	s10 =	sshra.s32 s3, $0x2;
	[sflag:s31] =	ssyncset.done $0x0  }
0x8f: {  	s11 =	sadd.s32 $0x1380, s10;
	[sflag:s31] =	ssyncadd.s32 $0xFFFFC000  }
0x90: {  	[tilespmem:s25], [sflag:$0x2] =	stream.indirect.gather [hbm4b:s1+s23], $0x80, s11, s23, $0x2000b8;
	[tilespmem:$0x1E400] =	vst v63  }
0x91: {  	s11 =	sadd.s32 $0x2700, s10  }
0x92: {  	[spmem:s2] =	stream.indirect.scatter.add.f32 [tilespmem:s20], [sflag:$0x3], $0x80, s11, s23, $0x2000b8;
	[tilespmem:$0x1E400] =	vst v63  }
0x93: {  	p0 =	seq.s32 s3, $0x0;
	_ =	swait.ge [sflag:s26], $0x4000  }
.Ltmp3:
0x94: {  	[sflag:s26] =	ssyncset.done $0x0;
	(pc) =	sbr.rel @p0 .LBB2_6-.Ltmp3, $4  }
0x95: {  	[sflag:s26] =	ssyncadd.s32 $0xFFFFC000  }
0x96: {  	_ =	swait.ge [sflag:s28], $0x4000  }
0x97: {  	[sflag:s28] =	ssyncset.done $0x0  }
0x98: {  	s11 =	sadd.s32 $0x2780, s10;
	[sflag:s28] =	ssyncadd.s32 $0xFFFFC000  }
.Ltmp4:
0x99: {  	(pc) =	sbr.rel .LBB2_4-.Ltmp4, $4  }
0x9a: {  	s10 =	sadd.s32 $0x1400, s10  }
0x9b: {  	[tilespmem:s20], [sflag:$0x1] =	stream.indirect.gather [hbm4b:s1+s23], $0x80, s10, s23, $0x2000b8;
	[tilespmem:$0x1E400] =	vst v63  }
0x9c: {  	s3 =	sadd.s32 $0x400, s3  }
0x9d: {  	[spmem:s2] =	stream.indirect.scatter.add.f32 [tilespmem:s25], [sflag:$0x4], $0x80, s11, s23, $0x2000b8;
	[tilespmem:$0x1E400] =	vst v63  }
.LBB2_6:
0x9e: {  	[spmem:s2] =	stream.indirect.scatter.add.f32 [tilespmem:s25], [sflag:$0x4], $0x80, s11, s23, $0x2000b8;
	[tilespmem:$0x1E400] =	vst v63  }
0x9f: {  	_ = 	snop  }
0xa0: {  	[tilespmem:s4], [sflag:$0x5] =	stream.linear.gather [hbm4b:s18+s4], $0x1400, $0x200038;
	[tilespmem:$0x1E400] =	vst v63  }
0xa1: {  	_ =	swait.ge [sflag:s21], $0x1400  }
0xa2: {  	[sflag:s21] =	ssyncset.done $0x0  }
0xa3: {  	[sflag:s21] =	ssyncadd.s32 $0xFFFFEC00  }
0xa4: {  	[tilespmem:s22], [sflag:$0x5] =	stream.linear.gather [hbm4b:s19+s4], $0x1400, $0x200038;
	[tilespmem:$0x1E400] =	vst v63  }
0xa5: {  	_ =	swait.ge [sflag:s21], $0x1400  }
0xa6: {  	[sflag:s21] =	ssyncset.done $0x0  }
0xa7: {  	[sflag:s21] =	ssyncadd.s32 $0xFFFFEC00  }
0xa8: {  	[tilespmem:s20], [sflag:$0x1] =	stream.indirect.gather [hbm4b:s1+s23], $0x80, s4, s23, $0x2000b8;
	[tilespmem:$0x1E400] =	vst v63  }
0xa9: {  	_ =	swait.ge [sflag:s24], $0x4000  }
0xaa: {  	[sflag:s24] =	ssyncset.done $0x0  }
0xab: {  	[sflag:s24] =	ssyncadd.s32 $0xFFFFC000  }
0xac: {  	_ =	swait.ge [sflag:s31], $0x4000  }
0xad: {  	[sflag:s31] =	ssyncset.done $0x0  }
0xae: {  	[sflag:s31] =	ssyncadd.s32 $0xFFFFC000  }
0xaf: {  	[tilespmem:s25], [sflag:$0x2] =	stream.indirect.gather [hbm4b:s1+s23], $0x80, s23, s23, $0x2000b8;
	[tilespmem:$0x1E400] =	vst v63  }
0xb0: {  	_ = 	snop  }
0xb1: {  	[spmem:s2] =	stream.indirect.scatter.add.f32 [tilespmem:s20], [sflag:$0x3], $0x80, s22, s23, $0x2000b8;
	[tilespmem:$0x1E400] =	vst v63  }
0xb2: {  	_ =	swait.ge [sflag:s26], $0x4000  }
0xb3: {  	[sflag:s26] =	ssyncset.done $0x0  }
0xb4: {  	[sflag:s26] =	ssyncadd.s32 $0xFFFFC000  }
0xb5: {  	_ =	swait.ge [sflag:s28], $0x4000  }
0xb6: {  	[sflag:s28] =	ssyncset.done $0x0  }
0xb7: {  	[sflag:s28] =	ssyncadd.s32 $0xFFFFC000  }
0xb8: {  	[tilespmem:s20], [sflag:$0x1] =	stream.indirect.gather [hbm4b:s1+s23], $0x80, s29, s23, $0x2000b8;
	[tilespmem:$0x1E400] =	vst v63  }
0xb9: {  	s3 =	simm.s32 $0xFFFFB800  }
0xba: {  	[spmem:s2] =	stream.indirect.scatter.add.f32 [tilespmem:s25], [sflag:$0x4], $0x80, s30, s23, $0x2000b8;
	[tilespmem:$0x1E400] =	vst v63  }
.LBB2_7:
0xbb: {  	_ =	swait.ge [sflag:s24], $0x4000  }
0xbc: {  	[sflag:s24] =	ssyncset.done $0x0  }
0xbd: {  	[sflag:s24] =	ssyncadd.s32 $0xFFFFC000  }
0xbe: {  	_ =	swait.ge [sflag:s31], $0x4000  }
0xbf: {  	s10 =	sshra.s32 s3, $0x2;
	[sflag:s31] =	ssyncset.done $0x0  }
0xc0: {  	s11 =	sadd.s32 $0x1380, s10;
	[sflag:s31] =	ssyncadd.s32 $0xFFFFC000  }
0xc1: {  	[tilespmem:s25], [sflag:$0x2] =	stream.indirect.gather [hbm4b:s1+s23], $0x80, s11, s23, $0x2000b8;
	[tilespmem:$0x1E400] =	vst v63  }
0xc2: {  	s11 =	sadd.s32 $0x2700, s10  }
0xc3: {  	[spmem:s2] =	stream.indirect.scatter.add.f32 [tilespmem:s20], [sflag:$0x3], $0x80, s11, s23, $0x2000b8;
	[tilespmem:$0x1E400] =	vst v63  }
0xc4: {  	p0 =	seq.s32 s3, $0x0;
	_ =	swait.ge [sflag:s26], $0x4000  }
.Ltmp5:
0xc5: {  	[sflag:s26] =	ssyncset.done $0x0;
	(pc) =	sbr.rel @p0 .LBB2_9-.Ltmp5, $4  }
0xc6: {  	[sflag:s26] =	ssyncadd.s32 $0xFFFFC000  }
0xc7: {  	_ =	swait.ge [sflag:s28], $0x4000  }
0xc8: {  	[sflag:s28] =	ssyncset.done $0x0  }
0xc9: {  	s11 =	sadd.s32 $0x2780, s10;
	[sflag:s28] =	ssyncadd.s32 $0xFFFFC000  }
.Ltmp6:
0xca: {  	(pc) =	sbr.rel .LBB2_7-.Ltmp6, $4  }
0xcb: {  	s10 =	sadd.s32 $0x1400, s10  }
0xcc: {  	[tilespmem:s20], [sflag:$0x1] =	stream.indirect.gather [hbm4b:s1+s23], $0x80, s10, s23, $0x2000b8;
	[tilespmem:$0x1E400] =	vst v63  }
0xcd: {  	s3 =	sadd.s32 $0x400, s3  }
0xce: {  	[spmem:s2] =	stream.indirect.scatter.add.f32 [tilespmem:s25], [sflag:$0x4], $0x80, s11, s23, $0x2000b8;
	[tilespmem:$0x1E400] =	vst v63  }
.LBB2_10:
0xcf: {  	_ =	sfence.sel $0x180000  }
0xd0: {  	[bflag:$0x0] =	sbarrier.arrive $0xFFFF  }
0xd1: {  	_ =	strace $0x90000047  }
0xd2: {  	s0 =	stileid.u32;
	[bflag:$0x2] =	sbarrier.arrive $0xFFFF  }
0xd3: {  	p0 =	sne.s32 s0, $0x0;
	s0 =	rddreg [dreg:$0x3]  }
0xd4: {  	s0 =	sadd.s32 @!p0 $0x100000, s0  }
0xd5: {  	[sflag:s0] =	ssyncadd.tile.s32 @!p0 $0x1;
	_ =	shalt  }
.Lfunc_end2:
_tile_overlayer_lowered:
.L_overlay_start_2:
0xd6: {  	(tag) =	ssettag $0x2  }
0xd7: {  	s0 =	rddreg [dreg:$0x0];
	s2 =	stileid.u32  }
0xd8: {  	s1 =	rddreg [dreg:$0x1];
	p0 =	sne.s32 s2, $0x0  }
0xd9: {  	s3 =	rddreg [dreg:$0x2];
	[bflag:$0x3] =	sbarrier.arrive $0xFFFF;
	s2 =	simm.s32 @!p0 $0x1C05  }
0xda: {  	[timem:s3], [sflag:s2] =	dma.local @!p0 [hbm:s0], s1  }
0xdb: {  	s0 =	simm.s32 @!p0 $0x5  }
0xdc: {  	_ =	swait.ge @!p0 [sflag:s0], s1  }
0xdd: {  	s1 =	ssub.s32 @!p0 $0x0, s1;
	[sflag:s0] =	ssyncset.done @!p0 $0x0  }
0xde: {  	[sflag:s0] =	ssyncadd.s32 @!p0 s1  }
0xdf: {  	[bflag:$0x3] =	sbarrier.arrive $0xFFFF  }
0xe0: {  	_ =	shalt  }

// kernel: kernel.16.cloned.1.call-start
scs
__scs_entry_jumppad:
0x0: {  	(pc) =	sbr.rel $0x88, $3  }
0x1: {  	(tag) =	ssettag $0x0;
	lr =	simm.s32 $0x1  }
0x2: {  	[smem:$0x3F96] =	sst lr;
	_ =	strace $0xD0000000  }
0x3: {  	_ = 	snop  }
0x4: {  	_ = 	snop  }
0x5: {  	_ = 	snop  }
0x6: {  	_ = 	snop  }
0x7: {  	_ = 	snop  }
__scs_overlays_trampoline_lowered:
0x8: {  	[smem:$0x3FA5] =	sst s0  }
0x9: {  	[smem:$0x3FA6] =	sst s1  }
0xa: {  	[smem:$0x3FA7] =	sst s2  }
0xb: {  	[smem:$0x3FA8] =	sst s3  }
0xc: {  	[smem:$0x3FA9] =	sst s4  }
0xd: {  	[smem:$0x3FAA] =	sst s5  }
0xe: {  	[smem:$0x3FAB] =	sst s6  }
0xf: {  	[smem:$0x3FAC] =	sst s7  }
0x10: {  	[smem:$0x3FAD] =	sst s8  }
0x11: {  	[smem:$0x3FAE] =	sst s9;
	s0 =	simm.s32 @!p0 $0x0  }
0x12: {  	s1 =	sld [smem:$0x3F94];
	s0 =	simm.s32 @p0 $0x1  }
0x13: {  	[smem:$0x3FAF] =	sst s0;
	s0 =	simm.s32 @!p1 $0x0  }
0x14: {  	s2 =	sld [smem:$0x3F93];
	s0 =	simm.s32 @p1 $0x1  }
0x15: {  	[smem:$0x3FB0] =	sst s0;
	s0 =	simm.s32 @!p2 $0x0  }
0x16: {  	s3 =	sld [smem:$0x3FDB];
	s0 =	simm.s32 @p2 $0x1  }
0x17: {  	s4 =	simm.s32 $0x1BF5;
	[smem:$0x3FB2] =	sst s0  }
0x18: {  	s0 =	sld [smem:$0x3F95];
	_ =	swait.ge [sflag:s4], $0x0  }
0x19: {  	s7 =	sld [smem:$0x3F96]  }
0x1a: {  	s8 =	sadd.s32 $0xFFFFE003, lr  }
0x1b: {  	s9 =	sadd.s32 $0xFFFFFEF7, lr;
	s5 =	simm.s32 $0xFFFFFFFF;
	p2 =	slt.u32 s8, $0xFFFFF086  }
0x1c: {  	p1 =	slt.u32 s9, $0xF7A;
	s5 =	simm.s32 @!p2 $0x0  }
0x1d: {  	s5 =	simm.s32 @p1 $0x1;
	p0 =	seq.s32 s7, s2  }
0x1e: {  	s7 =	smul.u32 @!p0 $0xF7A, s2;
	p2 =	seq.s32 @!p0 s5, $0x0  }
0x1f: {  	s9 =	smul.u32 $0xF7A, s1;
	s8 =	simm.s32 @!p0 $0x1BF5;
	p2 =	por !p2, p0  }
0x20: {  	[sflag:s8] =	ssyncset.s32 @!p0 $0xFFFFF086;
	s6 =	sadd.s32 @!p0 s3, s7;
	s7 =	simm.s32 @!p0 $0x108  }
0x21: {  	s3 =	sadd.s32 s3, s9;
	s6 =	sadd.s32 @!p0 $0x88, s6;
	s7 =	simm.s32 @p2 $0x1082  }
0x22: {  	[simem:s7], [sflag:s8] =	dma.local @!p0 [hbm:s6], $0xF7A  }
0x23: {  	s9 =	sor.u32 $0xD0000000, s2;
	s6 =	simm.s32 $0x108;
	_ =	swait.ge @!p0 [sflag:s8], $0x0  }
0x24: {  	s3 =	sadd.s32 $0x88, s3;
	s6 =	simm.s32 @!p1 $0x1082;
	[sflag:s4] =	ssyncset.s32 $0xFFFFF086  }
0x25: {  	[simem:s6], [sflag:s4] =	dma.local [hbm:s3], $0xF7A  }
0x26: {  	[smem:$0x3F96] =	sst s1;
	(tag) =	ssettag s2;
	_ =	strace s9  }
0x27: {  	s1 =	sld [smem:$0x3FA6]  }
0x28: {  	s2 =	sld [smem:$0x3FA7]  }
0x29: {  	s4 =	sld [smem:$0x3FA9]  }
0x2a: {  	p0 =	seq.s32 s5, $0x0;
	s5 =	sld [smem:$0x3FAA]  }
0x2b: {  	s6 =	sld [smem:$0x3FAB]  }
0x2c: {  	s7 =	sld [smem:$0x3FAC]  }
0x2d: {  	s3 =	simm.s32 $0x108;
	s8 =	sld [smem:$0x3FAD]  }
0x2e: {  	s3 =	simm.s32 @!p0 $0x1082;
	s9 =	sld [smem:$0x3FAE]  }
0x2f: {  	lr =	sadd.s32 s0, s3;
	s0 =	sld [smem:$0x3FA5]  }
0x30: {  	s3 =	sld [smem:$0x3FA8]  }
0x31: {  	[smem:$0x3FB1] =	sst s10  }
0x32: {  	s10 =	sld [smem:$0x3FAF];
	_ =	sdelay $0x3  }
0x33: {  	p0 =	seq.s32 s10, $0x1;
	s10 =	sld [smem:$0x3FB1];
	_ =	sdelay $0x3  }
0x34: {  	[smem:$0x3FB1] =	sst s10  }
0x35: {  	s10 =	sld [smem:$0x3FB0];
	_ =	sdelay $0x3  }
0x36: {  	p1 =	seq.s32 s10, $0x1;
	s10 =	sld [smem:$0x3FB1];
	_ =	sdelay $0x3  }
0x37: {  	[smem:$0x3FB1] =	sst s10  }
0x38: {  	s10 =	sld [smem:$0x3FB2]  }
0x39: {  	_ = 	snop;
	(pc) =	sbr.ind lr, $3  }
0x3a: {  	_ = 	snop  }
0x3b: {  	_ = 	snop  }
0x3c: {  	p2 =	seq.s32 s10, $0x1;
	s10 =	sld [smem:$0x3FB1]  }
0x3d: {  	_ =	shalt  }
0x3e: {  	_ =	shalt  }
0x3f: {  	_ =	shalt  }
0x40: {  	_ =	shalt  }
0x41: {  	_ =	shalt  }
0x42: {  	_ =	shalt  }
0x43: {  	_ =	shalt  }
0x44: {  	_ =	shalt  }
0x45: {  	_ =	shalt  }
0x46: {  	_ =	shalt  }
0x47: {  	_ =	shalt  }
0x48: {  	_ =	shalt  }
0x49: {  	_ =	shalt  }
0x4a: {  	_ =	shalt  }
0x4b: {  	_ =	shalt  }
0x4c: {  	_ =	shalt  }
0x4d: {  	_ =	shalt  }
0x4e: {  	_ =	shalt  }
0x4f: {  	_ =	shalt  }
0x50: {  	_ =	shalt  }
0x51: {  	_ =	shalt  }
0x52: {  	_ =	shalt  }
0x53: {  	_ =	shalt  }
0x54: {  	_ =	shalt  }
0x55: {  	_ =	shalt  }
0x56: {  	_ =	shalt  }
0x57: {  	_ =	shalt  }
0x58: {  	_ =	shalt  }
0x59: {  	_ =	shalt  }
0x5a: {  	_ =	shalt  }
0x5b: {  	_ =	shalt  }
0x5c: {  	_ =	shalt  }
0x5d: {  	_ =	shalt  }
0x5e: {  	_ =	shalt  }
0x5f: {  	_ =	shalt  }
0x60: {  	_ =	shalt  }
0x61: {  	_ =	shalt  }
0x62: {  	_ =	shalt  }
0x63: {  	_ =	shalt  }
0x64: {  	_ =	shalt  }
0x65: {  	_ =	shalt  }
0x66: {  	_ =	shalt  }
0x67: {  	_ =	shalt  }
0x68: {  	_ =	shalt  }
0x69: {  	_ =	shalt  }
0x6a: {  	_ =	shalt  }
0x6b: {  	_ =	shalt  }
0x6c: {  	_ =	shalt  }
0x6d: {  	_ =	shalt  }
0x6e: {  	_ =	shalt  }
0x6f: {  	_ =	shalt  }
0x70: {  	_ =	shalt  }
0x71: {  	_ =	shalt  }
0x72: {  	_ =	shalt  }
0x73: {  	_ =	shalt  }
0x74: {  	_ =	shalt  }
0x75: {  	_ =	shalt  }
0x76: {  	_ =	shalt  }
0x77: {  	_ =	shalt  }
0x78: {  	_ =	shalt  }
0x79: {  	_ =	shalt  }
0x7a: {  	_ =	shalt  }
0x7b: {  	_ =	shalt  }
0x7c: {  	_ =	shalt  }
0x7d: {  	_ =	shalt  }
0x7e: {  	_ =	shalt  }
0x7f: {  	_ =	shalt  }
0x80: {  	_ =	shalt  }
0x81: {  	_ =	shalt  }
0x82: {  	_ =	shalt  }
0x83: {  	_ =	shalt  }
0x84: {  	_ =	shalt  }
0x85: {  	_ =	shalt  }
0x86: {  	_ =	shalt  }
0x87: {  	_ =	shalt  }
.Lfunc_end0:
.L_simem_size_0:
called_computation.2_lowered:
.L_overlay_start_0:
0x88: {  	s2 =	sld [smem:$0x3FD9]  }
0x89: {  	s3 =	sld [smem:$0x3FFE];
	_ =	sdelay $0x1  }
0x8a: {  	s1 =	srdreg.scid  }
0x8b: {  	s0 =	sand.u32 $0x1, s1  }
0x8c: {  	s17 =	sshll.u32 s0, $0xA;
	s2 =	sadd.s32 s3, s2  }
0x8d: {  	s2 =	sadd.s32 s2, s17  }
0x8e: {  	[smem:$0x3FBD] =	sst s2  }
0x8f: {  	_ = 	snop  }
0x90: {  	s2 =	sld [smem:$0x3FD0];
	(tm) =	ssettm $0x1  }
0x91: {  	s18 =	sld [smem:$0x3FFB];
	_ =	sdelay $0x3  }
0x92: {  	_ =	strace s18  }
0x93: {  	s3 =	sld [smem:$0x3FFC];
	_ =	sdelay $0x3  }
0x94: {  	_ =	strace s3  }
0x95: {  	s3 =	sld [smem:$0x3FFD];
	_ =	sdelay $0x3  }
0x96: {  	_ =	strace s3  }
0x97: {  	_ =	strace $0x8FFFFFFF  }
0x98: {  	s19 =	sld [smem:$0x3FDB];
	_ =	sdelay $0x1  }
0x99: {  	s4 =	simm.s32 $_scs_section_size  }
0x9a: {  	s5 =	simm.s32 $_size__tile_overlayer_lowered;
	s6 =	simm.s32 $_tile_overlayer_lowered  }
0x9b: {  	s22 =	simm.s32 $0x1BFF;
	s21 =	sshll.u32 s6, $0x1;
	s3 =	sadd.s32 s4, s19  }
0x9c: {  	s7 =	simm.s32 $0x0;
	s20 =	sshll.u32 s5, $0x1;
	s5 =	sadd.s32 s21, s3  }
0x9d: {  	[timem:s7], [sflag:s22] =	dma.local [hbm:s5], s20  }
0x9e: {  	_ =	swait.ge [sflag:s22], s20  }
0x9f: {  	s4 =	ssub.s32 $0x0, s20;
	[sflag:s22] =	ssyncset.done $0x0  }
0xa0: {  	[sflag:s22] =	ssyncadd.s32 s4;
	_ =	sdelay $0x1  }
0xa1: {  	s23 =	simm.s32 $0x1B8B  }
0xa2: {  	_ =	swait.ge [sflag:s23], $0x1  }
0xa3: {  	[sflag:s23] =	ssyncset.done $0x0  }
0xa4: {  	s25 =	simm.s32 $0x1B8E;
	s24 =	sld [smem:$0x3FFE];
	[sflag:s23] =	ssyncadd.s32 $0xFFFFFFFF  }
0xa5: {  	s26 =	simm.s32 $execute0_lowered;
	[smem:$0x3FD2] =	sst s25  }
0xa6: {  	s5 =	sshll.u32 s26, $0x1;
	_ =	strace $0x8000004F;
	[dreg:$0x1] =	wrdreg $0xFFFFFFFF  }
0xa7: {  	s28 =	simm.s32 $_size_execute0_lowered;
	s3 =	sadd.s32 s3, s5;
	[dreg:$0x0] =	wrdreg $0x0  }
0xa8: {  	s5 =	sshll.u32 s28, $0x1;
	[dreg:$0x2] =	wrdreg s3  }
0xa9: {  	[dreg:$0x3] =	wrdreg s5  }
0xaa: {  	[dreg:$0x4] =	wrdreg $0xC0  }
0xab: {  	_ =	task [dreg:s7], $0x5FFFF  }
0xac: {  	[dreg:$0x1] =	wrdreg $0xFFFFFFFF  }
0xad: {  	[dreg:$0x0] =	wrdreg $0x60  }
0xae: {  	[dreg:$0x2] =	wrdreg s2  }
0xaf: {  	[dreg:$0x3] =	wrdreg s24  }
0xb0: {  	[dreg:$0x4] =	wrdreg $0xA8000  }
0xb1: {  	[dreg:$0x5] =	wrdreg $0x9  }
0xb2: {  	_ =	task.clear_ibuf [dreg:s7], $0x6FFFF;
	_ =	strace $0x9000004F  }
0xb3: {  	s29 =	simm.s32 $0x9;
	_ =	strace $0x80000054  }
0xb4: {  	_ =	swait.ge [sflag:s29], $0x1  }
0xb5: {  	[sflag:s29] =	ssyncadd.s32 $0xFFFFFFFF  }
0xb6: {  	_ =	strace $0x90000054  }
0xb7: {  	_ =	sfence  }
0xb8: {  	s30 =	sld [smem:$0x0];
	_ =	sdelay $0x2  }
0xb9: {  	s31 =	sshll.u32 s1, $0xD;
	s1 =	sshrl.u32 s1, $0x2  }
0xba: {  	s3 =	sand.u32 $0x4000, s31;
	s1 =	sadd.s32 s1, s30  }
0xbb: {  	s0 =	sor.u32 s3, s0;
	s1 =	sshll.u32 s1, $0x11  }
0xbc: {  	s0 =	sor.u32 s1, s0  }
0xbd: {  	s0 =	sadd.s32 $0x8F2B, s0  }
0xbe: {  	[sflag:s0] =	ssyncadd.remote.s32 $0x1  }
0xbf: {  	_ =	sfence.sel $0xFFFF  }
0xc0: {  	[dreg:$0x0] =	wrdreg $0xFFFFFFFF;
	(pc) =	sbr.abs _section_cstart, $3  }
0xc1: {  	[dreg:$0x1] =	wrdreg $0xFFFFFFFF  }
0xc2: {  	_ =	task.clear_ibuf [dreg:s7], $0x2FFFF;
	_ =	strace $0x9FFFFFFF  }
0xc3: {  	(tm) =	ssettm $0x7FFFFFFF  }
tec
execute0_lowered:
.L_overlay_start_1:
0x0: {  	(tag) =	ssettag $0x1  }
0x1: {  	s1 =	rddreg [dreg:$0x0]  }
0x2: {  	s0 =	rddreg [dreg:$0x1]  }
0x3: {  	s2 =	rddreg [dreg:$0x2];
	s4 =	simm.s32 $0x0;
	s3 =	srdreg.scid  }
0x4: {  	s18 =	stileid.u32;
	s20 =	simm.s32 $0x2800;
	s21 =	simm.s32 $0x5  }
0x5: {  	s22 =	simm.s32 $0x1400;
	s23 =	simm.s32 $0x80;
	s28 =	simm.s32 $0x3  }
0x6: {  	s29 =	simm.s32 $0x100;
	s30 =	simm.s32 $0x1480;
	s31 =	simm.s32 $0x4  }
0x7: {  	[smem:$0x7FF] =	sst s4;
	s10 =	sadd.s32 $0x2C00, s0;
	s3 =	sand.u32 $0x1, s3  }
0x8: {  	s5 =	smul.u32 $0x4F000, s18;
	s11 =	sadd.s32 $0xCC00, s0;
	s0 =	sadd.s32 $0x16C00, s0  }
0x9: {  	s9 =	smul.u32 $0x13C00, s18;
	_ =	strace $0x80000050;
	s6 =	ssub.s32 $0x2, s3  }
0xa: {  	p0 =	seq.s32 s3, $0x0;
	s3 =	smul.u32 $0x13C000, s3;
	s7 =	sshrl.u32 s6, $0x1  }
0xb: {  	s5 =	sshrl.u32 s5, $0x2;
	s12 =	sadd.s32 $0x4000, s9;
	s13 =	sadd.s32 $0x8000, s9  }
0xc: {  	s14 =	sadd.s32 $0xC000, s9;
	s16 =	sadd.s32 $0x10000, s9;
	s15 =	ssub.s32 s6, s7  }
0xd: {  	s5 =	sadd.s32 s5, s2;
	s6 =	sadd.s32 s12, s2;
	s7 =	sadd.s32 s13, s2  }
0xe: {  	s8 =	sadd.s32 s14, s2;
	s17 =	sadd.s32 s9, s3;
	s9 =	sadd.s32 s16, s2  }
0xf: {  	s12 =	sadd.s32 s3, s12;
	s13 =	sadd.s32 s3, s13;
	s25 =	sadd.s32 s3, s14  }
0x10: {  	s3 =	sadd.s32 s3, s16;
	s17 =	sshrl.u32 s17, $0x3;
	s12 =	sshrl.u32 s12, $0x3  }
0x11: {  	s24 =	sshrl.u32 s13, $0x3;
	s13 =	sshrl.u32 s25, $0x3;
	s3 =	sshrl.u32 s3, $0x3  }
0x12: {  	s15 =	smax.u32 s15, $0x1;
	s25 =	simm.s32 $0x6800;
	s17 =	sadd.s32 s0, s17  }
0x13: {  	s12 =	sadd.s32 s0, s12;
	[dreg:$0x4] =	wrdreg s17;
	s17 =	smul.u32 $0x500, s18  }
.Ltmp0:
0x14: {  	s13 =	sadd.s32 s0, s13;
	s14 =	sadd.s32 s0, s3;
	(pc) =	sbr.rel .LBB2_1-.Ltmp0, $4  }
0x15: {  	[dreg:$0x5] =	wrdreg s12;
	s12 =	sadd.s32 s0, s24;
	s18 =	sadd.s32 $0x5000, s17  }
0x16: {  	s24 =	simm.s32 $0x1;
	s0 =	simm.s32 $0x0;
	s18 =	smov.u32 @p0 s17  }
0x17: {  	s16 =	sadd.s32 s10, s18;
	s26 =	sadd.s32 $0x280, s18;
	s17 =	sadd.s32 s11, s18  }
0x18: {  	v0 =	vimm.f32 $0.0e+00;
	s18 =	sadd.s32 s10, s26;
	s19 =	sadd.s32 s11, s26;
	s26 =	simm.s32 $0x2  }
.LBB2_9:
0x19: {  	[spmem:s2] =	stream.indirect.scatter.add.f32 [tilespmem:s25], [sflag:$0x4], $0x80, s11, s23, $0x2000b8;
	[tilespmem:$0x1E400] =	vst v63  }
0x1a: {  	_ =	swait.ge [sflag:s31], $0x4000  }
0x1b: {  	[sflag:s31] =	ssyncset.done $0x0  }
0x1c: {  	[sflag:s31] =	ssyncadd.s32 $0xFFFFC000  }
0x1d: {  	[bflag:$0x0] =	sbarrier.arrive $0xFFFF  }
0x1e: {  	_ =	strace $0x90000052  }
0x1f: {  	_ =	strace $0x80000053  }
0x20: {  	[tilespmem:s20], [sflag:$0x5] =	stream.linear.gather [spmem:s5], $0x4000, $0x200038;
	[tilespmem:$0x1E400] =	vst v63  }
0x21: {  	_ =	swait.ge [sflag:s21], $0x4000  }
0x22: {  	[sflag:s21] =	ssyncset.done $0x0  }
0x23: {  	s3 =	rddreg [dreg:$0x4];
	[sflag:s21] =	ssyncadd.s32 $0xFFFFC000  }
0x24: {  	[hbm4b:s3+s4] =	stream.linear.scatter [tilespmem:s20], [sflag:$0x5], $0x4000, $0x200038;
	[tilespmem:$0x1E400] =	vst v63  }
0x25: {  	_ =	swait.ge [sflag:s21], $0x4000  }
0x26: {  	[sflag:s21] =	ssyncset.done $0x0  }
0x27: {  	[sflag:s21] =	ssyncadd.s32 $0xFFFFC000  }
0x28: {  	[tilespmem:s20], [sflag:$0x5] =	stream.linear.gather [spmem:s6], $0x4000, $0x200038;
	[tilespmem:$0x1E400] =	vst v63  }
0x29: {  	_ =	swait.ge [sflag:s21], $0x4000  }
0x2a: {  	[sflag:s21] =	ssyncset.done $0x0  }
0x2b: {  	s11 =	rddreg [dreg:$0x5];
	[sflag:s21] =	ssyncadd.s32 $0xFFFFC000  }
0x2c: {  	[hbm4b:s11+s4] =	stream.linear.scatter [tilespmem:s20], [sflag:$0x5], $0x4000, $0x200038;
	[tilespmem:$0x1E400] =	vst v63  }
0x2d: {  	_ =	swait.ge [sflag:s21], $0x4000  }
0x2e: {  	[sflag:s21] =	ssyncset.done $0x0  }
0x2f: {  	[sflag:s21] =	ssyncadd.s32 $0xFFFFC000  }
0x30: {  	[tilespmem:s20], [sflag:$0x5] =	stream.linear.gather [spmem:s7], $0x4000, $0x200038;
	[tilespmem:$0x1E400] =	vst v63  }
0x31: {  	_ =	swait.ge [sflag:s21], $0x4000  }
0x32: {  	[sflag:s21] =	ssyncset.done $0x0  }
0x33: {  	[sflag:s21] =	ssyncadd.s32 $0xFFFFC000  }
0x34: {  	[hbm4b:s12+s4] =	stream.linear.scatter [tilespmem:s20], [sflag:$0x5], $0x4000, $0x200038;
	[tilespmem:$0x1E400] =	vst v63  }
0x35: {  	_ =	swait.ge [sflag:s21], $0x4000  }
0x36: {  	[sflag:s21] =	ssyncset.done $0x0  }
0x37: {  	[sflag:s21] =	ssyncadd.s32 $0xFFFFC000  }
0x38: {  	[tilespmem:s20], [sflag:$0x5] =	stream.linear.gather [spmem:s8], $0x4000, $0x200038;
	[tilespmem:$0x1E400] =	vst v63  }
0x39: {  	_ =	swait.ge [sflag:s21], $0x4000  }
0x3a: {  	[sflag:s21] =	ssyncset.done $0x0  }
0x3b: {  	[sflag:s21] =	ssyncadd.s32 $0xFFFFC000  }
0x3c: {  	[hbm4b:s13+s4] =	stream.linear.scatter [tilespmem:s20], [sflag:$0x5], $0x4000, $0x200038;
	[tilespmem:$0x1E400] =	vst v63  }
0x3d: {  	_ =	swait.ge [sflag:s21], $0x4000  }
0x3e: {  	[sflag:s21] =	ssyncset.done $0x0  }
0x3f: {  	[sflag:s21] =	ssyncadd.s32 $0xFFFFC000  }
0x40: {  	[tilespmem:s20], [sflag:$0x5] =	stream.linear.gather [spmem:s9], $0x3C00, $0x200038;
	[tilespmem:$0x1E400] =	vst v63  }
0x41: {  	_ =	swait.ge [sflag:s21], $0x3C00  }
0x42: {  	s0 =	sadd.s32 $0x1, s0;
	[sflag:s21] =	ssyncset.done $0x0  }
0x43: {  	p0 =	sne.s32 s0, s15;
	[sflag:s21] =	ssyncadd.s32 $0xFFFFC400  }
0x44: {  	[hbm4b:s14+s4] =	stream.linear.scatter [tilespmem:s20], [sflag:$0x5], $0x3C00, $0x200038;
	[tilespmem:$0x1E400] =	vst v63  }
.Ltmp1:
0x45: {  	_ = 	snop;
	(pc) =	sbr.rel @!p0 .LBB2_10-.Ltmp1, $4  }
0x46: {  	_ =	swait.ge [sflag:s21], $0x3C00  }
0x47: {  	[sflag:s21] =	ssyncset.done $0x0  }
0x48: {  	[sflag:s21] =	ssyncadd.s32 $0xFFFFC400  }
0x49: {  	_ =	strace $0x90000053  }
.LBB2_1:
0x4a: {  	_ =	strace $0x80000051;
	s3 =	simm.s32 $0x0;
	s10 =	simm.s32 $0x200  }
.LBB2_2:
0x4b: {  	p0 =	sne.s32 s10, $0xFE00;
	[tilespmem:s3+$0x2870] =	vst v0  }
0x4c: {  	[tilespmem:s3+$0x2800] =	vst v0  }
0x4d: {  	[tilespmem:s3+$0x2810] =	vst v0  }
.Ltmp2:
0x4e: {  	[tilespmem:s3+$0x2820] =	vst v0;
	(pc) =	sbr.rel @p0 .LBB2_2-.Ltmp2, $4  }
0x4f: {  	[tilespmem:s3+$0x2830] =	vst v0  }
0x50: {  	[tilespmem:s3+$0x2840] =	vst v0  }
0x51: {  	[tilespmem:s3+$0x2850] =	vst v0  }
0x52: {  	[tilespmem:s3+$0x2860] =	vst v0;
	s3 =	sshra.s32 s10, $0x2;
	s10 =	sadd.s32 $0x200, s10  }
0x53: {  	[tilespmem:s3+$0x2870] =	vst v0  }
0x54: {  	[tilespmem:s3+$0x2800] =	vst v0  }
0x55: {  	[tilespmem:s3+$0x2810] =	vst v0  }
0x56: {  	[tilespmem:s3+$0x2820] =	vst v0  }
0x57: {  	[tilespmem:s3+$0x2830] =	vst v0  }
0x58: {  	[tilespmem:s3+$0x2840] =	vst v0  }
0x59: {  	[tilespmem:s3+$0x2850] =	vst v0  }
0x5a: {  	[tilespmem:s3+$0x2860] =	vst v0  }
0x5b: {  	[spmem:s5] =	stream.linear.scatter [tilespmem:s20], [sflag:$0x5], $0x4000, $0x200038;
	[tilespmem:$0x1E400] =	vst v63  }
0x5c: {  	_ =	swait.ge [sflag:s21], $0x4000  }
0x5d: {  	[sflag:s21] =	ssyncset.done $0x0  }
0x5e: {  	[sflag:s21] =	ssyncadd.s32 $0xFFFFC000  }
0x5f: {  	[spmem:s6] =	stream.linear.scatter [tilespmem:s20], [sflag:$0x5], $0x4000, $0x200038;
	[tilespmem:$0x1E400] =	vst v63  }
0x60: {  	_ =	swait.ge [sflag:s21], $0x4000  }
0x61: {  	[sflag:s21] =	ssyncset.done $0x0  }
0x62: {  	[sflag:s21] =	ssyncadd.s32 $0xFFFFC000  }
0x63: {  	[spmem:s7] =	stream.linear.scatter [tilespmem:s20], [sflag:$0x5], $0x4000, $0x200038;
	[tilespmem:$0x1E400] =	vst v63  }
0x64: {  	_ =	swait.ge [sflag:s21], $0x4000  }
0x65: {  	[sflag:s21] =	ssyncset.done $0x0  }
0x66: {  	[sflag:s21] =	ssyncadd.s32 $0xFFFFC000  }
0x67: {  	[spmem:s8] =	stream.linear.scatter [tilespmem:s20], [sflag:$0x5], $0x4000, $0x200038;
	[tilespmem:$0x1E400] =	vst v63  }
0x68: {  	_ =	swait.ge [sflag:s21], $0x4000  }
0x69: {  	[sflag:s21] =	ssyncset.done $0x0  }
0x6a: {  	[sflag:s21] =	ssyncadd.s32 $0xFFFFC000  }
0x6b: {  	[spmem:s9] =	stream.linear.scatter [tilespmem:s20], [sflag:$0x5], $0x3C00, $0x200038;
	[tilespmem:$0x1E400] =	vst v63  }
0x6c: {  	_ =	swait.ge [sflag:s21], $0x3C00  }
0x6d: {  	[sflag:s21] =	ssyncset.done $0x0  }
0x6e: {  	[sflag:s21] =	ssyncadd.s32 $0xFFFFC400  }
0x6f: {  	[bflag:$0x0] =	sbarrier.arrive $0xFFFF  }
0x70: {  	_ =	strace $0x90000051  }
0x71: {  	_ =	strace $0x80000052  }
0x72: {  	[tilespmem:s4], [sflag:$0x5] =	stream.linear.gather [hbm4b:s16+s4], $0x1400, $0x200038;
	[tilespmem:$0x1E400] =	vst v63  }
0x73: {  	_ =	swait.ge [sflag:s21], $0x1400  }
0x74: {  	[sflag:s21] =	ssyncset.done $0x0  }
0x75: {  	[sflag:s21] =	ssyncadd.s32 $0xFFFFEC00  }
0x76: {  	[tilespmem:s22], [sflag:$0x5] =	stream.linear.gather [hbm4b:s17+s4], $0x1400, $0x200038;
	[tilespmem:$0x1E400] =	vst v63  }
0x77: {  	_ =	swait.ge [sflag:s21], $0x1400  }
0x78: {  	[sflag:s21] =	ssyncset.done $0x0  }
0x79: {  	[sflag:s21] =	ssyncadd.s32 $0xFFFFEC00  }
0x7a: {  	[tilespmem:s20], [sflag:$0x1] =	stream.indirect.gather [hbm4b:s1+s23], $0x80, s4, s23, $0x2000b8;
	[tilespmem:$0x1E400] =	vst v63  }
0x7b: {  	_ =	swait.ge [sflag:s24], $0x4000  }
0x7c: {  	[sflag:s24] =	ssyncset.done $0x0  }
0x7d: {  	[sflag:s24] =	ssyncadd.s32 $0xFFFFC000  }
0x7e: {  	[tilespmem:s25], [sflag:$0x2] =	stream.indirect.gather [hbm4b:s1+s23], $0x80, s23, s23, $0x2000b8;
	[tilespmem:$0x1E400] =	vst v63  }
0x7f: {  	_ = 	snop  }
0x80: {  	[spmem:s2] =	stream.indirect.scatter.add.f32 [tilespmem:s20], [sflag:$0x3], $0x80, s22, s23, $0x2000b8;
	[tilespmem:$0x1E400] =	vst v63  }
0x81: {  	_ =	swait.ge [sflag:s26], $0x4000  }
0x82: {  	[sflag:s26] =	ssyncset.done $0x0  }
0x83: {  	[sflag:s26] =	ssyncadd.s32 $0xFFFFC000  }
0x84: {  	_ =	swait.ge [sflag:s28], $0x4000  }
0x85: {  	[sflag:s28] =	ssyncset.done $0x0  }
0x86: {  	[sflag:s28] =	ssyncadd.s32 $0xFFFFC000  }
0x87: {  	[tilespmem:s20], [sflag:$0x1] =	stream.indirect.gather [hbm4b:s1+s23], $0x80, s29, s23, $0x2000b8;
	[tilespmem:$0x1E400] =	vst v63  }
0x88: {  	s3 =	simm.s32 $0xFFFFB800  }
0x89: {  	[spmem:s2] =	stream.indirect.scatter.add.f32 [tilespmem:s25], [sflag:$0x4], $0x80, s30, s23, $0x2000b8;
	[tilespmem:$0x1E400] =	vst v63  }
.LBB2_4:
0x8a: {  	_ =	swait.ge [sflag:s24], $0x4000  }
0x8b: {  	[sflag:s24] =	ssyncset.done $0x0  }
0x8c: {  	[sflag:s24] =	ssyncadd.s32 $0xFFFFC000  }
0x8d: {  	_ =	swait.ge [sflag:s31], $0x4000  }
0x8e: {  	s10 =	sshra.s32 s3, $0x2;
	[sflag:s31] =	ssyncset.done $0x0  }
0x8f: {  	s11 =	sadd.s32 $0x1380, s10;
	[sflag:s31] =	ssyncadd.s32 $0xFFFFC000  }
0x90: {  	[tilespmem:s25], [sflag:$0x2] =	stream.indirect.gather [hbm4b:s1+s23], $0x80, s11, s23, $0x2000b8;
	[tilespmem:$0x1E400] =	vst v63  }
0x91: {  	s11 =	sadd.s32 $0x2700, s10  }
0x92: {  	[spmem:s2] =	stream.indirect.scatter.add.f32 [tilespmem:s20], [sflag:$0x3], $0x80, s11, s23, $0x2000b8;
	[tilespmem:$0x1E400] =	vst v63  }
0x93: {  	p0 =	seq.s32 s3, $0x0;
	_ =	swait.ge [sflag:s26], $0x4000  }
.Ltmp3:
0x94: {  	[sflag:s26] =	ssyncset.done $0x0;
	(pc) =	sbr.rel @p0 .LBB2_6-.Ltmp3, $4  }
0x95: {  	[sflag:s26] =	ssyncadd.s32 $0xFFFFC000  }
0x96: {  	_ =	swait.ge [sflag:s28], $0x4000  }
0x97: {  	[sflag:s28] =	ssyncset.done $0x0  }
0x98: {  	s11 =	sadd.s32 $0x2780, s10;
	[sflag:s28] =	ssyncadd.s32 $0xFFFFC000  }
.Ltmp4:
0x99: {  	(pc) =	sbr.rel .LBB2_4-.Ltmp4, $4  }
0x9a: {  	s10 =	sadd.s32 $0x1400, s10  }
0x9b: {  	[tilespmem:s20], [sflag:$0x1] =	stream.indirect.gather [hbm4b:s1+s23], $0x80, s10, s23, $0x2000b8;
	[tilespmem:$0x1E400] =	vst v63  }
0x9c: {  	s3 =	sadd.s32 $0x400, s3  }
0x9d: {  	[spmem:s2] =	stream.indirect.scatter.add.f32 [tilespmem:s25], [sflag:$0x4], $0x80, s11, s23, $0x2000b8;
	[tilespmem:$0x1E400] =	vst v63  }
.LBB2_6:
0x9e: {  	[spmem:s2] =	stream.indirect.scatter.add.f32 [tilespmem:s25], [sflag:$0x4], $0x80, s11, s23, $0x2000b8;
	[tilespmem:$0x1E400] =	vst v63  }
0x9f: {  	_ = 	snop  }
0xa0: {  	[tilespmem:s4], [sflag:$0x5] =	stream.linear.gather [hbm4b:s18+s4], $0x1400, $0x200038;
	[tilespmem:$0x1E400] =	vst v63  }
0xa1: {  	_ =	swait.ge [sflag:s21], $0x1400  }
0xa2: {  	[sflag:s21] =	ssyncset.done $0x0  }
0xa3: {  	[sflag:s21] =	ssyncadd.s32 $0xFFFFEC00  }
0xa4: {  	[tilespmem:s22], [sflag:$0x5] =	stream.linear.gather [hbm4b:s19+s4], $0x1400, $0x200038;
	[tilespmem:$0x1E400] =	vst v63  }
0xa5: {  	_ =	swait.ge [sflag:s21], $0x1400  }
0xa6: {  	[sflag:s21] =	ssyncset.done $0x0  }
0xa7: {  	[sflag:s21] =	ssyncadd.s32 $0xFFFFEC00  }
0xa8: {  	[tilespmem:s20], [sflag:$0x1] =	stream.indirect.gather [hbm4b:s1+s23], $0x80, s4, s23, $0x2000b8;
	[tilespmem:$0x1E400] =	vst v63  }
0xa9: {  	_ =	swait.ge [sflag:s24], $0x4000  }
0xaa: {  	[sflag:s24] =	ssyncset.done $0x0  }
0xab: {  	[sflag:s24] =	ssyncadd.s32 $0xFFFFC000  }
0xac: {  	_ =	swait.ge [sflag:s31], $0x4000  }
0xad: {  	[sflag:s31] =	ssyncset.done $0x0  }
0xae: {  	[sflag:s31] =	ssyncadd.s32 $0xFFFFC000  }
0xaf: {  	[tilespmem:s25], [sflag:$0x2] =	stream.indirect.gather [hbm4b:s1+s23], $0x80, s23, s23, $0x2000b8;
	[tilespmem:$0x1E400] =	vst v63  }
0xb0: {  	_ = 	snop  }
0xb1: {  	[spmem:s2] =	stream.indirect.scatter.add.f32 [tilespmem:s20], [sflag:$0x3], $0x80, s22, s23, $0x2000b8;
	[tilespmem:$0x1E400] =	vst v63  }
0xb2: {  	_ =	swait.ge [sflag:s26], $0x4000  }
0xb3: {  	[sflag:s26] =	ssyncset.done $0x0  }
0xb4: {  	[sflag:s26] =	ssyncadd.s32 $0xFFFFC000  }
0xb5: {  	_ =	swait.ge [sflag:s28], $0x4000  }
0xb6: {  	[sflag:s28] =	ssyncset.done $0x0  }
0xb7: {  	[sflag:s28] =	ssyncadd.s32 $0xFFFFC000  }
0xb8: {  	[tilespmem:s20], [sflag:$0x1] =	stream.indirect.gather [hbm4b:s1+s23], $0x80, s29, s23, $0x2000b8;
	[tilespmem:$0x1E400] =	vst v63  }
0xb9: {  	s3 =	simm.s32 $0xFFFFB800  }
0xba: {  	[spmem:s2] =	stream.indirect.scatter.add.f32 [tilespmem:s25], [sflag:$0x4], $0x80, s30, s23, $0x2000b8;
	[tilespmem:$0x1E400] =	vst v63  }
.LBB2_7:
0xbb: {  	_ =	swait.ge [sflag:s24], $0x4000  }
0xbc: {  	[sflag:s24] =	ssyncset.done $0x0  }
0xbd: {  	[sflag:s24] =	ssyncadd.s32 $0xFFFFC000  }
0xbe: {  	_ =	swait.ge [sflag:s31], $0x4000  }
0xbf: {  	s10 =	sshra.s32 s3, $0x2;
	[sflag:s31] =	ssyncset.done $0x0  }
0xc0: {  	s11 =	sadd.s32 $0x1380, s10;
	[sflag:s31] =	ssyncadd.s32 $0xFFFFC000  }
0xc1: {  	[tilespmem:s25], [sflag:$0x2] =	stream.indirect.gather [hbm4b:s1+s23], $0x80, s11, s23, $0x2000b8;
	[tilespmem:$0x1E400] =	vst v63  }
0xc2: {  	s11 =	sadd.s32 $0x2700, s10  }
0xc3: {  	[spmem:s2] =	stream.indirect.scatter.add.f32 [tilespmem:s20], [sflag:$0x3], $0x80, s11, s23, $0x2000b8;
	[tilespmem:$0x1E400] =	vst v63  }
0xc4: {  	p0 =	seq.s32 s3, $0x0;
	_ =	swait.ge [sflag:s26], $0x4000  }
.Ltmp5:
0xc5: {  	[sflag:s26] =	ssyncset.done $0x0;
	(pc) =	sbr.rel @p0 .LBB2_9-.Ltmp5, $4  }
0xc6: {  	[sflag:s26] =	ssyncadd.s32 $0xFFFFC000  }
0xc7: {  	_ =	swait.ge [sflag:s28], $0x4000  }
0xc8: {  	[sflag:s28] =	ssyncset.done $0x0  }
0xc9: {  	s11 =	sadd.s32 $0x2780, s10;
	[sflag:s28] =	ssyncadd.s32 $0xFFFFC000  }
.Ltmp6:
0xca: {  	(pc) =	sbr.rel .LBB2_7-.Ltmp6, $4  }
0xcb: {  	s10 =	sadd.s32 $0x1400, s10  }
0xcc: {  	[tilespmem:s20], [sflag:$0x1] =	stream.indirect.gather [hbm4b:s1+s23], $0x80, s10, s23, $0x2000b8;
	[tilespmem:$0x1E400] =	vst v63  }
0xcd: {  	s3 =	sadd.s32 $0x400, s3  }
0xce: {  	[spmem:s2] =	stream.indirect.scatter.add.f32 [tilespmem:s25], [sflag:$0x4], $0x80, s11, s23, $0x2000b8;
	[tilespmem:$0x1E400] =	vst v63  }
.LBB2_10:
0xcf: {  	_ =	sfence.sel $0x180000  }
0xd0: {  	[bflag:$0x0] =	sbarrier.arrive $0xFFFF  }
0xd1: {  	_ =	strace $0x90000050  }
0xd2: {  	s0 =	stileid.u32;
	[bflag:$0x2] =	sbarrier.arrive $0xFFFF  }
0xd3: {  	p0 =	sne.s32 s0, $0x0;
	s0 =	rddreg [dreg:$0x3]  }
0xd4: {  	s0 =	sadd.s32 @!p0 $0x100000, s0  }
0xd5: {  	[sflag:s0] =	ssyncadd.tile.s32 @!p0 $0x1;
	_ =	shalt  }
.Lfunc_end2:
_tile_overlayer_lowered:
.L_overlay_start_2:
0xd6: {  	(tag) =	ssettag $0x2  }
0xd7: {  	s0 =	rddreg [dreg:$0x0];
	s2 =	stileid.u32  }
0xd8: {  	s1 =	rddreg [dreg:$0x1];
	p0 =	sne.s32 s2, $0x0  }
0xd9: {  	s3 =	rddreg [dreg:$0x2];
	[bflag:$0x3] =	sbarrier.arrive $0xFFFF;
	s2 =	simm.s32 @!p0 $0x1C05  }
0xda: {  	[timem:s3], [sflag:s2] =	dma.local @!p0 [hbm:s0], s1  }
0xdb: {  	s0 =	simm.s32 @!p0 $0x5  }
0xdc: {  	_ =	swait.ge @!p0 [sflag:s0], s1  }
0xdd: {  	s1 =	ssub.s32 @!p0 $0x0, s1;
	[sflag:s0] =	ssyncset.done @!p0 $0x0  }
0xde: {  	[sflag:s0] =	ssyncadd.s32 @!p0 s1  }
0xdf: {  	[bflag:$0x3] =	sbarrier.arrive $0xFFFF  }
0xe0: {  	_ =	shalt  }

// kernel: kernel.19.cloned.1.call-start
scs
__scs_entry_jumppad:
0x0: {  	(pc) =	sbr.rel $0x88, $3  }
0x1: {  	(tag) =	ssettag $0x0;
	lr =	simm.s32 $0x1  }
0x2: {  	[smem:$0x3F96] =	sst lr;
	_ =	strace $0xD0000000  }
0x3: {  	_ = 	snop  }
0x4: {  	_ = 	snop  }
0x5: {  	_ = 	snop  }
0x6: {  	_ = 	snop  }
0x7: {  	_ = 	snop  }
__scs_overlays_trampoline_lowered:
0x8: {  	[smem:$0x3FA5] =	sst s0  }
0x9: {  	[smem:$0x3FA6] =	sst s1  }
0xa: {  	[smem:$0x3FA7] =	sst s2  }
0xb: {  	[smem:$0x3FA8] =	sst s3  }
0xc: {  	[smem:$0x3FA9] =	sst s4  }
0xd: {  	[smem:$0x3FAA] =	sst s5  }
0xe: {  	[smem:$0x3FAB] =	sst s6  }
0xf: {  	[smem:$0x3FAC] =	sst s7  }
0x10: {  	[smem:$0x3FAD] =	sst s8  }
0x11: {  	[smem:$0x3FAE] =	sst s9;
	s0 =	simm.s32 @!p0 $0x0  }
0x12: {  	s1 =	sld [smem:$0x3F94];
	s0 =	simm.s32 @p0 $0x1  }
0x13: {  	[smem:$0x3FAF] =	sst s0;
	s0 =	simm.s32 @!p1 $0x0  }
0x14: {  	s2 =	sld [smem:$0x3F93];
	s0 =	simm.s32 @p1 $0x1  }
0x15: {  	[smem:$0x3FB0] =	sst s0;
	s0 =	simm.s32 @!p2 $0x0  }
0x16: {  	s3 =	sld [smem:$0x3FDB];
	s0 =	simm.s32 @p2 $0x1  }
0x17: {  	s4 =	simm.s32 $0x1BF5;
	[smem:$0x3FB2] =	sst s0  }
0x18: {  	s0 =	sld [smem:$0x3F95];
	_ =	swait.ge [sflag:s4], $0x0  }
0x19: {  	s7 =	sld [smem:$0x3F96]  }
0x1a: {  	s8 =	sadd.s32 $0xFFFFE003, lr  }
0x1b: {  	s9 =	sadd.s32 $0xFFFFFEF7, lr;
	s5 =	simm.s32 $0xFFFFFFFF;
	p2 =	slt.u32 s8, $0xFFFFF086  }
0x1c: {  	p1 =	slt.u32 s9, $0xF7A;
	s5 =	simm.s32 @!p2 $0x0  }
0x1d: {  	s5 =	simm.s32 @p1 $0x1;
	p0 =	seq.s32 s7, s2  }
0x1e: {  	s7 =	smul.u32 @!p0 $0xF7A, s2;
	p2 =	seq.s32 @!p0 s5, $0x0  }
0x1f: {  	s9 =	smul.u32 $0xF7A, s1;
	s8 =	simm.s32 @!p0 $0x1BF5;
	p2 =	por !p2, p0  }
0x20: {  	[sflag:s8] =	ssyncset.s32 @!p0 $0xFFFFF086;
	s6 =	sadd.s32 @!p0 s3, s7;
	s7 =	simm.s32 @!p0 $0x108  }
0x21: {  	s3 =	sadd.s32 s3, s9;
	s6 =	sadd.s32 @!p0 $0x88, s6;
	s7 =	simm.s32 @p2 $0x1082  }
0x22: {  	[simem:s7], [sflag:s8] =	dma.local @!p0 [hbm:s6], $0xF7A  }
0x23: {  	s9 =	sor.u32 $0xD0000000, s2;
	s6 =	simm.s32 $0x108;
	_ =	swait.ge @!p0 [sflag:s8], $0x0  }
0x24: {  	s3 =	sadd.s32 $0x88, s3;
	s6 =	simm.s32 @!p1 $0x1082;
	[sflag:s4] =	ssyncset.s32 $0xFFFFF086  }
0x25: {  	[simem:s6], [sflag:s4] =	dma.local [hbm:s3], $0xF7A  }
0x26: {  	[smem:$0x3F96] =	sst s1;
	(tag) =	ssettag s2;
	_ =	strace s9  }
0x27: {  	s1 =	sld [smem:$0x3FA6]  }
0x28: {  	s2 =	sld [smem:$0x3FA7]  }
0x29: {  	s4 =	sld [smem:$0x3FA9]  }
0x2a: {  	p0 =	seq.s32 s5, $0x0;
	s5 =	sld [smem:$0x3FAA]  }
0x2b: {  	s6 =	sld [smem:$0x3FAB]  }
0x2c: {  	s7 =	sld [smem:$0x3FAC]  }
0x2d: {  	s3 =	simm.s32 $0x108;
	s8 =	sld [smem:$0x3FAD]  }
0x2e: {  	s3 =	simm.s32 @!p0 $0x1082;
	s9 =	sld [smem:$0x3FAE]  }
0x2f: {  	lr =	sadd.s32 s0, s3;
	s0 =	sld [smem:$0x3FA5]  }
0x30: {  	s3 =	sld [smem:$0x3FA8]  }
0x31: {  	[smem:$0x3FB1] =	sst s10  }
0x32: {  	s10 =	sld [smem:$0x3FAF];
	_ =	sdelay $0x3  }
0x33: {  	p0 =	seq.s32 s10, $0x1;
	s10 =	sld [smem:$0x3FB1];
	_ =	sdelay $0x3  }
0x34: {  	[smem:$0x3FB1] =	sst s10  }
0x35: {  	s10 =	sld [smem:$0x3FB0];
	_ =	sdelay $0x3  }
0x36: {  	p1 =	seq.s32 s10, $0x1;
	s10 =	sld [smem:$0x3FB1];
	_ =	sdelay $0x3  }
0x37: {  	[smem:$0x3FB1] =	sst s10  }
0x38: {  	s10 =	sld [smem:$0x3FB2]  }
0x39: {  	_ = 	snop;
	(pc) =	sbr.ind lr, $3  }
0x3a: {  	_ = 	snop  }
0x3b: {  	_ = 	snop  }
0x3c: {  	p2 =	seq.s32 s10, $0x1;
	s10 =	sld [smem:$0x3FB1]  }
0x3d: {  	_ =	shalt  }
0x3e: {  	_ =	shalt  }
0x3f: {  	_ =	shalt  }
0x40: {  	_ =	shalt  }
0x41: {  	_ =	shalt  }
0x42: {  	_ =	shalt  }
0x43: {  	_ =	shalt  }
0x44: {  	_ =	shalt  }
0x45: {  	_ =	shalt  }
0x46: {  	_ =	shalt  }
0x47: {  	_ =	shalt  }
0x48: {  	_ =	shalt  }
0x49: {  	_ =	shalt  }
0x4a: {  	_ =	shalt  }
0x4b: {  	_ =	shalt  }
0x4c: {  	_ =	shalt  }
0x4d: {  	_ =	shalt  }
0x4e: {  	_ =	shalt  }
0x4f: {  	_ =	shalt  }
0x50: {  	_ =	shalt  }
0x51: {  	_ =	shalt  }
0x52: {  	_ =	shalt  }
0x53: {  	_ =	shalt  }
0x54: {  	_ =	shalt  }
0x55: {  	_ =	shalt  }
0x56: {  	_ =	shalt  }
0x57: {  	_ =	shalt  }
0x58: {  	_ =	shalt  }
0x59: {  	_ =	shalt  }
0x5a: {  	_ =	shalt  }
0x5b: {  	_ =	shalt  }
0x5c: {  	_ =	shalt  }
0x5d: {  	_ =	shalt  }
0x5e: {  	_ =	shalt  }
0x5f: {  	_ =	shalt  }
0x60: {  	_ =	shalt  }
0x61: {  	_ =	shalt  }
0x62: {  	_ =	shalt  }
0x63: {  	_ =	shalt  }
0x64: {  	_ =	shalt  }
0x65: {  	_ =	shalt  }
0x66: {  	_ =	shalt  }
0x67: {  	_ =	shalt  }
0x68: {  	_ =	shalt  }
0x69: {  	_ =	shalt  }
0x6a: {  	_ =	shalt  }
0x6b: {  	_ =	shalt  }
0x6c: {  	_ =	shalt  }
0x6d: {  	_ =	shalt  }
0x6e: {  	_ =	shalt  }
0x6f: {  	_ =	shalt  }
0x70: {  	_ =	shalt  }
0x71: {  	_ =	shalt  }
0x72: {  	_ =	shalt  }
0x73: {  	_ =	shalt  }
0x74: {  	_ =	shalt  }
0x75: {  	_ =	shalt  }
0x76: {  	_ =	shalt  }
0x77: {  	_ =	shalt  }
0x78: {  	_ =	shalt  }
0x79: {  	_ =	shalt  }
0x7a: {  	_ =	shalt  }
0x7b: {  	_ =	shalt  }
0x7c: {  	_ =	shalt  }
0x7d: {  	_ =	shalt  }
0x7e: {  	_ =	shalt  }
0x7f: {  	_ =	shalt  }
0x80: {  	_ =	shalt  }
0x81: {  	_ =	shalt  }
0x82: {  	_ =	shalt  }
0x83: {  	_ =	shalt  }
0x84: {  	_ =	shalt  }
0x85: {  	_ =	shalt  }
0x86: {  	_ =	shalt  }
0x87: {  	_ =	shalt  }
.Lfunc_end0:
.L_simem_size_0:
called_computation.3_lowered:
.L_overlay_start_0:
0x88: {  	s2 =	sld [smem:$0x3FD9]  }
0x89: {  	s3 =	sld [smem:$0x3FFE];
	_ =	sdelay $0x1  }
0x8a: {  	s1 =	srdreg.scid  }
0x8b: {  	s0 =	sand.u32 $0x1, s1  }
0x8c: {  	s17 =	sshll.u32 s0, $0xA;
	s2 =	sadd.s32 s3, s2  }
0x8d: {  	s2 =	sadd.s32 s2, s17  }
0x8e: {  	[smem:$0x3FBD] =	sst s2  }
0x8f: {  	_ = 	snop  }
0x90: {  	s2 =	sld [smem:$0x3FD0];
	(tm) =	ssettm $0x1  }
0x91: {  	s18 =	sld [smem:$0x3FFB];
	_ =	sdelay $0x3  }
0x92: {  	_ =	strace s18  }
0x93: {  	s3 =	sld [smem:$0x3FFC];
	_ =	sdelay $0x3  }
0x94: {  	_ =	strace s3  }
0x95: {  	s3 =	sld [smem:$0x3FFD];
	_ =	sdelay $0x3  }
0x96: {  	_ =	strace s3  }
0x97: {  	_ =	strace $0x8FFFFFFF  }
0x98: {  	s19 =	sld [smem:$0x3FDB];
	_ =	sdelay $0x1  }
0x99: {  	s4 =	simm.s32 $_scs_section_size  }
0x9a: {  	s5 =	simm.s32 $_size__tile_overlayer_lowered;
	s6 =	simm.s32 $_tile_overlayer_lowered  }
0x9b: {  	s22 =	simm.s32 $0x1BFF;
	s21 =	sshll.u32 s6, $0x1;
	s3 =	sadd.s32 s4, s19  }
0x9c: {  	s7 =	simm.s32 $0x0;
	s20 =	sshll.u32 s5, $0x1;
	s5 =	sadd.s32 s21, s3  }
0x9d: {  	[timem:s7], [sflag:s22] =	dma.local [hbm:s5], s20  }
0x9e: {  	_ =	swait.ge [sflag:s22], s20  }
0x9f: {  	s4 =	ssub.s32 $0x0, s20;
	[sflag:s22] =	ssyncset.done $0x0  }
0xa0: {  	[sflag:s22] =	ssyncadd.s32 s4;
	_ =	sdelay $0x1  }
0xa1: {  	s23 =	simm.s32 $0x1B8B  }
0xa2: {  	_ =	swait.ge [sflag:s23], $0x1  }
0xa3: {  	[sflag:s23] =	ssyncset.done $0x0  }
0xa4: {  	s25 =	simm.s32 $0x1B8E;
	s24 =	sld [smem:$0x3FFE];
	[sflag:s23] =	ssyncadd.s32 $0xFFFFFFFF  }
0xa5: {  	s26 =	simm.s32 $execute0_lowered;
	[smem:$0x3FD2] =	sst s25  }
0xa6: {  	s5 =	sshll.u32 s26, $0x1;
	_ =	strace $0x80000055;
	[dreg:$0x1] =	wrdreg $0xFFFFFFFF  }
0xa7: {  	s28 =	simm.s32 $_size_execute0_lowered;
	s3 =	sadd.s32 s3, s5;
	[dreg:$0x0] =	wrdreg $0x0  }
0xa8: {  	s5 =	sshll.u32 s28, $0x1;
	[dreg:$0x2] =	wrdreg s3  }
0xa9: {  	[dreg:$0x3] =	wrdreg s5  }
0xaa: {  	[dreg:$0x4] =	wrdreg $0xC0  }
0xab: {  	_ =	task [dreg:s7], $0x5FFFF  }
0xac: {  	[dreg:$0x1] =	wrdreg $0xFFFFFFFF  }
0xad: {  	[dreg:$0x0] =	wrdreg $0x60  }
0xae: {  	[dreg:$0x2] =	wrdreg s2  }
0xaf: {  	[dreg:$0x3] =	wrdreg s24  }
0xb0: {  	[dreg:$0x4] =	wrdreg $0xA8000  }
0xb1: {  	[dreg:$0x5] =	wrdreg $0x9  }
0xb2: {  	_ =	task.clear_ibuf [dreg:s7], $0x6FFFF;
	_ =	strace $0x90000055  }
0xb3: {  	s29 =	simm.s32 $0x9;
	_ =	strace $0x8000005A  }
0xb4: {  	_ =	swait.ge [sflag:s29], $0x1  }
0xb5: {  	[sflag:s29] =	ssyncadd.s32 $0xFFFFFFFF  }
0xb6: {  	_ =	strace $0x9000005A  }
0xb7: {  	_ =	sfence  }
0xb8: {  	s30 =	sld [smem:$0x0];
	_ =	sdelay $0x2  }
0xb9: {  	s31 =	sshll.u32 s1, $0xD;
	s1 =	sshrl.u32 s1, $0x2  }
0xba: {  	s3 =	sand.u32 $0x4000, s31;
	s1 =	sadd.s32 s1, s30  }
0xbb: {  	s0 =	sor.u32 s3, s0;
	s1 =	sshll.u32 s1, $0x11  }
0xbc: {  	s0 =	sor.u32 s1, s0  }
0xbd: {  	s0 =	sadd.s32 $0x8F2B, s0  }
0xbe: {  	[sflag:s0] =	ssyncadd.remote.s32 $0x1  }
0xbf: {  	_ =	sfence.sel $0xFFFF  }
0xc0: {  	[dreg:$0x0] =	wrdreg $0xFFFFFFFF;
	(pc) =	sbr.abs _section_cstart, $3  }
0xc1: {  	[dreg:$0x1] =	wrdreg $0xFFFFFFFF  }
0xc2: {  	_ =	task.clear_ibuf [dreg:s7], $0x2FFFF;
	_ =	strace $0x9FFFFFFF  }
0xc3: {  	(tm) =	ssettm $0x7FFFFFFF  }
tec
execute0_lowered:
.L_overlay_start_1:
0x0: {  	(tag) =	ssettag $0x1  }
0x1: {  	s1 =	rddreg [dreg:$0x0]  }
0x2: {  	s0 =	rddreg [dreg:$0x1]  }
0x3: {  	s2 =	rddreg [dreg:$0x2];
	s4 =	simm.s32 $0x0;
	s3 =	srdreg.scid  }
0x4: {  	s18 =	stileid.u32;
	s20 =	simm.s32 $0x2800;
	s21 =	simm.s32 $0x5  }
0x5: {  	s22 =	simm.s32 $0x1400;
	s23 =	simm.s32 $0x80;
	s28 =	simm.s32 $0x3  }
0x6: {  	s29 =	simm.s32 $0x100;
	s30 =	simm.s32 $0x1480;
	s31 =	simm.s32 $0x4  }
0x7: {  	[smem:$0x7FF] =	sst s4;
	s10 =	sadd.s32 $0x2C00, s0;
	s3 =	sand.u32 $0x1, s3  }
0x8: {  	s5 =	smul.u32 $0x4F000, s18;
	s11 =	sadd.s32 $0xCC00, s0;
	s0 =	sadd.s32 $0x16C00, s0  }
0x9: {  	s9 =	smul.u32 $0x13C00, s18;
	_ =	strace $0x80000056;
	s6 =	ssub.s32 $0x2, s3  }
0xa: {  	p0 =	seq.s32 s3, $0x0;
	s3 =	smul.u32 $0x13C000, s3;
	s7 =	sshrl.u32 s6, $0x1  }
0xb: {  	s5 =	sshrl.u32 s5, $0x2;
	s12 =	sadd.s32 $0x4000, s9;
	s13 =	sadd.s32 $0x8000, s9  }
0xc: {  	s14 =	sadd.s32 $0xC000, s9;
	s16 =	sadd.s32 $0x10000, s9;
	s15 =	ssub.s32 s6, s7  }
0xd: {  	s5 =	sadd.s32 s5, s2;
	s6 =	sadd.s32 s12, s2;
	s7 =	sadd.s32 s13, s2  }
0xe: {  	s8 =	sadd.s32 s14, s2;
	s17 =	sadd.s32 s9, s3;
	s9 =	sadd.s32 s16, s2  }
0xf: {  	s12 =	sadd.s32 s3, s12;
	s13 =	sadd.s32 s3, s13;
	s25 =	sadd.s32 s3, s14  }
0x10: {  	s3 =	sadd.s32 s3, s16;
	s17 =	sshrl.u32 s17, $0x3;
	s12 =	sshrl.u32 s12, $0x3  }
0x11: {  	s24 =	sshrl.u32 s13, $0x3;
	s13 =	sshrl.u32 s25, $0x3;
	s3 =	sshrl.u32 s3, $0x3  }
0x12: {  	s15 =	smax.u32 s15, $0x1;
	s25 =	simm.s32 $0x6800;
	s17 =	sadd.s32 s0, s17  }
0x13: {  	s12 =	sadd.s32 s0, s12;
	[dreg:$0x4] =	wrdreg s17;
	s17 =	smul.u32 $0x500, s18  }
.Ltmp0:
0x14: {  	s13 =	sadd.s32 s0, s13;
	s14 =	sadd.s32 s0, s3;
	(pc) =	sbr.rel .LBB2_1-.Ltmp0, $4  }
0x15: {  	[dreg:$0x5] =	wrdreg s12;
	s12 =	sadd.s32 s0, s24;
	s18 =	sadd.s32 $0x5000, s17  }
0x16: {  	s24 =	simm.s32 $0x1;
	s0 =	simm.s32 $0x0;
	s18 =	smov.u32 @p0 s17  }
0x17: {  	s16 =	sadd.s32 s10, s18;
	s26 =	sadd.s32 $0x280, s18;
	s17 =	sadd.s32 s11, s18  }
0x18: {  	v0 =	vimm.f32 $0.0e+00;
	s18 =	sadd.s32 s10, s26;
	s19 =	sadd.s32 s11, s26;
	s26 =	simm.s32 $0x2  }
.LBB2_9:
0x19: {  	[spmem:s2] =	stream.indirect.scatter.add.f32 [tilespmem:s25], [sflag:$0x4], $0x80, s11, s23, $0x2000b8;
	[tilespmem:$0x1E400] =	vst v63  }
0x1a: {  	_ =	swait.ge [sflag:s31], $0x4000  }
0x1b: {  	[sflag:s31] =	ssyncset.done $0x0  }
0x1c: {  	[sflag:s31] =	ssyncadd.s32 $0xFFFFC000  }
0x1d: {  	[bflag:$0x0] =	sbarrier.arrive $0xFFFF  }
0x1e: {  	_ =	strace $0x90000058  }
0x1f: {  	_ =	strace $0x80000059  }
0x20: {  	[tilespmem:s20], [sflag:$0x5] =	stream.linear.gather [spmem:s5], $0x4000, $0x200038;
	[tilespmem:$0x1E400] =	vst v63  }
0x21: {  	_ =	swait.ge [sflag:s21], $0x4000  }
0x22: {  	[sflag:s21] =	ssyncset.done $0x0  }
0x23: {  	s3 =	rddreg [dreg:$0x4];
	[sflag:s21] =	ssyncadd.s32 $0xFFFFC000  }
0x24: {  	[hbm4b:s3+s4] =	stream.linear.scatter [tilespmem:s20], [sflag:$0x5], $0x4000, $0x200038;
	[tilespmem:$0x1E400] =	vst v63  }
0x25: {  	_ =	swait.ge [sflag:s21], $0x4000  }
0x26: {  	[sflag:s21] =	ssyncset.done $0x0  }
0x27: {  	[sflag:s21] =	ssyncadd.s32 $0xFFFFC000  }
0x28: {  	[tilespmem:s20], [sflag:$0x5] =	stream.linear.gather [spmem:s6], $0x4000, $0x200038;
	[tilespmem:$0x1E400] =	vst v63  }
0x29: {  	_ =	swait.ge [sflag:s21], $0x4000  }
0x2a: {  	[sflag:s21] =	ssyncset.done $0x0  }
0x2b: {  	s11 =	rddreg [dreg:$0x5];
	[sflag:s21] =	ssyncadd.s32 $0xFFFFC000  }
0x2c: {  	[hbm4b:s11+s4] =	stream.linear.scatter [tilespmem:s20], [sflag:$0x5], $0x4000, $0x200038;
	[tilespmem:$0x1E400] =	vst v63  }
0x2d: {  	_ =	swait.ge [sflag:s21], $0x4000  }
0x2e: {  	[sflag:s21] =	ssyncset.done $0x0  }
0x2f: {  	[sflag:s21] =	ssyncadd.s32 $0xFFFFC000  }
0x30: {  	[tilespmem:s20], [sflag:$0x5] =	stream.linear.gather [spmem:s7], $0x4000, $0x200038;
	[tilespmem:$0x1E400] =	vst v63  }
0x31: {  	_ =	swait.ge [sflag:s21], $0x4000  }
0x32: {  	[sflag:s21] =	ssyncset.done $0x0  }
0x33: {  	[sflag:s21] =	ssyncadd.s32 $0xFFFFC000  }
0x34: {  	[hbm4b:s12+s4] =	stream.linear.scatter [tilespmem:s20], [sflag:$0x5], $0x4000, $0x200038;
	[tilespmem:$0x1E400] =	vst v63  }
0x35: {  	_ =	swait.ge [sflag:s21], $0x4000  }
0x36: {  	[sflag:s21] =	ssyncset.done $0x0  }
0x37: {  	[sflag:s21] =	ssyncadd.s32 $0xFFFFC000  }
0x38: {  	[tilespmem:s20], [sflag:$0x5] =	stream.linear.gather [spmem:s8], $0x4000, $0x200038;
	[tilespmem:$0x1E400] =	vst v63  }
0x39: {  	_ =	swait.ge [sflag:s21], $0x4000  }
0x3a: {  	[sflag:s21] =	ssyncset.done $0x0  }
0x3b: {  	[sflag:s21] =	ssyncadd.s32 $0xFFFFC000  }
0x3c: {  	[hbm4b:s13+s4] =	stream.linear.scatter [tilespmem:s20], [sflag:$0x5], $0x4000, $0x200038;
	[tilespmem:$0x1E400] =	vst v63  }
0x3d: {  	_ =	swait.ge [sflag:s21], $0x4000  }
0x3e: {  	[sflag:s21] =	ssyncset.done $0x0  }
0x3f: {  	[sflag:s21] =	ssyncadd.s32 $0xFFFFC000  }
0x40: {  	[tilespmem:s20], [sflag:$0x5] =	stream.linear.gather [spmem:s9], $0x3C00, $0x200038;
	[tilespmem:$0x1E400] =	vst v63  }
0x41: {  	_ =	swait.ge [sflag:s21], $0x3C00  }
0x42: {  	s0 =	sadd.s32 $0x1, s0;
	[sflag:s21] =	ssyncset.done $0x0  }
0x43: {  	p0 =	sne.s32 s0, s15;
	[sflag:s21] =	ssyncadd.s32 $0xFFFFC400  }
0x44: {  	[hbm4b:s14+s4] =	stream.linear.scatter [tilespmem:s20], [sflag:$0x5], $0x3C00, $0x200038;
	[tilespmem:$0x1E400] =	vst v63  }
.Ltmp1:
0x45: {  	_ = 	snop;
	(pc) =	sbr.rel @!p0 .LBB2_10-.Ltmp1, $4  }
0x46: {  	_ =	swait.ge [sflag:s21], $0x3C00  }
0x47: {  	[sflag:s21] =	ssyncset.done $0x0  }
0x48: {  	[sflag:s21] =	ssyncadd.s32 $0xFFFFC400  }
0x49: {  	_ =	strace $0x90000059  }
.LBB2_1:
0x4a: {  	_ =	strace $0x80000057;
	s3 =	simm.s32 $0x0;
	s10 =	simm.s32 $0x200  }
.LBB2_2:
0x4b: {  	p0 =	sne.s32 s10, $0xFE00;
	[tilespmem:s3+$0x2870] =	vst v0  }
0x4c: {  	[tilespmem:s3+$0x2800] =	vst v0  }
0x4d: {  	[tilespmem:s3+$0x2810] =	vst v0  }
.Ltmp2:
0x4e: {  	[tilespmem:s3+$0x2820] =	vst v0;
	(pc) =	sbr.rel @p0 .LBB2_2-.Ltmp2, $4  }
0x4f: {  	[tilespmem:s3+$0x2830] =	vst v0  }
0x50: {  	[tilespmem:s3+$0x2840] =	vst v0  }
0x51: {  	[tilespmem:s3+$0x2850] =	vst v0  }
0x52: {  	[tilespmem:s3+$0x2860] =	vst v0;
	s3 =	sshra.s32 s10, $0x2;
	s10 =	sadd.s32 $0x200, s10  }
0x53: {  	[tilespmem:s3+$0x2870] =	vst v0  }
0x54: {  	[tilespmem:s3+$0x2800] =	vst v0  }
0x55: {  	[tilespmem:s3+$0x2810] =	vst v0  }
0x56: {  	[tilespmem:s3+$0x2820] =	vst v0  }
0x57: {  	[tilespmem:s3+$0x2830] =	vst v0  }
0x58: {  	[tilespmem:s3+$0x2840] =	vst v0  }
0x59: {  	[tilespmem:s3+$0x2850] =	vst v0  }
0x5a: {  	[tilespmem:s3+$0x2860] =	vst v0  }
0x5b: {  	[spmem:s5] =	stream.linear.scatter [tilespmem:s20], [sflag:$0x5], $0x4000, $0x200038;
	[tilespmem:$0x1E400] =	vst v63  }
0x5c: {  	_ =	swait.ge [sflag:s21], $0x4000  }
0x5d: {  	[sflag:s21] =	ssyncset.done $0x0  }
0x5e: {  	[sflag:s21] =	ssyncadd.s32 $0xFFFFC000  }
0x5f: {  	[spmem:s6] =	stream.linear.scatter [tilespmem:s20], [sflag:$0x5], $0x4000, $0x200038;
	[tilespmem:$0x1E400] =	vst v63  }
0x60: {  	_ =	swait.ge [sflag:s21], $0x4000  }
0x61: {  	[sflag:s21] =	ssyncset.done $0x0  }
0x62: {  	[sflag:s21] =	ssyncadd.s32 $0xFFFFC000  }
0x63: {  	[spmem:s7] =	stream.linear.scatter [tilespmem:s20], [sflag:$0x5], $0x4000, $0x200038;
	[tilespmem:$0x1E400] =	vst v63  }
0x64: {  	_ =	swait.ge [sflag:s21], $0x4000  }
0x65: {  	[sflag:s21] =	ssyncset.done $0x0  }
0x66: {  	[sflag:s21] =	ssyncadd.s32 $0xFFFFC000  }
0x67: {  	[spmem:s8] =	stream.linear.scatter [tilespmem:s20], [sflag:$0x5], $0x4000, $0x200038;
	[tilespmem:$0x1E400] =	vst v63  }
0x68: {  	_ =	swait.ge [sflag:s21], $0x4000  }
0x69: {  	[sflag:s21] =	ssyncset.done $0x0  }
0x6a: {  	[sflag:s21] =	ssyncadd.s32 $0xFFFFC000  }
0x6b: {  	[spmem:s9] =	stream.linear.scatter [tilespmem:s20], [sflag:$0x5], $0x3C00, $0x200038;
	[tilespmem:$0x1E400] =	vst v63  }
0x6c: {  	_ =	swait.ge [sflag:s21], $0x3C00  }
0x6d: {  	[sflag:s21] =	ssyncset.done $0x0  }
0x6e: {  	[sflag:s21] =	ssyncadd.s32 $0xFFFFC400  }
0x6f: {  	[bflag:$0x0] =	sbarrier.arrive $0xFFFF  }
0x70: {  	_ =	strace $0x90000057  }
0x71: {  	_ =	strace $0x80000058  }
0x72: {  	[tilespmem:s4], [sflag:$0x5] =	stream.linear.gather [hbm4b:s16+s4], $0x1400, $0x200038;
	[tilespmem:$0x1E400] =	vst v63  }
0x73: {  	_ =	swait.ge [sflag:s21], $0x1400  }
0x74: {  	[sflag:s21] =	ssyncset.done $0x0  }
0x75: {  	[sflag:s21] =	ssyncadd.s32 $0xFFFFEC00  }
0x76: {  	[tilespmem:s22], [sflag:$0x5] =	stream.linear.gather [hbm4b:s17+s4], $0x1400, $0x200038;
	[tilespmem:$0x1E400] =	vst v63  }
0x77: {  	_ =	swait.ge [sflag:s21], $0x1400  }
0x78: {  	[sflag:s21] =	ssyncset.done $0x0  }
0x79: {  	[sflag:s21] =	ssyncadd.s32 $0xFFFFEC00  }
0x7a: {  	[tilespmem:s20], [sflag:$0x1] =	stream.indirect.gather [hbm4b:s1+s23], $0x80, s4, s23, $0x2000b8;
	[tilespmem:$0x1E400] =	vst v63  }
0x7b: {  	_ =	swait.ge [sflag:s24], $0x4000  }
0x7c: {  	[sflag:s24] =	ssyncset.done $0x0  }
0x7d: {  	[sflag:s24] =	ssyncadd.s32 $0xFFFFC000  }
0x7e: {  	[tilespmem:s25], [sflag:$0x2] =	stream.indirect.gather [hbm4b:s1+s23], $0x80, s23, s23, $0x2000b8;
	[tilespmem:$0x1E400] =	vst v63  }
0x7f: {  	_ = 	snop  }
0x80: {  	[spmem:s2] =	stream.indirect.scatter.add.f32 [tilespmem:s20], [sflag:$0x3], $0x80, s22, s23, $0x2000b8;
	[tilespmem:$0x1E400] =	vst v63  }
0x81: {  	_ =	swait.ge [sflag:s26], $0x4000  }
0x82: {  	[sflag:s26] =	ssyncset.done $0x0  }
0x83: {  	[sflag:s26] =	ssyncadd.s32 $0xFFFFC000  }
0x84: {  	_ =	swait.ge [sflag:s28], $0x4000  }
0x85: {  	[sflag:s28] =	ssyncset.done $0x0  }
0x86: {  	[sflag:s28] =	ssyncadd.s32 $0xFFFFC000  }
0x87: {  	[tilespmem:s20], [sflag:$0x1] =	stream.indirect.gather [hbm4b:s1+s23], $0x80, s29, s23, $0x2000b8;
	[tilespmem:$0x1E400] =	vst v63  }
0x88: {  	s3 =	simm.s32 $0xFFFFB800  }
0x89: {  	[spmem:s2] =	stream.indirect.scatter.add.f32 [tilespmem:s25], [sflag:$0x4], $0x80, s30, s23, $0x2000b8;
	[tilespmem:$0x1E400] =	vst v63  }
.LBB2_4:
0x8a: {  	_ =	swait.ge [sflag:s24], $0x4000  }
0x8b: {  	[sflag:s24] =	ssyncset.done $0x0  }
0x8c: {  	[sflag:s24] =	ssyncadd.s32 $0xFFFFC000  }
0x8d: {  	_ =	swait.ge [sflag:s31], $0x4000  }
0x8e: {  	s10 =	sshra.s32 s3, $0x2;
	[sflag:s31] =	ssyncset.done $0x0  }
0x8f: {  	s11 =	sadd.s32 $0x1380, s10;
	[sflag:s31] =	ssyncadd.s32 $0xFFFFC000  }
0x90: {  	[tilespmem:s25], [sflag:$0x2] =	stream.indirect.gather [hbm4b:s1+s23], $0x80, s11, s23, $0x2000b8;
	[tilespmem:$0x1E400] =	vst v63  }
0x91: {  	s11 =	sadd.s32 $0x2700, s10  }
0x92: {  	[spmem:s2] =	stream.indirect.scatter.add.f32 [tilespmem:s20], [sflag:$0x3], $0x80, s11, s23, $0x2000b8;
	[tilespmem:$0x1E400] =	vst v63  }
0x93: {  	p0 =	seq.s32 s3, $0x0;
	_ =	swait.ge [sflag:s26], $0x4000  }
.Ltmp3:
0x94: {  	[sflag:s26] =	ssyncset.done $0x0;
	(pc) =	sbr.rel @p0 .LBB2_6-.Ltmp3, $4  }
0x95: {  	[sflag:s26] =	ssyncadd.s32 $0xFFFFC000  }
0x96: {  	_ =	swait.ge [sflag:s28], $0x4000  }
0x97: {  	[sflag:s28] =	ssyncset.done $0x0  }
0x98: {  	s11 =	sadd.s32 $0x2780, s10;
	[sflag:s28] =	ssyncadd.s32 $0xFFFFC000  }
.Ltmp4:
0x99: {  	(pc) =	sbr.rel .LBB2_4-.Ltmp4, $4  }
0x9a: {  	s10 =	sadd.s32 $0x1400, s10  }
0x9b: {  	[tilespmem:s20], [sflag:$0x1] =	stream.indirect.gather [hbm4b:s1+s23], $0x80, s10, s23, $0x2000b8;
	[tilespmem:$0x1E400] =	vst v63  }
0x9c: {  	s3 =	sadd.s32 $0x400, s3  }
0x9d: {  	[spmem:s2] =	stream.indirect.scatter.add.f32 [tilespmem:s25], [sflag:$0x4], $0x80, s11, s23, $0x2000b8;
	[tilespmem:$0x1E400] =	vst v63  }
.LBB2_6:
0x9e: {  	[spmem:s2] =	stream.indirect.scatter.add.f32 [tilespmem:s25], [sflag:$0x4], $0x80, s11, s23, $0x2000b8;
	[tilespmem:$0x1E400] =	vst v63  }
0x9f: {  	_ = 	snop  }
0xa0: {  	[tilespmem:s4], [sflag:$0x5] =	stream.linear.gather [hbm4b:s18+s4], $0x1400, $0x200038;
	[tilespmem:$0x1E400] =	vst v63  }
0xa1: {  	_ =	swait.ge [sflag:s21], $0x1400  }
0xa2: {  	[sflag:s21] =	ssyncset.done $0x0  }
0xa3: {  	[sflag:s21] =	ssyncadd.s32 $0xFFFFEC00  }
0xa4: {  	[tilespmem:s22], [sflag:$0x5] =	stream.linear.gather [hbm4b:s19+s4], $0x1400, $0x200038;
	[tilespmem:$0x1E400] =	vst v63  }
0xa5: {  	_ =	swait.ge [sflag:s21], $0x1400  }
0xa6: {  	[sflag:s21] =	ssyncset.done $0x0  }
0xa7: {  	[sflag:s21] =	ssyncadd.s32 $0xFFFFEC00  }
0xa8: {  	[tilespmem:s20], [sflag:$0x1] =	stream.indirect.gather [hbm4b:s1+s23], $0x80, s4, s23, $0x2000b8;
	[tilespmem:$0x1E400] =	vst v63  }
0xa9: {  	_ =	swait.ge [sflag:s24], $0x4000  }
0xaa: {  	[sflag:s24] =	ssyncset.done $0x0  }
0xab: {  	[sflag:s24] =	ssyncadd.s32 $0xFFFFC000  }
0xac: {  	_ =	swait.ge [sflag:s31], $0x4000  }
0xad: {  	[sflag:s31] =	ssyncset.done $0x0  }
0xae: {  	[sflag:s31] =	ssyncadd.s32 $0xFFFFC000  }
0xaf: {  	[tilespmem:s25], [sflag:$0x2] =	stream.indirect.gather [hbm4b:s1+s23], $0x80, s23, s23, $0x2000b8;
	[tilespmem:$0x1E400] =	vst v63  }
0xb0: {  	_ = 	snop  }
0xb1: {  	[spmem:s2] =	stream.indirect.scatter.add.f32 [tilespmem:s20], [sflag:$0x3], $0x80, s22, s23, $0x2000b8;
	[tilespmem:$0x1E400] =	vst v63  }
0xb2: {  	_ =	swait.ge [sflag:s26], $0x4000  }
0xb3: {  	[sflag:s26] =	ssyncset.done $0x0  }
0xb4: {  	[sflag:s26] =	ssyncadd.s32 $0xFFFFC000  }
0xb5: {  	_ =	swait.ge [sflag:s28], $0x4000  }
0xb6: {  	[sflag:s28] =	ssyncset.done $0x0  }
0xb7: {  	[sflag:s28] =	ssyncadd.s32 $0xFFFFC000  }
0xb8: {  	[tilespmem:s20], [sflag:$0x1] =	stream.indirect.gather [hbm4b:s1+s23], $0x80, s29, s23, $0x2000b8;
	[tilespmem:$0x1E400] =	vst v63  }
0xb9: {  	s3 =	simm.s32 $0xFFFFB800  }
0xba: {  	[spmem:s2] =	stream.indirect.scatter.add.f32 [tilespmem:s25], [sflag:$0x4], $0x80, s30, s23, $0x2000b8;
	[tilespmem:$0x1E400] =	vst v63  }
.LBB2_7:
0xbb: {  	_ =	swait.ge [sflag:s24], $0x4000  }
0xbc: {  	[sflag:s24] =	ssyncset.done $0x0  }
0xbd: {  	[sflag:s24] =	ssyncadd.s32 $0xFFFFC000  }
0xbe: {  	_ =	swait.ge [sflag:s31], $0x4000  }
0xbf: {  	s10 =	sshra.s32 s3, $0x2;
	[sflag:s31] =	ssyncset.done $0x0  }
0xc0: {  	s11 =	sadd.s32 $0x1380, s10;
	[sflag:s31] =	ssyncadd.s32 $0xFFFFC000  }
0xc1: {  	[tilespmem:s25], [sflag:$0x2] =	stream.indirect.gather [hbm4b:s1+s23], $0x80, s11, s23, $0x2000b8;
	[tilespmem:$0x1E400] =	vst v63  }
0xc2: {  	s11 =	sadd.s32 $0x2700, s10  }
0xc3: {  	[spmem:s2] =	stream.indirect.scatter.add.f32 [tilespmem:s20], [sflag:$0x3], $0x80, s11, s23, $0x2000b8;
	[tilespmem:$0x1E400] =	vst v63  }
0xc4: {  	p0 =	seq.s32 s3, $0x0;
	_ =	swait.ge [sflag:s26], $0x4000  }
.Ltmp5:
0xc5: {  	[sflag:s26] =	ssyncset.done $0x0;
	(pc) =	sbr.rel @p0 .LBB2_9-.Ltmp5, $4  }
0xc6: {  	[sflag:s26] =	ssyncadd.s32 $0xFFFFC000  }
0xc7: {  	_ =	swait.ge [sflag:s28], $0x4000  }
0xc8: {  	[sflag:s28] =	ssyncset.done $0x0  }
0xc9: {  	s11 =	sadd.s32 $0x2780, s10;
	[sflag:s28] =	ssyncadd.s32 $0xFFFFC000  }
.Ltmp6:
0xca: {  	(pc) =	sbr.rel .LBB2_7-.Ltmp6, $4  }
0xcb: {  	s10 =	sadd.s32 $0x1400, s10  }
0xcc: {  	[tilespmem:s20], [sflag:$0x1] =	stream.indirect.gather [hbm4b:s1+s23], $0x80, s10, s23, $0x2000b8;
	[tilespmem:$0x1E400] =	vst v63  }
0xcd: {  	s3 =	sadd.s32 $0x400, s3  }
0xce: {  	[spmem:s2] =	stream.indirect.scatter.add.f32 [tilespmem:s25], [sflag:$0x4], $0x80, s11, s23, $0x2000b8;
	[tilespmem:$0x1E400] =	vst v63  }
.LBB2_10:
0xcf: {  	_ =	sfence.sel $0x180000  }
0xd0: {  	[bflag:$0x0] =	sbarrier.arrive $0xFFFF  }
0xd1: {  	_ =	strace $0x90000056  }
0xd2: {  	s0 =	stileid.u32;
	[bflag:$0x2] =	sbarrier.arrive $0xFFFF  }
0xd3: {  	p0 =	sne.s32 s0, $0x0;
	s0 =	rddreg [dreg:$0x3]  }
0xd4: {  	s0 =	sadd.s32 @!p0 $0x100000, s0  }
0xd5: {  	[sflag:s0] =	ssyncadd.tile.s32 @!p0 $0x1;
	_ =	shalt  }
.Lfunc_end2:
_tile_overlayer_lowered:
.L_overlay_start_2:
0xd6: {  	(tag) =	ssettag $0x2  }
0xd7: {  	s0 =	rddreg [dreg:$0x0];
	s2 =	stileid.u32  }
0xd8: {  	s1 =	rddreg [dreg:$0x1];
	p0 =	sne.s32 s2, $0x0  }
0xd9: {  	s3 =	rddreg [dreg:$0x2];
	[bflag:$0x3] =	sbarrier.arrive $0xFFFF;
	s2 =	simm.s32 @!p0 $0x1C05  }
0xda: {  	[timem:s3], [sflag:s2] =	dma.local @!p0 [hbm:s0], s1  }
0xdb: {  	s0 =	simm.s32 @!p0 $0x5  }
0xdc: {  	_ =	swait.ge @!p0 [sflag:s0], s1  }
0xdd: {  	s1 =	ssub.s32 @!p0 $0x0, s1;
	[sflag:s0] =	ssyncset.done @!p0 $0x0  }
0xde: {  	[sflag:s0] =	ssyncadd.s32 @!p0 s1  }
0xdf: {  	[bflag:$0x3] =	sbarrier.arrive $0xFFFF  }
0xe0: {  	_ =	shalt  }

</sc_bundles>
